<compile_context>
chip_gen: v7x
topology: tpu7x:2x2x1
jax: 0.10.2.dev20260603
libtpu: 0.0.44.dev20260713+nightly
codegen_flags: <defaults>
</compile_context>

<pallas_src>
import jax
import jax.numpy as jnp
from jax import lax
from jax.experimental import pallas as pl
from jax.experimental.pallas import tpu as pltpu
from jax.experimental.pallas import tpu_sc as plsc

_N_ROWS = 100000
_DIM = 128
_SCALE = 1.0 / (128.0 ** 0.5)
_C = 80
_NW = 32
_PW = 40
_WSPAN = _PW * _C
_WLAST = _N_ROWS - _WSPAN
_NBUF = 8
_SKEW = _NBUF // 2
_TROWS = _DIM // 16


def _gather_body(table_hbm, idx_hbm, out_hbm, tbl_sh, idx_v, rows_v, tstage,
                 *sems):
    sg = sems[:_NBUF]
    so = sems[_NBUF:2 * _NBUF]
    si = sems[2 * _NBUF]
    s = lax.axis_index("s")
    w = s * 2 + lax.axis_index("c")
    base = jnp.minimum(w * _WSPAN, _WLAST)
    base = pl.multiple_of(base, 8)

    pltpu.async_copy(idx_hbm.at[pl.ds(base, _WSPAN)], idx_v, si)

    trow = pl.multiple_of(s * _TROWS, 8)
    pltpu.sync_copy(table_hbm.at[pl.ds(trow, _TROWS)], tstage)
    for r in range(_TROWS):
        for c in range(_DIM // 16):
            tstage[r, pl.ds(16 * c, 16)] = tstage[r, pl.ds(16 * c, 16)] * _SCALE
    pltpu.sync_copy(tstage, tbl_sh.at[pl.ds(trow, _TROWS)])

    pltpu.make_async_copy(idx_hbm.at[pl.ds(base, _WSPAN)], idx_v, si).wait()
    plsc.subcore_barrier()

    def gather_pairs(i, b):
        ii = jnp.minimum(i, _PW - 1)
        off = pl.multiple_of(ii * _C, 8)
        h = _C // 2
        return ((tbl_sh.at[idx_v.at[pl.ds(off, h)]],
                 rows_v.at[b, pl.ds(0, h)]),
                (tbl_sh.at[idx_v.at[pl.ds(pl.multiple_of(off + h, 8), h)]],
                 rows_v.at[b, pl.ds(h, h)]))

    def start_gather(i, b):
        for src, dst in gather_pairs(i, b):
            pltpu.async_copy(src, dst, sg[b])

    def wait_gather(i, b):
        for src, dst in gather_pairs(i, b):
            pltpu.make_async_copy(src, dst, sg[b]).wait()

    def wb_pair(i, b):
        ii = jnp.minimum(i, _PW - 1)
        off = pl.multiple_of(base + ii * _C, 8)
        return rows_v.at[b], out_hbm.at[pl.ds(off, _C)]

    def start_wb(i, b):
        src, dst = wb_pair(i, b)
        pltpu.async_copy(src, dst, so[b])

    def wait_wb(i, b):
        src, dst = wb_pair(i, b)
        pltpu.make_async_copy(src, dst, so[b]).wait()

    def step(i, b, first):
        bn = (b + _SKEW) % _NBUF
        if not first:
            wait_wb(i - _SKEW, bn)
        start_gather(i + _SKEW, bn)
        wait_gather(i, b)
        start_wb(i, b)

    for b in range(_SKEW):
        start_gather(jnp.int32(b), b)
    for i in range(_SKEW):
        step(jnp.int32(i), i, True)

    def wave(j, carry):
        i0 = _SKEW + j * _NBUF
        for u in range(_NBUF):
            step(i0 + u, (_SKEW + u) % _NBUF, False)
        return carry

    lax.fori_loop(0, (_PW - 2 * _SKEW) // _NBUF, wave, 0)

    for u in range(_SKEW):
        i = _PW - _SKEW + u
        step(jnp.int32(i), i % _NBUF, False)

    for b in range(_SKEW):
        wait_gather(jnp.int32(_PW - 1), b)
    for u in range(_SKEW):
        i = _PW - _SKEW + u
        wait_wb(jnp.int32(i), i % _NBUF)


def kernel(node_specie, embeddings):
    idx = node_specie.astype(jnp.int32)
    mesh = plsc.VectorSubcoreMesh(core_axis_name="c", subcore_axis_name="s")
    f = pl.kernel(
        _gather_body,
        mesh=mesh,
        out_type=jax.ShapeDtypeStruct((_N_ROWS, _DIM), jnp.float32),
        scratch_types=[
            pltpu.VMEM_SHARED((_DIM, _DIM), jnp.float32),
            pltpu.VMEM((_WSPAN,), jnp.int32),
            pltpu.VMEM((_NBUF, _C, _DIM), jnp.float32),
            pltpu.VMEM((_TROWS, _DIM), jnp.float32),
        ] + [pltpu.SemaphoreType.DMA] * (2 * _NBUF + 1),
    )
    return f(embeddings, idx)

# --- scband reference (transcript-rebuilt; emitter-appended) ---
"""Pipeline reference for scband-linear-node-embedding-layer-46531675685333 (READ-ONLY COPY).

The authoritative reference and input builder live on the scoring server;
editing this copy changes nothing except your own understanding.
"""

import jax, jax.numpy as jnp
import numpy as np

NUM_SPECIES = 128
EMBED_DIM = 128  # irreps '128x0e' filtered to 0e -> dim 128
N_NODES = 100000

def setup_inputs(seed: int = 0) -> dict:
    key = jax.random.key(seed)
    k1, k2 = jax.random.split(key)
    node_specie = jax.random.randint(k1, (N_NODES,), 0, NUM_SPECIES, dtype=jnp.int64)
    # embeddings_init = initializers.normal(stddev=1.0)
    embeddings = jax.random.normal(k2, (NUM_SPECIES, EMBED_DIM), dtype=jnp.float32)
    return {"node_specie": node_specie, "embeddings": embeddings}

def reference(node_specie, embeddings):
    # w = 1/sqrt(num_species) * embeddings; out = w[node_specie]
    w = (1.0 / jnp.sqrt(jnp.float32(NUM_SPECIES))) * embeddings
    out = jnp.take(w, node_specie, axis=0)
    # e3nn.IrrepsArray with only scalar (0e) irreps is just the data array
    return out

if __name__ == "__main__":
    import jax
    _d = setup_inputs()
    print(jax.jit(kernel)(*tuple(_d.values())))

</pallas_src>

<mosaic_0001>
#map = affine_map<(d0, d1) -> (0, 0)>
#map1 = affine_map<(d0, d1) -> (0)>
module attributes {stable_mosaic.version = 14 : i64} {
  func.func @_gather_body(%arg0: i32, %arg1: i32, %arg2: memref<128x128xf32, #tpu.memory_space<hbm>>, %arg3: memref<100000xi32, #tpu.memory_space<hbm>>, %arg4: memref<100000x128xf32, #tpu.memory_space<hbm>>, %arg5: memref<128x128xf32, #tpu.memory_space<vmem_shared>>, %arg6: memref<3200xi32, #tpu.memory_space<vmem>>, %arg7: memref<8x80x128xf32, #tpu.memory_space<vmem>>, %arg8: memref<8x128xf32, #tpu.memory_space<vmem>>, %arg9: memref<!tpu.dma_semaphore, #tpu.memory_space<semaphore_mem>>, %arg10: memref<!tpu.dma_semaphore, #tpu.memory_space<semaphore_mem>>, %arg11: memref<!tpu.dma_semaphore, #tpu.memory_space<semaphore_mem>>, %arg12: memref<!tpu.dma_semaphore, #tpu.memory_space<semaphore_mem>>, %arg13: memref<!tpu.dma_semaphore, #tpu.memory_space<semaphore_mem>>, %arg14: memref<!tpu.dma_semaphore, #tpu.memory_space<semaphore_mem>>, %arg15: memref<!tpu.dma_semaphore, #tpu.memory_space<semaphore_mem>>, %arg16: memref<!tpu.dma_semaphore, #tpu.memory_space<semaphore_mem>>, %arg17: memref<!tpu.dma_semaphore, #tpu.memory_space<semaphore_mem>>, %arg18: memref<!tpu.dma_semaphore, #tpu.memory_space<semaphore_mem>>, %arg19: memref<!tpu.dma_semaphore, #tpu.memory_space<semaphore_mem>>, %arg20: memref<!tpu.dma_semaphore, #tpu.memory_space<semaphore_mem>>, %arg21: memref<!tpu.dma_semaphore, #tpu.memory_space<semaphore_mem>>, %arg22: memref<!tpu.dma_semaphore, #tpu.memory_space<semaphore_mem>>, %arg23: memref<!tpu.dma_semaphore, #tpu.memory_space<semaphore_mem>>, %arg24: memref<!tpu.dma_semaphore, #tpu.memory_space<semaphore_mem>>, %arg25: memref<!tpu.dma_semaphore, #tpu.memory_space<semaphore_mem>>) attributes {dimension_semantics = [#tpu.dimension_semantics<core_parallel>, #tpu.dimension_semantics<subcore_parallel>], iteration_bounds = array<i64: 2, 16>, scalar_prefetch = 0 : i64, scratch_operands = 21 : i64, tpu.core_type = #tpu.core_type<sc_vector_subcore>, window_params = [{transform_indices = #map}, {transform_indices = #map1}, {transform_indices = #map}]} {
    %mul3A = arith.constant 2 : i32
    %mul3A_0 = arith.muli %arg1, %mul3A : i32
    %add3A = arith.addi %mul3A_0, %arg0 : i32
    %mul3A_1 = arith.constant 3200 : i32
    %mul3A_2 = arith.muli %add3A, %mul3A_1 : i32
    %min3A = arith.constant 96800 : i32
    %min3A_3 = arith.minsi %mul3A_2, %min3A : i32
    %multiple_of3A = tpu.assume_multiple %min3A_3, 8 : i32
    %dma_start3A = tpu.memref_slice %arg3[%multiple_of3A] : memref<100000xi32, #tpu.memory_space<hbm>> -> memref<3200xi32, #tpu.memory_space<hbm>>
    %dma_start3A_4 = tpu.memref_slice %arg3[%multiple_of3A] : memref<100000xi32, #tpu.memory_space<hbm>> -> memref<3200xi32, #tpu.memory_space<hbm>>
    tpu.enqueue_dma source(%dma_start3A_4 : memref<3200xi32, #tpu.memory_space<hbm>>) target(%arg6 : memref<3200xi32, #tpu.memory_space<vmem>>) target_semaphore(%arg25 : memref<!tpu.dma_semaphore, #tpu.memory_space<semaphore_mem>>)
    %mul3A_5 = arith.constant 8 : i32
    %mul3A_6 = arith.muli %arg1, %mul3A_5 : i32
    %multiple_of3A_7 = tpu.assume_multiple %mul3A_6, 8 : i32
    "tpu.region"() ({
      %run_scoped3A = tpu.sem_alloc : memref<!tpu.dma_semaphore, #tpu.memory_space<semaphore_mem>>
      %dma_start3A_1899 = arith.constant 0 : i32
      %dma_start3A_1900 = tpu.memref_slice %arg2[%multiple_of3A_7, %dma_start3A_1899] : memref<128x128xf32, #tpu.memory_space<hbm>> -> memref<8x128xf32, #tpu.memory_space<hbm>>
      %dma_start3A_1901 = arith.constant 0 : i32
      %dma_start3A_1902 = tpu.memref_slice %arg2[%multiple_of3A_7, %dma_start3A_1901] : memref<128x128xf32, #tpu.memory_space<hbm>> -> memref<8x128xf32, #tpu.memory_space<hbm>>
      tpu.enqueue_dma source(%dma_start3A_1902 : memref<8x128xf32, #tpu.memory_space<hbm>>) target(%arg8 : memref<8x128xf32, #tpu.memory_space<vmem>>) target_semaphore(%run_scoped3A : memref<!tpu.dma_semaphore, #tpu.memory_space<semaphore_mem>>)
      %dma_wait3A_1903 = arith.constant 0 : i32
      %dma_wait3A_1904 = tpu.memref_slice %arg2[%multiple_of3A_7, %dma_wait3A_1903] : memref<128x128xf32, #tpu.memory_space<hbm>> -> memref<8x128xf32, #tpu.memory_space<hbm>>
      %dma_wait3A_1905 = arith.constant 0 : i32
      %dma_wait3A_1906 = tpu.memref_slice %arg2[%multiple_of3A_7, %dma_wait3A_1905] : memref<128x128xf32, #tpu.memory_space<hbm>> -> memref<8x128xf32, #tpu.memory_space<hbm>>
      tpu.wait_dma2 semaphore(%run_scoped3A : memref<!tpu.dma_semaphore, #tpu.memory_space<semaphore_mem>>) src(%dma_wait3A_1906 : memref<8x128xf32, #tpu.memory_space<hbm>>) dst(%arg8 : memref<8x128xf32, #tpu.memory_space<vmem>>)
      tpu.yield
    }) : () -> ()
    %get3A = arith.constant 0 : i32
    %get3A_8 = arith.index_cast %get3A : i32 to index
    %get3A_9 = arith.constant 0 : index
    %get3A_10 = tpu.vector_load %arg8[%get3A_8, %get3A_9] {strides = array<i32>} : memref<8x128xf32, #tpu.memory_space<vmem>>, vector<1x16xf32>,
    %get3A_11 = vector.shape_cast %get3A_10 : vector<1x16xf32> to vector<16xf32>
    %mul3A_12 = arith.constant 0.0883883461 : f32
    %mul3A_13 = vector.broadcast %mul3A_12 : f32 to vector<16xf32>
    %mul3A_14 = arith.mulf %get3A_11, %mul3A_13 : vector<16xf32>
    %swap3A = arith.constant 0 : i32
    %swap3A_15 = arith.index_cast %swap3A : i32 to index
    %swap3A_16 = arith.constant 0 : index
    %swap3A_17 = tpu.vector_load %arg8[%swap3A_15, %swap3A_16] {strides = array<i32>} : memref<8x128xf32, #tpu.memory_space<vmem>>, vector<1x16xf32>,
    %swap3A_18 = vector.shape_cast %swap3A_17 : vector<1x16xf32> to vector<16xf32>
    %swap3A_19 = vector.shape_cast %mul3A_14 : vector<16xf32> to vector<1x16xf32>
    tpu.vector_store %arg8[%swap3A_15, %swap3A_16], %swap3A_19 {strides = array<i32>} : memref<8x128xf32, #tpu.memory_space<vmem>>, vector<1x16xf32>,
    %get3A_20 = arith.constant 0 : i32
    %get3A_21 = arith.index_cast %get3A_20 : i32 to index
    %get3A_22 = arith.constant 16 : index
    %get3A_23 = tpu.vector_load %arg8[%get3A_21, %get3A_22] {strides = array<i32>} : memref<8x128xf32, #tpu.memory_space<vmem>>, vector<1x16xf32>,
    %get3A_24 = vector.shape_cast %get3A_23 : vector<1x16xf32> to vector<16xf32>
    %mul3A_25 = arith.constant 0.0883883461 : f32
    %mul3A_26 = vector.broadcast %mul3A_25 : f32 to vector<16xf32>
    %mul3A_27 = arith.mulf %get3A_24, %mul3A_26 : vector<16xf32>
    %swap3A_28 = arith.constant 0 : i32
    %swap3A_29 = arith.index_cast %swap3A_28 : i32 to index
    %swap3A_30 = arith.constant 16 : index
    %swap3A_31 = tpu.vector_load %arg8[%swap3A_29, %swap3A_30] {strides = array<i32>} : memref<8x128xf32, #tpu.memory_space<vmem>>, vector<1x16xf32>,
    %swap3A_32 = vector.shape_cast %swap3A_31 : vector<1x16xf32> to vector<16xf32>
    %swap3A_33 = vector.shape_cast %mul3A_27 : vector<16xf32> to vector<1x16xf32>
    tpu.vector_store %arg8[%swap3A_29, %swap3A_30], %swap3A_33 {strides = array<i32>} : memref<8x128xf32, #tpu.memory_space<vmem>>, vector<1x16xf32>,
    %get3A_34 = arith.constant 0 : i32
    %get3A_35 = arith.index_cast %get3A_34 : i32 to index
    %get3A_36 = arith.constant 32 : index
    %get3A_37 = tpu.vector_load %arg8[%get3A_35, %get3A_36] {strides = array<i32>} : memref<8x128xf32, #tpu.memory_space<vmem>>, vector<1x16xf32>,
    %get3A_38 = vector.shape_cast %get3A_37 : vector<1x16xf32> to vector<16xf32>
    %mul3A_39 = arith.constant 0.0883883461 : f32
    %mul3A_40 = vector.broadcast %mul3A_39 : f32 to vector<16xf32>
    %mul3A_41 = arith.mulf %get3A_38, %mul3A_40 : vector<16xf32>
    %swap3A_42 = arith.constant 0 : i32
    %swap3A_43 = arith.index_cast %swap3A_42 : i32 to index
    %swap3A_44 = arith.constant 32 : index
    %swap3A_45 = tpu.vector_load %arg8[%swap3A_43, %swap3A_44] {strides = array<i32>} : memref<8x128xf32, #tpu.memory_space<vmem>>, vector<1x16xf32>,
    %swap3A_46 = vector.shape_cast %swap3A_45 : vector<1x16xf32> to vector<16xf32>
    %swap3A_47 = vector.shape_cast %mul3A_41 : vector<16xf32> to vector<1x16xf32>
    tpu.vector_store %arg8[%swap3A_43, %swap3A_44], %swap3A_47 {strides = array<i32>} : memref<8x128xf32, #tpu.memory_space<vmem>>, vector<1x16xf32>,
    %get3A_48 = arith.constant 0 : i32
    %get3A_49 = arith.index_cast %get3A_48 : i32 to index
    %get3A_50 = arith.constant 48 : index
    %get3A_51 = tpu.vector_load %arg8[%get3A_49, %get3A_50] {strides = array<i32>} : memref<8x128xf32, #tpu.memory_space<vmem>>, vector<1x16xf32>,
    %get3A_52 = vector.shape_cast %get3A_51 : vector<1x16xf32> to vector<16xf32>
    %mul3A_53 = arith.constant 0.0883883461 : f32
    %mul3A_54 = vector.broadcast %mul3A_53 : f32 to vector<16xf32>
    %mul3A_55 = arith.mulf %get3A_52, %mul3A_54 : vector<16xf32>
    %swap3A_56 = arith.constant 0 : i32
    %swap3A_57 = arith.index_cast %swap3A_56 : i32 to index
    %swap3A_58 = arith.constant 48 : index
    %swap3A_59 = tpu.vector_load %arg8[%swap3A_57, %swap3A_58] {strides = array<i32>} : memref<8x128xf32, #tpu.memory_space<vmem>>, vector<1x16xf32>,
    %swap3A_60 = vector.shape_cast %swap3A_59 : vector<1x16xf32> to vector<16xf32>
    %swap3A_61 = vector.shape_cast %mul3A_55 : vector<16xf32> to vector<1x16xf32>
    tpu.vector_store %arg8[%swap3A_57, %swap3A_58], %swap3A_61 {strides = array<i32>} : memref<8x128xf32, #tpu.memory_space<vmem>>, vector<1x16xf32>,
    %get3A_62 = arith.constant 0 : i32
    %get3A_63 = arith.index_cast %get3A_62 : i32 to index
    %get3A_64 = arith.constant 64 : index
    %get3A_65 = tpu.vector_load %arg8[%get3A_63, %get3A_64] {strides = array<i32>} : memref<8x128xf32, #tpu.memory_space<vmem>>, vector<1x16xf32>,
    %get3A_66 = vector.shape_cast %get3A_65 : vector<1x16xf32> to vector<16xf32>
    %mul3A_67 = arith.constant 0.0883883461 : f32
    %mul3A_68 = vector.broadcast %mul3A_67 : f32 to vector<16xf32>
    %mul3A_69 = arith.mulf %get3A_66, %mul3A_68 : vector<16xf32>
    %swap3A_70 = arith.constant 0 : i32
    %swap3A_71 = arith.index_cast %swap3A_70 : i32 to index
    %swap3A_72 = arith.constant 64 : index
    %swap3A_73 = tpu.vector_load %arg8[%swap3A_71, %swap3A_72] {strides = array<i32>} : memref<8x128xf32, #tpu.memory_space<vmem>>, vector<1x16xf32>,
    %swap3A_74 = vector.shape_cast %swap3A_73 : vector<1x16xf32> to vector<16xf32>
    %swap3A_75 = vector.shape_cast %mul3A_69 : vector<16xf32> to vector<1x16xf32>
    tpu.vector_store %arg8[%swap3A_71, %swap3A_72], %swap3A_75 {strides = array<i32>} : memref<8x128xf32, #tpu.memory_space<vmem>>, vector<1x16xf32>,
    %get3A_76 = arith.constant 0 : i32
    %get3A_77 = arith.index_cast %get3A_76 : i32 to index
    %get3A_78 = arith.constant 80 : index
    %get3A_79 = tpu.vector_load %arg8[%get3A_77, %get3A_78] {strides = array<i32>} : memref<8x128xf32, #tpu.memory_space<vmem>>, vector<1x16xf32>,
    %get3A_80 = vector.shape_cast %get3A_79 : vector<1x16xf32> to vector<16xf32>
    %mul3A_81 = arith.constant 0.0883883461 : f32
    %mul3A_82 = vector.broadcast %mul3A_81 : f32 to vector<16xf32>
    %mul3A_83 = arith.mulf %get3A_80, %mul3A_82 : vector<16xf32>
    %swap3A_84 = arith.constant 0 : i32
    %swap3A_85 = arith.index_cast %swap3A_84 : i32 to index
    %swap3A_86 = arith.constant 80 : index
    %swap3A_87 = tpu.vector_load %arg8[%swap3A_85, %swap3A_86] {strides = array<i32>} : memref<8x128xf32, #tpu.memory_space<vmem>>, vector<1x16xf32>,
    %swap3A_88 = vector.shape_cast %swap3A_87 : vector<1x16xf32> to vector<16xf32>
    %swap3A_89 = vector.shape_cast %mul3A_83 : vector<16xf32> to vector<1x16xf32>
    tpu.vector_store %arg8[%swap3A_85, %swap3A_86], %swap3A_89 {strides = array<i32>} : memref<8x128xf32, #tpu.memory_space<vmem>>, vector<1x16xf32>,
    %get3A_90 = arith.constant 0 : i32
    %get3A_91 = arith.index_cast %get3A_90 : i32 to index
    %get3A_92 = arith.constant 96 : index
    %get3A_93 = tpu.vector_load %arg8[%get3A_91, %get3A_92] {strides = array<i32>} : memref<8x128xf32, #tpu.memory_space<vmem>>, vector<1x16xf32>,
    %get3A_94 = vector.shape_cast %get3A_93 : vector<1x16xf32> to vector<16xf32>
    %mul3A_95 = arith.constant 0.0883883461 : f32
    %mul3A_96 = vector.broadcast %mul3A_95 : f32 to vector<16xf32>
    %mul3A_97 = arith.mulf %get3A_94, %mul3A_96 : vector<16xf32>
    %swap3A_98 = arith.constant 0 : i32
    %swap3A_99 = arith.index_cast %swap3A_98 : i32 to index
    %swap3A_100 = arith.constant 96 : index
    %swap3A_101 = tpu.vector_load %arg8[%swap3A_99, %swap3A_100] {strides = array<i32>} : memref<8x128xf32, #tpu.memory_space<vmem>>, vector<1x16xf32>,
    %swap3A_102 = vector.shape_cast %swap3A_101 : vector<1x16xf32> to vector<16xf32>
    %swap3A_103 = vector.shape_cast %mul3A_97 : vector<16xf32> to vector<1x16xf32>
    tpu.vector_store %arg8[%swap3A_99, %swap3A_100], %swap3A_103 {strides = array<i32>} : memref<8x128xf32, #tpu.memory_space<vmem>>, vector<1x16xf32>,
    %get3A_104 = arith.constant 0 : i32
    %get3A_105 = arith.index_cast %get3A_104 : i32 to index
    %get3A_106 = arith.constant 112 : index
    %get3A_107 = tpu.vector_load %arg8[%get3A_105, %get3A_106] {strides = array<i32>} : memref<8x128xf32, #tpu.memory_space<vmem>>, vector<1x16xf32>,
    %get3A_108 = vector.shape_cast %get3A_107 : vector<1x16xf32> to vector<16xf32>
    %mul3A_109 = arith.constant 0.0883883461 : f32
    %mul3A_110 = vector.broadcast %mul3A_109 : f32 to vector<16xf32>
    %mul3A_111 = arith.mulf %get3A_108, %mul3A_110 : vector<16xf32>
    %swap3A_112 = arith.constant 0 : i32
    %swap3A_113 = arith.index_cast %swap3A_112 : i32 to index
    %swap3A_114 = arith.constant 112 : index
    %swap3A_115 = tpu.vector_load %arg8[%swap3A_113, %swap3A_114] {strides = array<i32>} : memref<8x128xf32, #tpu.memory_space<vmem>>, vector<1x16xf32>,
    %swap3A_116 = vector.shape_cast %swap3A_115 : vector<1x16xf32> to vector<16xf32>
    %swap3A_117 = vector.shape_cast %mul3A_111 : vector<16xf32> to vector<1x16xf32>
    tpu.vector_store %arg8[%swap3A_113, %swap3A_114], %swap3A_117 {strides = array<i32>} : memref<8x128xf32, #tpu.memory_space<vmem>>, vector<1x16xf32>,
    %get3A_118 = arith.constant 1 : i32
    %get3A_119 = arith.index_cast %get3A_118 : i32 to index
    %get3A_120 = arith.constant 0 : index
    %get3A_121 = tpu.vector_load %arg8[%get3A_119, %get3A_120] {strides = array<i32>} : memref<8x128xf32, #tpu.memory_space<vmem>>, vector<1x16xf32>,
    %get3A_122 = vector.shape_cast %get3A_121 : vector<1x16xf32> to vector<16xf32>
    %mul3A_123 = arith.constant 0.0883883461 : f32
    %mul3A_124 = vector.broadcast %mul3A_123 : f32 to vector<16xf32>
    %mul3A_125 = arith.mulf %get3A_122, %mul3A_124 : vector<16xf32>
    %swap3A_126 = arith.constant 1 : i32
    %swap3A_127 = arith.index_cast %swap3A_126 : i32 to index
    %swap3A_128 = arith.constant 0 : index
    %swap3A_129 = tpu.vector_load %arg8[%swap3A_127, %swap3A_128] {strides = array<i32>} : memref<8x128xf32, #tpu.memory_space<vmem>>, vector<1x16xf32>,
    %swap3A_130 = vector.shape_cast %swap3A_129 : vector<1x16xf32> to vector<16xf32>
    %swap3A_131 = vector.shape_cast %mul3A_125 : vector<16xf32> to vector<1x16xf32>
    tpu.vector_store %arg8[%swap3A_127, %swap3A_128], %swap3A_131 {strides = array<i32>} : memref<8x128xf32, #tpu.memory_space<vmem>>, vector<1x16xf32>,
    %get3A_132 = arith.constant 1 : i32
    %get3A_133 = arith.index_cast %get3A_132 : i32 to index
    %get3A_134 = arith.constant 16 : index
    %get3A_135 = tpu.vector_load %arg8[%get3A_133, %get3A_134] {strides = array<i32>} : memref<8x128xf32, #tpu.memory_space<vmem>>, vector<1x16xf32>,
    %get3A_136 = vector.shape_cast %get3A_135 : vector<1x16xf32> to vector<16xf32>
    %mul3A_137 = arith.constant 0.0883883461 : f32
    %mul3A_138 = vector.broadcast %mul3A_137 : f32 to vector<16xf32>
    %mul3A_139 = arith.mulf %get3A_136, %mul3A_138 : vector<16xf32>
    %swap3A_140 = arith.constant 1 : i32
    %swap3A_141 = arith.index_cast %swap3A_140 : i32 to index
    %swap3A_142 = arith.constant 16 : index
    %swap3A_143 = tpu.vector_load %arg8[%swap3A_141, %swap3A_142] {strides = array<i32>} : memref<8x128xf32, #tpu.memory_space<vmem>>, vector<1x16xf32>,
    %swap3A_144 = vector.shape_cast %swap3A_143 : vector<1x16xf32> to vector<16xf32>
    %swap3A_145 = vector.shape_cast %mul3A_139 : vector<16xf32> to vector<1x16xf32>
    tpu.vector_store %arg8[%swap3A_141, %swap3A_142], %swap3A_145 {strides = array<i32>} : memref<8x128xf32, #tpu.memory_space<vmem>>, vector<1x16xf32>,
    %get3A_146 = arith.constant 1 : i32
    %get3A_147 = arith.index_cast %get3A_146 : i32 to index
    %get3A_148 = arith.constant 32 : index
    %get3A_149 = tpu.vector_load %arg8[%get3A_147, %get3A_148] {strides = array<i32>} : memref<8x128xf32, #tpu.memory_space<vmem>>, vector<1x16xf32>,
    %get3A_150 = vector.shape_cast %get3A_149 : vector<1x16xf32> to vector<16xf32>
    %mul3A_151 = arith.constant 0.0883883461 : f32
    %mul3A_152 = vector.broadcast %mul3A_151 : f32 to vector<16xf32>
    %mul3A_153 = arith.mulf %get3A_150, %mul3A_152 : vector<16xf32>
    %swap3A_154 = arith.constant 1 : i32
    %swap3A_155 = arith.index_cast %swap3A_154 : i32 to index
    %swap3A_156 = arith.constant 32 : index
    %swap3A_157 = tpu.vector_load %arg8[%swap3A_155, %swap3A_156] {strides = array<i32>} : memref<8x128xf32, #tpu.memory_space<vmem>>, vector<1x16xf32>,
    %swap3A_158 = vector.shape_cast %swap3A_157 : vector<1x16xf32> to vector<16xf32>
    %swap3A_159 = vector.shape_cast %mul3A_153 : vector<16xf32> to vector<1x16xf32>
    tpu.vector_store %arg8[%swap3A_155, %swap3A_156], %swap3A_159 {strides = array<i32>} : memref<8x128xf32, #tpu.memory_space<vmem>>, vector<1x16xf32>,
    %get3A_160 = arith.constant 1 : i32
    %get3A_161 = arith.index_cast %get3A_160 : i32 to index
    %get3A_162 = arith.constant 48 : index
    %get3A_163 = tpu.vector_load %arg8[%get3A_161, %get3A_162] {strides = array<i32>} : memref<8x128xf32, #tpu.memory_space<vmem>>, vector<1x16xf32>,
    %get3A_164 = vector.shape_cast %get3A_163 : vector<1x16xf32> to vector<16xf32>
    %mul3A_165 = arith.constant 0.0883883461 : f32
    %mul3A_166 = vector.broadcast %mul3A_165 : f32 to vector<16xf32>
    %mul3A_167 = arith.mulf %get3A_164, %mul3A_166 : vector<16xf32>
    %swap3A_168 = arith.constant 1 : i32
    %swap3A_169 = arith.index_cast %swap3A_168 : i32 to index
    %swap3A_170 = arith.constant 48 : index
    %swap3A_171 = tpu.vector_load %arg8[%swap3A_169, %swap3A_170] {strides = array<i32>} : memref<8x128xf32, #tpu.memory_space<vmem>>, vector<1x16xf32>,
    %swap3A_172 = vector.shape_cast %swap3A_171 : vector<1x16xf32> to vector<16xf32>
    %swap3A_173 = vector.shape_cast %mul3A_167 : vector<16xf32> to vector<1x16xf32>
    tpu.vector_store %arg8[%swap3A_169, %swap3A_170], %swap3A_173 {strides = array<i32>} : memref<8x128xf32, #tpu.memory_space<vmem>>, vector<1x16xf32>,
    %get3A_174 = arith.constant 1 : i32
    %get3A_175 = arith.index_cast %get3A_174 : i32 to index
    %get3A_176 = arith.constant 64 : index
    %get3A_177 = tpu.vector_load %arg8[%get3A_175, %get3A_176] {strides = array<i32>} : memref<8x128xf32, #tpu.memory_space<vmem>>, vector<1x16xf32>,
    %get3A_178 = vector.shape_cast %get3A_177 : vector<1x16xf32> to vector<16xf32>
    %mul3A_179 = arith.constant 0.0883883461 : f32
    %mul3A_180 = vector.broadcast %mul3A_179 : f32 to vector<16xf32>
    %mul3A_181 = arith.mulf %get3A_178, %mul3A_180 : vector<16xf32>
    %swap3A_182 = arith.constant 1 : i32
    %swap3A_183 = arith.index_cast %swap3A_182 : i32 to index
    %swap3A_184 = arith.constant 64 : index
    %swap3A_185 = tpu.vector_load %arg8[%swap3A_183, %swap3A_184] {strides = array<i32>} : memref<8x128xf32, #tpu.memory_space<vmem>>, vector<1x16xf32>,
    %swap3A_186 = vector.shape_cast %swap3A_185 : vector<1x16xf32> to vector<16xf32>
    %swap3A_187 = vector.shape_cast %mul3A_181 : vector<16xf32> to vector<1x16xf32>
    tpu.vector_store %arg8[%swap3A_183, %swap3A_184], %swap3A_187 {strides = array<i32>} : memref<8x128xf32, #tpu.memory_space<vmem>>, vector<1x16xf32>,
    %get3A_188 = arith.constant 1 : i32
    %get3A_189 = arith.index_cast %get3A_188 : i32 to index
    %get3A_190 = arith.constant 80 : index
    %get3A_191 = tpu.vector_load %arg8[%get3A_189, %get3A_190] {strides = array<i32>} : memref<8x128xf32, #tpu.memory_space<vmem>>, vector<1x16xf32>,
    %get3A_192 = vector.shape_cast %get3A_191 : vector<1x16xf32> to vector<16xf32>
    %mul3A_193 = arith.constant 0.0883883461 : f32
    %mul3A_194 = vector.broadcast %mul3A_193 : f32 to vector<16xf32>
    %mul3A_195 = arith.mulf %get3A_192, %mul3A_194 : vector<16xf32>
    %swap3A_196 = arith.constant 1 : i32
    %swap3A_197 = arith.index_cast %swap3A_196 : i32 to index
    %swap3A_198 = arith.constant 80 : index
    %swap3A_199 = tpu.vector_load %arg8[%swap3A_197, %swap3A_198] {strides = array<i32>} : memref<8x128xf32, #tpu.memory_space<vmem>>, vector<1x16xf32>,
    %swap3A_200 = vector.shape_cast %swap3A_199 : vector<1x16xf32> to vector<16xf32>
    %swap3A_201 = vector.shape_cast %mul3A_195 : vector<16xf32> to vector<1x16xf32>
    tpu.vector_store %arg8[%swap3A_197, %swap3A_198], %swap3A_201 {strides = array<i32>} : memref<8x128xf32, #tpu.memory_space<vmem>>, vector<1x16xf32>,
    %get3A_202 = arith.constant 1 : i32
    %get3A_203 = arith.index_cast %get3A_202 : i32 to index
    %get3A_204 = arith.constant 96 : index
    %get3A_205 = tpu.vector_load %arg8[%get3A_203, %get3A_204] {strides = array<i32>} : memref<8x128xf32, #tpu.memory_space<vmem>>, vector<1x16xf32>,
    %get3A_206 = vector.shape_cast %get3A_205 : vector<1x16xf32> to vector<16xf32>
    %mul3A_207 = arith.constant 0.0883883461 : f32
    %mul3A_208 = vector.broadcast %mul3A_207 : f32 to vector<16xf32>
    %mul3A_209 = arith.mulf %get3A_206, %mul3A_208 : vector<16xf32>
    %swap3A_210 = arith.constant 1 : i32
    %swap3A_211 = arith.index_cast %swap3A_210 : i32 to index
    %swap3A_212 = arith.constant 96 : index
    %swap3A_213 = tpu.vector_load %arg8[%swap3A_211, %swap3A_212] {strides = array<i32>} : memref<8x128xf32, #tpu.memory_space<vmem>>, vector<1x16xf32>,
    %swap3A_214 = vector.shape_cast %swap3A_213 : vector<1x16xf32> to vector<16xf32>
    %swap3A_215 = vector.shape_cast %mul3A_209 : vector<16xf32> to vector<1x16xf32>
    tpu.vector_store %arg8[%swap3A_211, %swap3A_212], %swap3A_215 {strides = array<i32>} : memref<8x128xf32, #tpu.memory_space<vmem>>, vector<1x16xf32>,
    %get3A_216 = arith.constant 1 : i32
    %get3A_217 = arith.index_cast %get3A_216 : i32 to index
    %get3A_218 = arith.constant 112 : index
    %get3A_219 = tpu.vector_load %arg8[%get3A_217, %get3A_218] {strides = array<i32>} : memref<8x128xf32, #tpu.memory_space<vmem>>, vector<1x16xf32>,
    %get3A_220 = vector.shape_cast %get3A_219 : vector<1x16xf32> to vector<16xf32>
    %mul3A_221 = arith.constant 0.0883883461 : f32
    %mul3A_222 = vector.broadcast %mul3A_221 : f32 to vector<16xf32>
    %mul3A_223 = arith.mulf %get3A_220, %mul3A_222 : vector<16xf32>
    %swap3A_224 = arith.constant 1 : i32
    %swap3A_225 = arith.index_cast %swap3A_224 : i32 to index
    %swap3A_226 = arith.constant 112 : index
    %swap3A_227 = tpu.vector_load %arg8[%swap3A_225, %swap3A_226] {strides = array<i32>} : memref<8x128xf32, #tpu.memory_space<vmem>>, vector<1x16xf32>,
    %swap3A_228 = vector.shape_cast %swap3A_227 : vector<1x16xf32> to vector<16xf32>
    %swap3A_229 = vector.shape_cast %mul3A_223 : vector<16xf32> to vector<1x16xf32>
    tpu.vector_store %arg8[%swap3A_225, %swap3A_226], %swap3A_229 {strides = array<i32>} : memref<8x128xf32, #tpu.memory_space<vmem>>, vector<1x16xf32>,
    %get3A_230 = arith.constant 2 : i32
    %get3A_231 = arith.index_cast %get3A_230 : i32 to index
    %get3A_232 = arith.constant 0 : index
    %get3A_233 = tpu.vector_load %arg8[%get3A_231, %get3A_232] {strides = array<i32>} : memref<8x128xf32, #tpu.memory_space<vmem>>, vector<1x16xf32>,
    %get3A_234 = vector.shape_cast %get3A_233 : vector<1x16xf32> to vector<16xf32>
    %mul3A_235 = arith.constant 0.0883883461 : f32
    %mul3A_236 = vector.broadcast %mul3A_235 : f32 to vector<16xf32>
    %mul3A_237 = arith.mulf %get3A_234, %mul3A_236 : vector<16xf32>
    %swap3A_238 = arith.constant 2 : i32
    %swap3A_239 = arith.index_cast %swap3A_238 : i32 to index
    %swap3A_240 = arith.constant 0 : index
    %swap3A_241 = tpu.vector_load %arg8[%swap3A_239, %swap3A_240] {strides = array<i32>} : memref<8x128xf32, #tpu.memory_space<vmem>>, vector<1x16xf32>,
    %swap3A_242 = vector.shape_cast %swap3A_241 : vector<1x16xf32> to vector<16xf32>
    %swap3A_243 = vector.shape_cast %mul3A_237 : vector<16xf32> to vector<1x16xf32>
    tpu.vector_store %arg8[%swap3A_239, %swap3A_240], %swap3A_243 {strides = array<i32>} : memref<8x128xf32, #tpu.memory_space<vmem>>, vector<1x16xf32>,
    %get3A_244 = arith.constant 2 : i32
    %get3A_245 = arith.index_cast %get3A_244 : i32 to index
    %get3A_246 = arith.constant 16 : index
    %get3A_247 = tpu.vector_load %arg8[%get3A_245, %get3A_246] {strides = array<i32>} : memref<8x128xf32, #tpu.memory_space<vmem>>, vector<1x16xf32>,
    %get3A_248 = vector.shape_cast %get3A_247 : vector<1x16xf32> to vector<16xf32>
    %mul3A_249 = arith.constant 0.0883883461 : f32
    %mul3A_250 = vector.broadcast %mul3A_249 : f32 to vector<16xf32>
    %mul3A_251 = arith.mulf %get3A_248, %mul3A_250 : vector<16xf32>
    %swap3A_252 = arith.constant 2 : i32
    %swap3A_253 = arith.index_cast %swap3A_252 : i32 to index
    %swap3A_254 = arith.constant 16 : index
    %swap3A_255 = tpu.vector_load %arg8[%swap3A_253, %swap3A_254] {strides = array<i32>} : memref<8x128xf32, #tpu.memory_space<vmem>>, vector<1x16xf32>,
    %swap3A_256 = vector.shape_cast %swap3A_255 : vector<1x16xf32> to vector<16xf32>
    %swap3A_257 = vector.shape_cast %mul3A_251 : vector<16xf32> to vector<1x16xf32>
    tpu.vector_store %arg8[%swap3A_253, %swap3A_254], %swap3A_257 {strides = array<i32>} : memref<8x128xf32, #tpu.memory_space<vmem>>, vector<1x16xf32>,
    %get3A_258 = arith.constant 2 : i32
    %get3A_259 = arith.index_cast %get3A_258 : i32 to index
    %get3A_260 = arith.constant 32 : index
    %get3A_261 = tpu.vector_load %arg8[%get3A_259, %get3A_260] {strides = array<i32>} : memref<8x128xf32, #tpu.memory_space<vmem>>, vector<1x16xf32>,
    %get3A_262 = vector.shape_cast %get3A_261 : vector<1x16xf32> to vector<16xf32>
    %mul3A_263 = arith.constant 0.0883883461 : f32
    %mul3A_264 = vector.broadcast %mul3A_263 : f32 to vector<16xf32>
    %mul3A_265 = arith.mulf %get3A_262, %mul3A_264 : vector<16xf32>
    %swap3A_266 = arith.constant 2 : i32
    %swap3A_267 = arith.index_cast %swap3A_266 : i32 to index
    %swap3A_268 = arith.constant 32 : index
    %swap3A_269 = tpu.vector_load %arg8[%swap3A_267, %swap3A_268] {strides = array<i32>} : memref<8x128xf32, #tpu.memory_space<vmem>>, vector<1x16xf32>,
    %swap3A_270 = vector.shape_cast %swap3A_269 : vector<1x16xf32> to vector<16xf32>
    %swap3A_271 = vector.shape_cast %mul3A_265 : vector<16xf32> to vector<1x16xf32>
    tpu.vector_store %arg8[%swap3A_267, %swap3A_268], %swap3A_271 {strides = array<i32>} : memref<8x128xf32, #tpu.memory_space<vmem>>, vector<1x16xf32>,
    %get3A_272 = arith.constant 2 : i32
    %get3A_273 = arith.index_cast %get3A_272 : i32 to index
    %get3A_274 = arith.constant 48 : index
    %get3A_275 = tpu.vector_load %arg8[%get3A_273, %get3A_274] {strides = array<i32>} : memref<8x128xf32, #tpu.memory_space<vmem>>, vector<1x16xf32>,
    %get3A_276 = vector.shape_cast %get3A_275 : vector<1x16xf32> to vector<16xf32>
    %mul3A_277 = arith.constant 0.0883883461 : f32
    %mul3A_278 = vector.broadcast %mul3A_277 : f32 to vector<16xf32>
    %mul3A_279 = arith.mulf %get3A_276, %mul3A_278 : vector<16xf32>
    %swap3A_280 = arith.constant 2 : i32
    %swap3A_281 = arith.index_cast %swap3A_280 : i32 to index
    %swap3A_282 = arith.constant 48 : index
    %swap3A_283 = tpu.vector_load %arg8[%swap3A_281, %swap3A_282] {strides = array<i32>} : memref<8x128xf32, #tpu.memory_space<vmem>>, vector<1x16xf32>,
    %swap3A_284 = vector.shape_cast %swap3A_283 : vector<1x16xf32> to vector<16xf32>
    %swap3A_285 = vector.shape_cast %mul3A_279 : vector<16xf32> to vector<1x16xf32>
    tpu.vector_store %arg8[%swap3A_281, %swap3A_282], %swap3A_285 {strides = array<i32>} : memref<8x128xf32, #tpu.memory_space<vmem>>, vector<1x16xf32>,
    %get3A_286 = arith.constant 2 : i32
    %get3A_287 = arith.index_cast %get3A_286 : i32 to index
    %get3A_288 = arith.constant 64 : index
    %get3A_289 = tpu.vector_load %arg8[%get3A_287, %get3A_288] {strides = array<i32>} : memref<8x128xf32, #tpu.memory_space<vmem>>, vector<1x16xf32>,
    %get3A_290 = vector.shape_cast %get3A_289 : vector<1x16xf32> to vector<16xf32>
    %mul3A_291 = arith.constant 0.0883883461 : f32
    %mul3A_292 = vector.broadcast %mul3A_291 : f32 to vector<16xf32>
    %mul3A_293 = arith.mulf %get3A_290, %mul3A_292 : vector<16xf32>
    %swap3A_294 = arith.constant 2 : i32
    %swap3A_295 = arith.index_cast %swap3A_294 : i32 to index
    %swap3A_296 = arith.constant 64 : index
    %swap3A_297 = tpu.vector_load %arg8[%swap3A_295, %swap3A_296] {strides = array<i32>} : memref<8x128xf32, #tpu.memory_space<vmem>>, vector<1x16xf32>,
    %swap3A_298 = vector.shape_cast %swap3A_297 : vector<1x16xf32> to vector<16xf32>
    %swap3A_299 = vector.shape_cast %mul3A_293 : vector<16xf32> to vector<1x16xf32>
    tpu.vector_store %arg8[%swap3A_295, %swap3A_296], %swap3A_299 {strides = array<i32>} : memref<8x128xf32, #tpu.memory_space<vmem>>, vector<1x16xf32>,
    %get3A_300 = arith.constant 2 : i32
    %get3A_301 = arith.index_cast %get3A_300 : i32 to index
    %get3A_302 = arith.constant 80 : index
    %get3A_303 = tpu.vector_load %arg8[%get3A_301, %get3A_302] {strides = array<i32>} : memref<8x128xf32, #tpu.memory_space<vmem>>, vector<1x16xf32>,
    %get3A_304 = vector.shape_cast %get3A_303 : vector<1x16xf32> to vector<16xf32>
    %mul3A_305 = arith.constant 0.0883883461 : f32
    %mul3A_306 = vector.broadcast %mul3A_305 : f32 to vector<16xf32>
    %mul3A_307 = arith.mulf %get3A_304, %mul3A_306 : vector<16xf32>
    %swap3A_308 = arith.constant 2 : i32
    %swap3A_309 = arith.index_cast %swap3A_308 : i32 to index
    %swap3A_310 = arith.constant 80 : index
    %swap3A_311 = tpu.vector_load %arg8[%swap3A_309, %swap3A_310] {strides = array<i32>} : memref<8x128xf32, #tpu.memory_space<vmem>>, vector<1x16xf32>,
    %swap3A_312 = vector.shape_cast %swap3A_311 : vector<1x16xf32> to vector<16xf32>
    %swap3A_313 = vector.shape_cast %mul3A_307 : vector<16xf32> to vector<1x16xf32>
    tpu.vector_store %arg8[%swap3A_309, %swap3A_310], %swap3A_313 {strides = array<i32>} : memref<8x128xf32, #tpu.memory_space<vmem>>, vector<1x16xf32>,
    %get3A_314 = arith.constant 2 : i32
    %get3A_315 = arith.index_cast %get3A_314 : i32 to index
    %get3A_316 = arith.constant 96 : index
    %get3A_317 = tpu.vector_load %arg8[%get3A_315, %get3A_316] {strides = array<i32>} : memref<8x128xf32, #tpu.memory_space<vmem>>, vector<1x16xf32>,
    %get3A_318 = vector.shape_cast %get3A_317 : vector<1x16xf32> to vector<16xf32>
    %mul3A_319 = arith.constant 0.0883883461 : f32
    %mul3A_320 = vector.broadcast %mul3A_319 : f32 to vector<16xf32>
    %mul3A_321 = arith.mulf %get3A_318, %mul3A_320 : vector<16xf32>
    %swap3A_322 = arith.constant 2 : i32
    %swap3A_323 = arith.index_cast %swap3A_322 : i32 to index
    %swap3A_324 = arith.constant 96 : index
    %swap3A_325 = tpu.vector_load %arg8[%swap3A_323, %swap3A_324] {strides = array<i32>} : memref<8x128xf32, #tpu.memory_space<vmem>>, vector<1x16xf32>,
    %swap3A_326 = vector.shape_cast %swap3A_325 : vector<1x16xf32> to vector<16xf32>
    %swap3A_327 = vector.shape_cast %mul3A_321 : vector<16xf32> to vector<1x16xf32>
    tpu.vector_store %arg8[%swap3A_323, %swap3A_324], %swap3A_327 {strides = array<i32>} : memref<8x128xf32, #tpu.memory_space<vmem>>, vector<1x16xf32>,
    %get3A_328 = arith.constant 2 : i32
    %get3A_329 = arith.index_cast %get3A_328 : i32 to index
    %get3A_330 = arith.constant 112 : index
    %get3A_331 = tpu.vector_load %arg8[%get3A_329, %get3A_330] {strides = array<i32>} : memref<8x128xf32, #tpu.memory_space<vmem>>, vector<1x16xf32>,
    %get3A_332 = vector.shape_cast %get3A_331 : vector<1x16xf32> to vector<16xf32>
    %mul3A_333 = arith.constant 0.0883883461 : f32
    %mul3A_334 = vector.broadcast %mul3A_333 : f32 to vector<16xf32>
    %mul3A_335 = arith.mulf %get3A_332, %mul3A_334 : vector<16xf32>
    %swap3A_336 = arith.constant 2 : i32
    %swap3A_337 = arith.index_cast %swap3A_336 : i32 to index
    %swap3A_338 = arith.constant 112 : index
    %swap3A_339 = tpu.vector_load %arg8[%swap3A_337, %swap3A_338] {strides = array<i32>} : memref<8x128xf32, #tpu.memory_space<vmem>>, vector<1x16xf32>,
    %swap3A_340 = vector.shape_cast %swap3A_339 : vector<1x16xf32> to vector<16xf32>
    %swap3A_341 = vector.shape_cast %mul3A_335 : vector<16xf32> to vector<1x16xf32>
    tpu.vector_store %arg8[%swap3A_337, %swap3A_338], %swap3A_341 {strides = array<i32>} : memref<8x128xf32, #tpu.memory_space<vmem>>, vector<1x16xf32>,
    %get3A_342 = arith.constant 3 : i32
    %get3A_343 = arith.index_cast %get3A_342 : i32 to index
    %get3A_344 = arith.constant 0 : index
    %get3A_345 = tpu.vector_load %arg8[%get3A_343, %get3A_344] {strides = array<i32>} : memref<8x128xf32, #tpu.memory_space<vmem>>, vector<1x16xf32>,
    %get3A_346 = vector.shape_cast %get3A_345 : vector<1x16xf32> to vector<16xf32>
    %mul3A_347 = arith.constant 0.0883883461 : f32
    %mul3A_348 = vector.broadcast %mul3A_347 : f32 to vector<16xf32>
    %mul3A_349 = arith.mulf %get3A_346, %mul3A_348 : vector<16xf32>
    %swap3A_350 = arith.constant 3 : i32
    %swap3A_351 = arith.index_cast %swap3A_350 : i32 to index
    %swap3A_352 = arith.constant 0 : index
    %swap3A_353 = tpu.vector_load %arg8[%swap3A_351, %swap3A_352] {strides = array<i32>} : memref<8x128xf32, #tpu.memory_space<vmem>>, vector<1x16xf32>,
    %swap3A_354 = vector.shape_cast %swap3A_353 : vector<1x16xf32> to vector<16xf32>
    %swap3A_355 = vector.shape_cast %mul3A_349 : vector<16xf32> to vector<1x16xf32>
    tpu.vector_store %arg8[%swap3A_351, %swap3A_352], %swap3A_355 {strides = array<i32>} : memref<8x128xf32, #tpu.memory_space<vmem>>, vector<1x16xf32>,
    %get3A_356 = arith.constant 3 : i32
    %get3A_357 = arith.index_cast %get3A_356 : i32 to index
    %get3A_358 = arith.constant 16 : index
    %get3A_359 = tpu.vector_load %arg8[%get3A_357, %get3A_358] {strides = array<i32>} : memref<8x128xf32, #tpu.memory_space<vmem>>, vector<1x16xf32>,
    %get3A_360 = vector.shape_cast %get3A_359 : vector<1x16xf32> to vector<16xf32>
    %mul3A_361 = arith.constant 0.0883883461 : f32
    %mul3A_362 = vector.broadcast %mul3A_361 : f32 to vector<16xf32>
    %mul3A_363 = arith.mulf %get3A_360, %mul3A_362 : vector<16xf32>
    %swap3A_364 = arith.constant 3 : i32
    %swap3A_365 = arith.index_cast %swap3A_364 : i32 to index
    %swap3A_366 = arith.constant 16 : index
    %swap3A_367 = tpu.vector_load %arg8[%swap3A_365, %swap3A_366] {strides = array<i32>} : memref<8x128xf32, #tpu.memory_space<vmem>>, vector<1x16xf32>,
    %swap3A_368 = vector.shape_cast %swap3A_367 : vector<1x16xf32> to vector<16xf32>
    %swap3A_369 = vector.shape_cast %mul3A_363 : vector<16xf32> to vector<1x16xf32>
    tpu.vector_store %arg8[%swap3A_365, %swap3A_366], %swap3A_369 {strides = array<i32>} : memref<8x128xf32, #tpu.memory_space<vmem>>, vector<1x16xf32>,
    %get3A_370 = arith.constant 3 : i32
    %get3A_371 = arith.index_cast %get3A_370 : i32 to index
    %get3A_372 = arith.constant 32 : index
    %get3A_373 = tpu.vector_load %arg8[%get3A_371, %get3A_372] {strides = array<i32>} : memref<8x128xf32, #tpu.memory_space<vmem>>, vector<1x16xf32>,
    %get3A_374 = vector.shape_cast %get3A_373 : vector<1x16xf32> to vector<16xf32>
    %mul3A_375 = arith.constant 0.0883883461 : f32
    %mul3A_376 = vector.broadcast %mul3A_375 : f32 to vector<16xf32>
    %mul3A_377 = arith.mulf %get3A_374, %mul3A_376 : vector<16xf32>
    %swap3A_378 = arith.constant 3 : i32
    %swap3A_379 = arith.index_cast %swap3A_378 : i32 to index
    %swap3A_380 = arith.constant 32 : index
    %swap3A_381 = tpu.vector_load %arg8[%swap3A_379, %swap3A_380] {strides = array<i32>} : memref<8x128xf32, #tpu.memory_space<vmem>>, vector<1x16xf32>,
    %swap3A_382 = vector.shape_cast %swap3A_381 : vector<1x16xf32> to vector<16xf32>
    %swap3A_383 = vector.shape_cast %mul3A_377 : vector<16xf32> to vector<1x16xf32>
    tpu.vector_store %arg8[%swap3A_379, %swap3A_380], %swap3A_383 {strides = array<i32>} : memref<8x128xf32, #tpu.memory_space<vmem>>, vector<1x16xf32>,
    %get3A_384 = arith.constant 3 : i32
    %get3A_385 = arith.index_cast %get3A_384 : i32 to index
    %get3A_386 = arith.constant 48 : index
    %get3A_387 = tpu.vector_load %arg8[%get3A_385, %get3A_386] {strides = array<i32>} : memref<8x128xf32, #tpu.memory_space<vmem>>, vector<1x16xf32>,
    %get3A_388 = vector.shape_cast %get3A_387 : vector<1x16xf32> to vector<16xf32>
    %mul3A_389 = arith.constant 0.0883883461 : f32
    %mul3A_390 = vector.broadcast %mul3A_389 : f32 to vector<16xf32>
    %mul3A_391 = arith.mulf %get3A_388, %mul3A_390 : vector<16xf32>
    %swap3A_392 = arith.constant 3 : i32
    %swap3A_393 = arith.index_cast %swap3A_392 : i32 to index
    %swap3A_394 = arith.constant 48 : index
    %swap3A_395 = tpu.vector_load %arg8[%swap3A_393, %swap3A_394] {strides = array<i32>} : memref<8x128xf32, #tpu.memory_space<vmem>>, vector<1x16xf32>,
    %swap3A_396 = vector.shape_cast %swap3A_395 : vector<1x16xf32> to vector<16xf32>
    %swap3A_397 = vector.shape_cast %mul3A_391 : vector<16xf32> to vector<1x16xf32>
    tpu.vector_store %arg8[%swap3A_393, %swap3A_394], %swap3A_397 {strides = array<i32>} : memref<8x128xf32, #tpu.memory_space<vmem>>, vector<1x16xf32>,
    %get3A_398 = arith.constant 3 : i32
    %get3A_399 = arith.index_cast %get3A_398 : i32 to index
    %get3A_400 = arith.constant 64 : index
    %get3A_401 = tpu.vector_load %arg8[%get3A_399, %get3A_400] {strides = array<i32>} : memref<8x128xf32, #tpu.memory_space<vmem>>, vector<1x16xf32>,
    %get3A_402 = vector.shape_cast %get3A_401 : vector<1x16xf32> to vector<16xf32>
    %mul3A_403 = arith.constant 0.0883883461 : f32
    %mul3A_404 = vector.broadcast %mul3A_403 : f32 to vector<16xf32>
    %mul3A_405 = arith.mulf %get3A_402, %mul3A_404 : vector<16xf32>
    %swap3A_406 = arith.constant 3 : i32
    %swap3A_407 = arith.index_cast %swap3A_406 : i32 to index
    %swap3A_408 = arith.constant 64 : index
    %swap3A_409 = tpu.vector_load %arg8[%swap3A_407, %swap3A_408] {strides = array<i32>} : memref<8x128xf32, #tpu.memory_space<vmem>>, vector<1x16xf32>,
    %swap3A_410 = vector.shape_cast %swap3A_409 : vector<1x16xf32> to vector<16xf32>
    %swap3A_411 = vector.shape_cast %mul3A_405 : vector<16xf32> to vector<1x16xf32>
    tpu.vector_store %arg8[%swap3A_407, %swap3A_408], %swap3A_411 {strides = array<i32>} : memref<8x128xf32, #tpu.memory_space<vmem>>, vector<1x16xf32>,
    %get3A_412 = arith.constant 3 : i32
    %get3A_413 = arith.index_cast %get3A_412 : i32 to index
    %get3A_414 = arith.constant 80 : index
    %get3A_415 = tpu.vector_load %arg8[%get3A_413, %get3A_414] {strides = array<i32>} : memref<8x128xf32, #tpu.memory_space<vmem>>, vector<1x16xf32>,
    %get3A_416 = vector.shape_cast %get3A_415 : vector<1x16xf32> to vector<16xf32>
    %mul3A_417 = arith.constant 0.0883883461 : f32
    %mul3A_418 = vector.broadcast %mul3A_417 : f32 to vector<16xf32>
    %mul3A_419 = arith.mulf %get3A_416, %mul3A_418 : vector<16xf32>
    %swap3A_420 = arith.constant 3 : i32
    %swap3A_421 = arith.index_cast %swap3A_420 : i32 to index
    %swap3A_422 = arith.constant 80 : index
    %swap3A_423 = tpu.vector_load %arg8[%swap3A_421, %swap3A_422] {strides = array<i32>} : memref<8x128xf32, #tpu.memory_space<vmem>>, vector<1x16xf32>,
    %swap3A_424 = vector.shape_cast %swap3A_423 : vector<1x16xf32> to vector<16xf32>
    %swap3A_425 = vector.shape_cast %mul3A_419 : vector<16xf32> to vector<1x16xf32>
    tpu.vector_store %arg8[%swap3A_421, %swap3A_422], %swap3A_425 {strides = array<i32>} : memref<8x128xf32, #tpu.memory_space<vmem>>, vector<1x16xf32>,
    %get3A_426 = arith.constant 3 : i32
    %get3A_427 = arith.index_cast %get3A_426 : i32 to index
    %get3A_428 = arith.constant 96 : index
    %get3A_429 = tpu.vector_load %arg8[%get3A_427, %get3A_428] {strides = array<i32>} : memref<8x128xf32, #tpu.memory_space<vmem>>, vector<1x16xf32>,
    %get3A_430 = vector.shape_cast %get3A_429 : vector<1x16xf32> to vector<16xf32>
    %mul3A_431 = arith.constant 0.0883883461 : f32
    %mul3A_432 = vector.broadcast %mul3A_431 : f32 to vector<16xf32>
    %mul3A_433 = arith.mulf %get3A_430, %mul3A_432 : vector<16xf32>
    %swap3A_434 = arith.constant 3 : i32
    %swap3A_435 = arith.index_cast %swap3A_434 : i32 to index
    %swap3A_436 = arith.constant 96 : index
    %swap3A_437 = tpu.vector_load %arg8[%swap3A_435, %swap3A_436] {strides = array<i32>} : memref<8x128xf32, #tpu.memory_space<vmem>>, vector<1x16xf32>,
    %swap3A_438 = vector.shape_cast %swap3A_437 : vector<1x16xf32> to vector<16xf32>
    %swap3A_439 = vector.shape_cast %mul3A_433 : vector<16xf32> to vector<1x16xf32>
    tpu.vector_store %arg8[%swap3A_435, %swap3A_436], %swap3A_439 {strides = array<i32>} : memref<8x128xf32, #tpu.memory_space<vmem>>, vector<1x16xf32>,
    %get3A_440 = arith.constant 3 : i32
    %get3A_441 = arith.index_cast %get3A_440 : i32 to index
    %get3A_442 = arith.constant 112 : index
    %get3A_443 = tpu.vector_load %arg8[%get3A_441, %get3A_442] {strides = array<i32>} : memref<8x128xf32, #tpu.memory_space<vmem>>, vector<1x16xf32>,
    %get3A_444 = vector.shape_cast %get3A_443 : vector<1x16xf32> to vector<16xf32>
    %mul3A_445 = arith.constant 0.0883883461 : f32
    %mul3A_446 = vector.broadcast %mul3A_445 : f32 to vector<16xf32>
    %mul3A_447 = arith.mulf %get3A_444, %mul3A_446 : vector<16xf32>
    %swap3A_448 = arith.constant 3 : i32
    %swap3A_449 = arith.index_cast %swap3A_448 : i32 to index
    %swap3A_450 = arith.constant 112 : index
    %swap3A_451 = tpu.vector_load %arg8[%swap3A_449, %swap3A_450] {strides = array<i32>} : memref<8x128xf32, #tpu.memory_space<vmem>>, vector<1x16xf32>,
    %swap3A_452 = vector.shape_cast %swap3A_451 : vector<1x16xf32> to vector<16xf32>
    %swap3A_453 = vector.shape_cast %mul3A_447 : vector<16xf32> to vector<1x16xf32>
    tpu.vector_store %arg8[%swap3A_449, %swap3A_450], %swap3A_453 {strides = array<i32>} : memref<8x128xf32, #tpu.memory_space<vmem>>, vector<1x16xf32>,
    %get3A_454 = arith.constant 4 : i32
    %get3A_455 = arith.index_cast %get3A_454 : i32 to index
    %get3A_456 = arith.constant 0 : index
    %get3A_457 = tpu.vector_load %arg8[%get3A_455, %get3A_456] {strides = array<i32>} : memref<8x128xf32, #tpu.memory_space<vmem>>, vector<1x16xf32>,
    %get3A_458 = vector.shape_cast %get3A_457 : vector<1x16xf32> to vector<16xf32>
    %mul3A_459 = arith.constant 0.0883883461 : f32
    %mul3A_460 = vector.broadcast %mul3A_459 : f32 to vector<16xf32>
    %mul3A_461 = arith.mulf %get3A_458, %mul3A_460 : vector<16xf32>
    %swap3A_462 = arith.constant 4 : i32
    %swap3A_463 = arith.index_cast %swap3A_462 : i32 to index
    %swap3A_464 = arith.constant 0 : index
    %swap3A_465 = tpu.vector_load %arg8[%swap3A_463, %swap3A_464] {strides = array<i32>} : memref<8x128xf32, #tpu.memory_space<vmem>>, vector<1x16xf32>,
    %swap3A_466 = vector.shape_cast %swap3A_465 : vector<1x16xf32> to vector<16xf32>
    %swap3A_467 = vector.shape_cast %mul3A_461 : vector<16xf32> to vector<1x16xf32>
    tpu.vector_store %arg8[%swap3A_463, %swap3A_464], %swap3A_467 {strides = array<i32>} : memref<8x128xf32, #tpu.memory_space<vmem>>, vector<1x16xf32>,
    %get3A_468 = arith.constant 4 : i32
    %get3A_469 = arith.index_cast %get3A_468 : i32 to index
    %get3A_470 = arith.constant 16 : index
    %get3A_471 = tpu.vector_load %arg8[%get3A_469, %get3A_470] {strides = array<i32>} : memref<8x128xf32, #tpu.memory_space<vmem>>, vector<1x16xf32>,
    %get3A_472 = vector.shape_cast %get3A_471 : vector<1x16xf32> to vector<16xf32>
    %mul3A_473 = arith.constant 0.0883883461 : f32
    %mul3A_474 = vector.broadcast %mul3A_473 : f32 to vector<16xf32>
    %mul3A_475 = arith.mulf %get3A_472, %mul3A_474 : vector<16xf32>
    %swap3A_476 = arith.constant 4 : i32
    %swap3A_477 = arith.index_cast %swap3A_476 : i32 to index
    %swap3A_478 = arith.constant 16 : index
    %swap3A_479 = tpu.vector_load %arg8[%swap3A_477, %swap3A_478] {strides = array<i32>} : memref<8x128xf32, #tpu.memory_space<vmem>>, vector<1x16xf32>,
    %swap3A_480 = vector.shape_cast %swap3A_479 : vector<1x16xf32> to vector<16xf32>
    %swap3A_481 = vector.shape_cast %mul3A_475 : vector<16xf32> to vector<1x16xf32>
    tpu.vector_store %arg8[%swap3A_477, %swap3A_478], %swap3A_481 {strides = array<i32>} : memref<8x128xf32, #tpu.memory_space<vmem>>, vector<1x16xf32>,
    %get3A_482 = arith.constant 4 : i32
    %get3A_483 = arith.index_cast %get3A_482 : i32 to index
    %get3A_484 = arith.constant 32 : index
    %get3A_485 = tpu.vector_load %arg8[%get3A_483, %get3A_484] {strides = array<i32>} : memref<8x128xf32, #tpu.memory_space<vmem>>, vector<1x16xf32>,
    %get3A_486 = vector.shape_cast %get3A_485 : vector<1x16xf32> to vector<16xf32>
    %mul3A_487 = arith.constant 0.0883883461 : f32
    %mul3A_488 = vector.broadcast %mul3A_487 : f32 to vector<16xf32>
    %mul3A_489 = arith.mulf %get3A_486, %mul3A_488 : vector<16xf32>
    %swap3A_490 = arith.constant 4 : i32
    %swap3A_491 = arith.index_cast %swap3A_490 : i32 to index
    %swap3A_492 = arith.constant 32 : index
    %swap3A_493 = tpu.vector_load %arg8[%swap3A_491, %swap3A_492] {strides = array<i32>} : memref<8x128xf32, #tpu.memory_space<vmem>>, vector<1x16xf32>,
    %swap3A_494 = vector.shape_cast %swap3A_493 : vector<1x16xf32> to vector<16xf32>
    %swap3A_495 = vector.shape_cast %mul3A_489 : vector<16xf32> to vector<1x16xf32>
    tpu.vector_store %arg8[%swap3A_491, %swap3A_492], %swap3A_495 {strides = array<i32>} : memref<8x128xf32, #tpu.memory_space<vmem>>, vector<1x16xf32>,
    %get3A_496 = arith.constant 4 : i32
    %get3A_497 = arith.index_cast %get3A_496 : i32 to index
    %get3A_498 = arith.constant 48 : index
    %get3A_499 = tpu.vector_load %arg8[%get3A_497, %get3A_498] {strides = array<i32>} : memref<8x128xf32, #tpu.memory_space<vmem>>, vector<1x16xf32>,
    %get3A_500 = vector.shape_cast %get3A_499 : vector<1x16xf32> to vector<16xf32>
    %mul3A_501 = arith.constant 0.0883883461 : f32
    %mul3A_502 = vector.broadcast %mul3A_501 : f32 to vector<16xf32>
    %mul3A_503 = arith.mulf %get3A_500, %mul3A_502 : vector<16xf32>
    %swap3A_504 = arith.constant 4 : i32
    %swap3A_505 = arith.index_cast %swap3A_504 : i32 to index
    %swap3A_506 = arith.constant 48 : index
    %swap3A_507 = tpu.vector_load %arg8[%swap3A_505, %swap3A_506] {strides = array<i32>} : memref<8x128xf32, #tpu.memory_space<vmem>>, vector<1x16xf32>,
    %swap3A_508 = vector.shape_cast %swap3A_507 : vector<1x16xf32> to vector<16xf32>
    %swap3A_509 = vector.shape_cast %mul3A_503 : vector<16xf32> to vector<1x16xf32>
    tpu.vector_store %arg8[%swap3A_505, %swap3A_506], %swap3A_509 {strides = array<i32>} : memref<8x128xf32, #tpu.memory_space<vmem>>, vector<1x16xf32>,
    %get3A_510 = arith.constant 4 : i32
    %get3A_511 = arith.index_cast %get3A_510 : i32 to index
    %get3A_512 = arith.constant 64 : index
    %get3A_513 = tpu.vector_load %arg8[%get3A_511, %get3A_512] {strides = array<i32>} : memref<8x128xf32, #tpu.memory_space<vmem>>, vector<1x16xf32>,
    %get3A_514 = vector.shape_cast %get3A_513 : vector<1x16xf32> to vector<16xf32>
    %mul3A_515 = arith.constant 0.0883883461 : f32
    %mul3A_516 = vector.broadcast %mul3A_515 : f32 to vector<16xf32>
    %mul3A_517 = arith.mulf %get3A_514, %mul3A_516 : vector<16xf32>
    %swap3A_518 = arith.constant 4 : i32
    %swap3A_519 = arith.index_cast %swap3A_518 : i32 to index
    %swap3A_520 = arith.constant 64 : index
    %swap3A_521 = tpu.vector_load %arg8[%swap3A_519, %swap3A_520] {strides = array<i32>} : memref<8x128xf32, #tpu.memory_space<vmem>>, vector<1x16xf32>,
    %swap3A_522 = vector.shape_cast %swap3A_521 : vector<1x16xf32> to vector<16xf32>
    %swap3A_523 = vector.shape_cast %mul3A_517 : vector<16xf32> to vector<1x16xf32>
    tpu.vector_store %arg8[%swap3A_519, %swap3A_520], %swap3A_523 {strides = array<i32>} : memref<8x128xf32, #tpu.memory_space<vmem>>, vector<1x16xf32>,
    %get3A_524 = arith.constant 4 : i32
    %get3A_525 = arith.index_cast %get3A_524 : i32 to index
    %get3A_526 = arith.constant 80 : index
    %get3A_527 = tpu.vector_load %arg8[%get3A_525, %get3A_526] {strides = array<i32>} : memref<8x128xf32, #tpu.memory_space<vmem>>, vector<1x16xf32>,
    %get3A_528 = vector.shape_cast %get3A_527 : vector<1x16xf32> to vector<16xf32>
    %mul3A_529 = arith.constant 0.0883883461 : f32
    %mul3A_530 = vector.broadcast %mul3A_529 : f32 to vector<16xf32>
    %mul3A_531 = arith.mulf %get3A_528, %mul3A_530 : vector<16xf32>
    %swap3A_532 = arith.constant 4 : i32
    %swap3A_533 = arith.index_cast %swap3A_532 : i32 to index
    %swap3A_534 = arith.constant 80 : index
    %swap3A_535 = tpu.vector_load %arg8[%swap3A_533, %swap3A_534] {strides = array<i32>} : memref<8x128xf32, #tpu.memory_space<vmem>>, vector<1x16xf32>,
    %swap3A_536 = vector.shape_cast %swap3A_535 : vector<1x16xf32> to vector<16xf32>
    %swap3A_537 = vector.shape_cast %mul3A_531 : vector<16xf32> to vector<1x16xf32>
    tpu.vector_store %arg8[%swap3A_533, %swap3A_534], %swap3A_537 {strides = array<i32>} : memref<8x128xf32, #tpu.memory_space<vmem>>, vector<1x16xf32>,
    %get3A_538 = arith.constant 4 : i32
    %get3A_539 = arith.index_cast %get3A_538 : i32 to index
    %get3A_540 = arith.constant 96 : index
    %get3A_541 = tpu.vector_load %arg8[%get3A_539, %get3A_540] {strides = array<i32>} : memref<8x128xf32, #tpu.memory_space<vmem>>, vector<1x16xf32>,
    %get3A_542 = vector.shape_cast %get3A_541 : vector<1x16xf32> to vector<16xf32>
    %mul3A_543 = arith.constant 0.0883883461 : f32
    %mul3A_544 = vector.broadcast %mul3A_543 : f32 to vector<16xf32>
    %mul3A_545 = arith.mulf %get3A_542, %mul3A_544 : vector<16xf32>
    %swap3A_546 = arith.constant 4 : i32
    %swap3A_547 = arith.index_cast %swap3A_546 : i32 to index
    %swap3A_548 = arith.constant 96 : index
    %swap3A_549 = tpu.vector_load %arg8[%swap3A_547, %swap3A_548] {strides = array<i32>} : memref<8x128xf32, #tpu.memory_space<vmem>>, vector<1x16xf32>,
    %swap3A_550 = vector.shape_cast %swap3A_549 : vector<1x16xf32> to vector<16xf32>
    %swap3A_551 = vector.shape_cast %mul3A_545 : vector<16xf32> to vector<1x16xf32>
    tpu.vector_store %arg8[%swap3A_547, %swap3A_548], %swap3A_551 {strides = array<i32>} : memref<8x128xf32, #tpu.memory_space<vmem>>, vector<1x16xf32>,
    %get3A_552 = arith.constant 4 : i32
    %get3A_553 = arith.index_cast %get3A_552 : i32 to index
    %get3A_554 = arith.constant 112 : index
    %get3A_555 = tpu.vector_load %arg8[%get3A_553, %get3A_554] {strides = array<i32>} : memref<8x128xf32, #tpu.memory_space<vmem>>, vector<1x16xf32>,
    %get3A_556 = vector.shape_cast %get3A_555 : vector<1x16xf32> to vector<16xf32>
    %mul3A_557 = arith.constant 0.0883883461 : f32
    %mul3A_558 = vector.broadcast %mul3A_557 : f32 to vector<16xf32>
    %mul3A_559 = arith.mulf %get3A_556, %mul3A_558 : vector<16xf32>
    %swap3A_560 = arith.constant 4 : i32
    %swap3A_561 = arith.index_cast %swap3A_560 : i32 to index
    %swap3A_562 = arith.constant 112 : index
    %swap3A_563 = tpu.vector_load %arg8[%swap3A_561, %swap3A_562] {strides = array<i32>} : memref<8x128xf32, #tpu.memory_space<vmem>>, vector<1x16xf32>,
    %swap3A_564 = vector.shape_cast %swap3A_563 : vector<1x16xf32> to vector<16xf32>
    %swap3A_565 = vector.shape_cast %mul3A_559 : vector<16xf32> to vector<1x16xf32>
    tpu.vector_store %arg8[%swap3A_561, %swap3A_562], %swap3A_565 {strides = array<i32>} : memref<8x128xf32, #tpu.memory_space<vmem>>, vector<1x16xf32>,
    %get3A_566 = arith.constant 5 : i32
    %get3A_567 = arith.index_cast %get3A_566 : i32 to index
    %get3A_568 = arith.constant 0 : index
    %get3A_569 = tpu.vector_load %arg8[%get3A_567, %get3A_568] {strides = array<i32>} : memref<8x128xf32, #tpu.memory_space<vmem>>, vector<1x16xf32>,
    %get3A_570 = vector.shape_cast %get3A_569 : vector<1x16xf32> to vector<16xf32>
    %mul3A_571 = arith.constant 0.0883883461 : f32
    %mul3A_572 = vector.broadcast %mul3A_571 : f32 to vector<16xf32>
    %mul3A_573 = arith.mulf %get3A_570, %mul3A_572 : vector<16xf32>
    %swap3A_574 = arith.constant 5 : i32
    %swap3A_575 = arith.index_cast %swap3A_574 : i32 to index
    %swap3A_576 = arith.constant 0 : index
    %swap3A_577 = tpu.vector_load %arg8[%swap3A_575, %swap3A_576] {strides = array<i32>} : memref<8x128xf32, #tpu.memory_space<vmem>>, vector<1x16xf32>,
    %swap3A_578 = vector.shape_cast %swap3A_577 : vector<1x16xf32> to vector<16xf32>
    %swap3A_579 = vector.shape_cast %mul3A_573 : vector<16xf32> to vector<1x16xf32>
    tpu.vector_store %arg8[%swap3A_575, %swap3A_576], %swap3A_579 {strides = array<i32>} : memref<8x128xf32, #tpu.memory_space<vmem>>, vector<1x16xf32>,
    %get3A_580 = arith.constant 5 : i32
    %get3A_581 = arith.index_cast %get3A_580 : i32 to index
    %get3A_582 = arith.constant 16 : index
    %get3A_583 = tpu.vector_load %arg8[%get3A_581, %get3A_582] {strides = array<i32>} : memref<8x128xf32, #tpu.memory_space<vmem>>, vector<1x16xf32>,
    %get3A_584 = vector.shape_cast %get3A_583 : vector<1x16xf32> to vector<16xf32>
    %mul3A_585 = arith.constant 0.0883883461 : f32
    %mul3A_586 = vector.broadcast %mul3A_585 : f32 to vector<16xf32>
    %mul3A_587 = arith.mulf %get3A_584, %mul3A_586 : vector<16xf32>
    %swap3A_588 = arith.constant 5 : i32
    %swap3A_589 = arith.index_cast %swap3A_588 : i32 to index
    %swap3A_590 = arith.constant 16 : index
    %swap3A_591 = tpu.vector_load %arg8[%swap3A_589, %swap3A_590] {strides = array<i32>} : memref<8x128xf32, #tpu.memory_space<vmem>>, vector<1x16xf32>,
    %swap3A_592 = vector.shape_cast %swap3A_591 : vector<1x16xf32> to vector<16xf32>
    %swap3A_593 = vector.shape_cast %mul3A_587 : vector<16xf32> to vector<1x16xf32>
    tpu.vector_store %arg8[%swap3A_589, %swap3A_590], %swap3A_593 {strides = array<i32>} : memref<8x128xf32, #tpu.memory_space<vmem>>, vector<1x16xf32>,
    %get3A_594 = arith.constant 5 : i32
    %get3A_595 = arith.index_cast %get3A_594 : i32 to index
    %get3A_596 = arith.constant 32 : index
    %get3A_597 = tpu.vector_load %arg8[%get3A_595, %get3A_596] {strides = array<i32>} : memref<8x128xf32, #tpu.memory_space<vmem>>, vector<1x16xf32>,
    %get3A_598 = vector.shape_cast %get3A_597 : vector<1x16xf32> to vector<16xf32>
    %mul3A_599 = arith.constant 0.0883883461 : f32
    %mul3A_600 = vector.broadcast %mul3A_599 : f32 to vector<16xf32>
    %mul3A_601 = arith.mulf %get3A_598, %mul3A_600 : vector<16xf32>
    %swap3A_602 = arith.constant 5 : i32
    %swap3A_603 = arith.index_cast %swap3A_602 : i32 to index
    %swap3A_604 = arith.constant 32 : index
    %swap3A_605 = tpu.vector_load %arg8[%swap3A_603, %swap3A_604] {strides = array<i32>} : memref<8x128xf32, #tpu.memory_space<vmem>>, vector<1x16xf32>,
    %swap3A_606 = vector.shape_cast %swap3A_605 : vector<1x16xf32> to vector<16xf32>
    %swap3A_607 = vector.shape_cast %mul3A_601 : vector<16xf32> to vector<1x16xf32>
    tpu.vector_store %arg8[%swap3A_603, %swap3A_604], %swap3A_607 {strides = array<i32>} : memref<8x128xf32, #tpu.memory_space<vmem>>, vector<1x16xf32>,
    %get3A_608 = arith.constant 5 : i32
    %get3A_609 = arith.index_cast %get3A_608 : i32 to index
    %get3A_610 = arith.constant 48 : index
    %get3A_611 = tpu.vector_load %arg8[%get3A_609, %get3A_610] {strides = array<i32>} : memref<8x128xf32, #tpu.memory_space<vmem>>, vector<1x16xf32>,
    %get3A_612 = vector.shape_cast %get3A_611 : vector<1x16xf32> to vector<16xf32>
    %mul3A_613 = arith.constant 0.0883883461 : f32
    %mul3A_614 = vector.broadcast %mul3A_613 : f32 to vector<16xf32>
    %mul3A_615 = arith.mulf %get3A_612, %mul3A_614 : vector<16xf32>
    %swap3A_616 = arith.constant 5 : i32
    %swap3A_617 = arith.index_cast %swap3A_616 : i32 to index
    %swap3A_618 = arith.constant 48 : index
    %swap3A_619 = tpu.vector_load %arg8[%swap3A_617, %swap3A_618] {strides = array<i32>} : memref<8x128xf32, #tpu.memory_space<vmem>>, vector<1x16xf32>,
    %swap3A_620 = vector.shape_cast %swap3A_619 : vector<1x16xf32> to vector<16xf32>
    %swap3A_621 = vector.shape_cast %mul3A_615 : vector<16xf32> to vector<1x16xf32>
    tpu.vector_store %arg8[%swap3A_617, %swap3A_618], %swap3A_621 {strides = array<i32>} : memref<8x128xf32, #tpu.memory_space<vmem>>, vector<1x16xf32>,
    %get3A_622 = arith.constant 5 : i32
    %get3A_623 = arith.index_cast %get3A_622 : i32 to index
    %get3A_624 = arith.constant 64 : index
    %get3A_625 = tpu.vector_load %arg8[%get3A_623, %get3A_624] {strides = array<i32>} : memref<8x128xf32, #tpu.memory_space<vmem>>, vector<1x16xf32>,
    %get3A_626 = vector.shape_cast %get3A_625 : vector<1x16xf32> to vector<16xf32>
    %mul3A_627 = arith.constant 0.0883883461 : f32
    %mul3A_628 = vector.broadcast %mul3A_627 : f32 to vector<16xf32>
    %mul3A_629 = arith.mulf %get3A_626, %mul3A_628 : vector<16xf32>
    %swap3A_630 = arith.constant 5 : i32
    %swap3A_631 = arith.index_cast %swap3A_630 : i32 to index
    %swap3A_632 = arith.constant 64 : index
    %swap3A_633 = tpu.vector_load %arg8[%swap3A_631, %swap3A_632] {strides = array<i32>} : memref<8x128xf32, #tpu.memory_space<vmem>>, vector<1x16xf32>,
    %swap3A_634 = vector.shape_cast %swap3A_633 : vector<1x16xf32> to vector<16xf32>
    %swap3A_635 = vector.shape_cast %mul3A_629 : vector<16xf32> to vector<1x16xf32>
    tpu.vector_store %arg8[%swap3A_631, %swap3A_632], %swap3A_635 {strides = array<i32>} : memref<8x128xf32, #tpu.memory_space<vmem>>, vector<1x16xf32>,
    %get3A_636 = arith.constant 5 : i32
    %get3A_637 = arith.index_cast %get3A_636 : i32 to index
    %get3A_638 = arith.constant 80 : index
    %get3A_639 = tpu.vector_load %arg8[%get3A_637, %get3A_638] {strides = array<i32>} : memref<8x128xf32, #tpu.memory_space<vmem>>, vector<1x16xf32>,
    %get3A_640 = vector.shape_cast %get3A_639 : vector<1x16xf32> to vector<16xf32>
    %mul3A_641 = arith.constant 0.0883883461 : f32
    %mul3A_642 = vector.broadcast %mul3A_641 : f32 to vector<16xf32>
    %mul3A_643 = arith.mulf %get3A_640, %mul3A_642 : vector<16xf32>
    %swap3A_644 = arith.constant 5 : i32
    %swap3A_645 = arith.index_cast %swap3A_644 : i32 to index
    %swap3A_646 = arith.constant 80 : index
    %swap3A_647 = tpu.vector_load %arg8[%swap3A_645, %swap3A_646] {strides = array<i32>} : memref<8x128xf32, #tpu.memory_space<vmem>>, vector<1x16xf32>,
    %swap3A_648 = vector.shape_cast %swap3A_647 : vector<1x16xf32> to vector<16xf32>
    %swap3A_649 = vector.shape_cast %mul3A_643 : vector<16xf32> to vector<1x16xf32>
    tpu.vector_store %arg8[%swap3A_645, %swap3A_646], %swap3A_649 {strides = array<i32>} : memref<8x128xf32, #tpu.memory_space<vmem>>, vector<1x16xf32>,
    %get3A_650 = arith.constant 5 : i32
    %get3A_651 = arith.index_cast %get3A_650 : i32 to index
    %get3A_652 = arith.constant 96 : index
    %get3A_653 = tpu.vector_load %arg8[%get3A_651, %get3A_652] {strides = array<i32>} : memref<8x128xf32, #tpu.memory_space<vmem>>, vector<1x16xf32>,
    %get3A_654 = vector.shape_cast %get3A_653 : vector<1x16xf32> to vector<16xf32>
    %mul3A_655 = arith.constant 0.0883883461 : f32
    %mul3A_656 = vector.broadcast %mul3A_655 : f32 to vector<16xf32>
    %mul3A_657 = arith.mulf %get3A_654, %mul3A_656 : vector<16xf32>
    %swap3A_658 = arith.constant 5 : i32
    %swap3A_659 = arith.index_cast %swap3A_658 : i32 to index
    %swap3A_660 = arith.constant 96 : index
    %swap3A_661 = tpu.vector_load %arg8[%swap3A_659, %swap3A_660] {strides = array<i32>} : memref<8x128xf32, #tpu.memory_space<vmem>>, vector<1x16xf32>,
    %swap3A_662 = vector.shape_cast %swap3A_661 : vector<1x16xf32> to vector<16xf32>
    %swap3A_663 = vector.shape_cast %mul3A_657 : vector<16xf32> to vector<1x16xf32>
    tpu.vector_store %arg8[%swap3A_659, %swap3A_660], %swap3A_663 {strides = array<i32>} : memref<8x128xf32, #tpu.memory_space<vmem>>, vector<1x16xf32>,
    %get3A_664 = arith.constant 5 : i32
    %get3A_665 = arith.index_cast %get3A_664 : i32 to index
    %get3A_666 = arith.constant 112 : index
    %get3A_667 = tpu.vector_load %arg8[%get3A_665, %get3A_666] {strides = array<i32>} : memref<8x128xf32, #tpu.memory_space<vmem>>, vector<1x16xf32>,
    %get3A_668 = vector.shape_cast %get3A_667 : vector<1x16xf32> to vector<16xf32>
    %mul3A_669 = arith.constant 0.0883883461 : f32
    %mul3A_670 = vector.broadcast %mul3A_669 : f32 to vector<16xf32>
    %mul3A_671 = arith.mulf %get3A_668, %mul3A_670 : vector<16xf32>
    %swap3A_672 = arith.constant 5 : i32
    %swap3A_673 = arith.index_cast %swap3A_672 : i32 to index
    %swap3A_674 = arith.constant 112 : index
    %swap3A_675 = tpu.vector_load %arg8[%swap3A_673, %swap3A_674] {strides = array<i32>} : memref<8x128xf32, #tpu.memory_space<vmem>>, vector<1x16xf32>,
    %swap3A_676 = vector.shape_cast %swap3A_675 : vector<1x16xf32> to vector<16xf32>
    %swap3A_677 = vector.shape_cast %mul3A_671 : vector<16xf32> to vector<1x16xf32>
    tpu.vector_store %arg8[%swap3A_673, %swap3A_674], %swap3A_677 {strides = array<i32>} : memref<8x128xf32, #tpu.memory_space<vmem>>, vector<1x16xf32>,
    %get3A_678 = arith.constant 6 : i32
    %get3A_679 = arith.index_cast %get3A_678 : i32 to index
    %get3A_680 = arith.constant 0 : index
    %get3A_681 = tpu.vector_load %arg8[%get3A_679, %get3A_680] {strides = array<i32>} : memref<8x128xf32, #tpu.memory_space<vmem>>, vector<1x16xf32>,
    %get3A_682 = vector.shape_cast %get3A_681 : vector<1x16xf32> to vector<16xf32>
    %mul3A_683 = arith.constant 0.0883883461 : f32
    %mul3A_684 = vector.broadcast %mul3A_683 : f32 to vector<16xf32>
    %mul3A_685 = arith.mulf %get3A_682, %mul3A_684 : vector<16xf32>
    %swap3A_686 = arith.constant 6 : i32
    %swap3A_687 = arith.index_cast %swap3A_686 : i32 to index
    %swap3A_688 = arith.constant 0 : index
    %swap3A_689 = tpu.vector_load %arg8[%swap3A_687, %swap3A_688] {strides = array<i32>} : memref<8x128xf32, #tpu.memory_space<vmem>>, vector<1x16xf32>,
    %swap3A_690 = vector.shape_cast %swap3A_689 : vector<1x16xf32> to vector<16xf32>
    %swap3A_691 = vector.shape_cast %mul3A_685 : vector<16xf32> to vector<1x16xf32>
    tpu.vector_store %arg8[%swap3A_687, %swap3A_688], %swap3A_691 {strides = array<i32>} : memref<8x128xf32, #tpu.memory_space<vmem>>, vector<1x16xf32>,
    %get3A_692 = arith.constant 6 : i32
    %get3A_693 = arith.index_cast %get3A_692 : i32 to index
    %get3A_694 = arith.constant 16 : index
    %get3A_695 = tpu.vector_load %arg8[%get3A_693, %get3A_694] {strides = array<i32>} : memref<8x128xf32, #tpu.memory_space<vmem>>, vector<1x16xf32>,
    %get3A_696 = vector.shape_cast %get3A_695 : vector<1x16xf32> to vector<16xf32>
    %mul3A_697 = arith.constant 0.0883883461 : f32
    %mul3A_698 = vector.broadcast %mul3A_697 : f32 to vector<16xf32>
    %mul3A_699 = arith.mulf %get3A_696, %mul3A_698 : vector<16xf32>
    %swap3A_700 = arith.constant 6 : i32
    %swap3A_701 = arith.index_cast %swap3A_700 : i32 to index
    %swap3A_702 = arith.constant 16 : index
    %swap3A_703 = tpu.vector_load %arg8[%swap3A_701, %swap3A_702] {strides = array<i32>} : memref<8x128xf32, #tpu.memory_space<vmem>>, vector<1x16xf32>,
    %swap3A_704 = vector.shape_cast %swap3A_703 : vector<1x16xf32> to vector<16xf32>
    %swap3A_705 = vector.shape_cast %mul3A_699 : vector<16xf32> to vector<1x16xf32>
    tpu.vector_store %arg8[%swap3A_701, %swap3A_702], %swap3A_705 {strides = array<i32>} : memref<8x128xf32, #tpu.memory_space<vmem>>, vector<1x16xf32>,
    %get3A_706 = arith.constant 6 : i32
    %get3A_707 = arith.index_cast %get3A_706 : i32 to index
    %get3A_708 = arith.constant 32 : index
    %get3A_709 = tpu.vector_load %arg8[%get3A_707, %get3A_708] {strides = array<i32>} : memref<8x128xf32, #tpu.memory_space<vmem>>, vector<1x16xf32>,
    %get3A_710 = vector.shape_cast %get3A_709 : vector<1x16xf32> to vector<16xf32>
    %mul3A_711 = arith.constant 0.0883883461 : f32
    %mul3A_712 = vector.broadcast %mul3A_711 : f32 to vector<16xf32>
    %mul3A_713 = arith.mulf %get3A_710, %mul3A_712 : vector<16xf32>
    %swap3A_714 = arith.constant 6 : i32
    %swap3A_715 = arith.index_cast %swap3A_714 : i32 to index
    %swap3A_716 = arith.constant 32 : index
    %swap3A_717 = tpu.vector_load %arg8[%swap3A_715, %swap3A_716] {strides = array<i32>} : memref<8x128xf32, #tpu.memory_space<vmem>>, vector<1x16xf32>,
    %swap3A_718 = vector.shape_cast %swap3A_717 : vector<1x16xf32> to vector<16xf32>
    %swap3A_719 = vector.shape_cast %mul3A_713 : vector<16xf32> to vector<1x16xf32>
    tpu.vector_store %arg8[%swap3A_715, %swap3A_716], %swap3A_719 {strides = array<i32>} : memref<8x128xf32, #tpu.memory_space<vmem>>, vector<1x16xf32>,
    %get3A_720 = arith.constant 6 : i32
    %get3A_721 = arith.index_cast %get3A_720 : i32 to index
    %get3A_722 = arith.constant 48 : index
    %get3A_723 = tpu.vector_load %arg8[%get3A_721, %get3A_722] {strides = array<i32>} : memref<8x128xf32, #tpu.memory_space<vmem>>, vector<1x16xf32>,
    %get3A_724 = vector.shape_cast %get3A_723 : vector<1x16xf32> to vector<16xf32>
    %mul3A_725 = arith.constant 0.0883883461 : f32
    %mul3A_726 = vector.broadcast %mul3A_725 : f32 to vector<16xf32>
    %mul3A_727 = arith.mulf %get3A_724, %mul3A_726 : vector<16xf32>
    %swap3A_728 = arith.constant 6 : i32
    %swap3A_729 = arith.index_cast %swap3A_728 : i32 to index
    %swap3A_730 = arith.constant 48 : index
    %swap3A_731 = tpu.vector_load %arg8[%swap3A_729, %swap3A_730] {strides = array<i32>} : memref<8x128xf32, #tpu.memory_space<vmem>>, vector<1x16xf32>,
    %swap3A_732 = vector.shape_cast %swap3A_731 : vector<1x16xf32> to vector<16xf32>
    %swap3A_733 = vector.shape_cast %mul3A_727 : vector<16xf32> to vector<1x16xf32>
    tpu.vector_store %arg8[%swap3A_729, %swap3A_730], %swap3A_733 {strides = array<i32>} : memref<8x128xf32, #tpu.memory_space<vmem>>, vector<1x16xf32>,
    %get3A_734 = arith.constant 6 : i32
    %get3A_735 = arith.index_cast %get3A_734 : i32 to index
    %get3A_736 = arith.constant 64 : index
    %get3A_737 = tpu.vector_load %arg8[%get3A_735, %get3A_736] {strides = array<i32>} : memref<8x128xf32, #tpu.memory_space<vmem>>, vector<1x16xf32>,
    %get3A_738 = vector.shape_cast %get3A_737 : vector<1x16xf32> to vector<16xf32>
    %mul3A_739 = arith.constant 0.0883883461 : f32
    %mul3A_740 = vector.broadcast %mul3A_739 : f32 to vector<16xf32>
    %mul3A_741 = arith.mulf %get3A_738, %mul3A_740 : vector<16xf32>
    %swap3A_742 = arith.constant 6 : i32
    %swap3A_743 = arith.index_cast %swap3A_742 : i32 to index
    %swap3A_744 = arith.constant 64 : index
    %swap3A_745 = tpu.vector_load %arg8[%swap3A_743, %swap3A_744] {strides = array<i32>} : memref<8x128xf32, #tpu.memory_space<vmem>>, vector<1x16xf32>,
    %swap3A_746 = vector.shape_cast %swap3A_745 : vector<1x16xf32> to vector<16xf32>
    %swap3A_747 = vector.shape_cast %mul3A_741 : vector<16xf32> to vector<1x16xf32>
    tpu.vector_store %arg8[%swap3A_743, %swap3A_744], %swap3A_747 {strides = array<i32>} : memref<8x128xf32, #tpu.memory_space<vmem>>, vector<1x16xf32>,
    %get3A_748 = arith.constant 6 : i32
    %get3A_749 = arith.index_cast %get3A_748 : i32 to index
    %get3A_750 = arith.constant 80 : index
    %get3A_751 = tpu.vector_load %arg8[%get3A_749, %get3A_750] {strides = array<i32>} : memref<8x128xf32, #tpu.memory_space<vmem>>, vector<1x16xf32>,
    %get3A_752 = vector.shape_cast %get3A_751 : vector<1x16xf32> to vector<16xf32>
    %mul3A_753 = arith.constant 0.0883883461 : f32
    %mul3A_754 = vector.broadcast %mul3A_753 : f32 to vector<16xf32>
    %mul3A_755 = arith.mulf %get3A_752, %mul3A_754 : vector<16xf32>
    %swap3A_756 = arith.constant 6 : i32
    %swap3A_757 = arith.index_cast %swap3A_756 : i32 to index
    %swap3A_758 = arith.constant 80 : index
    %swap3A_759 = tpu.vector_load %arg8[%swap3A_757, %swap3A_758] {strides = array<i32>} : memref<8x128xf32, #tpu.memory_space<vmem>>, vector<1x16xf32>,
    %swap3A_760 = vector.shape_cast %swap3A_759 : vector<1x16xf32> to vector<16xf32>
    %swap3A_761 = vector.shape_cast %mul3A_755 : vector<16xf32> to vector<1x16xf32>
    tpu.vector_store %arg8[%swap3A_757, %swap3A_758], %swap3A_761 {strides = array<i32>} : memref<8x128xf32, #tpu.memory_space<vmem>>, vector<1x16xf32>,
    %get3A_762 = arith.constant 6 : i32
    %get3A_763 = arith.index_cast %get3A_762 : i32 to index
    %get3A_764 = arith.constant 96 : index
    %get3A_765 = tpu.vector_load %arg8[%get3A_763, %get3A_764] {strides = array<i32>} : memref<8x128xf32, #tpu.memory_space<vmem>>, vector<1x16xf32>,
    %get3A_766 = vector.shape_cast %get3A_765 : vector<1x16xf32> to vector<16xf32>
    %mul3A_767 = arith.constant 0.0883883461 : f32
    %mul3A_768 = vector.broadcast %mul3A_767 : f32 to vector<16xf32>
    %mul3A_769 = arith.mulf %get3A_766, %mul3A_768 : vector<16xf32>
    %swap3A_770 = arith.constant 6 : i32
    %swap3A_771 = arith.index_cast %swap3A_770 : i32 to index
    %swap3A_772 = arith.constant 96 : index
    %swap3A_773 = tpu.vector_load %arg8[%swap3A_771, %swap3A_772] {strides = array<i32>} : memref<8x128xf32, #tpu.memory_space<vmem>>, vector<1x16xf32>,
    %swap3A_774 = vector.shape_cast %swap3A_773 : vector<1x16xf32> to vector<16xf32>
    %swap3A_775 = vector.shape_cast %mul3A_769 : vector<16xf32> to vector<1x16xf32>
    tpu.vector_store %arg8[%swap3A_771, %swap3A_772], %swap3A_775 {strides = array<i32>} : memref<8x128xf32, #tpu.memory_space<vmem>>, vector<1x16xf32>,
    %get3A_776 = arith.constant 6 : i32
    %get3A_777 = arith.index_cast %get3A_776 : i32 to index
    %get3A_778 = arith.constant 112 : index
    %get3A_779 = tpu.vector_load %arg8[%get3A_777, %get3A_778] {strides = array<i32>} : memref<8x128xf32, #tpu.memory_space<vmem>>, vector<1x16xf32>,
    %get3A_780 = vector.shape_cast %get3A_779 : vector<1x16xf32> to vector<16xf32>
    %mul3A_781 = arith.constant 0.0883883461 : f32
    %mul3A_782 = vector.broadcast %mul3A_781 : f32 to vector<16xf32>
    %mul3A_783 = arith.mulf %get3A_780, %mul3A_782 : vector<16xf32>
    %swap3A_784 = arith.constant 6 : i32
    %swap3A_785 = arith.index_cast %swap3A_784 : i32 to index
    %swap3A_786 = arith.constant 112 : index
    %swap3A_787 = tpu.vector_load %arg8[%swap3A_785, %swap3A_786] {strides = array<i32>} : memref<8x128xf32, #tpu.memory_space<vmem>>, vector<1x16xf32>,
    %swap3A_788 = vector.shape_cast %swap3A_787 : vector<1x16xf32> to vector<16xf32>
    %swap3A_789 = vector.shape_cast %mul3A_783 : vector<16xf32> to vector<1x16xf32>
    tpu.vector_store %arg8[%swap3A_785, %swap3A_786], %swap3A_789 {strides = array<i32>} : memref<8x128xf32, #tpu.memory_space<vmem>>, vector<1x16xf32>,
    %get3A_790 = arith.constant 7 : i32
    %get3A_791 = arith.index_cast %get3A_790 : i32 to index
    %get3A_792 = arith.constant 0 : index
    %get3A_793 = tpu.vector_load %arg8[%get3A_791, %get3A_792] {strides = array<i32>} : memref<8x128xf32, #tpu.memory_space<vmem>>, vector<1x16xf32>,
    %get3A_794 = vector.shape_cast %get3A_793 : vector<1x16xf32> to vector<16xf32>
    %mul3A_795 = arith.constant 0.0883883461 : f32
    %mul3A_796 = vector.broadcast %mul3A_795 : f32 to vector<16xf32>
    %mul3A_797 = arith.mulf %get3A_794, %mul3A_796 : vector<16xf32>
    %swap3A_798 = arith.constant 7 : i32
    %swap3A_799 = arith.index_cast %swap3A_798 : i32 to index
    %swap3A_800 = arith.constant 0 : index
    %swap3A_801 = tpu.vector_load %arg8[%swap3A_799, %swap3A_800] {strides = array<i32>} : memref<8x128xf32, #tpu.memory_space<vmem>>, vector<1x16xf32>,
    %swap3A_802 = vector.shape_cast %swap3A_801 : vector<1x16xf32> to vector<16xf32>
    %swap3A_803 = vector.shape_cast %mul3A_797 : vector<16xf32> to vector<1x16xf32>
    tpu.vector_store %arg8[%swap3A_799, %swap3A_800], %swap3A_803 {strides = array<i32>} : memref<8x128xf32, #tpu.memory_space<vmem>>, vector<1x16xf32>,
    %get3A_804 = arith.constant 7 : i32
    %get3A_805 = arith.index_cast %get3A_804 : i32 to index
    %get3A_806 = arith.constant 16 : index
    %get3A_807 = tpu.vector_load %arg8[%get3A_805, %get3A_806] {strides = array<i32>} : memref<8x128xf32, #tpu.memory_space<vmem>>, vector<1x16xf32>,
    %get3A_808 = vector.shape_cast %get3A_807 : vector<1x16xf32> to vector<16xf32>
    %mul3A_809 = arith.constant 0.0883883461 : f32
    %mul3A_810 = vector.broadcast %mul3A_809 : f32 to vector<16xf32>
    %mul3A_811 = arith.mulf %get3A_808, %mul3A_810 : vector<16xf32>
    %swap3A_812 = arith.constant 7 : i32
    %swap3A_813 = arith.index_cast %swap3A_812 : i32 to index
    %swap3A_814 = arith.constant 16 : index
    %swap3A_815 = tpu.vector_load %arg8[%swap3A_813, %swap3A_814] {strides = array<i32>} : memref<8x128xf32, #tpu.memory_space<vmem>>, vector<1x16xf32>,
    %swap3A_816 = vector.shape_cast %swap3A_815 : vector<1x16xf32> to vector<16xf32>
    %swap3A_817 = vector.shape_cast %mul3A_811 : vector<16xf32> to vector<1x16xf32>
    tpu.vector_store %arg8[%swap3A_813, %swap3A_814], %swap3A_817 {strides = array<i32>} : memref<8x128xf32, #tpu.memory_space<vmem>>, vector<1x16xf32>,
    %get3A_818 = arith.constant 7 : i32
    %get3A_819 = arith.index_cast %get3A_818 : i32 to index
    %get3A_820 = arith.constant 32 : index
    %get3A_821 = tpu.vector_load %arg8[%get3A_819, %get3A_820] {strides = array<i32>} : memref<8x128xf32, #tpu.memory_space<vmem>>, vector<1x16xf32>,
    %get3A_822 = vector.shape_cast %get3A_821 : vector<1x16xf32> to vector<16xf32>
    %mul3A_823 = arith.constant 0.0883883461 : f32
    %mul3A_824 = vector.broadcast %mul3A_823 : f32 to vector<16xf32>
    %mul3A_825 = arith.mulf %get3A_822, %mul3A_824 : vector<16xf32>
    %swap3A_826 = arith.constant 7 : i32
    %swap3A_827 = arith.index_cast %swap3A_826 : i32 to index
    %swap3A_828 = arith.constant 32 : index
    %swap3A_829 = tpu.vector_load %arg8[%swap3A_827, %swap3A_828] {strides = array<i32>} : memref<8x128xf32, #tpu.memory_space<vmem>>, vector<1x16xf32>,
    %swap3A_830 = vector.shape_cast %swap3A_829 : vector<1x16xf32> to vector<16xf32>
    %swap3A_831 = vector.shape_cast %mul3A_825 : vector<16xf32> to vector<1x16xf32>
    tpu.vector_store %arg8[%swap3A_827, %swap3A_828], %swap3A_831 {strides = array<i32>} : memref<8x128xf32, #tpu.memory_space<vmem>>, vector<1x16xf32>,
    %get3A_832 = arith.constant 7 : i32
    %get3A_833 = arith.index_cast %get3A_832 : i32 to index
    %get3A_834 = arith.constant 48 : index
    %get3A_835 = tpu.vector_load %arg8[%get3A_833, %get3A_834] {strides = array<i32>} : memref<8x128xf32, #tpu.memory_space<vmem>>, vector<1x16xf32>,
    %get3A_836 = vector.shape_cast %get3A_835 : vector<1x16xf32> to vector<16xf32>
    %mul3A_837 = arith.constant 0.0883883461 : f32
    %mul3A_838 = vector.broadcast %mul3A_837 : f32 to vector<16xf32>
    %mul3A_839 = arith.mulf %get3A_836, %mul3A_838 : vector<16xf32>
    %swap3A_840 = arith.constant 7 : i32
    %swap3A_841 = arith.index_cast %swap3A_840 : i32 to index
    %swap3A_842 = arith.constant 48 : index
    %swap3A_843 = tpu.vector_load %arg8[%swap3A_841, %swap3A_842] {strides = array<i32>} : memref<8x128xf32, #tpu.memory_space<vmem>>, vector<1x16xf32>,
    %swap3A_844 = vector.shape_cast %swap3A_843 : vector<1x16xf32> to vector<16xf32>
    %swap3A_845 = vector.shape_cast %mul3A_839 : vector<16xf32> to vector<1x16xf32>
    tpu.vector_store %arg8[%swap3A_841, %swap3A_842], %swap3A_845 {strides = array<i32>} : memref<8x128xf32, #tpu.memory_space<vmem>>, vector<1x16xf32>,
    %get3A_846 = arith.constant 7 : i32
    %get3A_847 = arith.index_cast %get3A_846 : i32 to index
    %get3A_848 = arith.constant 64 : index
    %get3A_849 = tpu.vector_load %arg8[%get3A_847, %get3A_848] {strides = array<i32>} : memref<8x128xf32, #tpu.memory_space<vmem>>, vector<1x16xf32>,
    %get3A_850 = vector.shape_cast %get3A_849 : vector<1x16xf32> to vector<16xf32>
    %mul3A_851 = arith.constant 0.0883883461 : f32
    %mul3A_852 = vector.broadcast %mul3A_851 : f32 to vector<16xf32>
    %mul3A_853 = arith.mulf %get3A_850, %mul3A_852 : vector<16xf32>
    %swap3A_854 = arith.constant 7 : i32
    %swap3A_855 = arith.index_cast %swap3A_854 : i32 to index
    %swap3A_856 = arith.constant 64 : index
    %swap3A_857 = tpu.vector_load %arg8[%swap3A_855, %swap3A_856] {strides = array<i32>} : memref<8x128xf32, #tpu.memory_space<vmem>>, vector<1x16xf32>,
    %swap3A_858 = vector.shape_cast %swap3A_857 : vector<1x16xf32> to vector<16xf32>
    %swap3A_859 = vector.shape_cast %mul3A_853 : vector<16xf32> to vector<1x16xf32>
    tpu.vector_store %arg8[%swap3A_855, %swap3A_856], %swap3A_859 {strides = array<i32>} : memref<8x128xf32, #tpu.memory_space<vmem>>, vector<1x16xf32>,
    %get3A_860 = arith.constant 7 : i32
    %get3A_861 = arith.index_cast %get3A_860 : i32 to index
    %get3A_862 = arith.constant 80 : index
    %get3A_863 = tpu.vector_load %arg8[%get3A_861, %get3A_862] {strides = array<i32>} : memref<8x128xf32, #tpu.memory_space<vmem>>, vector<1x16xf32>,
    %get3A_864 = vector.shape_cast %get3A_863 : vector<1x16xf32> to vector<16xf32>
    %mul3A_865 = arith.constant 0.0883883461 : f32
    %mul3A_866 = vector.broadcast %mul3A_865 : f32 to vector<16xf32>
    %mul3A_867 = arith.mulf %get3A_864, %mul3A_866 : vector<16xf32>
    %swap3A_868 = arith.constant 7 : i32
    %swap3A_869 = arith.index_cast %swap3A_868 : i32 to index
    %swap3A_870 = arith.constant 80 : index
    %swap3A_871 = tpu.vector_load %arg8[%swap3A_869, %swap3A_870] {strides = array<i32>} : memref<8x128xf32, #tpu.memory_space<vmem>>, vector<1x16xf32>,
    %swap3A_872 = vector.shape_cast %swap3A_871 : vector<1x16xf32> to vector<16xf32>
    %swap3A_873 = vector.shape_cast %mul3A_867 : vector<16xf32> to vector<1x16xf32>
    tpu.vector_store %arg8[%swap3A_869, %swap3A_870], %swap3A_873 {strides = array<i32>} : memref<8x128xf32, #tpu.memory_space<vmem>>, vector<1x16xf32>,
    %get3A_874 = arith.constant 7 : i32
    %get3A_875 = arith.index_cast %get3A_874 : i32 to index
    %get3A_876 = arith.constant 96 : index
    %get3A_877 = tpu.vector_load %arg8[%get3A_875, %get3A_876] {strides = array<i32>} : memref<8x128xf32, #tpu.memory_space<vmem>>, vector<1x16xf32>,
    %get3A_878 = vector.shape_cast %get3A_877 : vector<1x16xf32> to vector<16xf32>
    %mul3A_879 = arith.constant 0.0883883461 : f32
    %mul3A_880 = vector.broadcast %mul3A_879 : f32 to vector<16xf32>
    %mul3A_881 = arith.mulf %get3A_878, %mul3A_880 : vector<16xf32>
    %swap3A_882 = arith.constant 7 : i32
    %swap3A_883 = arith.index_cast %swap3A_882 : i32 to index
    %swap3A_884 = arith.constant 96 : index
    %swap3A_885 = tpu.vector_load %arg8[%swap3A_883, %swap3A_884] {strides = array<i32>} : memref<8x128xf32, #tpu.memory_space<vmem>>, vector<1x16xf32>,
    %swap3A_886 = vector.shape_cast %swap3A_885 : vector<1x16xf32> to vector<16xf32>
    %swap3A_887 = vector.shape_cast %mul3A_881 : vector<16xf32> to vector<1x16xf32>
    tpu.vector_store %arg8[%swap3A_883, %swap3A_884], %swap3A_887 {strides = array<i32>} : memref<8x128xf32, #tpu.memory_space<vmem>>, vector<1x16xf32>,
    %get3A_888 = arith.constant 7 : i32
    %get3A_889 = arith.index_cast %get3A_888 : i32 to index
    %get3A_890 = arith.constant 112 : index
    %get3A_891 = tpu.vector_load %arg8[%get3A_889, %get3A_890] {strides = array<i32>} : memref<8x128xf32, #tpu.memory_space<vmem>>, vector<1x16xf32>,
    %get3A_892 = vector.shape_cast %get3A_891 : vector<1x16xf32> to vector<16xf32>
    %mul3A_893 = arith.constant 0.0883883461 : f32
    %mul3A_894 = vector.broadcast %mul3A_893 : f32 to vector<16xf32>
    %mul3A_895 = arith.mulf %get3A_892, %mul3A_894 : vector<16xf32>
    %swap3A_896 = arith.constant 7 : i32
    %swap3A_897 = arith.index_cast %swap3A_896 : i32 to index
    %swap3A_898 = arith.constant 112 : index
    %swap3A_899 = tpu.vector_load %arg8[%swap3A_897, %swap3A_898] {strides = array<i32>} : memref<8x128xf32, #tpu.memory_space<vmem>>, vector<1x16xf32>,
    %swap3A_900 = vector.shape_cast %swap3A_899 : vector<1x16xf32> to vector<16xf32>
    %swap3A_901 = vector.shape_cast %mul3A_895 : vector<16xf32> to vector<1x16xf32>
    tpu.vector_store %arg8[%swap3A_897, %swap3A_898], %swap3A_901 {strides = array<i32>} : memref<8x128xf32, #tpu.memory_space<vmem>>, vector<1x16xf32>,
    "tpu.region"() ({
      %run_scoped3A = tpu.sem_alloc : memref<!tpu.dma_semaphore, #tpu.memory_space<semaphore_mem>>
      %dma_start3A_1899 = arith.constant 0 : i32
      %dma_start3A_1900 = tpu.memref_slice %arg5[%multiple_of3A_7, %dma_start3A_1899] : memref<128x128xf32, #tpu.memory_space<vmem_shared>> -> memref<8x128xf32, #tpu.memory_space<vmem_shared>>
      %dma_start3A_1901 = arith.constant 0 : i32
      %dma_start3A_1902 = tpu.memref_slice %arg5[%multiple_of3A_7, %dma_start3A_1901] : memref<128x128xf32, #tpu.memory_space<vmem_shared>> -> memref<8x128xf32, #tpu.memory_space<vmem_shared>>
      tpu.enqueue_dma source(%arg8 : memref<8x128xf32, #tpu.memory_space<vmem>>) target(%dma_start3A_1902 : memref<8x128xf32, #tpu.memory_space<vmem_shared>>) target_semaphore(%run_scoped3A : memref<!tpu.dma_semaphore, #tpu.memory_space<semaphore_mem>>)
      %dma_wait3A_1903 = arith.constant 0 : i32
      %dma_wait3A_1904 = tpu.memref_slice %arg5[%multiple_of3A_7, %dma_wait3A_1903] : memref<128x128xf32, #tpu.memory_space<vmem_shared>> -> memref<8x128xf32, #tpu.memory_space<vmem_shared>>
      %dma_wait3A_1905 = arith.constant 0 : i32
      %dma_wait3A_1906 = tpu.memref_slice %arg5[%multiple_of3A_7, %dma_wait3A_1905] : memref<128x128xf32, #tpu.memory_space<vmem_shared>> -> memref<8x128xf32, #tpu.memory_space<vmem_shared>>
      tpu.wait_dma2 semaphore(%run_scoped3A : memref<!tpu.dma_semaphore, #tpu.memory_space<semaphore_mem>>) src(%arg8 : memref<8x128xf32, #tpu.memory_space<vmem>>) dst(%dma_wait3A_1906 : memref<8x128xf32, #tpu.memory_space<vmem_shared>>)
      tpu.yield
    }) : () -> ()
    %dma_wait3A = tpu.memref_slice %arg3[%multiple_of3A] : memref<100000xi32, #tpu.memory_space<hbm>> -> memref<3200xi32, #tpu.memory_space<hbm>>
    %dma_wait3A_902 = tpu.memref_slice %arg3[%multiple_of3A] : memref<100000xi32, #tpu.memory_space<hbm>> -> memref<3200xi32, #tpu.memory_space<hbm>>
    tpu.wait_dma2 semaphore(%arg25 : memref<!tpu.dma_semaphore, #tpu.memory_space<semaphore_mem>>) src(%dma_wait3A_902 : memref<3200xi32, #tpu.memory_space<hbm>>) dst(%arg6 : memref<3200xi32, #tpu.memory_space<vmem>>)
    %barrier3A = arith.constant 0 : index
    tpu.barrier barrier_id(%barrier3A)
    %min3A_903 = arith.constant 0 : i32
    %min3A_904 = arith.constant 39 : i32
    %min3A_905 = arith.minsi %min3A_903, %min3A_904 : i32
    %mul3A_906 = arith.constant 80 : i32
    %mul3A_907 = arith.muli %min3A_905, %mul3A_906 : i32
    %multiple_of3A_908 = tpu.assume_multiple %mul3A_907, 8 : i32
    %add3A_909 = arith.constant 40 : i32
    %add3A_910 = arith.addi %multiple_of3A_908, %add3A_909 : i32
    %multiple_of3A_911 = tpu.assume_multiple %add3A_910, 8 : i32
    %dma_start3A_912 = arith.constant 0 : i32
    %dma_start3A_913 = arith.constant 0 : i32
    %dma_start3A_914 = arith.constant 0 : i32
    %dma_start3A_915 = tpu.memref_slice %arg7[%dma_start3A_912, %dma_start3A_913, %dma_start3A_914] : memref<8x80x128xf32, #tpu.memory_space<vmem>> -> memref<1x40x128xf32, #tpu.memory_space<vmem>>
    %dma_start3A_916 = tpu.memref_squeeze %dma_start3A_915 : memref<1x40x128xf32, #tpu.memory_space<vmem>> -> memref<40x128xf32, #tpu.memory_space<vmem>>
    %dma_start3A_917 = tpu.memref_slice %arg6[%multiple_of3A_908] : memref<3200xi32, #tpu.memory_space<vmem>> -> memref<40xi32, #tpu.memory_space<vmem>>
    %dma_start3A_918 = arith.constant 0 : i32
    %dma_start3A_919 = arith.constant 0 : i32
    %dma_start3A_920 = tpu.memref_slice %arg5[%dma_start3A_918, %dma_start3A_919] : memref<128x128xf32, #tpu.memory_space<vmem_shared>> -> memref<128x128xf32, #tpu.memory_space<vmem_shared>>
    tpu.enqueue_indirect_dma source(%dma_start3A_920 : memref<128x128xf32, #tpu.memory_space<vmem_shared>>) target(%dma_start3A_916 : memref<40x128xf32, #tpu.memory_space<vmem>>) offsets(%dma_start3A_917 : memref<40xi32, #tpu.memory_space<vmem>>) semaphore(%arg9 : memref<!tpu.dma_semaphore, #tpu.memory_space<semaphore_mem>>)
    %dma_start3A_921 = arith.constant 0 : i32
    %dma_start3A_922 = arith.constant 40 : i32
    %dma_start3A_923 = arith.constant 0 : i32
    %dma_start3A_924 = tpu.memref_slice %arg7[%dma_start3A_921, %dma_start3A_922, %dma_start3A_923] : memref<8x80x128xf32, #tpu.memory_space<vmem>> -> memref<1x40x128xf32, #tpu.memory_space<vmem>>
    %dma_start3A_925 = tpu.memref_squeeze %dma_start3A_924 : memref<1x40x128xf32, #tpu.memory_space<vmem>> -> memref<40x128xf32, #tpu.memory_space<vmem>>
    %dma_start3A_926 = tpu.memref_slice %arg6[%multiple_of3A_911] : memref<3200xi32, #tpu.memory_space<vmem>> -> memref<40xi32, #tpu.memory_space<vmem>>
    %dma_start3A_927 = arith.constant 0 : i32
    %dma_start3A_928 = arith.constant 0 : i32
    %dma_start3A_929 = tpu.memref_slice %arg5[%dma_start3A_927, %dma_start3A_928] : memref<128x128xf32, #tpu.memory_space<vmem_shared>> -> memref<128x128xf32, #tpu.memory_space<vmem_shared>>
    tpu.enqueue_indirect_dma source(%dma_start3A_929 : memref<128x128xf32, #tpu.memory_space<vmem_shared>>) target(%dma_start3A_925 : memref<40x128xf32, #tpu.memory_space<vmem>>) offsets(%dma_start3A_926 : memref<40xi32, #tpu.memory_space<vmem>>) semaphore(%arg9 : memref<!tpu.dma_semaphore, #tpu.memory_space<semaphore_mem>>)
    %min3A_930 = arith.constant 1 : i32
    %min3A_931 = arith.constant 39 : i32
    %min3A_932 = arith.minsi %min3A_930, %min3A_931 : i32
    %mul3A_933 = arith.constant 80 : i32
    %mul3A_934 = arith.muli %min3A_932, %mul3A_933 : i32
    %multiple_of3A_935 = tpu.assume_multiple %mul3A_934, 8 : i32
    %add3A_936 = arith.constant 40 : i32
    %add3A_937 = arith.addi %multiple_of3A_935, %add3A_936 : i32
    %multiple_of3A_938 = tpu.assume_multiple %add3A_937, 8 : i32
    %dma_start3A_939 = arith.constant 1 : i32
    %dma_start3A_940 = arith.constant 0 : i32
    %dma_start3A_941 = arith.constant 0 : i32
    %dma_start3A_942 = tpu.memref_slice %arg7[%dma_start3A_939, %dma_start3A_940, %dma_start3A_941] : memref<8x80x128xf32, #tpu.memory_space<vmem>> -> memref<1x40x128xf32, #tpu.memory_space<vmem>>
    %dma_start3A_943 = tpu.memref_squeeze %dma_start3A_942 : memref<1x40x128xf32, #tpu.memory_space<vmem>> -> memref<40x128xf32, #tpu.memory_space<vmem>>
    %dma_start3A_944 = tpu.memref_slice %arg6[%multiple_of3A_935] : memref<3200xi32, #tpu.memory_space<vmem>> -> memref<40xi32, #tpu.memory_space<vmem>>
    %dma_start3A_945 = arith.constant 0 : i32
    %dma_start3A_946 = arith.constant 0 : i32
    %dma_start3A_947 = tpu.memref_slice %arg5[%dma_start3A_945, %dma_start3A_946] : memref<128x128xf32, #tpu.memory_space<vmem_shared>> -> memref<128x128xf32, #tpu.memory_space<vmem_shared>>
    tpu.enqueue_indirect_dma source(%dma_start3A_947 : memref<128x128xf32, #tpu.memory_space<vmem_shared>>) target(%dma_start3A_943 : memref<40x128xf32, #tpu.memory_space<vmem>>) offsets(%dma_start3A_944 : memref<40xi32, #tpu.memory_space<vmem>>) semaphore(%arg10 : memref<!tpu.dma_semaphore, #tpu.memory_space<semaphore_mem>>)
    %dma_start3A_948 = arith.constant 1 : i32
    %dma_start3A_949 = arith.constant 40 : i32
    %dma_start3A_950 = arith.constant 0 : i32
    %dma_start3A_951 = tpu.memref_slice %arg7[%dma_start3A_948, %dma_start3A_949, %dma_start3A_950] : memref<8x80x128xf32, #tpu.memory_space<vmem>> -> memref<1x40x128xf32, #tpu.memory_space<vmem>>
    %dma_start3A_952 = tpu.memref_squeeze %dma_start3A_951 : memref<1x40x128xf32, #tpu.memory_space<vmem>> -> memref<40x128xf32, #tpu.memory_space<vmem>>
    %dma_start3A_953 = tpu.memref_slice %arg6[%multiple_of3A_938] : memref<3200xi32, #tpu.memory_space<vmem>> -> memref<40xi32, #tpu.memory_space<vmem>>
    %dma_start3A_954 = arith.constant 0 : i32
    %dma_start3A_955 = arith.constant 0 : i32
    %dma_start3A_956 = tpu.memref_slice %arg5[%dma_start3A_954, %dma_start3A_955] : memref<128x128xf32, #tpu.memory_space<vmem_shared>> -> memref<128x128xf32, #tpu.memory_space<vmem_shared>>
    tpu.enqueue_indirect_dma source(%dma_start3A_956 : memref<128x128xf32, #tpu.memory_space<vmem_shared>>) target(%dma_start3A_952 : memref<40x128xf32, #tpu.memory_space<vmem>>) offsets(%dma_start3A_953 : memref<40xi32, #tpu.memory_space<vmem>>) semaphore(%arg10 : memref<!tpu.dma_semaphore, #tpu.memory_space<semaphore_mem>>)
    %min3A_957 = arith.constant 2 : i32
    %min3A_958 = arith.constant 39 : i32
    %min3A_959 = arith.minsi %min3A_957, %min3A_958 : i32
    %mul3A_960 = arith.constant 80 : i32
    %mul3A_961 = arith.muli %min3A_959, %mul3A_960 : i32
    %multiple_of3A_962 = tpu.assume_multiple %mul3A_961, 8 : i32
    %add3A_963 = arith.constant 40 : i32
    %add3A_964 = arith.addi %multiple_of3A_962, %add3A_963 : i32
    %multiple_of3A_965 = tpu.assume_multiple %add3A_964, 8 : i32
    %dma_start3A_966 = arith.constant 2 : i32
    %dma_start3A_967 = arith.constant 0 : i32
    %dma_start3A_968 = arith.constant 0 : i32
    %dma_start3A_969 = tpu.memref_slice %arg7[%dma_start3A_966, %dma_start3A_967, %dma_start3A_968] : memref<8x80x128xf32, #tpu.memory_space<vmem>> -> memref<1x40x128xf32, #tpu.memory_space<vmem>>
    %dma_start3A_970 = tpu.memref_squeeze %dma_start3A_969 : memref<1x40x128xf32, #tpu.memory_space<vmem>> -> memref<40x128xf32, #tpu.memory_space<vmem>>
    %dma_start3A_971 = tpu.memref_slice %arg6[%multiple_of3A_962] : memref<3200xi32, #tpu.memory_space<vmem>> -> memref<40xi32, #tpu.memory_space<vmem>>
    %dma_start3A_972 = arith.constant 0 : i32
    %dma_start3A_973 = arith.constant 0 : i32
    %dma_start3A_974 = tpu.memref_slice %arg5[%dma_start3A_972, %dma_start3A_973] : memref<128x128xf32, #tpu.memory_space<vmem_shared>> -> memref<128x128xf32, #tpu.memory_space<vmem_shared>>
    tpu.enqueue_indirect_dma source(%dma_start3A_974 : memref<128x128xf32, #tpu.memory_space<vmem_shared>>) target(%dma_start3A_970 : memref<40x128xf32, #tpu.memory_space<vmem>>) offsets(%dma_start3A_971 : memref<40xi32, #tpu.memory_space<vmem>>) semaphore(%arg11 : memref<!tpu.dma_semaphore, #tpu.memory_space<semaphore_mem>>)
    %dma_start3A_975 = arith.constant 2 : i32
    %dma_start3A_976 = arith.constant 40 : i32
    %dma_start3A_977 = arith.constant 0 : i32
    %dma_start3A_978 = tpu.memref_slice %arg7[%dma_start3A_975, %dma_start3A_976, %dma_start3A_977] : memref<8x80x128xf32, #tpu.memory_space<vmem>> -> memref<1x40x128xf32, #tpu.memory_space<vmem>>
    %dma_start3A_979 = tpu.memref_squeeze %dma_start3A_978 : memref<1x40x128xf32, #tpu.memory_space<vmem>> -> memref<40x128xf32, #tpu.memory_space<vmem>>
    %dma_start3A_980 = tpu.memref_slice %arg6[%multiple_of3A_965] : memref<3200xi32, #tpu.memory_space<vmem>> -> memref<40xi32, #tpu.memory_space<vmem>>
    %dma_start3A_981 = arith.constant 0 : i32
    %dma_start3A_982 = arith.constant 0 : i32
    %dma_start3A_983 = tpu.memref_slice %arg5[%dma_start3A_981, %dma_start3A_982] : memref<128x128xf32, #tpu.memory_space<vmem_shared>> -> memref<128x128xf32, #tpu.memory_space<vmem_shared>>
    tpu.enqueue_indirect_dma source(%dma_start3A_983 : memref<128x128xf32, #tpu.memory_space<vmem_shared>>) target(%dma_start3A_979 : memref<40x128xf32, #tpu.memory_space<vmem>>) offsets(%dma_start3A_980 : memref<40xi32, #tpu.memory_space<vmem>>) semaphore(%arg11 : memref<!tpu.dma_semaphore, #tpu.memory_space<semaphore_mem>>)
    %min3A_984 = arith.constant 3 : i32
    %min3A_985 = arith.constant 39 : i32
    %min3A_986 = arith.minsi %min3A_984, %min3A_985 : i32
    %mul3A_987 = arith.constant 80 : i32
    %mul3A_988 = arith.muli %min3A_986, %mul3A_987 : i32
    %multiple_of3A_989 = tpu.assume_multiple %mul3A_988, 8 : i32
    %add3A_990 = arith.constant 40 : i32
    %add3A_991 = arith.addi %multiple_of3A_989, %add3A_990 : i32
    %multiple_of3A_992 = tpu.assume_multiple %add3A_991, 8 : i32
    %dma_start3A_993 = arith.constant 3 : i32
    %dma_start3A_994 = arith.constant 0 : i32
    %dma_start3A_995 = arith.constant 0 : i32
    %dma_start3A_996 = tpu.memref_slice %arg7[%dma_start3A_993, %dma_start3A_994, %dma_start3A_995] : memref<8x80x128xf32, #tpu.memory_space<vmem>> -> memref<1x40x128xf32, #tpu.memory_space<vmem>>
    %dma_start3A_997 = tpu.memref_squeeze %dma_start3A_996 : memref<1x40x128xf32, #tpu.memory_space<vmem>> -> memref<40x128xf32, #tpu.memory_space<vmem>>
    %dma_start3A_998 = tpu.memref_slice %arg6[%multiple_of3A_989] : memref<3200xi32, #tpu.memory_space<vmem>> -> memref<40xi32, #tpu.memory_space<vmem>>
    %dma_start3A_999 = arith.constant 0 : i32
    %dma_start3A_1000 = arith.constant 0 : i32
    %dma_start3A_1001 = tpu.memref_slice %arg5[%dma_start3A_999, %dma_start3A_1000] : memref<128x128xf32, #tpu.memory_space<vmem_shared>> -> memref<128x128xf32, #tpu.memory_space<vmem_shared>>
    tpu.enqueue_indirect_dma source(%dma_start3A_1001 : memref<128x128xf32, #tpu.memory_space<vmem_shared>>) target(%dma_start3A_997 : memref<40x128xf32, #tpu.memory_space<vmem>>) offsets(%dma_start3A_998 : memref<40xi32, #tpu.memory_space<vmem>>) semaphore(%arg12 : memref<!tpu.dma_semaphore, #tpu.memory_space<semaphore_mem>>)
    %dma_start3A_1002 = arith.constant 3 : i32
    %dma_start3A_1003 = arith.constant 40 : i32
    %dma_start3A_1004 = arith.constant 0 : i32
    %dma_start3A_1005 = tpu.memref_slice %arg7[%dma_start3A_1002, %dma_start3A_1003, %dma_start3A_1004] : memref<8x80x128xf32, #tpu.memory_space<vmem>> -> memref<1x40x128xf32, #tpu.memory_space<vmem>>
    %dma_start3A_1006 = tpu.memref_squeeze %dma_start3A_1005 : memref<1x40x128xf32, #tpu.memory_space<vmem>> -> memref<40x128xf32, #tpu.memory_space<vmem>>
    %dma_start3A_1007 = tpu.memref_slice %arg6[%multiple_of3A_992] : memref<3200xi32, #tpu.memory_space<vmem>> -> memref<40xi32, #tpu.memory_space<vmem>>
    %dma_start3A_1008 = arith.constant 0 : i32
    %dma_start3A_1009 = arith.constant 0 : i32
    %dma_start3A_1010 = tpu.memref_slice %arg5[%dma_start3A_1008, %dma_start3A_1009] : memref<128x128xf32, #tpu.memory_space<vmem_shared>> -> memref<128x128xf32, #tpu.memory_space<vmem_shared>>
    tpu.enqueue_indirect_dma source(%dma_start3A_1010 : memref<128x128xf32, #tpu.memory_space<vmem_shared>>) target(%dma_start3A_1006 : memref<40x128xf32, #tpu.memory_space<vmem>>) offsets(%dma_start3A_1007 : memref<40xi32, #tpu.memory_space<vmem>>) semaphore(%arg12 : memref<!tpu.dma_semaphore, #tpu.memory_space<semaphore_mem>>)
    %add3A_1011 = arith.constant 0 : i32
    %add3A_1012 = arith.constant 4 : i32
    %add3A_1013 = arith.addi %add3A_1011, %add3A_1012 : i32
    %min3A_1014 = arith.constant 39 : i32
    %min3A_1015 = arith.minsi %add3A_1013, %min3A_1014 : i32
    %mul3A_1016 = arith.constant 80 : i32
    %mul3A_1017 = arith.muli %min3A_1015, %mul3A_1016 : i32
    %multiple_of3A_1018 = tpu.assume_multiple %mul3A_1017, 8 : i32
    %add3A_1019 = arith.constant 40 : i32
    %add3A_1020 = arith.addi %multiple_of3A_1018, %add3A_1019 : i32
    %multiple_of3A_1021 = tpu.assume_multiple %add3A_1020, 8 : i32
    %dma_start3A_1022 = arith.constant 4 : i32
    %dma_start3A_1023 = arith.constant 0 : i32
    %dma_start3A_1024 = arith.constant 0 : i32
    %dma_start3A_1025 = tpu.memref_slice %arg7[%dma_start3A_1022, %dma_start3A_1023, %dma_start3A_1024] : memref<8x80x128xf32, #tpu.memory_space<vmem>> -> memref<1x40x128xf32, #tpu.memory_space<vmem>>
    %dma_start3A_1026 = tpu.memref_squeeze %dma_start3A_1025 : memref<1x40x128xf32, #tpu.memory_space<vmem>> -> memref<40x128xf32, #tpu.memory_space<vmem>>
    %dma_start3A_1027 = tpu.memref_slice %arg6[%multiple_of3A_1018] : memref<3200xi32, #tpu.memory_space<vmem>> -> memref<40xi32, #tpu.memory_space<vmem>>
    %dma_start3A_1028 = arith.constant 0 : i32
    %dma_start3A_1029 = arith.constant 0 : i32
    %dma_start3A_1030 = tpu.memref_slice %arg5[%dma_start3A_1028, %dma_start3A_1029] : memref<128x128xf32, #tpu.memory_space<vmem_shared>> -> memref<128x128xf32, #tpu.memory_space<vmem_shared>>
    tpu.enqueue_indirect_dma source(%dma_start3A_1030 : memref<128x128xf32, #tpu.memory_space<vmem_shared>>) target(%dma_start3A_1026 : memref<40x128xf32, #tpu.memory_space<vmem>>) offsets(%dma_start3A_1027 : memref<40xi32, #tpu.memory_space<vmem>>) semaphore(%arg13 : memref<!tpu.dma_semaphore, #tpu.memory_space<semaphore_mem>>)
    %dma_start3A_1031 = arith.constant 4 : i32
    %dma_start3A_1032 = arith.constant 40 : i32
    %dma_start3A_1033 = arith.constant 0 : i32
    %dma_start3A_1034 = tpu.memref_slice %arg7[%dma_start3A_1031, %dma_start3A_1032, %dma_start3A_1033] : memref<8x80x128xf32, #tpu.memory_space<vmem>> -> memref<1x40x128xf32, #tpu.memory_space<vmem>>
    %dma_start3A_1035 = tpu.memref_squeeze %dma_start3A_1034 : memref<1x40x128xf32, #tpu.memory_space<vmem>> -> memref<40x128xf32, #tpu.memory_space<vmem>>
    %dma_start3A_1036 = tpu.memref_slice %arg6[%multiple_of3A_1021] : memref<3200xi32, #tpu.memory_space<vmem>> -> memref<40xi32, #tpu.memory_space<vmem>>
    %dma_start3A_1037 = arith.constant 0 : i32
    %dma_start3A_1038 = arith.constant 0 : i32
    %dma_start3A_1039 = tpu.memref_slice %arg5[%dma_start3A_1037, %dma_start3A_1038] : memref<128x128xf32, #tpu.memory_space<vmem_shared>> -> memref<128x128xf32, #tpu.memory_space<vmem_shared>>
    tpu.enqueue_indirect_dma source(%dma_start3A_1039 : memref<128x128xf32, #tpu.memory_space<vmem_shared>>) target(%dma_start3A_1035 : memref<40x128xf32, #tpu.memory_space<vmem>>) offsets(%dma_start3A_1036 : memref<40xi32, #tpu.memory_space<vmem>>) semaphore(%arg13 : memref<!tpu.dma_semaphore, #tpu.memory_space<semaphore_mem>>)
    %min3A_1040 = arith.constant 0 : i32
    %min3A_1041 = arith.constant 39 : i32
    %min3A_1042 = arith.minsi %min3A_1040, %min3A_1041 : i32
    %mul3A_1043 = arith.constant 80 : i32
    %mul3A_1044 = arith.muli %min3A_1042, %mul3A_1043 : i32
    %multiple_of3A_1045 = tpu.assume_multiple %mul3A_1044, 8 : i32
    %add3A_1046 = arith.constant 40 : i32
    %add3A_1047 = arith.addi %multiple_of3A_1045, %add3A_1046 : i32
    %multiple_of3A_1048 = tpu.assume_multiple %add3A_1047, 8 : i32
    %dma_wait3A_1049 = arith.constant 0 : i32
    %dma_wait3A_1050 = arith.constant 0 : i32
    %dma_wait3A_1051 = arith.constant 0 : i32
    %dma_wait3A_1052 = tpu.memref_slice %arg7[%dma_wait3A_1049, %dma_wait3A_1050, %dma_wait3A_1051] : memref<8x80x128xf32, #tpu.memory_space<vmem>> -> memref<1x40x128xf32, #tpu.memory_space<vmem>>
    %dma_wait3A_1053 = tpu.memref_squeeze %dma_wait3A_1052 : memref<1x40x128xf32, #tpu.memory_space<vmem>> -> memref<40x128xf32, #tpu.memory_space<vmem>>
    %dma_wait3A_1054 = tpu.memref_slice %arg6[%multiple_of3A_1045] : memref<3200xi32, #tpu.memory_space<vmem>> -> memref<40xi32, #tpu.memory_space<vmem>>
    %dma_wait3A_1055 = arith.constant 0 : i32
    %dma_wait3A_1056 = arith.constant 0 : i32
    %dma_wait3A_1057 = tpu.memref_slice %arg5[%dma_wait3A_1055, %dma_wait3A_1056] : memref<128x128xf32, #tpu.memory_space<vmem_shared>> -> memref<128x128xf32, #tpu.memory_space<vmem_shared>>
    tpu.wait_indirect_dma semaphore(%arg9 : memref<!tpu.dma_semaphore, #tpu.memory_space<semaphore_mem>>) src(%dma_wait3A_1057 : memref<128x128xf32, #tpu.memory_space<vmem_shared>>) dst(%dma_wait3A_1053 : memref<40x128xf32, #tpu.memory_space<vmem>>)
    %dma_wait3A_1058 = arith.constant 0 : i32
    %dma_wait3A_1059 = arith.constant 40 : i32
    %dma_wait3A_1060 = arith.constant 0 : i32
    %dma_wait3A_1061 = tpu.memref_slice %arg7[%dma_wait3A_1058, %dma_wait3A_1059, %dma_wait3A_1060] : memref<8x80x128xf32, #tpu.memory_space<vmem>> -> memref<1x40x128xf32, #tpu.memory_space<vmem>>
    %dma_wait3A_1062 = tpu.memref_squeeze %dma_wait3A_1061 : memref<1x40x128xf32, #tpu.memory_space<vmem>> -> memref<40x128xf32, #tpu.memory_space<vmem>>
    %dma_wait3A_1063 = tpu.memref_slice %arg6[%multiple_of3A_1048] : memref<3200xi32, #tpu.memory_space<vmem>> -> memref<40xi32, #tpu.memory_space<vmem>>
    %dma_wait3A_1064 = arith.constant 0 : i32
    %dma_wait3A_1065 = arith.constant 0 : i32
    %dma_wait3A_1066 = tpu.memref_slice %arg5[%dma_wait3A_1064, %dma_wait3A_1065] : memref<128x128xf32, #tpu.memory_space<vmem_shared>> -> memref<128x128xf32, #tpu.memory_space<vmem_shared>>
    tpu.wait_indirect_dma semaphore(%arg9 : memref<!tpu.dma_semaphore, #tpu.memory_space<semaphore_mem>>) src(%dma_wait3A_1066 : memref<128x128xf32, #tpu.memory_space<vmem_shared>>) dst(%dma_wait3A_1062 : memref<40x128xf32, #tpu.memory_space<vmem>>)
    %min3A_1067 = arith.constant 0 : i32
    %min3A_1068 = arith.constant 39 : i32
    %min3A_1069 = arith.minsi %min3A_1067, %min3A_1068 : i32
    %mul3A_1070 = arith.constant 80 : i32
    %mul3A_1071 = arith.muli %min3A_1069, %mul3A_1070 : i32
    %add3A_1072 = arith.addi %multiple_of3A, %mul3A_1071 : i32
    %multiple_of3A_1073 = tpu.assume_multiple %add3A_1072, 8 : i32
    %dma_start3A_1074 = arith.constant 0 : i32
    %dma_start3A_1075 = arith.constant 0 : i32
    %dma_start3A_1076 = arith.constant 0 : i32
    %dma_start3A_1077 = tpu.memref_slice %arg7[%dma_start3A_1074, %dma_start3A_1075, %dma_start3A_1076] : memref<8x80x128xf32, #tpu.memory_space<vmem>> -> memref<1x80x128xf32, #tpu.memory_space<vmem>>
    %dma_start3A_1078 = tpu.memref_squeeze %dma_start3A_1077 : memref<1x80x128xf32, #tpu.memory_space<vmem>> -> memref<80x128xf32, #tpu.memory_space<vmem>>
    %dma_start3A_1079 = arith.constant 0 : i32
    %dma_start3A_1080 = tpu.memref_slice %arg4[%multiple_of3A_1073, %dma_start3A_1079] : memref<100000x128xf32, #tpu.memory_space<hbm>> -> memref<80x128xf32, #tpu.memory_space<hbm>>
    %dma_start3A_1081 = arith.constant 0 : i32
    %dma_start3A_1082 = tpu.memref_slice %arg4[%multiple_of3A_1073, %dma_start3A_1081] : memref<100000x128xf32, #tpu.memory_space<hbm>> -> memref<80x128xf32, #tpu.memory_space<hbm>>
    %dma_start3A_1083 = arith.constant 0 : i32
    %dma_start3A_1084 = arith.constant 0 : i32
    %dma_start3A_1085 = tpu.memref_slice %arg7[%dma_start3A_1074, %dma_start3A_1083, %dma_start3A_1084] : memref<8x80x128xf32, #tpu.memory_space<vmem>> -> memref<1x80x128xf32, #tpu.memory_space<vmem>>
    %dma_start3A_1086 = tpu.memref_squeeze %dma_start3A_1085 : memref<1x80x128xf32, #tpu.memory_space<vmem>> -> memref<80x128xf32, #tpu.memory_space<vmem>>
    tpu.enqueue_dma source(%dma_start3A_1086 : memref<80x128xf32, #tpu.memory_space<vmem>>) target(%dma_start3A_1082 : memref<80x128xf32, #tpu.memory_space<hbm>>) target_semaphore(%arg17 : memref<!tpu.dma_semaphore, #tpu.memory_space<semaphore_mem>>)
    %add3A_1087 = arith.constant 1 : i32
    %add3A_1088 = arith.constant 4 : i32
    %add3A_1089 = arith.addi %add3A_1087, %add3A_1088 : i32
    %min3A_1090 = arith.constant 39 : i32
    %min3A_1091 = arith.minsi %add3A_1089, %min3A_1090 : i32
    %mul3A_1092 = arith.constant 80 : i32
    %mul3A_1093 = arith.muli %min3A_1091, %mul3A_1092 : i32
    %multiple_of3A_1094 = tpu.assume_multiple %mul3A_1093, 8 : i32
    %add3A_1095 = arith.constant 40 : i32
    %add3A_1096 = arith.addi %multiple_of3A_1094, %add3A_1095 : i32
    %multiple_of3A_1097 = tpu.assume_multiple %add3A_1096, 8 : i32
    %dma_start3A_1098 = arith.constant 5 : i32
    %dma_start3A_1099 = arith.constant 0 : i32
    %dma_start3A_1100 = arith.constant 0 : i32
    %dma_start3A_1101 = tpu.memref_slice %arg7[%dma_start3A_1098, %dma_start3A_1099, %dma_start3A_1100] : memref<8x80x128xf32, #tpu.memory_space<vmem>> -> memref<1x40x128xf32, #tpu.memory_space<vmem>>
    %dma_start3A_1102 = tpu.memref_squeeze %dma_start3A_1101 : memref<1x40x128xf32, #tpu.memory_space<vmem>> -> memref<40x128xf32, #tpu.memory_space<vmem>>
    %dma_start3A_1103 = tpu.memref_slice %arg6[%multiple_of3A_1094] : memref<3200xi32, #tpu.memory_space<vmem>> -> memref<40xi32, #tpu.memory_space<vmem>>
    %dma_start3A_1104 = arith.constant 0 : i32
    %dma_start3A_1105 = arith.constant 0 : i32
    %dma_start3A_1106 = tpu.memref_slice %arg5[%dma_start3A_1104, %dma_start3A_1105] : memref<128x128xf32, #tpu.memory_space<vmem_shared>> -> memref<128x128xf32, #tpu.memory_space<vmem_shared>>
    tpu.enqueue_indirect_dma source(%dma_start3A_1106 : memref<128x128xf32, #tpu.memory_space<vmem_shared>>) target(%dma_start3A_1102 : memref<40x128xf32, #tpu.memory_space<vmem>>) offsets(%dma_start3A_1103 : memref<40xi32, #tpu.memory_space<vmem>>) semaphore(%arg14 : memref<!tpu.dma_semaphore, #tpu.memory_space<semaphore_mem>>)
    %dma_start3A_1107 = arith.constant 5 : i32
    %dma_start3A_1108 = arith.constant 40 : i32
    %dma_start3A_1109 = arith.constant 0 : i32
    %dma_start3A_1110 = tpu.memref_slice %arg7[%dma_start3A_1107, %dma_start3A_1108, %dma_start3A_1109] : memref<8x80x128xf32, #tpu.memory_space<vmem>> -> memref<1x40x128xf32, #tpu.memory_space<vmem>>
    %dma_start3A_1111 = tpu.memref_squeeze %dma_start3A_1110 : memref<1x40x128xf32, #tpu.memory_space<vmem>> -> memref<40x128xf32, #tpu.memory_space<vmem>>
    %dma_start3A_1112 = tpu.memref_slice %arg6[%multiple_of3A_1097] : memref<3200xi32, #tpu.memory_space<vmem>> -> memref<40xi32, #tpu.memory_space<vmem>>
    %dma_start3A_1113 = arith.constant 0 : i32
    %dma_start3A_1114 = arith.constant 0 : i32
    %dma_start3A_1115 = tpu.memref_slice %arg5[%dma_start3A_1113, %dma_start3A_1114] : memref<128x128xf32, #tpu.memory_space<vmem_shared>> -> memref<128x128xf32, #tpu.memory_space<vmem_shared>>
    tpu.enqueue_indirect_dma source(%dma_start3A_1115 : memref<128x128xf32, #tpu.memory_space<vmem_shared>>) target(%dma_start3A_1111 : memref<40x128xf32, #tpu.memory_space<vmem>>) offsets(%dma_start3A_1112 : memref<40xi32, #tpu.memory_space<vmem>>) semaphore(%arg14 : memref<!tpu.dma_semaphore, #tpu.memory_space<semaphore_mem>>)
    %min3A_1116 = arith.constant 1 : i32
    %min3A_1117 = arith.constant 39 : i32
    %min3A_1118 = arith.minsi %min3A_1116, %min3A_1117 : i32
    %mul3A_1119 = arith.constant 80 : i32
    %mul3A_1120 = arith.muli %min3A_1118, %mul3A_1119 : i32
    %multiple_of3A_1121 = tpu.assume_multiple %mul3A_1120, 8 : i32
    %add3A_1122 = arith.constant 40 : i32
    %add3A_1123 = arith.addi %multiple_of3A_1121, %add3A_1122 : i32
    %multiple_of3A_1124 = tpu.assume_multiple %add3A_1123, 8 : i32
    %dma_wait3A_1125 = arith.constant 1 : i32
    %dma_wait3A_1126 = arith.constant 0 : i32
    %dma_wait3A_1127 = arith.constant 0 : i32
    %dma_wait3A_1128 = tpu.memref_slice %arg7[%dma_wait3A_1125, %dma_wait3A_1126, %dma_wait3A_1127] : memref<8x80x128xf32, #tpu.memory_space<vmem>> -> memref<1x40x128xf32, #tpu.memory_space<vmem>>
    %dma_wait3A_1129 = tpu.memref_squeeze %dma_wait3A_1128 : memref<1x40x128xf32, #tpu.memory_space<vmem>> -> memref<40x128xf32, #tpu.memory_space<vmem>>
    %dma_wait3A_1130 = tpu.memref_slice %arg6[%multiple_of3A_1121] : memref<3200xi32, #tpu.memory_space<vmem>> -> memref<40xi32, #tpu.memory_space<vmem>>
    %dma_wait3A_1131 = arith.constant 0 : i32
    %dma_wait3A_1132 = arith.constant 0 : i32
    %dma_wait3A_1133 = tpu.memref_slice %arg5[%dma_wait3A_1131, %dma_wait3A_1132] : memref<128x128xf32, #tpu.memory_space<vmem_shared>> -> memref<128x128xf32, #tpu.memory_space<vmem_shared>>
    tpu.wait_indirect_dma semaphore(%arg10 : memref<!tpu.dma_semaphore, #tpu.memory_space<semaphore_mem>>) src(%dma_wait3A_1133 : memref<128x128xf32, #tpu.memory_space<vmem_shared>>) dst(%dma_wait3A_1129 : memref<40x128xf32, #tpu.memory_space<vmem>>)
    %dma_wait3A_1134 = arith.constant 1 : i32
    %dma_wait3A_1135 = arith.constant 40 : i32
    %dma_wait3A_1136 = arith.constant 0 : i32
    %dma_wait3A_1137 = tpu.memref_slice %arg7[%dma_wait3A_1134, %dma_wait3A_1135, %dma_wait3A_1136] : memref<8x80x128xf32, #tpu.memory_space<vmem>> -> memref<1x40x128xf32, #tpu.memory_space<vmem>>
    %dma_wait3A_1138 = tpu.memref_squeeze %dma_wait3A_1137 : memref<1x40x128xf32, #tpu.memory_space<vmem>> -> memref<40x128xf32, #tpu.memory_space<vmem>>
    %dma_wait3A_1139 = tpu.memref_slice %arg6[%multiple_of3A_1124] : memref<3200xi32, #tpu.memory_space<vmem>> -> memref<40xi32, #tpu.memory_space<vmem>>
    %dma_wait3A_1140 = arith.constant 0 : i32
    %dma_wait3A_1141 = arith.constant 0 : i32
    %dma_wait3A_1142 = tpu.memref_slice %arg5[%dma_wait3A_1140, %dma_wait3A_1141] : memref<128x128xf32, #tpu.memory_space<vmem_shared>> -> memref<128x128xf32, #tpu.memory_space<vmem_shared>>
    tpu.wait_indirect_dma semaphore(%arg10 : memref<!tpu.dma_semaphore, #tpu.memory_space<semaphore_mem>>) src(%dma_wait3A_1142 : memref<128x128xf32, #tpu.memory_space<vmem_shared>>) dst(%dma_wait3A_1138 : memref<40x128xf32, #tpu.memory_space<vmem>>)
    %min3A_1143 = arith.constant 1 : i32
    %min3A_1144 = arith.constant 39 : i32
    %min3A_1145 = arith.minsi %min3A_1143, %min3A_1144 : i32
    %mul3A_1146 = arith.constant 80 : i32
    %mul3A_1147 = arith.muli %min3A_1145, %mul3A_1146 : i32
    %add3A_1148 = arith.addi %multiple_of3A, %mul3A_1147 : i32
    %multiple_of3A_1149 = tpu.assume_multiple %add3A_1148, 8 : i32
    %dma_start3A_1150 = arith.constant 1 : i32
    %dma_start3A_1151 = arith.constant 0 : i32
    %dma_start3A_1152 = arith.constant 0 : i32
    %dma_start3A_1153 = tpu.memref_slice %arg7[%dma_start3A_1150, %dma_start3A_1151, %dma_start3A_1152] : memref<8x80x128xf32, #tpu.memory_space<vmem>> -> memref<1x80x128xf32, #tpu.memory_space<vmem>>
    %dma_start3A_1154 = tpu.memref_squeeze %dma_start3A_1153 : memref<1x80x128xf32, #tpu.memory_space<vmem>> -> memref<80x128xf32, #tpu.memory_space<vmem>>
    %dma_start3A_1155 = arith.constant 0 : i32
    %dma_start3A_1156 = tpu.memref_slice %arg4[%multiple_of3A_1149, %dma_start3A_1155] : memref<100000x128xf32, #tpu.memory_space<hbm>> -> memref<80x128xf32, #tpu.memory_space<hbm>>
    %dma_start3A_1157 = arith.constant 0 : i32
    %dma_start3A_1158 = tpu.memref_slice %arg4[%multiple_of3A_1149, %dma_start3A_1157] : memref<100000x128xf32, #tpu.memory_space<hbm>> -> memref<80x128xf32, #tpu.memory_space<hbm>>
    %dma_start3A_1159 = arith.constant 0 : i32
    %dma_start3A_1160 = arith.constant 0 : i32
    %dma_start3A_1161 = tpu.memref_slice %arg7[%dma_start3A_1150, %dma_start3A_1159, %dma_start3A_1160] : memref<8x80x128xf32, #tpu.memory_space<vmem>> -> memref<1x80x128xf32, #tpu.memory_space<vmem>>
    %dma_start3A_1162 = tpu.memref_squeeze %dma_start3A_1161 : memref<1x80x128xf32, #tpu.memory_space<vmem>> -> memref<80x128xf32, #tpu.memory_space<vmem>>
    tpu.enqueue_dma source(%dma_start3A_1162 : memref<80x128xf32, #tpu.memory_space<vmem>>) target(%dma_start3A_1158 : memref<80x128xf32, #tpu.memory_space<hbm>>) target_semaphore(%arg18 : memref<!tpu.dma_semaphore, #tpu.memory_space<semaphore_mem>>)
    %add3A_1163 = arith.constant 2 : i32
    %add3A_1164 = arith.constant 4 : i32
    %add3A_1165 = arith.addi %add3A_1163, %add3A_1164 : i32
    %min3A_1166 = arith.constant 39 : i32
    %min3A_1167 = arith.minsi %add3A_1165, %min3A_1166 : i32
    %mul3A_1168 = arith.constant 80 : i32
    %mul3A_1169 = arith.muli %min3A_1167, %mul3A_1168 : i32
    %multiple_of3A_1170 = tpu.assume_multiple %mul3A_1169, 8 : i32
    %add3A_1171 = arith.constant 40 : i32
    %add3A_1172 = arith.addi %multiple_of3A_1170, %add3A_1171 : i32
    %multiple_of3A_1173 = tpu.assume_multiple %add3A_1172, 8 : i32
    %dma_start3A_1174 = arith.constant 6 : i32
    %dma_start3A_1175 = arith.constant 0 : i32
    %dma_start3A_1176 = arith.constant 0 : i32
    %dma_start3A_1177 = tpu.memref_slice %arg7[%dma_start3A_1174, %dma_start3A_1175, %dma_start3A_1176] : memref<8x80x128xf32, #tpu.memory_space<vmem>> -> memref<1x40x128xf32, #tpu.memory_space<vmem>>
    %dma_start3A_1178 = tpu.memref_squeeze %dma_start3A_1177 : memref<1x40x128xf32, #tpu.memory_space<vmem>> -> memref<40x128xf32, #tpu.memory_space<vmem>>
    %dma_start3A_1179 = tpu.memref_slice %arg6[%multiple_of3A_1170] : memref<3200xi32, #tpu.memory_space<vmem>> -> memref<40xi32, #tpu.memory_space<vmem>>
    %dma_start3A_1180 = arith.constant 0 : i32
    %dma_start3A_1181 = arith.constant 0 : i32
    %dma_start3A_1182 = tpu.memref_slice %arg5[%dma_start3A_1180, %dma_start3A_1181] : memref<128x128xf32, #tpu.memory_space<vmem_shared>> -> memref<128x128xf32, #tpu.memory_space<vmem_shared>>
    tpu.enqueue_indirect_dma source(%dma_start3A_1182 : memref<128x128xf32, #tpu.memory_space<vmem_shared>>) target(%dma_start3A_1178 : memref<40x128xf32, #tpu.memory_space<vmem>>) offsets(%dma_start3A_1179 : memref<40xi32, #tpu.memory_space<vmem>>) semaphore(%arg15 : memref<!tpu.dma_semaphore, #tpu.memory_space<semaphore_mem>>)
    %dma_start3A_1183 = arith.constant 6 : i32
    %dma_start3A_1184 = arith.constant 40 : i32
    %dma_start3A_1185 = arith.constant 0 : i32
    %dma_start3A_1186 = tpu.memref_slice %arg7[%dma_start3A_1183, %dma_start3A_1184, %dma_start3A_1185] : memref<8x80x128xf32, #tpu.memory_space<vmem>> -> memref<1x40x128xf32, #tpu.memory_space<vmem>>
    %dma_start3A_1187 = tpu.memref_squeeze %dma_start3A_1186 : memref<1x40x128xf32, #tpu.memory_space<vmem>> -> memref<40x128xf32, #tpu.memory_space<vmem>>
    %dma_start3A_1188 = tpu.memref_slice %arg6[%multiple_of3A_1173] : memref<3200xi32, #tpu.memory_space<vmem>> -> memref<40xi32, #tpu.memory_space<vmem>>
    %dma_start3A_1189 = arith.constant 0 : i32
    %dma_start3A_1190 = arith.constant 0 : i32
    %dma_start3A_1191 = tpu.memref_slice %arg5[%dma_start3A_1189, %dma_start3A_1190] : memref<128x128xf32, #tpu.memory_space<vmem_shared>> -> memref<128x128xf32, #tpu.memory_space<vmem_shared>>
    tpu.enqueue_indirect_dma source(%dma_start3A_1191 : memref<128x128xf32, #tpu.memory_space<vmem_shared>>) target(%dma_start3A_1187 : memref<40x128xf32, #tpu.memory_space<vmem>>) offsets(%dma_start3A_1188 : memref<40xi32, #tpu.memory_space<vmem>>) semaphore(%arg15 : memref<!tpu.dma_semaphore, #tpu.memory_space<semaphore_mem>>)
    %min3A_1192 = arith.constant 2 : i32
    %min3A_1193 = arith.constant 39 : i32
    %min3A_1194 = arith.minsi %min3A_1192, %min3A_1193 : i32
    %mul3A_1195 = arith.constant 80 : i32
    %mul3A_1196 = arith.muli %min3A_1194, %mul3A_1195 : i32
    %multiple_of3A_1197 = tpu.assume_multiple %mul3A_1196, 8 : i32
    %add3A_1198 = arith.constant 40 : i32
    %add3A_1199 = arith.addi %multiple_of3A_1197, %add3A_1198 : i32
    %multiple_of3A_1200 = tpu.assume_multiple %add3A_1199, 8 : i32
    %dma_wait3A_1201 = arith.constant 2 : i32
    %dma_wait3A_1202 = arith.constant 0 : i32
    %dma_wait3A_1203 = arith.constant 0 : i32
    %dma_wait3A_1204 = tpu.memref_slice %arg7[%dma_wait3A_1201, %dma_wait3A_1202, %dma_wait3A_1203] : memref<8x80x128xf32, #tpu.memory_space<vmem>> -> memref<1x40x128xf32, #tpu.memory_space<vmem>>
    %dma_wait3A_1205 = tpu.memref_squeeze %dma_wait3A_1204 : memref<1x40x128xf32, #tpu.memory_space<vmem>> -> memref<40x128xf32, #tpu.memory_space<vmem>>
    %dma_wait3A_1206 = tpu.memref_slice %arg6[%multiple_of3A_1197] : memref<3200xi32, #tpu.memory_space<vmem>> -> memref<40xi32, #tpu.memory_space<vmem>>
    %dma_wait3A_1207 = arith.constant 0 : i32
    %dma_wait3A_1208 = arith.constant 0 : i32
    %dma_wait3A_1209 = tpu.memref_slice %arg5[%dma_wait3A_1207, %dma_wait3A_1208] : memref<128x128xf32, #tpu.memory_space<vmem_shared>> -> memref<128x128xf32, #tpu.memory_space<vmem_shared>>
    tpu.wait_indirect_dma semaphore(%arg11 : memref<!tpu.dma_semaphore, #tpu.memory_space<semaphore_mem>>) src(%dma_wait3A_1209 : memref<128x128xf32, #tpu.memory_space<vmem_shared>>) dst(%dma_wait3A_1205 : memref<40x128xf32, #tpu.memory_space<vmem>>)
    %dma_wait3A_1210 = arith.constant 2 : i32
    %dma_wait3A_1211 = arith.constant 40 : i32
    %dma_wait3A_1212 = arith.constant 0 : i32
    %dma_wait3A_1213 = tpu.memref_slice %arg7[%dma_wait3A_1210, %dma_wait3A_1211, %dma_wait3A_1212] : memref<8x80x128xf32, #tpu.memory_space<vmem>> -> memref<1x40x128xf32, #tpu.memory_space<vmem>>
    %dma_wait3A_1214 = tpu.memref_squeeze %dma_wait3A_1213 : memref<1x40x128xf32, #tpu.memory_space<vmem>> -> memref<40x128xf32, #tpu.memory_space<vmem>>
    %dma_wait3A_1215 = tpu.memref_slice %arg6[%multiple_of3A_1200] : memref<3200xi32, #tpu.memory_space<vmem>> -> memref<40xi32, #tpu.memory_space<vmem>>
    %dma_wait3A_1216 = arith.constant 0 : i32
    %dma_wait3A_1217 = arith.constant 0 : i32
    %dma_wait3A_1218 = tpu.memref_slice %arg5[%dma_wait3A_1216, %dma_wait3A_1217] : memref<128x128xf32, #tpu.memory_space<vmem_shared>> -> memref<128x128xf32, #tpu.memory_space<vmem_shared>>
    tpu.wait_indirect_dma semaphore(%arg11 : memref<!tpu.dma_semaphore, #tpu.memory_space<semaphore_mem>>) src(%dma_wait3A_1218 : memref<128x128xf32, #tpu.memory_space<vmem_shared>>) dst(%dma_wait3A_1214 : memref<40x128xf32, #tpu.memory_space<vmem>>)
    %min3A_1219 = arith.constant 2 : i32
    %min3A_1220 = arith.constant 39 : i32
    %min3A_1221 = arith.minsi %min3A_1219, %min3A_1220 : i32
    %mul3A_1222 = arith.constant 80 : i32
    %mul3A_1223 = arith.muli %min3A_1221, %mul3A_1222 : i32
    %add3A_1224 = arith.addi %multiple_of3A, %mul3A_1223 : i32
    %multiple_of3A_1225 = tpu.assume_multiple %add3A_1224, 8 : i32
    %dma_start3A_1226 = arith.constant 2 : i32
    %dma_start3A_1227 = arith.constant 0 : i32
    %dma_start3A_1228 = arith.constant 0 : i32
    %dma_start3A_1229 = tpu.memref_slice %arg7[%dma_start3A_1226, %dma_start3A_1227, %dma_start3A_1228] : memref<8x80x128xf32, #tpu.memory_space<vmem>> -> memref<1x80x128xf32, #tpu.memory_space<vmem>>
    %dma_start3A_1230 = tpu.memref_squeeze %dma_start3A_1229 : memref<1x80x128xf32, #tpu.memory_space<vmem>> -> memref<80x128xf32, #tpu.memory_space<vmem>>
    %dma_start3A_1231 = arith.constant 0 : i32
    %dma_start3A_1232 = tpu.memref_slice %arg4[%multiple_of3A_1225, %dma_start3A_1231] : memref<100000x128xf32, #tpu.memory_space<hbm>> -> memref<80x128xf32, #tpu.memory_space<hbm>>
    %dma_start3A_1233 = arith.constant 0 : i32
    %dma_start3A_1234 = tpu.memref_slice %arg4[%multiple_of3A_1225, %dma_start3A_1233] : memref<100000x128xf32, #tpu.memory_space<hbm>> -> memref<80x128xf32, #tpu.memory_space<hbm>>
    %dma_start3A_1235 = arith.constant 0 : i32
    %dma_start3A_1236 = arith.constant 0 : i32
    %dma_start3A_1237 = tpu.memref_slice %arg7[%dma_start3A_1226, %dma_start3A_1235, %dma_start3A_1236] : memref<8x80x128xf32, #tpu.memory_space<vmem>> -> memref<1x80x128xf32, #tpu.memory_space<vmem>>
    %dma_start3A_1238 = tpu.memref_squeeze %dma_start3A_1237 : memref<1x80x128xf32, #tpu.memory_space<vmem>> -> memref<80x128xf32, #tpu.memory_space<vmem>>
    tpu.enqueue_dma source(%dma_start3A_1238 : memref<80x128xf32, #tpu.memory_space<vmem>>) target(%dma_start3A_1234 : memref<80x128xf32, #tpu.memory_space<hbm>>) target_semaphore(%arg19 : memref<!tpu.dma_semaphore, #tpu.memory_space<semaphore_mem>>)
    %add3A_1239 = arith.constant 3 : i32
    %add3A_1240 = arith.constant 4 : i32
    %add3A_1241 = arith.addi %add3A_1239, %add3A_1240 : i32
    %min3A_1242 = arith.constant 39 : i32
    %min3A_1243 = arith.minsi %add3A_1241, %min3A_1242 : i32
    %mul3A_1244 = arith.constant 80 : i32
    %mul3A_1245 = arith.muli %min3A_1243, %mul3A_1244 : i32
    %multiple_of3A_1246 = tpu.assume_multiple %mul3A_1245, 8 : i32
    %add3A_1247 = arith.constant 40 : i32
    %add3A_1248 = arith.addi %multiple_of3A_1246, %add3A_1247 : i32
    %multiple_of3A_1249 = tpu.assume_multiple %add3A_1248, 8 : i32
    %dma_start3A_1250 = arith.constant 7 : i32
    %dma_start3A_1251 = arith.constant 0 : i32
    %dma_start3A_1252 = arith.constant 0 : i32
    %dma_start3A_1253 = tpu.memref_slice %arg7[%dma_start3A_1250, %dma_start3A_1251, %dma_start3A_1252] : memref<8x80x128xf32, #tpu.memory_space<vmem>> -> memref<1x40x128xf32, #tpu.memory_space<vmem>>
    %dma_start3A_1254 = tpu.memref_squeeze %dma_start3A_1253 : memref<1x40x128xf32, #tpu.memory_space<vmem>> -> memref<40x128xf32, #tpu.memory_space<vmem>>
    %dma_start3A_1255 = tpu.memref_slice %arg6[%multiple_of3A_1246] : memref<3200xi32, #tpu.memory_space<vmem>> -> memref<40xi32, #tpu.memory_space<vmem>>
    %dma_start3A_1256 = arith.constant 0 : i32
    %dma_start3A_1257 = arith.constant 0 : i32
    %dma_start3A_1258 = tpu.memref_slice %arg5[%dma_start3A_1256, %dma_start3A_1257] : memref<128x128xf32, #tpu.memory_space<vmem_shared>> -> memref<128x128xf32, #tpu.memory_space<vmem_shared>>
    tpu.enqueue_indirect_dma source(%dma_start3A_1258 : memref<128x128xf32, #tpu.memory_space<vmem_shared>>) target(%dma_start3A_1254 : memref<40x128xf32, #tpu.memory_space<vmem>>) offsets(%dma_start3A_1255 : memref<40xi32, #tpu.memory_space<vmem>>) semaphore(%arg16 : memref<!tpu.dma_semaphore, #tpu.memory_space<semaphore_mem>>)
    %dma_start3A_1259 = arith.constant 7 : i32
    %dma_start3A_1260 = arith.constant 40 : i32
    %dma_start3A_1261 = arith.constant 0 : i32
    %dma_start3A_1262 = tpu.memref_slice %arg7[%dma_start3A_1259, %dma_start3A_1260, %dma_start3A_1261] : memref<8x80x128xf32, #tpu.memory_space<vmem>> -> memref<1x40x128xf32, #tpu.memory_space<vmem>>
    %dma_start3A_1263 = tpu.memref_squeeze %dma_start3A_1262 : memref<1x40x128xf32, #tpu.memory_space<vmem>> -> memref<40x128xf32, #tpu.memory_space<vmem>>
    %dma_start3A_1264 = tpu.memref_slice %arg6[%multiple_of3A_1249] : memref<3200xi32, #tpu.memory_space<vmem>> -> memref<40xi32, #tpu.memory_space<vmem>>
    %dma_start3A_1265 = arith.constant 0 : i32
    %dma_start3A_1266 = arith.constant 0 : i32
    %dma_start3A_1267 = tpu.memref_slice %arg5[%dma_start3A_1265, %dma_start3A_1266] : memref<128x128xf32, #tpu.memory_space<vmem_shared>> -> memref<128x128xf32, #tpu.memory_space<vmem_shared>>
    tpu.enqueue_indirect_dma source(%dma_start3A_1267 : memref<128x128xf32, #tpu.memory_space<vmem_shared>>) target(%dma_start3A_1263 : memref<40x128xf32, #tpu.memory_space<vmem>>) offsets(%dma_start3A_1264 : memref<40xi32, #tpu.memory_space<vmem>>) semaphore(%arg16 : memref<!tpu.dma_semaphore, #tpu.memory_space<semaphore_mem>>)
    %min3A_1268 = arith.constant 3 : i32
    %min3A_1269 = arith.constant 39 : i32
    %min3A_1270 = arith.minsi %min3A_1268, %min3A_1269 : i32
    %mul3A_1271 = arith.constant 80 : i32
    %mul3A_1272 = arith.muli %min3A_1270, %mul3A_1271 : i32
    %multiple_of3A_1273 = tpu.assume_multiple %mul3A_1272, 8 : i32
    %add3A_1274 = arith.constant 40 : i32
    %add3A_1275 = arith.addi %multiple_of3A_1273, %add3A_1274 : i32
    %multiple_of3A_1276 = tpu.assume_multiple %add3A_1275, 8 : i32
    %dma_wait3A_1277 = arith.constant 3 : i32
    %dma_wait3A_1278 = arith.constant 0 : i32
    %dma_wait3A_1279 = arith.constant 0 : i32
    %dma_wait3A_1280 = tpu.memref_slice %arg7[%dma_wait3A_1277, %dma_wait3A_1278, %dma_wait3A_1279] : memref<8x80x128xf32, #tpu.memory_space<vmem>> -> memref<1x40x128xf32, #tpu.memory_space<vmem>>
    %dma_wait3A_1281 = tpu.memref_squeeze %dma_wait3A_1280 : memref<1x40x128xf32, #tpu.memory_space<vmem>> -> memref<40x128xf32, #tpu.memory_space<vmem>>
    %dma_wait3A_1282 = tpu.memref_slice %arg6[%multiple_of3A_1273] : memref<3200xi32, #tpu.memory_space<vmem>> -> memref<40xi32, #tpu.memory_space<vmem>>
    %dma_wait3A_1283 = arith.constant 0 : i32
    %dma_wait3A_1284 = arith.constant 0 : i32
    %dma_wait3A_1285 = tpu.memref_slice %arg5[%dma_wait3A_1283, %dma_wait3A_1284] : memref<128x128xf32, #tpu.memory_space<vmem_shared>> -> memref<128x128xf32, #tpu.memory_space<vmem_shared>>
    tpu.wait_indirect_dma semaphore(%arg12 : memref<!tpu.dma_semaphore, #tpu.memory_space<semaphore_mem>>) src(%dma_wait3A_1285 : memref<128x128xf32, #tpu.memory_space<vmem_shared>>) dst(%dma_wait3A_1281 : memref<40x128xf32, #tpu.memory_space<vmem>>)
    %dma_wait3A_1286 = arith.constant 3 : i32
    %dma_wait3A_1287 = arith.constant 40 : i32
    %dma_wait3A_1288 = arith.constant 0 : i32
    %dma_wait3A_1289 = tpu.memref_slice %arg7[%dma_wait3A_1286, %dma_wait3A_1287, %dma_wait3A_1288] : memref<8x80x128xf32, #tpu.memory_space<vmem>> -> memref<1x40x128xf32, #tpu.memory_space<vmem>>
    %dma_wait3A_1290 = tpu.memref_squeeze %dma_wait3A_1289 : memref<1x40x128xf32, #tpu.memory_space<vmem>> -> memref<40x128xf32, #tpu.memory_space<vmem>>
    %dma_wait3A_1291 = tpu.memref_slice %arg6[%multiple_of3A_1276] : memref<3200xi32, #tpu.memory_space<vmem>> -> memref<40xi32, #tpu.memory_space<vmem>>
    %dma_wait3A_1292 = arith.constant 0 : i32
    %dma_wait3A_1293 = arith.constant 0 : i32
    %dma_wait3A_1294 = tpu.memref_slice %arg5[%dma_wait3A_1292, %dma_wait3A_1293] : memref<128x128xf32, #tpu.memory_space<vmem_shared>> -> memref<128x128xf32, #tpu.memory_space<vmem_shared>>
    tpu.wait_indirect_dma semaphore(%arg12 : memref<!tpu.dma_semaphore, #tpu.memory_space<semaphore_mem>>) src(%dma_wait3A_1294 : memref<128x128xf32, #tpu.memory_space<vmem_shared>>) dst(%dma_wait3A_1290 : memref<40x128xf32, #tpu.memory_space<vmem>>)
    %min3A_1295 = arith.constant 3 : i32
    %min3A_1296 = arith.constant 39 : i32
    %min3A_1297 = arith.minsi %min3A_1295, %min3A_1296 : i32
    %mul3A_1298 = arith.constant 80 : i32
    %mul3A_1299 = arith.muli %min3A_1297, %mul3A_1298 : i32
    %add3A_1300 = arith.addi %multiple_of3A, %mul3A_1299 : i32
    %multiple_of3A_1301 = tpu.assume_multiple %add3A_1300, 8 : i32
    %dma_start3A_1302 = arith.constant 3 : i32
    %dma_start3A_1303 = arith.constant 0 : i32
    %dma_start3A_1304 = arith.constant 0 : i32
    %dma_start3A_1305 = tpu.memref_slice %arg7[%dma_start3A_1302, %dma_start3A_1303, %dma_start3A_1304] : memref<8x80x128xf32, #tpu.memory_space<vmem>> -> memref<1x80x128xf32, #tpu.memory_space<vmem>>
    %dma_start3A_1306 = tpu.memref_squeeze %dma_start3A_1305 : memref<1x80x128xf32, #tpu.memory_space<vmem>> -> memref<80x128xf32, #tpu.memory_space<vmem>>
    %dma_start3A_1307 = arith.constant 0 : i32
    %dma_start3A_1308 = tpu.memref_slice %arg4[%multiple_of3A_1301, %dma_start3A_1307] : memref<100000x128xf32, #tpu.memory_space<hbm>> -> memref<80x128xf32, #tpu.memory_space<hbm>>
    %dma_start3A_1309 = arith.constant 0 : i32
    %dma_start3A_1310 = tpu.memref_slice %arg4[%multiple_of3A_1301, %dma_start3A_1309] : memref<100000x128xf32, #tpu.memory_space<hbm>> -> memref<80x128xf32, #tpu.memory_space<hbm>>
    %dma_start3A_1311 = arith.constant 0 : i32
    %dma_start3A_1312 = arith.constant 0 : i32
    %dma_start3A_1313 = tpu.memref_slice %arg7[%dma_start3A_1302, %dma_start3A_1311, %dma_start3A_1312] : memref<8x80x128xf32, #tpu.memory_space<vmem>> -> memref<1x80x128xf32, #tpu.memory_space<vmem>>
    %dma_start3A_1314 = tpu.memref_squeeze %dma_start3A_1313 : memref<1x80x128xf32, #tpu.memory_space<vmem>> -> memref<80x128xf32, #tpu.memory_space<vmem>>
    tpu.enqueue_dma source(%dma_start3A_1314 : memref<80x128xf32, #tpu.memory_space<vmem>>) target(%dma_start3A_1310 : memref<80x128xf32, #tpu.memory_space<hbm>>) target_semaphore(%arg20 : memref<!tpu.dma_semaphore, #tpu.memory_space<semaphore_mem>>)
    %scan3A = arith.constant 0 : i32
    %scan3A_1315 = arith.constant 0 : i32
    %scan3A_1316 = arith.constant 4 : i32
    %scan3A_1317 = arith.addi %scan3A_1315, %scan3A_1316 : i32
    %scan3A_1318 = arith.constant 1 : i32
    scf.for %scan3A_1899 = %scan3A_1315 to %scan3A_1317 step %scan3A_1318  : i32 {
      %mul3A_1900 = arith.constant 8 : i32
      %mul3A_1901 = arith.muli %scan3A_1899, %mul3A_1900 : i32
      %add3A_1902 = arith.constant 4 : i32
      %add3A_1903 = arith.addi %add3A_1902, %mul3A_1901 : i32
      %add3A_1904 = arith.constant 0 : i32
      %add3A_1905 = arith.addi %add3A_1903, %add3A_1904 : i32
      %sub3A_1906 = arith.constant 4 : i32
      %sub3A_1907 = arith.subi %add3A_1905, %sub3A_1906 : i32
      %min3A_1908 = arith.constant 39 : i32
      %min3A_1909 = arith.minsi %sub3A_1907, %min3A_1908 : i32
      %mul3A_1910 = arith.constant 80 : i32
      %mul3A_1911 = arith.muli %min3A_1909, %mul3A_1910 : i32
      %add3A_1912 = arith.addi %multiple_of3A, %mul3A_1911 : i32
      %multiple_of3A_1913 = tpu.assume_multiple %add3A_1912, 8 : i32
      %dma_wait3A_1914 = arith.constant 0 : i32
      %dma_wait3A_1915 = arith.constant 0 : i32
      %dma_wait3A_1916 = arith.constant 0 : i32
      %dma_wait3A_1917 = tpu.memref_slice %arg7[%dma_wait3A_1914, %dma_wait3A_1915, %dma_wait3A_1916] : memref<8x80x128xf32, #tpu.memory_space<vmem>> -> memref<1x80x128xf32, #tpu.memory_space<vmem>>
      %dma_wait3A_1918 = tpu.memref_squeeze %dma_wait3A_1917 : memref<1x80x128xf32, #tpu.memory_space<vmem>> -> memref<80x128xf32, #tpu.memory_space<vmem>>
      %dma_wait3A_1919 = arith.constant 0 : i32
      %dma_wait3A_1920 = tpu.memref_slice %arg4[%multiple_of3A_1913, %dma_wait3A_1919] : memref<100000x128xf32, #tpu.memory_space<hbm>> -> memref<80x128xf32, #tpu.memory_space<hbm>>
      %dma_wait3A_1921 = arith.constant 0 : i32
      %dma_wait3A_1922 = tpu.memref_slice %arg4[%multiple_of3A_1913, %dma_wait3A_1921] : memref<100000x128xf32, #tpu.memory_space<hbm>> -> memref<80x128xf32, #tpu.memory_space<hbm>>
      %dma_wait3A_1923 = arith.constant 0 : i32
      %dma_wait3A_1924 = arith.constant 0 : i32
      %dma_wait3A_1925 = tpu.memref_slice %arg7[%dma_wait3A_1914, %dma_wait3A_1923, %dma_wait3A_1924] : memref<8x80x128xf32, #tpu.memory_space<vmem>> -> memref<1x80x128xf32, #tpu.memory_space<vmem>>
      %dma_wait3A_1926 = tpu.memref_squeeze %dma_wait3A_1925 : memref<1x80x128xf32, #tpu.memory_space<vmem>> -> memref<80x128xf32, #tpu.memory_space<vmem>>
      tpu.wait_dma2 semaphore(%arg17 : memref<!tpu.dma_semaphore, #tpu.memory_space<semaphore_mem>>) src(%dma_wait3A_1926 : memref<80x128xf32, #tpu.memory_space<vmem>>) dst(%dma_wait3A_1922 : memref<80x128xf32, #tpu.memory_space<hbm>>)
      %add3A_1927 = arith.constant 4 : i32
      %add3A_1928 = arith.addi %add3A_1905, %add3A_1927 : i32
      %min3A_1929 = arith.constant 39 : i32
      %min3A_1930 = arith.minsi %add3A_1928, %min3A_1929 : i32
      %mul3A_1931 = arith.constant 80 : i32
      %mul3A_1932 = arith.muli %min3A_1930, %mul3A_1931 : i32
      %multiple_of3A_1933 = tpu.assume_multiple %mul3A_1932, 8 : i32
      %add3A_1934 = arith.constant 40 : i32
      %add3A_1935 = arith.addi %multiple_of3A_1933, %add3A_1934 : i32
      %multiple_of3A_1936 = tpu.assume_multiple %add3A_1935, 8 : i32
      %dma_start3A_1937 = arith.constant 0 : i32
      %dma_start3A_1938 = arith.constant 0 : i32
      %dma_start3A_1939 = arith.constant 0 : i32
      %dma_start3A_1940 = tpu.memref_slice %arg7[%dma_start3A_1937, %dma_start3A_1938, %dma_start3A_1939] : memref<8x80x128xf32, #tpu.memory_space<vmem>> -> memref<1x40x128xf32, #tpu.memory_space<vmem>>
      %dma_start3A_1941 = tpu.memref_squeeze %dma_start3A_1940 : memref<1x40x128xf32, #tpu.memory_space<vmem>> -> memref<40x128xf32, #tpu.memory_space<vmem>>
      %dma_start3A_1942 = tpu.memref_slice %arg6[%multiple_of3A_1933] : memref<3200xi32, #tpu.memory_space<vmem>> -> memref<40xi32, #tpu.memory_space<vmem>>
      %dma_start3A_1943 = arith.constant 0 : i32
      %dma_start3A_1944 = arith.constant 0 : i32
      %dma_start3A_1945 = tpu.memref_slice %arg5[%dma_start3A_1943, %dma_start3A_1944] : memref<128x128xf32, #tpu.memory_space<vmem_shared>> -> memref<128x128xf32, #tpu.memory_space<vmem_shared>>
      tpu.enqueue_indirect_dma source(%dma_start3A_1945 : memref<128x128xf32, #tpu.memory_space<vmem_shared>>) target(%dma_start3A_1941 : memref<40x128xf32, #tpu.memory_space<vmem>>) offsets(%dma_start3A_1942 : memref<40xi32, #tpu.memory_space<vmem>>) semaphore(%arg9 : memref<!tpu.dma_semaphore, #tpu.memory_space<semaphore_mem>>)
      %dma_start3A_1946 = arith.constant 0 : i32
      %dma_start3A_1947 = arith.constant 40 : i32
      %dma_start3A_1948 = arith.constant 0 : i32
      %dma_start3A_1949 = tpu.memref_slice %arg7[%dma_start3A_1946, %dma_start3A_1947, %dma_start3A_1948] : memref<8x80x128xf32, #tpu.memory_space<vmem>> -> memref<1x40x128xf32, #tpu.memory_space<vmem>>
      %dma_start3A_1950 = tpu.memref_squeeze %dma_start3A_1949 : memref<1x40x128xf32, #tpu.memory_space<vmem>> -> memref<40x128xf32, #tpu.memory_space<vmem>>
      %dma_start3A_1951 = tpu.memref_slice %arg6[%multiple_of3A_1936] : memref<3200xi32, #tpu.memory_space<vmem>> -> memref<40xi32, #tpu.memory_space<vmem>>
      %dma_start3A_1952 = arith.constant 0 : i32
      %dma_start3A_1953 = arith.constant 0 : i32
      %dma_start3A_1954 = tpu.memref_slice %arg5[%dma_start3A_1952, %dma_start3A_1953] : memref<128x128xf32, #tpu.memory_space<vmem_shared>> -> memref<128x128xf32, #tpu.memory_space<vmem_shared>>
      tpu.enqueue_indirect_dma source(%dma_start3A_1954 : memref<128x128xf32, #tpu.memory_space<vmem_shared>>) target(%dma_start3A_1950 : memref<40x128xf32, #tpu.memory_space<vmem>>) offsets(%dma_start3A_1951 : memref<40xi32, #tpu.memory_space<vmem>>) semaphore(%arg9 : memref<!tpu.dma_semaphore, #tpu.memory_space<semaphore_mem>>)
      %min3A_1955 = arith.constant 39 : i32
      %min3A_1956 = arith.minsi %add3A_1905, %min3A_1955 : i32
      %mul3A_1957 = arith.constant 80 : i32
      %mul3A_1958 = arith.muli %min3A_1956, %mul3A_1957 : i32
      %multiple_of3A_1959 = tpu.assume_multiple %mul3A_1958, 8 : i32
      %add3A_1960 = arith.constant 40 : i32
      %add3A_1961 = arith.addi %multiple_of3A_1959, %add3A_1960 : i32
      %multiple_of3A_1962 = tpu.assume_multiple %add3A_1961, 8 : i32
      %dma_wait3A_1963 = arith.constant 4 : i32
      %dma_wait3A_1964 = arith.constant 0 : i32
      %dma_wait3A_1965 = arith.constant 0 : i32
      %dma_wait3A_1966 = tpu.memref_slice %arg7[%dma_wait3A_1963, %dma_wait3A_1964, %dma_wait3A_1965] : memref<8x80x128xf32, #tpu.memory_space<vmem>> -> memref<1x40x128xf32, #tpu.memory_space<vmem>>
      %dma_wait3A_1967 = tpu.memref_squeeze %dma_wait3A_1966 : memref<1x40x128xf32, #tpu.memory_space<vmem>> -> memref<40x128xf32, #tpu.memory_space<vmem>>
      %dma_wait3A_1968 = tpu.memref_slice %arg6[%multiple_of3A_1959] : memref<3200xi32, #tpu.memory_space<vmem>> -> memref<40xi32, #tpu.memory_space<vmem>>
      %dma_wait3A_1969 = arith.constant 0 : i32
      %dma_wait3A_1970 = arith.constant 0 : i32
      %dma_wait3A_1971 = tpu.memref_slice %arg5[%dma_wait3A_1969, %dma_wait3A_1970] : memref<128x128xf32, #tpu.memory_space<vmem_shared>> -> memref<128x128xf32, #tpu.memory_space<vmem_shared>>
      tpu.wait_indirect_dma semaphore(%arg13 : memref<!tpu.dma_semaphore, #tpu.memory_space<semaphore_mem>>) src(%dma_wait3A_1971 : memref<128x128xf32, #tpu.memory_space<vmem_shared>>) dst(%dma_wait3A_1967 : memref<40x128xf32, #tpu.memory_space<vmem>>)
      %dma_wait3A_1972 = arith.constant 4 : i32
      %dma_wait3A_1973 = arith.constant 40 : i32
      %dma_wait3A_1974 = arith.constant 0 : i32
      %dma_wait3A_1975 = tpu.memref_slice %arg7[%dma_wait3A_1972, %dma_wait3A_1973, %dma_wait3A_1974] : memref<8x80x128xf32, #tpu.memory_space<vmem>> -> memref<1x40x128xf32, #tpu.memory_space<vmem>>
      %dma_wait3A_1976 = tpu.memref_squeeze %dma_wait3A_1975 : memref<1x40x128xf32, #tpu.memory_space<vmem>> -> memref<40x128xf32, #tpu.memory_space<vmem>>
      %dma_wait3A_1977 = tpu.memref_slice %arg6[%multiple_of3A_1962] : memref<3200xi32, #tpu.memory_space<vmem>> -> memref<40xi32, #tpu.memory_space<vmem>>
      %dma_wait3A_1978 = arith.constant 0 : i32
      %dma_wait3A_1979 = arith.constant 0 : i32
      %dma_wait3A_1980 = tpu.memref_slice %arg5[%dma_wait3A_1978, %dma_wait3A_1979] : memref<128x128xf32, #tpu.memory_space<vmem_shared>> -> memref<128x128xf32, #tpu.memory_space<vmem_shared>>
      tpu.wait_indirect_dma semaphore(%arg13 : memref<!tpu.dma_semaphore, #tpu.memory_space<semaphore_mem>>) src(%dma_wait3A_1980 : memref<128x128xf32, #tpu.memory_space<vmem_shared>>) dst(%dma_wait3A_1976 : memref<40x128xf32, #tpu.memory_space<vmem>>)
      %min3A_1981 = arith.constant 39 : i32
      %min3A_1982 = arith.minsi %add3A_1905, %min3A_1981 : i32
      %mul3A_1983 = arith.constant 80 : i32
      %mul3A_1984 = arith.muli %min3A_1982, %mul3A_1983 : i32
      %add3A_1985 = arith.addi %multiple_of3A, %mul3A_1984 : i32
      %multiple_of3A_1986 = tpu.assume_multiple %add3A_1985, 8 : i32
      %dma_start3A_1987 = arith.constant 4 : i32
      %dma_start3A_1988 = arith.constant 0 : i32
      %dma_start3A_1989 = arith.constant 0 : i32
      %dma_start3A_1990 = tpu.memref_slice %arg7[%dma_start3A_1987, %dma_start3A_1988, %dma_start3A_1989] : memref<8x80x128xf32, #tpu.memory_space<vmem>> -> memref<1x80x128xf32, #tpu.memory_space<vmem>>
      %dma_start3A_1991 = tpu.memref_squeeze %dma_start3A_1990 : memref<1x80x128xf32, #tpu.memory_space<vmem>> -> memref<80x128xf32, #tpu.memory_space<vmem>>
      %dma_start3A_1992 = arith.constant 0 : i32
      %dma_start3A_1993 = tpu.memref_slice %arg4[%multiple_of3A_1986, %dma_start3A_1992] : memref<100000x128xf32, #tpu.memory_space<hbm>> -> memref<80x128xf32, #tpu.memory_space<hbm>>
      %dma_start3A_1994 = arith.constant 0 : i32
      %dma_start3A_1995 = tpu.memref_slice %arg4[%multiple_of3A_1986, %dma_start3A_1994] : memref<100000x128xf32, #tpu.memory_space<hbm>> -> memref<80x128xf32, #tpu.memory_space<hbm>>
      %dma_start3A_1996 = arith.constant 0 : i32
      %dma_start3A_1997 = arith.constant 0 : i32
      %dma_start3A_1998 = tpu.memref_slice %arg7[%dma_start3A_1987, %dma_start3A_1996, %dma_start3A_1997] : memref<8x80x128xf32, #tpu.memory_space<vmem>> -> memref<1x80x128xf32, #tpu.memory_space<vmem>>
      %dma_start3A_1999 = tpu.memref_squeeze %dma_start3A_1998 : memref<1x80x128xf32, #tpu.memory_space<vmem>> -> memref<80x128xf32, #tpu.memory_space<vmem>>
      tpu.enqueue_dma source(%dma_start3A_1999 : memref<80x128xf32, #tpu.memory_space<vmem>>) target(%dma_start3A_1995 : memref<80x128xf32, #tpu.memory_space<hbm>>) target_semaphore(%arg21 : memref<!tpu.dma_semaphore, #tpu.memory_space<semaphore_mem>>)
      %add3A_2000 = arith.constant 1 : i32
      %add3A_2001 = arith.addi %add3A_1903, %add3A_2000 : i32
      %sub3A_2002 = arith.constant 4 : i32
      %sub3A_2003 = arith.subi %add3A_2001, %sub3A_2002 : i32
      %min3A_2004 = arith.constant 39 : i32
      %min3A_2005 = arith.minsi %sub3A_2003, %min3A_2004 : i32
      %mul3A_2006 = arith.constant 80 : i32
      %mul3A_2007 = arith.muli %min3A_2005, %mul3A_2006 : i32
      %add3A_2008 = arith.addi %multiple_of3A, %mul3A_2007 : i32
      %multiple_of3A_2009 = tpu.assume_multiple %add3A_2008, 8 : i32
      %dma_wait3A_2010 = arith.constant 1 : i32
      %dma_wait3A_2011 = arith.constant 0 : i32
      %dma_wait3A_2012 = arith.constant 0 : i32
      %dma_wait3A_2013 = tpu.memref_slice %arg7[%dma_wait3A_2010, %dma_wait3A_2011, %dma_wait3A_2012] : memref<8x80x128xf32, #tpu.memory_space<vmem>> -> memref<1x80x128xf32, #tpu.memory_space<vmem>>
      %dma_wait3A_2014 = tpu.memref_squeeze %dma_wait3A_2013 : memref<1x80x128xf32, #tpu.memory_space<vmem>> -> memref<80x128xf32, #tpu.memory_space<vmem>>
      %dma_wait3A_2015 = arith.constant 0 : i32
      %dma_wait3A_2016 = tpu.memref_slice %arg4[%multiple_of3A_2009, %dma_wait3A_2015] : memref<100000x128xf32, #tpu.memory_space<hbm>> -> memref<80x128xf32, #tpu.memory_space<hbm>>
      %dma_wait3A_2017 = arith.constant 0 : i32
      %dma_wait3A_2018 = tpu.memref_slice %arg4[%multiple_of3A_2009, %dma_wait3A_2017] : memref<100000x128xf32, #tpu.memory_space<hbm>> -> memref<80x128xf32, #tpu.memory_space<hbm>>
      %dma_wait3A_2019 = arith.constant 0 : i32
      %dma_wait3A_2020 = arith.constant 0 : i32
      %dma_wait3A_2021 = tpu.memref_slice %arg7[%dma_wait3A_2010, %dma_wait3A_2019, %dma_wait3A_2020] : memref<8x80x128xf32, #tpu.memory_space<vmem>> -> memref<1x80x128xf32, #tpu.memory_space<vmem>>
      %dma_wait3A_2022 = tpu.memref_squeeze %dma_wait3A_2021 : memref<1x80x128xf32, #tpu.memory_space<vmem>> -> memref<80x128xf32, #tpu.memory_space<vmem>>
      tpu.wait_dma2 semaphore(%arg18 : memref<!tpu.dma_semaphore, #tpu.memory_space<semaphore_mem>>) src(%dma_wait3A_2022 : memref<80x128xf32, #tpu.memory_space<vmem>>) dst(%dma_wait3A_2018 : memref<80x128xf32, #tpu.memory_space<hbm>>)
      %add3A_2023 = arith.constant 4 : i32
      %add3A_2024 = arith.addi %add3A_2001, %add3A_2023 : i32
      %min3A_2025 = arith.constant 39 : i32
      %min3A_2026 = arith.minsi %add3A_2024, %min3A_2025 : i32
      %mul3A_2027 = arith.constant 80 : i32
      %mul3A_2028 = arith.muli %min3A_2026, %mul3A_2027 : i32
      %multiple_of3A_2029 = tpu.assume_multiple %mul3A_2028, 8 : i32
      %add3A_2030 = arith.constant 40 : i32
      %add3A_2031 = arith.addi %multiple_of3A_2029, %add3A_2030 : i32
      %multiple_of3A_2032 = tpu.assume_multiple %add3A_2031, 8 : i32
      %dma_start3A_2033 = arith.constant 1 : i32
      %dma_start3A_2034 = arith.constant 0 : i32
      %dma_start3A_2035 = arith.constant 0 : i32
      %dma_start3A_2036 = tpu.memref_slice %arg7[%dma_start3A_2033, %dma_start3A_2034, %dma_start3A_2035] : memref<8x80x128xf32, #tpu.memory_space<vmem>> -> memref<1x40x128xf32, #tpu.memory_space<vmem>>
      %dma_start3A_2037 = tpu.memref_squeeze %dma_start3A_2036 : memref<1x40x128xf32, #tpu.memory_space<vmem>> -> memref<40x128xf32, #tpu.memory_space<vmem>>
      %dma_start3A_2038 = tpu.memref_slice %arg6[%multiple_of3A_2029] : memref<3200xi32, #tpu.memory_space<vmem>> -> memref<40xi32, #tpu.memory_space<vmem>>
      %dma_start3A_2039 = arith.constant 0 : i32
      %dma_start3A_2040 = arith.constant 0 : i32
      %dma_start3A_2041 = tpu.memref_slice %arg5[%dma_start3A_2039, %dma_start3A_2040] : memref<128x128xf32, #tpu.memory_space<vmem_shared>> -> memref<128x128xf32, #tpu.memory_space<vmem_shared>>
      tpu.enqueue_indirect_dma source(%dma_start3A_2041 : memref<128x128xf32, #tpu.memory_space<vmem_shared>>) target(%dma_start3A_2037 : memref<40x128xf32, #tpu.memory_space<vmem>>) offsets(%dma_start3A_2038 : memref<40xi32, #tpu.memory_space<vmem>>) semaphore(%arg10 : memref<!tpu.dma_semaphore, #tpu.memory_space<semaphore_mem>>)
      %dma_start3A_2042 = arith.constant 1 : i32
      %dma_start3A_2043 = arith.constant 40 : i32
      %dma_start3A_2044 = arith.constant 0 : i32
      %dma_start3A_2045 = tpu.memref_slice %arg7[%dma_start3A_2042, %dma_start3A_2043, %dma_start3A_2044] : memref<8x80x128xf32, #tpu.memory_space<vmem>> -> memref<1x40x128xf32, #tpu.memory_space<vmem>>
      %dma_start3A_2046 = tpu.memref_squeeze %dma_start3A_2045 : memref<1x40x128xf32, #tpu.memory_space<vmem>> -> memref<40x128xf32, #tpu.memory_space<vmem>>
      %dma_start3A_2047 = tpu.memref_slice %arg6[%multiple_of3A_2032] : memref<3200xi32, #tpu.memory_space<vmem>> -> memref<40xi32, #tpu.memory_space<vmem>>
      %dma_start3A_2048 = arith.constant 0 : i32
      %dma_start3A_2049 = arith.constant 0 : i32
      %dma_start3A_2050 = tpu.memref_slice %arg5[%dma_start3A_2048, %dma_start3A_2049] : memref<128x128xf32, #tpu.memory_space<vmem_shared>> -> memref<128x128xf32, #tpu.memory_space<vmem_shared>>
      tpu.enqueue_indirect_dma source(%dma_start3A_2050 : memref<128x128xf32, #tpu.memory_space<vmem_shared>>) target(%dma_start3A_2046 : memref<40x128xf32, #tpu.memory_space<vmem>>) offsets(%dma_start3A_2047 : memref<40xi32, #tpu.memory_space<vmem>>) semaphore(%arg10 : memref<!tpu.dma_semaphore, #tpu.memory_space<semaphore_mem>>)
      %min3A_2051 = arith.constant 39 : i32
      %min3A_2052 = arith.minsi %add3A_2001, %min3A_2051 : i32
      %mul3A_2053 = arith.constant 80 : i32
      %mul3A_2054 = arith.muli %min3A_2052, %mul3A_2053 : i32
      %multiple_of3A_2055 = tpu.assume_multiple %mul3A_2054, 8 : i32
      %add3A_2056 = arith.constant 40 : i32
      %add3A_2057 = arith.addi %multiple_of3A_2055, %add3A_2056 : i32
      %multiple_of3A_2058 = tpu.assume_multiple %add3A_2057, 8 : i32
      %dma_wait3A_2059 = arith.constant 5 : i32
      %dma_wait3A_2060 = arith.constant 0 : i32
      %dma_wait3A_2061 = arith.constant 0 : i32
      %dma_wait3A_2062 = tpu.memref_slice %arg7[%dma_wait3A_2059, %dma_wait3A_2060, %dma_wait3A_2061] : memref<8x80x128xf32, #tpu.memory_space<vmem>> -> memref<1x40x128xf32, #tpu.memory_space<vmem>>
      %dma_wait3A_2063 = tpu.memref_squeeze %dma_wait3A_2062 : memref<1x40x128xf32, #tpu.memory_space<vmem>> -> memref<40x128xf32, #tpu.memory_space<vmem>>
      %dma_wait3A_2064 = tpu.memref_slice %arg6[%multiple_of3A_2055] : memref<3200xi32, #tpu.memory_space<vmem>> -> memref<40xi32, #tpu.memory_space<vmem>>
      %dma_wait3A_2065 = arith.constant 0 : i32
      %dma_wait3A_2066 = arith.constant 0 : i32
      %dma_wait3A_2067 = tpu.memref_slice %arg5[%dma_wait3A_2065, %dma_wait3A_2066] : memref<128x128xf32, #tpu.memory_space<vmem_shared>> -> memref<128x128xf32, #tpu.memory_space<vmem_shared>>
      tpu.wait_indirect_dma semaphore(%arg14 : memref<!tpu.dma_semaphore, #tpu.memory_space<semaphore_mem>>) src(%dma_wait3A_2067 : memref<128x128xf32, #tpu.memory_space<vmem_shared>>) dst(%dma_wait3A_2063 : memref<40x128xf32, #tpu.memory_space<vmem>>)
      %dma_wait3A_2068 = arith.constant 5 : i32
      %dma_wait3A_2069 = arith.constant 40 : i32
      %dma_wait3A_2070 = arith.constant 0 : i32
      %dma_wait3A_2071 = tpu.memref_slice %arg7[%dma_wait3A_2068, %dma_wait3A_2069, %dma_wait3A_2070] : memref<8x80x128xf32, #tpu.memory_space<vmem>> -> memref<1x40x128xf32, #tpu.memory_space<vmem>>
      %dma_wait3A_2072 = tpu.memref_squeeze %dma_wait3A_2071 : memref<1x40x128xf32, #tpu.memory_space<vmem>> -> memref<40x128xf32, #tpu.memory_space<vmem>>
      %dma_wait3A_2073 = tpu.memref_slice %arg6[%multiple_of3A_2058] : memref<3200xi32, #tpu.memory_space<vmem>> -> memref<40xi32, #tpu.memory_space<vmem>>
      %dma_wait3A_2074 = arith.constant 0 : i32
      %dma_wait3A_2075 = arith.constant 0 : i32
      %dma_wait3A_2076 = tpu.memref_slice %arg5[%dma_wait3A_2074, %dma_wait3A_2075] : memref<128x128xf32, #tpu.memory_space<vmem_shared>> -> memref<128x128xf32, #tpu.memory_space<vmem_shared>>
      tpu.wait_indirect_dma semaphore(%arg14 : memref<!tpu.dma_semaphore, #tpu.memory_space<semaphore_mem>>) src(%dma_wait3A_2076 : memref<128x128xf32, #tpu.memory_space<vmem_shared>>) dst(%dma_wait3A_2072 : memref<40x128xf32, #tpu.memory_space<vmem>>)
      %min3A_2077 = arith.constant 39 : i32
      %min3A_2078 = arith.minsi %add3A_2001, %min3A_2077 : i32
      %mul3A_2079 = arith.constant 80 : i32
      %mul3A_2080 = arith.muli %min3A_2078, %mul3A_2079 : i32
      %add3A_2081 = arith.addi %multiple_of3A, %mul3A_2080 : i32
      %multiple_of3A_2082 = tpu.assume_multiple %add3A_2081, 8 : i32
      %dma_start3A_2083 = arith.constant 5 : i32
      %dma_start3A_2084 = arith.constant 0 : i32
      %dma_start3A_2085 = arith.constant 0 : i32
      %dma_start3A_2086 = tpu.memref_slice %arg7[%dma_start3A_2083, %dma_start3A_2084, %dma_start3A_2085] : memref<8x80x128xf32, #tpu.memory_space<vmem>> -> memref<1x80x128xf32, #tpu.memory_space<vmem>>
      %dma_start3A_2087 = tpu.memref_squeeze %dma_start3A_2086 : memref<1x80x128xf32, #tpu.memory_space<vmem>> -> memref<80x128xf32, #tpu.memory_space<vmem>>
      %dma_start3A_2088 = arith.constant 0 : i32
      %dma_start3A_2089 = tpu.memref_slice %arg4[%multiple_of3A_2082, %dma_start3A_2088] : memref<100000x128xf32, #tpu.memory_space<hbm>> -> memref<80x128xf32, #tpu.memory_space<hbm>>
      %dma_start3A_2090 = arith.constant 0 : i32
      %dma_start3A_2091 = tpu.memref_slice %arg4[%multiple_of3A_2082, %dma_start3A_2090] : memref<100000x128xf32, #tpu.memory_space<hbm>> -> memref<80x128xf32, #tpu.memory_space<hbm>>
      %dma_start3A_2092 = arith.constant 0 : i32
      %dma_start3A_2093 = arith.constant 0 : i32
      %dma_start3A_2094 = tpu.memref_slice %arg7[%dma_start3A_2083, %dma_start3A_2092, %dma_start3A_2093] : memref<8x80x128xf32, #tpu.memory_space<vmem>> -> memref<1x80x128xf32, #tpu.memory_space<vmem>>
      %dma_start3A_2095 = tpu.memref_squeeze %dma_start3A_2094 : memref<1x80x128xf32, #tpu.memory_space<vmem>> -> memref<80x128xf32, #tpu.memory_space<vmem>>
      tpu.enqueue_dma source(%dma_start3A_2095 : memref<80x128xf32, #tpu.memory_space<vmem>>) target(%dma_start3A_2091 : memref<80x128xf32, #tpu.memory_space<hbm>>) target_semaphore(%arg22 : memref<!tpu.dma_semaphore, #tpu.memory_space<semaphore_mem>>)
      %add3A_2096 = arith.constant 2 : i32
      %add3A_2097 = arith.addi %add3A_1903, %add3A_2096 : i32
      %sub3A_2098 = arith.constant 4 : i32
      %sub3A_2099 = arith.subi %add3A_2097, %sub3A_2098 : i32
      %min3A_2100 = arith.constant 39 : i32
      %min3A_2101 = arith.minsi %sub3A_2099, %min3A_2100 : i32
      %mul3A_2102 = arith.constant 80 : i32
      %mul3A_2103 = arith.muli %min3A_2101, %mul3A_2102 : i32
      %add3A_2104 = arith.addi %multiple_of3A, %mul3A_2103 : i32
      %multiple_of3A_2105 = tpu.assume_multiple %add3A_2104, 8 : i32
      %dma_wait3A_2106 = arith.constant 2 : i32
      %dma_wait3A_2107 = arith.constant 0 : i32
      %dma_wait3A_2108 = arith.constant 0 : i32
      %dma_wait3A_2109 = tpu.memref_slice %arg7[%dma_wait3A_2106, %dma_wait3A_2107, %dma_wait3A_2108] : memref<8x80x128xf32, #tpu.memory_space<vmem>> -> memref<1x80x128xf32, #tpu.memory_space<vmem>>
      %dma_wait3A_2110 = tpu.memref_squeeze %dma_wait3A_2109 : memref<1x80x128xf32, #tpu.memory_space<vmem>> -> memref<80x128xf32, #tpu.memory_space<vmem>>
      %dma_wait3A_2111 = arith.constant 0 : i32
      %dma_wait3A_2112 = tpu.memref_slice %arg4[%multiple_of3A_2105, %dma_wait3A_2111] : memref<100000x128xf32, #tpu.memory_space<hbm>> -> memref<80x128xf32, #tpu.memory_space<hbm>>
      %dma_wait3A_2113 = arith.constant 0 : i32
      %dma_wait3A_2114 = tpu.memref_slice %arg4[%multiple_of3A_2105, %dma_wait3A_2113] : memref<100000x128xf32, #tpu.memory_space<hbm>> -> memref<80x128xf32, #tpu.memory_space<hbm>>
      %dma_wait3A_2115 = arith.constant 0 : i32
      %dma_wait3A_2116 = arith.constant 0 : i32
      %dma_wait3A_2117 = tpu.memref_slice %arg7[%dma_wait3A_2106, %dma_wait3A_2115, %dma_wait3A_2116] : memref<8x80x128xf32, #tpu.memory_space<vmem>> -> memref<1x80x128xf32, #tpu.memory_space<vmem>>
      %dma_wait3A_2118 = tpu.memref_squeeze %dma_wait3A_2117 : memref<1x80x128xf32, #tpu.memory_space<vmem>> -> memref<80x128xf32, #tpu.memory_space<vmem>>
      tpu.wait_dma2 semaphore(%arg19 : memref<!tpu.dma_semaphore, #tpu.memory_space<semaphore_mem>>) src(%dma_wait3A_2118 : memref<80x128xf32, #tpu.memory_space<vmem>>) dst(%dma_wait3A_2114 : memref<80x128xf32, #tpu.memory_space<hbm>>)
      %add3A_2119 = arith.constant 4 : i32
      %add3A_2120 = arith.addi %add3A_2097, %add3A_2119 : i32
      %min3A_2121 = arith.constant 39 : i32
      %min3A_2122 = arith.minsi %add3A_2120, %min3A_2121 : i32
      %mul3A_2123 = arith.constant 80 : i32
      %mul3A_2124 = arith.muli %min3A_2122, %mul3A_2123 : i32
      %multiple_of3A_2125 = tpu.assume_multiple %mul3A_2124, 8 : i32
      %add3A_2126 = arith.constant 40 : i32
      %add3A_2127 = arith.addi %multiple_of3A_2125, %add3A_2126 : i32
      %multiple_of3A_2128 = tpu.assume_multiple %add3A_2127, 8 : i32
      %dma_start3A_2129 = arith.constant 2 : i32
      %dma_start3A_2130 = arith.constant 0 : i32
      %dma_start3A_2131 = arith.constant 0 : i32
      %dma_start3A_2132 = tpu.memref_slice %arg7[%dma_start3A_2129, %dma_start3A_2130, %dma_start3A_2131] : memref<8x80x128xf32, #tpu.memory_space<vmem>> -> memref<1x40x128xf32, #tpu.memory_space<vmem>>
      %dma_start3A_2133 = tpu.memref_squeeze %dma_start3A_2132 : memref<1x40x128xf32, #tpu.memory_space<vmem>> -> memref<40x128xf32, #tpu.memory_space<vmem>>
      %dma_start3A_2134 = tpu.memref_slice %arg6[%multiple_of3A_2125] : memref<3200xi32, #tpu.memory_space<vmem>> -> memref<40xi32, #tpu.memory_space<vmem>>
      %dma_start3A_2135 = arith.constant 0 : i32
      %dma_start3A_2136 = arith.constant 0 : i32
      %dma_start3A_2137 = tpu.memref_slice %arg5[%dma_start3A_2135, %dma_start3A_2136] : memref<128x128xf32, #tpu.memory_space<vmem_shared>> -> memref<128x128xf32, #tpu.memory_space<vmem_shared>>
      tpu.enqueue_indirect_dma source(%dma_start3A_2137 : memref<128x128xf32, #tpu.memory_space<vmem_shared>>) target(%dma_start3A_2133 : memref<40x128xf32, #tpu.memory_space<vmem>>) offsets(%dma_start3A_2134 : memref<40xi32, #tpu.memory_space<vmem>>) semaphore(%arg11 : memref<!tpu.dma_semaphore, #tpu.memory_space<semaphore_mem>>)
      %dma_start3A_2138 = arith.constant 2 : i32
      %dma_start3A_2139 = arith.constant 40 : i32
      %dma_start3A_2140 = arith.constant 0 : i32
      %dma_start3A_2141 = tpu.memref_slice %arg7[%dma_start3A_2138, %dma_start3A_2139, %dma_start3A_2140] : memref<8x80x128xf32, #tpu.memory_space<vmem>> -> memref<1x40x128xf32, #tpu.memory_space<vmem>>
      %dma_start3A_2142 = tpu.memref_squeeze %dma_start3A_2141 : memref<1x40x128xf32, #tpu.memory_space<vmem>> -> memref<40x128xf32, #tpu.memory_space<vmem>>
      %dma_start3A_2143 = tpu.memref_slice %arg6[%multiple_of3A_2128] : memref<3200xi32, #tpu.memory_space<vmem>> -> memref<40xi32, #tpu.memory_space<vmem>>
      %dma_start3A_2144 = arith.constant 0 : i32
      %dma_start3A_2145 = arith.constant 0 : i32
      %dma_start3A_2146 = tpu.memref_slice %arg5[%dma_start3A_2144, %dma_start3A_2145] : memref<128x128xf32, #tpu.memory_space<vmem_shared>> -> memref<128x128xf32, #tpu.memory_space<vmem_shared>>
      tpu.enqueue_indirect_dma source(%dma_start3A_2146 : memref<128x128xf32, #tpu.memory_space<vmem_shared>>) target(%dma_start3A_2142 : memref<40x128xf32, #tpu.memory_space<vmem>>) offsets(%dma_start3A_2143 : memref<40xi32, #tpu.memory_space<vmem>>) semaphore(%arg11 : memref<!tpu.dma_semaphore, #tpu.memory_space<semaphore_mem>>)
      %min3A_2147 = arith.constant 39 : i32
      %min3A_2148 = arith.minsi %add3A_2097, %min3A_2147 : i32
      %mul3A_2149 = arith.constant 80 : i32
      %mul3A_2150 = arith.muli %min3A_2148, %mul3A_2149 : i32
      %multiple_of3A_2151 = tpu.assume_multiple %mul3A_2150, 8 : i32
      %add3A_2152 = arith.constant 40 : i32
      %add3A_2153 = arith.addi %multiple_of3A_2151, %add3A_2152 : i32
      %multiple_of3A_2154 = tpu.assume_multiple %add3A_2153, 8 : i32
      %dma_wait3A_2155 = arith.constant 6 : i32
      %dma_wait3A_2156 = arith.constant 0 : i32
      %dma_wait3A_2157 = arith.constant 0 : i32
      %dma_wait3A_2158 = tpu.memref_slice %arg7[%dma_wait3A_2155, %dma_wait3A_2156, %dma_wait3A_2157] : memref<8x80x128xf32, #tpu.memory_space<vmem>> -> memref<1x40x128xf32, #tpu.memory_space<vmem>>
      %dma_wait3A_2159 = tpu.memref_squeeze %dma_wait3A_2158 : memref<1x40x128xf32, #tpu.memory_space<vmem>> -> memref<40x128xf32, #tpu.memory_space<vmem>>
      %dma_wait3A_2160 = tpu.memref_slice %arg6[%multiple_of3A_2151] : memref<3200xi32, #tpu.memory_space<vmem>> -> memref<40xi32, #tpu.memory_space<vmem>>
      %dma_wait3A_2161 = arith.constant 0 : i32
      %dma_wait3A_2162 = arith.constant 0 : i32
      %dma_wait3A_2163 = tpu.memref_slice %arg5[%dma_wait3A_2161, %dma_wait3A_2162] : memref<128x128xf32, #tpu.memory_space<vmem_shared>> -> memref<128x128xf32, #tpu.memory_space<vmem_shared>>
      tpu.wait_indirect_dma semaphore(%arg15 : memref<!tpu.dma_semaphore, #tpu.memory_space<semaphore_mem>>) src(%dma_wait3A_2163 : memref<128x128xf32, #tpu.memory_space<vmem_shared>>) dst(%dma_wait3A_2159 : memref<40x128xf32, #tpu.memory_space<vmem>>)
      %dma_wait3A_2164 = arith.constant 6 : i32
      %dma_wait3A_2165 = arith.constant 40 : i32
      %dma_wait3A_2166 = arith.constant 0 : i32
      %dma_wait3A_2167 = tpu.memref_slice %arg7[%dma_wait3A_2164, %dma_wait3A_2165, %dma_wait3A_2166] : memref<8x80x128xf32, #tpu.memory_space<vmem>> -> memref<1x40x128xf32, #tpu.memory_space<vmem>>
      %dma_wait3A_2168 = tpu.memref_squeeze %dma_wait3A_2167 : memref<1x40x128xf32, #tpu.memory_space<vmem>> -> memref<40x128xf32, #tpu.memory_space<vmem>>
      %dma_wait3A_2169 = tpu.memref_slice %arg6[%multiple_of3A_2154] : memref<3200xi32, #tpu.memory_space<vmem>> -> memref<40xi32, #tpu.memory_space<vmem>>
      %dma_wait3A_2170 = arith.constant 0 : i32
      %dma_wait3A_2171 = arith.constant 0 : i32
      %dma_wait3A_2172 = tpu.memref_slice %arg5[%dma_wait3A_2170, %dma_wait3A_2171] : memref<128x128xf32, #tpu.memory_space<vmem_shared>> -> memref<128x128xf32, #tpu.memory_space<vmem_shared>>
      tpu.wait_indirect_dma semaphore(%arg15 : memref<!tpu.dma_semaphore, #tpu.memory_space<semaphore_mem>>) src(%dma_wait3A_2172 : memref<128x128xf32, #tpu.memory_space<vmem_shared>>) dst(%dma_wait3A_2168 : memref<40x128xf32, #tpu.memory_space<vmem>>)
      %min3A_2173 = arith.constant 39 : i32
      %min3A_2174 = arith.minsi %add3A_2097, %min3A_2173 : i32
      %mul3A_2175 = arith.constant 80 : i32
      %mul3A_2176 = arith.muli %min3A_2174, %mul3A_2175 : i32
      %add3A_2177 = arith.addi %multiple_of3A, %mul3A_2176 : i32
      %multiple_of3A_2178 = tpu.assume_multiple %add3A_2177, 8 : i32
      %dma_start3A_2179 = arith.constant 6 : i32
      %dma_start3A_2180 = arith.constant 0 : i32
      %dma_start3A_2181 = arith.constant 0 : i32
      %dma_start3A_2182 = tpu.memref_slice %arg7[%dma_start3A_2179, %dma_start3A_2180, %dma_start3A_2181] : memref<8x80x128xf32, #tpu.memory_space<vmem>> -> memref<1x80x128xf32, #tpu.memory_space<vmem>>
      %dma_start3A_2183 = tpu.memref_squeeze %dma_start3A_2182 : memref<1x80x128xf32, #tpu.memory_space<vmem>> -> memref<80x128xf32, #tpu.memory_space<vmem>>
      %dma_start3A_2184 = arith.constant 0 : i32
      %dma_start3A_2185 = tpu.memref_slice %arg4[%multiple_of3A_2178, %dma_start3A_2184] : memref<100000x128xf32, #tpu.memory_space<hbm>> -> memref<80x128xf32, #tpu.memory_space<hbm>>
      %dma_start3A_2186 = arith.constant 0 : i32
      %dma_start3A_2187 = tpu.memref_slice %arg4[%multiple_of3A_2178, %dma_start3A_2186] : memref<100000x128xf32, #tpu.memory_space<hbm>> -> memref<80x128xf32, #tpu.memory_space<hbm>>
      %dma_start3A_2188 = arith.constant 0 : i32
      %dma_start3A_2189 = arith.constant 0 : i32
      %dma_start3A_2190 = tpu.memref_slice %arg7[%dma_start3A_2179, %dma_start3A_2188, %dma_start3A_2189] : memref<8x80x128xf32, #tpu.memory_space<vmem>> -> memref<1x80x128xf32, #tpu.memory_space<vmem>>
      %dma_start3A_2191 = tpu.memref_squeeze %dma_start3A_2190 : memref<1x80x128xf32, #tpu.memory_space<vmem>> -> memref<80x128xf32, #tpu.memory_space<vmem>>
      tpu.enqueue_dma source(%dma_start3A_2191 : memref<80x128xf32, #tpu.memory_space<vmem>>) target(%dma_start3A_2187 : memref<80x128xf32, #tpu.memory_space<hbm>>) target_semaphore(%arg23 : memref<!tpu.dma_semaphore, #tpu.memory_space<semaphore_mem>>)
      %add3A_2192 = arith.constant 3 : i32
      %add3A_2193 = arith.addi %add3A_1903, %add3A_2192 : i32
      %sub3A_2194 = arith.constant 4 : i32
      %sub3A_2195 = arith.subi %add3A_2193, %sub3A_2194 : i32
      %min3A_2196 = arith.constant 39 : i32
      %min3A_2197 = arith.minsi %sub3A_2195, %min3A_2196 : i32
      %mul3A_2198 = arith.constant 80 : i32
      %mul3A_2199 = arith.muli %min3A_2197, %mul3A_2198 : i32
      %add3A_2200 = arith.addi %multiple_of3A, %mul3A_2199 : i32
      %multiple_of3A_2201 = tpu.assume_multiple %add3A_2200, 8 : i32
      %dma_wait3A_2202 = arith.constant 3 : i32
      %dma_wait3A_2203 = arith.constant 0 : i32
      %dma_wait3A_2204 = arith.constant 0 : i32
      %dma_wait3A_2205 = tpu.memref_slice %arg7[%dma_wait3A_2202, %dma_wait3A_2203, %dma_wait3A_2204] : memref<8x80x128xf32, #tpu.memory_space<vmem>> -> memref<1x80x128xf32, #tpu.memory_space<vmem>>
      %dma_wait3A_2206 = tpu.memref_squeeze %dma_wait3A_2205 : memref<1x80x128xf32, #tpu.memory_space<vmem>> -> memref<80x128xf32, #tpu.memory_space<vmem>>
      %dma_wait3A_2207 = arith.constant 0 : i32
      %dma_wait3A_2208 = tpu.memref_slice %arg4[%multiple_of3A_2201, %dma_wait3A_2207] : memref<100000x128xf32, #tpu.memory_space<hbm>> -> memref<80x128xf32, #tpu.memory_space<hbm>>
      %dma_wait3A_2209 = arith.constant 0 : i32
      %dma_wait3A_2210 = tpu.memref_slice %arg4[%multiple_of3A_2201, %dma_wait3A_2209] : memref<100000x128xf32, #tpu.memory_space<hbm>> -> memref<80x128xf32, #tpu.memory_space<hbm>>
      %dma_wait3A_2211 = arith.constant 0 : i32
      %dma_wait3A_2212 = arith.constant 0 : i32
      %dma_wait3A_2213 = tpu.memref_slice %arg7[%dma_wait3A_2202, %dma_wait3A_2211, %dma_wait3A_2212] : memref<8x80x128xf32, #tpu.memory_space<vmem>> -> memref<1x80x128xf32, #tpu.memory_space<vmem>>
      %dma_wait3A_2214 = tpu.memref_squeeze %dma_wait3A_2213 : memref<1x80x128xf32, #tpu.memory_space<vmem>> -> memref<80x128xf32, #tpu.memory_space<vmem>>
      tpu.wait_dma2 semaphore(%arg20 : memref<!tpu.dma_semaphore, #tpu.memory_space<semaphore_mem>>) src(%dma_wait3A_2214 : memref<80x128xf32, #tpu.memory_space<vmem>>) dst(%dma_wait3A_2210 : memref<80x128xf32, #tpu.memory_space<hbm>>)
      %add3A_2215 = arith.constant 4 : i32
      %add3A_2216 = arith.addi %add3A_2193, %add3A_2215 : i32
      %min3A_2217 = arith.constant 39 : i32
      %min3A_2218 = arith.minsi %add3A_2216, %min3A_2217 : i32
      %mul3A_2219 = arith.constant 80 : i32
      %mul3A_2220 = arith.muli %min3A_2218, %mul3A_2219 : i32
      %multiple_of3A_2221 = tpu.assume_multiple %mul3A_2220, 8 : i32
      %add3A_2222 = arith.constant 40 : i32
      %add3A_2223 = arith.addi %multiple_of3A_2221, %add3A_2222 : i32
      %multiple_of3A_2224 = tpu.assume_multiple %add3A_2223, 8 : i32
      %dma_start3A_2225 = arith.constant 3 : i32
      %dma_start3A_2226 = arith.constant 0 : i32
      %dma_start3A_2227 = arith.constant 0 : i32
      %dma_start3A_2228 = tpu.memref_slice %arg7[%dma_start3A_2225, %dma_start3A_2226, %dma_start3A_2227] : memref<8x80x128xf32, #tpu.memory_space<vmem>> -> memref<1x40x128xf32, #tpu.memory_space<vmem>>
      %dma_start3A_2229 = tpu.memref_squeeze %dma_start3A_2228 : memref<1x40x128xf32, #tpu.memory_space<vmem>> -> memref<40x128xf32, #tpu.memory_space<vmem>>
      %dma_start3A_2230 = tpu.memref_slice %arg6[%multiple_of3A_2221] : memref<3200xi32, #tpu.memory_space<vmem>> -> memref<40xi32, #tpu.memory_space<vmem>>
      %dma_start3A_2231 = arith.constant 0 : i32
      %dma_start3A_2232 = arith.constant 0 : i32
      %dma_start3A_2233 = tpu.memref_slice %arg5[%dma_start3A_2231, %dma_start3A_2232] : memref<128x128xf32, #tpu.memory_space<vmem_shared>> -> memref<128x128xf32, #tpu.memory_space<vmem_shared>>
      tpu.enqueue_indirect_dma source(%dma_start3A_2233 : memref<128x128xf32, #tpu.memory_space<vmem_shared>>) target(%dma_start3A_2229 : memref<40x128xf32, #tpu.memory_space<vmem>>) offsets(%dma_start3A_2230 : memref<40xi32, #tpu.memory_space<vmem>>) semaphore(%arg12 : memref<!tpu.dma_semaphore, #tpu.memory_space<semaphore_mem>>)
      %dma_start3A_2234 = arith.constant 3 : i32
      %dma_start3A_2235 = arith.constant 40 : i32
      %dma_start3A_2236 = arith.constant 0 : i32
      %dma_start3A_2237 = tpu.memref_slice %arg7[%dma_start3A_2234, %dma_start3A_2235, %dma_start3A_2236] : memref<8x80x128xf32, #tpu.memory_space<vmem>> -> memref<1x40x128xf32, #tpu.memory_space<vmem>>
      %dma_start3A_2238 = tpu.memref_squeeze %dma_start3A_2237 : memref<1x40x128xf32, #tpu.memory_space<vmem>> -> memref<40x128xf32, #tpu.memory_space<vmem>>
      %dma_start3A_2239 = tpu.memref_slice %arg6[%multiple_of3A_2224] : memref<3200xi32, #tpu.memory_space<vmem>> -> memref<40xi32, #tpu.memory_space<vmem>>
      %dma_start3A_2240 = arith.constant 0 : i32
      %dma_start3A_2241 = arith.constant 0 : i32
      %dma_start3A_2242 = tpu.memref_slice %arg5[%dma_start3A_2240, %dma_start3A_2241] : memref<128x128xf32, #tpu.memory_space<vmem_shared>> -> memref<128x128xf32, #tpu.memory_space<vmem_shared>>
      tpu.enqueue_indirect_dma source(%dma_start3A_2242 : memref<128x128xf32, #tpu.memory_space<vmem_shared>>) target(%dma_start3A_2238 : memref<40x128xf32, #tpu.memory_space<vmem>>) offsets(%dma_start3A_2239 : memref<40xi32, #tpu.memory_space<vmem>>) semaphore(%arg12 : memref<!tpu.dma_semaphore, #tpu.memory_space<semaphore_mem>>)
      %min3A_2243 = arith.constant 39 : i32
      %min3A_2244 = arith.minsi %add3A_2193, %min3A_2243 : i32
      %mul3A_2245 = arith.constant 80 : i32
      %mul3A_2246 = arith.muli %min3A_2244, %mul3A_2245 : i32
      %multiple_of3A_2247 = tpu.assume_multiple %mul3A_2246, 8 : i32
      %add3A_2248 = arith.constant 40 : i32
      %add3A_2249 = arith.addi %multiple_of3A_2247, %add3A_2248 : i32
      %multiple_of3A_2250 = tpu.assume_multiple %add3A_2249, 8 : i32
      %dma_wait3A_2251 = arith.constant 7 : i32
      %dma_wait3A_2252 = arith.constant 0 : i32
      %dma_wait3A_2253 = arith.constant 0 : i32
      %dma_wait3A_2254 = tpu.memref_slice %arg7[%dma_wait3A_2251, %dma_wait3A_2252, %dma_wait3A_2253] : memref<8x80x128xf32, #tpu.memory_space<vmem>> -> memref<1x40x128xf32, #tpu.memory_space<vmem>>
      %dma_wait3A_2255 = tpu.memref_squeeze %dma_wait3A_2254 : memref<1x40x128xf32, #tpu.memory_space<vmem>> -> memref<40x128xf32, #tpu.memory_space<vmem>>
      %dma_wait3A_2256 = tpu.memref_slice %arg6[%multiple_of3A_2247] : memref<3200xi32, #tpu.memory_space<vmem>> -> memref<40xi32, #tpu.memory_space<vmem>>
      %dma_wait3A_2257 = arith.constant 0 : i32
      %dma_wait3A_2258 = arith.constant 0 : i32
      %dma_wait3A_2259 = tpu.memref_slice %arg5[%dma_wait3A_2257, %dma_wait3A_2258] : memref<128x128xf32, #tpu.memory_space<vmem_shared>> -> memref<128x128xf32, #tpu.memory_space<vmem_shared>>
      tpu.wait_indirect_dma semaphore(%arg16 : memref<!tpu.dma_semaphore, #tpu.memory_space<semaphore_mem>>) src(%dma_wait3A_2259 : memref<128x128xf32, #tpu.memory_space<vmem_shared>>) dst(%dma_wait3A_2255 : memref<40x128xf32, #tpu.memory_space<vmem>>)
      %dma_wait3A_2260 = arith.constant 7 : i32
      %dma_wait3A_2261 = arith.constant 40 : i32
      %dma_wait3A_2262 = arith.constant 0 : i32
      %dma_wait3A_2263 = tpu.memref_slice %arg7[%dma_wait3A_2260, %dma_wait3A_2261, %dma_wait3A_2262] : memref<8x80x128xf32, #tpu.memory_space<vmem>> -> memref<1x40x128xf32, #tpu.memory_space<vmem>>
      %dma_wait3A_2264 = tpu.memref_squeeze %dma_wait3A_2263 : memref<1x40x128xf32, #tpu.memory_space<vmem>> -> memref<40x128xf32, #tpu.memory_space<vmem>>
      %dma_wait3A_2265 = tpu.memref_slice %arg6[%multiple_of3A_2250] : memref<3200xi32, #tpu.memory_space<vmem>> -> memref<40xi32, #tpu.memory_space<vmem>>
      %dma_wait3A_2266 = arith.constant 0 : i32
      %dma_wait3A_2267 = arith.constant 0 : i32
      %dma_wait3A_2268 = tpu.memref_slice %arg5[%dma_wait3A_2266, %dma_wait3A_2267] : memref<128x128xf32, #tpu.memory_space<vmem_shared>> -> memref<128x128xf32, #tpu.memory_space<vmem_shared>>
      tpu.wait_indirect_dma semaphore(%arg16 : memref<!tpu.dma_semaphore, #tpu.memory_space<semaphore_mem>>) src(%dma_wait3A_2268 : memref<128x128xf32, #tpu.memory_space<vmem_shared>>) dst(%dma_wait3A_2264 : memref<40x128xf32, #tpu.memory_space<vmem>>)
      %min3A_2269 = arith.constant 39 : i32
      %min3A_2270 = arith.minsi %add3A_2193, %min3A_2269 : i32
      %mul3A_2271 = arith.constant 80 : i32
      %mul3A_2272 = arith.muli %min3A_2270, %mul3A_2271 : i32
      %add3A_2273 = arith.addi %multiple_of3A, %mul3A_2272 : i32
      %multiple_of3A_2274 = tpu.assume_multiple %add3A_2273, 8 : i32
      %dma_start3A_2275 = arith.constant 7 : i32
      %dma_start3A_2276 = arith.constant 0 : i32
      %dma_start3A_2277 = arith.constant 0 : i32
      %dma_start3A_2278 = tpu.memref_slice %arg7[%dma_start3A_2275, %dma_start3A_2276, %dma_start3A_2277] : memref<8x80x128xf32, #tpu.memory_space<vmem>> -> memref<1x80x128xf32, #tpu.memory_space<vmem>>
      %dma_start3A_2279 = tpu.memref_squeeze %dma_start3A_2278 : memref<1x80x128xf32, #tpu.memory_space<vmem>> -> memref<80x128xf32, #tpu.memory_space<vmem>>
      %dma_start3A_2280 = arith.constant 0 : i32
      %dma_start3A_2281 = tpu.memref_slice %arg4[%multiple_of3A_2274, %dma_start3A_2280] : memref<100000x128xf32, #tpu.memory_space<hbm>> -> memref<80x128xf32, #tpu.memory_space<hbm>>
      %dma_start3A_2282 = arith.constant 0 : i32
      %dma_start3A_2283 = tpu.memref_slice %arg4[%multiple_of3A_2274, %dma_start3A_2282] : memref<100000x128xf32, #tpu.memory_space<hbm>> -> memref<80x128xf32, #tpu.memory_space<hbm>>
      %dma_start3A_2284 = arith.constant 0 : i32
      %dma_start3A_2285 = arith.constant 0 : i32
      %dma_start3A_2286 = tpu.memref_slice %arg7[%dma_start3A_2275, %dma_start3A_2284, %dma_start3A_2285] : memref<8x80x128xf32, #tpu.memory_space<vmem>> -> memref<1x80x128xf32, #tpu.memory_space<vmem>>
      %dma_start3A_2287 = tpu.memref_squeeze %dma_start3A_2286 : memref<1x80x128xf32, #tpu.memory_space<vmem>> -> memref<80x128xf32, #tpu.memory_space<vmem>>
      tpu.enqueue_dma source(%dma_start3A_2287 : memref<80x128xf32, #tpu.memory_space<vmem>>) target(%dma_start3A_2283 : memref<80x128xf32, #tpu.memory_space<hbm>>) target_semaphore(%arg24 : memref<!tpu.dma_semaphore, #tpu.memory_space<semaphore_mem>>)
      %add3A_2288 = arith.constant 4 : i32
      %add3A_2289 = arith.addi %add3A_1903, %add3A_2288 : i32
      %sub3A_2290 = arith.constant 4 : i32
      %sub3A_2291 = arith.subi %add3A_2289, %sub3A_2290 : i32
      %min3A_2292 = arith.constant 39 : i32
      %min3A_2293 = arith.minsi %sub3A_2291, %min3A_2292 : i32
      %mul3A_2294 = arith.constant 80 : i32
      %mul3A_2295 = arith.muli %min3A_2293, %mul3A_2294 : i32
      %add3A_2296 = arith.addi %multiple_of3A, %mul3A_2295 : i32
      %multiple_of3A_2297 = tpu.assume_multiple %add3A_2296, 8 : i32
      %dma_wait3A_2298 = arith.constant 4 : i32
      %dma_wait3A_2299 = arith.constant 0 : i32
      %dma_wait3A_2300 = arith.constant 0 : i32
      %dma_wait3A_2301 = tpu.memref_slice %arg7[%dma_wait3A_2298, %dma_wait3A_2299, %dma_wait3A_2300] : memref<8x80x128xf32, #tpu.memory_space<vmem>> -> memref<1x80x128xf32, #tpu.memory_space<vmem>>
      %dma_wait3A_2302 = tpu.memref_squeeze %dma_wait3A_2301 : memref<1x80x128xf32, #tpu.memory_space<vmem>> -> memref<80x128xf32, #tpu.memory_space<vmem>>
      %dma_wait3A_2303 = arith.constant 0 : i32
      %dma_wait3A_2304 = tpu.memref_slice %arg4[%multiple_of3A_2297, %dma_wait3A_2303] : memref<100000x128xf32, #tpu.memory_space<hbm>> -> memref<80x128xf32, #tpu.memory_space<hbm>>
      %dma_wait3A_2305 = arith.constant 0 : i32
      %dma_wait3A_2306 = tpu.memref_slice %arg4[%multiple_of3A_2297, %dma_wait3A_2305] : memref<100000x128xf32, #tpu.memory_space<hbm>> -> memref<80x128xf32, #tpu.memory_space<hbm>>
      %dma_wait3A_2307 = arith.constant 0 : i32
      %dma_wait3A_2308 = arith.constant 0 : i32
      %dma_wait3A_2309 = tpu.memref_slice %arg7[%dma_wait3A_2298, %dma_wait3A_2307, %dma_wait3A_2308] : memref<8x80x128xf32, #tpu.memory_space<vmem>> -> memref<1x80x128xf32, #tpu.memory_space<vmem>>
      %dma_wait3A_2310 = tpu.memref_squeeze %dma_wait3A_2309 : memref<1x80x128xf32, #tpu.memory_space<vmem>> -> memref<80x128xf32, #tpu.memory_space<vmem>>
      tpu.wait_dma2 semaphore(%arg21 : memref<!tpu.dma_semaphore, #tpu.memory_space<semaphore_mem>>) src(%dma_wait3A_2310 : memref<80x128xf32, #tpu.memory_space<vmem>>) dst(%dma_wait3A_2306 : memref<80x128xf32, #tpu.memory_space<hbm>>)
      %add3A_2311 = arith.constant 4 : i32
      %add3A_2312 = arith.addi %add3A_2289, %add3A_2311 : i32
      %min3A_2313 = arith.constant 39 : i32
      %min3A_2314 = arith.minsi %add3A_2312, %min3A_2313 : i32
      %mul3A_2315 = arith.constant 80 : i32
      %mul3A_2316 = arith.muli %min3A_2314, %mul3A_2315 : i32
      %multiple_of3A_2317 = tpu.assume_multiple %mul3A_2316, 8 : i32
      %add3A_2318 = arith.constant 40 : i32
      %add3A_2319 = arith.addi %multiple_of3A_2317, %add3A_2318 : i32
      %multiple_of3A_2320 = tpu.assume_multiple %add3A_2319, 8 : i32
      %dma_start3A_2321 = arith.constant 4 : i32
      %dma_start3A_2322 = arith.constant 0 : i32
      %dma_start3A_2323 = arith.constant 0 : i32
      %dma_start3A_2324 = tpu.memref_slice %arg7[%dma_start3A_2321, %dma_start3A_2322, %dma_start3A_2323] : memref<8x80x128xf32, #tpu.memory_space<vmem>> -> memref<1x40x128xf32, #tpu.memory_space<vmem>>
      %dma_start3A_2325 = tpu.memref_squeeze %dma_start3A_2324 : memref<1x40x128xf32, #tpu.memory_space<vmem>> -> memref<40x128xf32, #tpu.memory_space<vmem>>
      %dma_start3A_2326 = tpu.memref_slice %arg6[%multiple_of3A_2317] : memref<3200xi32, #tpu.memory_space<vmem>> -> memref<40xi32, #tpu.memory_space<vmem>>
      %dma_start3A_2327 = arith.constant 0 : i32
      %dma_start3A_2328 = arith.constant 0 : i32
      %dma_start3A_2329 = tpu.memref_slice %arg5[%dma_start3A_2327, %dma_start3A_2328] : memref<128x128xf32, #tpu.memory_space<vmem_shared>> -> memref<128x128xf32, #tpu.memory_space<vmem_shared>>
      tpu.enqueue_indirect_dma source(%dma_start3A_2329 : memref<128x128xf32, #tpu.memory_space<vmem_shared>>) target(%dma_start3A_2325 : memref<40x128xf32, #tpu.memory_space<vmem>>) offsets(%dma_start3A_2326 : memref<40xi32, #tpu.memory_space<vmem>>) semaphore(%arg13 : memref<!tpu.dma_semaphore, #tpu.memory_space<semaphore_mem>>)
      %dma_start3A_2330 = arith.constant 4 : i32
      %dma_start3A_2331 = arith.constant 40 : i32
      %dma_start3A_2332 = arith.constant 0 : i32
      %dma_start3A_2333 = tpu.memref_slice %arg7[%dma_start3A_2330, %dma_start3A_2331, %dma_start3A_2332] : memref<8x80x128xf32, #tpu.memory_space<vmem>> -> memref<1x40x128xf32, #tpu.memory_space<vmem>>
      %dma_start3A_2334 = tpu.memref_squeeze %dma_start3A_2333 : memref<1x40x128xf32, #tpu.memory_space<vmem>> -> memref<40x128xf32, #tpu.memory_space<vmem>>
      %dma_start3A_2335 = tpu.memref_slice %arg6[%multiple_of3A_2320] : memref<3200xi32, #tpu.memory_space<vmem>> -> memref<40xi32, #tpu.memory_space<vmem>>
      %dma_start3A_2336 = arith.constant 0 : i32
      %dma_start3A_2337 = arith.constant 0 : i32
      %dma_start3A_2338 = tpu.memref_slice %arg5[%dma_start3A_2336, %dma_start3A_2337] : memref<128x128xf32, #tpu.memory_space<vmem_shared>> -> memref<128x128xf32, #tpu.memory_space<vmem_shared>>
      tpu.enqueue_indirect_dma source(%dma_start3A_2338 : memref<128x128xf32, #tpu.memory_space<vmem_shared>>) target(%dma_start3A_2334 : memref<40x128xf32, #tpu.memory_space<vmem>>) offsets(%dma_start3A_2335 : memref<40xi32, #tpu.memory_space<vmem>>) semaphore(%arg13 : memref<!tpu.dma_semaphore, #tpu.memory_space<semaphore_mem>>)
      %min3A_2339 = arith.constant 39 : i32
      %min3A_2340 = arith.minsi %add3A_2289, %min3A_2339 : i32
      %mul3A_2341 = arith.constant 80 : i32
      %mul3A_2342 = arith.muli %min3A_2340, %mul3A_2341 : i32
      %multiple_of3A_2343 = tpu.assume_multiple %mul3A_2342, 8 : i32
      %add3A_2344 = arith.constant 40 : i32
      %add3A_2345 = arith.addi %multiple_of3A_2343, %add3A_2344 : i32
      %multiple_of3A_2346 = tpu.assume_multiple %add3A_2345, 8 : i32
      %dma_wait3A_2347 = arith.constant 0 : i32
      %dma_wait3A_2348 = arith.constant 0 : i32
      %dma_wait3A_2349 = arith.constant 0 : i32
      %dma_wait3A_2350 = tpu.memref_slice %arg7[%dma_wait3A_2347, %dma_wait3A_2348, %dma_wait3A_2349] : memref<8x80x128xf32, #tpu.memory_space<vmem>> -> memref<1x40x128xf32, #tpu.memory_space<vmem>>
      %dma_wait3A_2351 = tpu.memref_squeeze %dma_wait3A_2350 : memref<1x40x128xf32, #tpu.memory_space<vmem>> -> memref<40x128xf32, #tpu.memory_space<vmem>>
      %dma_wait3A_2352 = tpu.memref_slice %arg6[%multiple_of3A_2343] : memref<3200xi32, #tpu.memory_space<vmem>> -> memref<40xi32, #tpu.memory_space<vmem>>
      %dma_wait3A_2353 = arith.constant 0 : i32
      %dma_wait3A_2354 = arith.constant 0 : i32
      %dma_wait3A_2355 = tpu.memref_slice %arg5[%dma_wait3A_2353, %dma_wait3A_2354] : memref<128x128xf32, #tpu.memory_space<vmem_shared>> -> memref<128x128xf32, #tpu.memory_space<vmem_shared>>
      tpu.wait_indirect_dma semaphore(%arg9 : memref<!tpu.dma_semaphore, #tpu.memory_space<semaphore_mem>>) src(%dma_wait3A_2355 : memref<128x128xf32, #tpu.memory_space<vmem_shared>>) dst(%dma_wait3A_2351 : memref<40x128xf32, #tpu.memory_space<vmem>>)
      %dma_wait3A_2356 = arith.constant 0 : i32
      %dma_wait3A_2357 = arith.constant 40 : i32
      %dma_wait3A_2358 = arith.constant 0 : i32
      %dma_wait3A_2359 = tpu.memref_slice %arg7[%dma_wait3A_2356, %dma_wait3A_2357, %dma_wait3A_2358] : memref<8x80x128xf32, #tpu.memory_space<vmem>> -> memref<1x40x128xf32, #tpu.memory_space<vmem>>
      %dma_wait3A_2360 = tpu.memref_squeeze %dma_wait3A_2359 : memref<1x40x128xf32, #tpu.memory_space<vmem>> -> memref<40x128xf32, #tpu.memory_space<vmem>>
      %dma_wait3A_2361 = tpu.memref_slice %arg6[%multiple_of3A_2346] : memref<3200xi32, #tpu.memory_space<vmem>> -> memref<40xi32, #tpu.memory_space<vmem>>
      %dma_wait3A_2362 = arith.constant 0 : i32
      %dma_wait3A_2363 = arith.constant 0 : i32
      %dma_wait3A_2364 = tpu.memref_slice %arg5[%dma_wait3A_2362, %dma_wait3A_2363] : memref<128x128xf32, #tpu.memory_space<vmem_shared>> -> memref<128x128xf32, #tpu.memory_space<vmem_shared>>
      tpu.wait_indirect_dma semaphore(%arg9 : memref<!tpu.dma_semaphore, #tpu.memory_space<semaphore_mem>>) src(%dma_wait3A_2364 : memref<128x128xf32, #tpu.memory_space<vmem_shared>>) dst(%dma_wait3A_2360 : memref<40x128xf32, #tpu.memory_space<vmem>>)
      %min3A_2365 = arith.constant 39 : i32
      %min3A_2366 = arith.minsi %add3A_2289, %min3A_2365 : i32
      %mul3A_2367 = arith.constant 80 : i32
      %mul3A_2368 = arith.muli %min3A_2366, %mul3A_2367 : i32
      %add3A_2369 = arith.addi %multiple_of3A, %mul3A_2368 : i32
      %multiple_of3A_2370 = tpu.assume_multiple %add3A_2369, 8 : i32
      %dma_start3A_2371 = arith.constant 0 : i32
      %dma_start3A_2372 = arith.constant 0 : i32
      %dma_start3A_2373 = arith.constant 0 : i32
      %dma_start3A_2374 = tpu.memref_slice %arg7[%dma_start3A_2371, %dma_start3A_2372, %dma_start3A_2373] : memref<8x80x128xf32, #tpu.memory_space<vmem>> -> memref<1x80x128xf32, #tpu.memory_space<vmem>>
      %dma_start3A_2375 = tpu.memref_squeeze %dma_start3A_2374 : memref<1x80x128xf32, #tpu.memory_space<vmem>> -> memref<80x128xf32, #tpu.memory_space<vmem>>
      %dma_start3A_2376 = arith.constant 0 : i32
      %dma_start3A_2377 = tpu.memref_slice %arg4[%multiple_of3A_2370, %dma_start3A_2376] : memref<100000x128xf32, #tpu.memory_space<hbm>> -> memref<80x128xf32, #tpu.memory_space<hbm>>
      %dma_start3A_2378 = arith.constant 0 : i32
      %dma_start3A_2379 = tpu.memref_slice %arg4[%multiple_of3A_2370, %dma_start3A_2378] : memref<100000x128xf32, #tpu.memory_space<hbm>> -> memref<80x128xf32, #tpu.memory_space<hbm>>
      %dma_start3A_2380 = arith.constant 0 : i32
      %dma_start3A_2381 = arith.constant 0 : i32
      %dma_start3A_2382 = tpu.memref_slice %arg7[%dma_start3A_2371, %dma_start3A_2380, %dma_start3A_2381] : memref<8x80x128xf32, #tpu.memory_space<vmem>> -> memref<1x80x128xf32, #tpu.memory_space<vmem>>
      %dma_start3A_2383 = tpu.memref_squeeze %dma_start3A_2382 : memref<1x80x128xf32, #tpu.memory_space<vmem>> -> memref<80x128xf32, #tpu.memory_space<vmem>>
      tpu.enqueue_dma source(%dma_start3A_2383 : memref<80x128xf32, #tpu.memory_space<vmem>>) target(%dma_start3A_2379 : memref<80x128xf32, #tpu.memory_space<hbm>>) target_semaphore(%arg17 : memref<!tpu.dma_semaphore, #tpu.memory_space<semaphore_mem>>)
      %add3A_2384 = arith.constant 5 : i32
      %add3A_2385 = arith.addi %add3A_1903, %add3A_2384 : i32
      %sub3A_2386 = arith.constant 4 : i32
      %sub3A_2387 = arith.subi %add3A_2385, %sub3A_2386 : i32
      %min3A_2388 = arith.constant 39 : i32
      %min3A_2389 = arith.minsi %sub3A_2387, %min3A_2388 : i32
      %mul3A_2390 = arith.constant 80 : i32
      %mul3A_2391 = arith.muli %min3A_2389, %mul3A_2390 : i32
      %add3A_2392 = arith.addi %multiple_of3A, %mul3A_2391 : i32
      %multiple_of3A_2393 = tpu.assume_multiple %add3A_2392, 8 : i32
      %dma_wait3A_2394 = arith.constant 5 : i32
      %dma_wait3A_2395 = arith.constant 0 : i32
      %dma_wait3A_2396 = arith.constant 0 : i32
      %dma_wait3A_2397 = tpu.memref_slice %arg7[%dma_wait3A_2394, %dma_wait3A_2395, %dma_wait3A_2396] : memref<8x80x128xf32, #tpu.memory_space<vmem>> -> memref<1x80x128xf32, #tpu.memory_space<vmem>>
      %dma_wait3A_2398 = tpu.memref_squeeze %dma_wait3A_2397 : memref<1x80x128xf32, #tpu.memory_space<vmem>> -> memref<80x128xf32, #tpu.memory_space<vmem>>
      %dma_wait3A_2399 = arith.constant 0 : i32
      %dma_wait3A_2400 = tpu.memref_slice %arg4[%multiple_of3A_2393, %dma_wait3A_2399] : memref<100000x128xf32, #tpu.memory_space<hbm>> -> memref<80x128xf32, #tpu.memory_space<hbm>>
      %dma_wait3A_2401 = arith.constant 0 : i32
      %dma_wait3A_2402 = tpu.memref_slice %arg4[%multiple_of3A_2393, %dma_wait3A_2401] : memref<100000x128xf32, #tpu.memory_space<hbm>> -> memref<80x128xf32, #tpu.memory_space<hbm>>
      %dma_wait3A_2403 = arith.constant 0 : i32
      %dma_wait3A_2404 = arith.constant 0 : i32
      %dma_wait3A_2405 = tpu.memref_slice %arg7[%dma_wait3A_2394, %dma_wait3A_2403, %dma_wait3A_2404] : memref<8x80x128xf32, #tpu.memory_space<vmem>> -> memref<1x80x128xf32, #tpu.memory_space<vmem>>
      %dma_wait3A_2406 = tpu.memref_squeeze %dma_wait3A_2405 : memref<1x80x128xf32, #tpu.memory_space<vmem>> -> memref<80x128xf32, #tpu.memory_space<vmem>>
      tpu.wait_dma2 semaphore(%arg22 : memref<!tpu.dma_semaphore, #tpu.memory_space<semaphore_mem>>) src(%dma_wait3A_2406 : memref<80x128xf32, #tpu.memory_space<vmem>>) dst(%dma_wait3A_2402 : memref<80x128xf32, #tpu.memory_space<hbm>>)
      %add3A_2407 = arith.constant 4 : i32
      %add3A_2408 = arith.addi %add3A_2385, %add3A_2407 : i32
      %min3A_2409 = arith.constant 39 : i32
      %min3A_2410 = arith.minsi %add3A_2408, %min3A_2409 : i32
      %mul3A_2411 = arith.constant 80 : i32
      %mul3A_2412 = arith.muli %min3A_2410, %mul3A_2411 : i32
      %multiple_of3A_2413 = tpu.assume_multiple %mul3A_2412, 8 : i32
      %add3A_2414 = arith.constant 40 : i32
      %add3A_2415 = arith.addi %multiple_of3A_2413, %add3A_2414 : i32
      %multiple_of3A_2416 = tpu.assume_multiple %add3A_2415, 8 : i32
      %dma_start3A_2417 = arith.constant 5 : i32
      %dma_start3A_2418 = arith.constant 0 : i32
      %dma_start3A_2419 = arith.constant 0 : i32
      %dma_start3A_2420 = tpu.memref_slice %arg7[%dma_start3A_2417, %dma_start3A_2418, %dma_start3A_2419] : memref<8x80x128xf32, #tpu.memory_space<vmem>> -> memref<1x40x128xf32, #tpu.memory_space<vmem>>
      %dma_start3A_2421 = tpu.memref_squeeze %dma_start3A_2420 : memref<1x40x128xf32, #tpu.memory_space<vmem>> -> memref<40x128xf32, #tpu.memory_space<vmem>>
      %dma_start3A_2422 = tpu.memref_slice %arg6[%multiple_of3A_2413] : memref<3200xi32, #tpu.memory_space<vmem>> -> memref<40xi32, #tpu.memory_space<vmem>>
      %dma_start3A_2423 = arith.constant 0 : i32
      %dma_start3A_2424 = arith.constant 0 : i32
      %dma_start3A_2425 = tpu.memref_slice %arg5[%dma_start3A_2423, %dma_start3A_2424] : memref<128x128xf32, #tpu.memory_space<vmem_shared>> -> memref<128x128xf32, #tpu.memory_space<vmem_shared>>
      tpu.enqueue_indirect_dma source(%dma_start3A_2425 : memref<128x128xf32, #tpu.memory_space<vmem_shared>>) target(%dma_start3A_2421 : memref<40x128xf32, #tpu.memory_space<vmem>>) offsets(%dma_start3A_2422 : memref<40xi32, #tpu.memory_space<vmem>>) semaphore(%arg14 : memref<!tpu.dma_semaphore, #tpu.memory_space<semaphore_mem>>)
      %dma_start3A_2426 = arith.constant 5 : i32
      %dma_start3A_2427 = arith.constant 40 : i32
      %dma_start3A_2428 = arith.constant 0 : i32
      %dma_start3A_2429 = tpu.memref_slice %arg7[%dma_start3A_2426, %dma_start3A_2427, %dma_start3A_2428] : memref<8x80x128xf32, #tpu.memory_space<vmem>> -> memref<1x40x128xf32, #tpu.memory_space<vmem>>
      %dma_start3A_2430 = tpu.memref_squeeze %dma_start3A_2429 : memref<1x40x128xf32, #tpu.memory_space<vmem>> -> memref<40x128xf32, #tpu.memory_space<vmem>>
      %dma_start3A_2431 = tpu.memref_slice %arg6[%multiple_of3A_2416] : memref<3200xi32, #tpu.memory_space<vmem>> -> memref<40xi32, #tpu.memory_space<vmem>>
      %dma_start3A_2432 = arith.constant 0 : i32
      %dma_start3A_2433 = arith.constant 0 : i32
      %dma_start3A_2434 = tpu.memref_slice %arg5[%dma_start3A_2432, %dma_start3A_2433] : memref<128x128xf32, #tpu.memory_space<vmem_shared>> -> memref<128x128xf32, #tpu.memory_space<vmem_shared>>
      tpu.enqueue_indirect_dma source(%dma_start3A_2434 : memref<128x128xf32, #tpu.memory_space<vmem_shared>>) target(%dma_start3A_2430 : memref<40x128xf32, #tpu.memory_space<vmem>>) offsets(%dma_start3A_2431 : memref<40xi32, #tpu.memory_space<vmem>>) semaphore(%arg14 : memref<!tpu.dma_semaphore, #tpu.memory_space<semaphore_mem>>)
      %min3A_2435 = arith.constant 39 : i32
      %min3A_2436 = arith.minsi %add3A_2385, %min3A_2435 : i32
      %mul3A_2437 = arith.constant 80 : i32
      %mul3A_2438 = arith.muli %min3A_2436, %mul3A_2437 : i32
      %multiple_of3A_2439 = tpu.assume_multiple %mul3A_2438, 8 : i32
      %add3A_2440 = arith.constant 40 : i32
      %add3A_2441 = arith.addi %multiple_of3A_2439, %add3A_2440 : i32
      %multiple_of3A_2442 = tpu.assume_multiple %add3A_2441, 8 : i32
      %dma_wait3A_2443 = arith.constant 1 : i32
      %dma_wait3A_2444 = arith.constant 0 : i32
      %dma_wait3A_2445 = arith.constant 0 : i32
      %dma_wait3A_2446 = tpu.memref_slice %arg7[%dma_wait3A_2443, %dma_wait3A_2444, %dma_wait3A_2445] : memref<8x80x128xf32, #tpu.memory_space<vmem>> -> memref<1x40x128xf32, #tpu.memory_space<vmem>>
      %dma_wait3A_2447 = tpu.memref_squeeze %dma_wait3A_2446 : memref<1x40x128xf32, #tpu.memory_space<vmem>> -> memref<40x128xf32, #tpu.memory_space<vmem>>
      %dma_wait3A_2448 = tpu.memref_slice %arg6[%multiple_of3A_2439] : memref<3200xi32, #tpu.memory_space<vmem>> -> memref<40xi32, #tpu.memory_space<vmem>>
      %dma_wait3A_2449 = arith.constant 0 : i32
      %dma_wait3A_2450 = arith.constant 0 : i32
      %dma_wait3A_2451 = tpu.memref_slice %arg5[%dma_wait3A_2449, %dma_wait3A_2450] : memref<128x128xf32, #tpu.memory_space<vmem_shared>> -> memref<128x128xf32, #tpu.memory_space<vmem_shared>>
      tpu.wait_indirect_dma semaphore(%arg10 : memref<!tpu.dma_semaphore, #tpu.memory_space<semaphore_mem>>) src(%dma_wait3A_2451 : memref<128x128xf32, #tpu.memory_space<vmem_shared>>) dst(%dma_wait3A_2447 : memref<40x128xf32, #tpu.memory_space<vmem>>)
      %dma_wait3A_2452 = arith.constant 1 : i32
      %dma_wait3A_2453 = arith.constant 40 : i32
      %dma_wait3A_2454 = arith.constant 0 : i32
      %dma_wait3A_2455 = tpu.memref_slice %arg7[%dma_wait3A_2452, %dma_wait3A_2453, %dma_wait3A_2454] : memref<8x80x128xf32, #tpu.memory_space<vmem>> -> memref<1x40x128xf32, #tpu.memory_space<vmem>>
      %dma_wait3A_2456 = tpu.memref_squeeze %dma_wait3A_2455 : memref<1x40x128xf32, #tpu.memory_space<vmem>> -> memref<40x128xf32, #tpu.memory_space<vmem>>
      %dma_wait3A_2457 = tpu.memref_slice %arg6[%multiple_of3A_2442] : memref<3200xi32, #tpu.memory_space<vmem>> -> memref<40xi32, #tpu.memory_space<vmem>>
      %dma_wait3A_2458 = arith.constant 0 : i32
      %dma_wait3A_2459 = arith.constant 0 : i32
      %dma_wait3A_2460 = tpu.memref_slice %arg5[%dma_wait3A_2458, %dma_wait3A_2459] : memref<128x128xf32, #tpu.memory_space<vmem_shared>> -> memref<128x128xf32, #tpu.memory_space<vmem_shared>>
      tpu.wait_indirect_dma semaphore(%arg10 : memref<!tpu.dma_semaphore, #tpu.memory_space<semaphore_mem>>) src(%dma_wait3A_2460 : memref<128x128xf32, #tpu.memory_space<vmem_shared>>) dst(%dma_wait3A_2456 : memref<40x128xf32, #tpu.memory_space<vmem>>)
      %min3A_2461 = arith.constant 39 : i32
      %min3A_2462 = arith.minsi %add3A_2385, %min3A_2461 : i32
      %mul3A_2463 = arith.constant 80 : i32
      %mul3A_2464 = arith.muli %min3A_2462, %mul3A_2463 : i32
      %add3A_2465 = arith.addi %multiple_of3A, %mul3A_2464 : i32
      %multiple_of3A_2466 = tpu.assume_multiple %add3A_2465, 8 : i32
      %dma_start3A_2467 = arith.constant 1 : i32
      %dma_start3A_2468 = arith.constant 0 : i32
      %dma_start3A_2469 = arith.constant 0 : i32
      %dma_start3A_2470 = tpu.memref_slice %arg7[%dma_start3A_2467, %dma_start3A_2468, %dma_start3A_2469] : memref<8x80x128xf32, #tpu.memory_space<vmem>> -> memref<1x80x128xf32, #tpu.memory_space<vmem>>
      %dma_start3A_2471 = tpu.memref_squeeze %dma_start3A_2470 : memref<1x80x128xf32, #tpu.memory_space<vmem>> -> memref<80x128xf32, #tpu.memory_space<vmem>>
      %dma_start3A_2472 = arith.constant 0 : i32
      %dma_start3A_2473 = tpu.memref_slice %arg4[%multiple_of3A_2466, %dma_start3A_2472] : memref<100000x128xf32, #tpu.memory_space<hbm>> -> memref<80x128xf32, #tpu.memory_space<hbm>>
      %dma_start3A_2474 = arith.constant 0 : i32
      %dma_start3A_2475 = tpu.memref_slice %arg4[%multiple_of3A_2466, %dma_start3A_2474] : memref<100000x128xf32, #tpu.memory_space<hbm>> -> memref<80x128xf32, #tpu.memory_space<hbm>>
      %dma_start3A_2476 = arith.constant 0 : i32
      %dma_start3A_2477 = arith.constant 0 : i32
      %dma_start3A_2478 = tpu.memref_slice %arg7[%dma_start3A_2467, %dma_start3A_2476, %dma_start3A_2477] : memref<8x80x128xf32, #tpu.memory_space<vmem>> -> memref<1x80x128xf32, #tpu.memory_space<vmem>>
      %dma_start3A_2479 = tpu.memref_squeeze %dma_start3A_2478 : memref<1x80x128xf32, #tpu.memory_space<vmem>> -> memref<80x128xf32, #tpu.memory_space<vmem>>
      tpu.enqueue_dma source(%dma_start3A_2479 : memref<80x128xf32, #tpu.memory_space<vmem>>) target(%dma_start3A_2475 : memref<80x128xf32, #tpu.memory_space<hbm>>) target_semaphore(%arg18 : memref<!tpu.dma_semaphore, #tpu.memory_space<semaphore_mem>>)
      %add3A_2480 = arith.constant 6 : i32
      %add3A_2481 = arith.addi %add3A_1903, %add3A_2480 : i32
      %sub3A_2482 = arith.constant 4 : i32
      %sub3A_2483 = arith.subi %add3A_2481, %sub3A_2482 : i32
      %min3A_2484 = arith.constant 39 : i32
      %min3A_2485 = arith.minsi %sub3A_2483, %min3A_2484 : i32
      %mul3A_2486 = arith.constant 80 : i32
      %mul3A_2487 = arith.muli %min3A_2485, %mul3A_2486 : i32
      %add3A_2488 = arith.addi %multiple_of3A, %mul3A_2487 : i32
      %multiple_of3A_2489 = tpu.assume_multiple %add3A_2488, 8 : i32
      %dma_wait3A_2490 = arith.constant 6 : i32
      %dma_wait3A_2491 = arith.constant 0 : i32
      %dma_wait3A_2492 = arith.constant 0 : i32
      %dma_wait3A_2493 = tpu.memref_slice %arg7[%dma_wait3A_2490, %dma_wait3A_2491, %dma_wait3A_2492] : memref<8x80x128xf32, #tpu.memory_space<vmem>> -> memref<1x80x128xf32, #tpu.memory_space<vmem>>
      %dma_wait3A_2494 = tpu.memref_squeeze %dma_wait3A_2493 : memref<1x80x128xf32, #tpu.memory_space<vmem>> -> memref<80x128xf32, #tpu.memory_space<vmem>>
      %dma_wait3A_2495 = arith.constant 0 : i32
      %dma_wait3A_2496 = tpu.memref_slice %arg4[%multiple_of3A_2489, %dma_wait3A_2495] : memref<100000x128xf32, #tpu.memory_space<hbm>> -> memref<80x128xf32, #tpu.memory_space<hbm>>
      %dma_wait3A_2497 = arith.constant 0 : i32
      %dma_wait3A_2498 = tpu.memref_slice %arg4[%multiple_of3A_2489, %dma_wait3A_2497] : memref<100000x128xf32, #tpu.memory_space<hbm>> -> memref<80x128xf32, #tpu.memory_space<hbm>>
      %dma_wait3A_2499 = arith.constant 0 : i32
      %dma_wait3A_2500 = arith.constant 0 : i32
      %dma_wait3A_2501 = tpu.memref_slice %arg7[%dma_wait3A_2490, %dma_wait3A_2499, %dma_wait3A_2500] : memref<8x80x128xf32, #tpu.memory_space<vmem>> -> memref<1x80x128xf32, #tpu.memory_space<vmem>>
      %dma_wait3A_2502 = tpu.memref_squeeze %dma_wait3A_2501 : memref<1x80x128xf32, #tpu.memory_space<vmem>> -> memref<80x128xf32, #tpu.memory_space<vmem>>
      tpu.wait_dma2 semaphore(%arg23 : memref<!tpu.dma_semaphore, #tpu.memory_space<semaphore_mem>>) src(%dma_wait3A_2502 : memref<80x128xf32, #tpu.memory_space<vmem>>) dst(%dma_wait3A_2498 : memref<80x128xf32, #tpu.memory_space<hbm>>)
      %add3A_2503 = arith.constant 4 : i32
      %add3A_2504 = arith.addi %add3A_2481, %add3A_2503 : i32
      %min3A_2505 = arith.constant 39 : i32
      %min3A_2506 = arith.minsi %add3A_2504, %min3A_2505 : i32
      %mul3A_2507 = arith.constant 80 : i32
      %mul3A_2508 = arith.muli %min3A_2506, %mul3A_2507 : i32
      %multiple_of3A_2509 = tpu.assume_multiple %mul3A_2508, 8 : i32
      %add3A_2510 = arith.constant 40 : i32
      %add3A_2511 = arith.addi %multiple_of3A_2509, %add3A_2510 : i32
      %multiple_of3A_2512 = tpu.assume_multiple %add3A_2511, 8 : i32
      %dma_start3A_2513 = arith.constant 6 : i32
      %dma_start3A_2514 = arith.constant 0 : i32
      %dma_start3A_2515 = arith.constant 0 : i32
      %dma_start3A_2516 = tpu.memref_slice %arg7[%dma_start3A_2513, %dma_start3A_2514, %dma_start3A_2515] : memref<8x80x128xf32, #tpu.memory_space<vmem>> -> memref<1x40x128xf32, #tpu.memory_space<vmem>>
      %dma_start3A_2517 = tpu.memref_squeeze %dma_start3A_2516 : memref<1x40x128xf32, #tpu.memory_space<vmem>> -> memref<40x128xf32, #tpu.memory_space<vmem>>
      %dma_start3A_2518 = tpu.memref_slice %arg6[%multiple_of3A_2509] : memref<3200xi32, #tpu.memory_space<vmem>> -> memref<40xi32, #tpu.memory_space<vmem>>
      %dma_start3A_2519 = arith.constant 0 : i32
      %dma_start3A_2520 = arith.constant 0 : i32
      %dma_start3A_2521 = tpu.memref_slice %arg5[%dma_start3A_2519, %dma_start3A_2520] : memref<128x128xf32, #tpu.memory_space<vmem_shared>> -> memref<128x128xf32, #tpu.memory_space<vmem_shared>>
      tpu.enqueue_indirect_dma source(%dma_start3A_2521 : memref<128x128xf32, #tpu.memory_space<vmem_shared>>) target(%dma_start3A_2517 : memref<40x128xf32, #tpu.memory_space<vmem>>) offsets(%dma_start3A_2518 : memref<40xi32, #tpu.memory_space<vmem>>) semaphore(%arg15 : memref<!tpu.dma_semaphore, #tpu.memory_space<semaphore_mem>>)
      %dma_start3A_2522 = arith.constant 6 : i32
      %dma_start3A_2523 = arith.constant 40 : i32
      %dma_start3A_2524 = arith.constant 0 : i32
      %dma_start3A_2525 = tpu.memref_slice %arg7[%dma_start3A_2522, %dma_start3A_2523, %dma_start3A_2524] : memref<8x80x128xf32, #tpu.memory_space<vmem>> -> memref<1x40x128xf32, #tpu.memory_space<vmem>>
      %dma_start3A_2526 = tpu.memref_squeeze %dma_start3A_2525 : memref<1x40x128xf32, #tpu.memory_space<vmem>> -> memref<40x128xf32, #tpu.memory_space<vmem>>
      %dma_start3A_2527 = tpu.memref_slice %arg6[%multiple_of3A_2512] : memref<3200xi32, #tpu.memory_space<vmem>> -> memref<40xi32, #tpu.memory_space<vmem>>
      %dma_start3A_2528 = arith.constant 0 : i32
      %dma_start3A_2529 = arith.constant 0 : i32
      %dma_start3A_2530 = tpu.memref_slice %arg5[%dma_start3A_2528, %dma_start3A_2529] : memref<128x128xf32, #tpu.memory_space<vmem_shared>> -> memref<128x128xf32, #tpu.memory_space<vmem_shared>>
      tpu.enqueue_indirect_dma source(%dma_start3A_2530 : memref<128x128xf32, #tpu.memory_space<vmem_shared>>) target(%dma_start3A_2526 : memref<40x128xf32, #tpu.memory_space<vmem>>) offsets(%dma_start3A_2527 : memref<40xi32, #tpu.memory_space<vmem>>) semaphore(%arg15 : memref<!tpu.dma_semaphore, #tpu.memory_space<semaphore_mem>>)
      %min3A_2531 = arith.constant 39 : i32
      %min3A_2532 = arith.minsi %add3A_2481, %min3A_2531 : i32
      %mul3A_2533 = arith.constant 80 : i32
      %mul3A_2534 = arith.muli %min3A_2532, %mul3A_2533 : i32
      %multiple_of3A_2535 = tpu.assume_multiple %mul3A_2534, 8 : i32
      %add3A_2536 = arith.constant 40 : i32
      %add3A_2537 = arith.addi %multiple_of3A_2535, %add3A_2536 : i32
      %multiple_of3A_2538 = tpu.assume_multiple %add3A_2537, 8 : i32
      %dma_wait3A_2539 = arith.constant 2 : i32
      %dma_wait3A_2540 = arith.constant 0 : i32
      %dma_wait3A_2541 = arith.constant 0 : i32
      %dma_wait3A_2542 = tpu.memref_slice %arg7[%dma_wait3A_2539, %dma_wait3A_2540, %dma_wait3A_2541] : memref<8x80x128xf32, #tpu.memory_space<vmem>> -> memref<1x40x128xf32, #tpu.memory_space<vmem>>
      %dma_wait3A_2543 = tpu.memref_squeeze %dma_wait3A_2542 : memref<1x40x128xf32, #tpu.memory_space<vmem>> -> memref<40x128xf32, #tpu.memory_space<vmem>>
      %dma_wait3A_2544 = tpu.memref_slice %arg6[%multiple_of3A_2535] : memref<3200xi32, #tpu.memory_space<vmem>> -> memref<40xi32, #tpu.memory_space<vmem>>
      %dma_wait3A_2545 = arith.constant 0 : i32
      %dma_wait3A_2546 = arith.constant 0 : i32
      %dma_wait3A_2547 = tpu.memref_slice %arg5[%dma_wait3A_2545, %dma_wait3A_2546] : memref<128x128xf32, #tpu.memory_space<vmem_shared>> -> memref<128x128xf32, #tpu.memory_space<vmem_shared>>
      tpu.wait_indirect_dma semaphore(%arg11 : memref<!tpu.dma_semaphore, #tpu.memory_space<semaphore_mem>>) src(%dma_wait3A_2547 : memref<128x128xf32, #tpu.memory_space<vmem_shared>>) dst(%dma_wait3A_2543 : memref<40x128xf32, #tpu.memory_space<vmem>>)
      %dma_wait3A_2548 = arith.constant 2 : i32
      %dma_wait3A_2549 = arith.constant 40 : i32
      %dma_wait3A_2550 = arith.constant 0 : i32
      %dma_wait3A_2551 = tpu.memref_slice %arg7[%dma_wait3A_2548, %dma_wait3A_2549, %dma_wait3A_2550] : memref<8x80x128xf32, #tpu.memory_space<vmem>> -> memref<1x40x128xf32, #tpu.memory_space<vmem>>
      %dma_wait3A_2552 = tpu.memref_squeeze %dma_wait3A_2551 : memref<1x40x128xf32, #tpu.memory_space<vmem>> -> memref<40x128xf32, #tpu.memory_space<vmem>>
      %dma_wait3A_2553 = tpu.memref_slice %arg6[%multiple_of3A_2538] : memref<3200xi32, #tpu.memory_space<vmem>> -> memref<40xi32, #tpu.memory_space<vmem>>
      %dma_wait3A_2554 = arith.constant 0 : i32
      %dma_wait3A_2555 = arith.constant 0 : i32
      %dma_wait3A_2556 = tpu.memref_slice %arg5[%dma_wait3A_2554, %dma_wait3A_2555] : memref<128x128xf32, #tpu.memory_space<vmem_shared>> -> memref<128x128xf32, #tpu.memory_space<vmem_shared>>
      tpu.wait_indirect_dma semaphore(%arg11 : memref<!tpu.dma_semaphore, #tpu.memory_space<semaphore_mem>>) src(%dma_wait3A_2556 : memref<128x128xf32, #tpu.memory_space<vmem_shared>>) dst(%dma_wait3A_2552 : memref<40x128xf32, #tpu.memory_space<vmem>>)
      %min3A_2557 = arith.constant 39 : i32
      %min3A_2558 = arith.minsi %add3A_2481, %min3A_2557 : i32
      %mul3A_2559 = arith.constant 80 : i32
      %mul3A_2560 = arith.muli %min3A_2558, %mul3A_2559 : i32
      %add3A_2561 = arith.addi %multiple_of3A, %mul3A_2560 : i32
      %multiple_of3A_2562 = tpu.assume_multiple %add3A_2561, 8 : i32
      %dma_start3A_2563 = arith.constant 2 : i32
      %dma_start3A_2564 = arith.constant 0 : i32
      %dma_start3A_2565 = arith.constant 0 : i32
      %dma_start3A_2566 = tpu.memref_slice %arg7[%dma_start3A_2563, %dma_start3A_2564, %dma_start3A_2565] : memref<8x80x128xf32, #tpu.memory_space<vmem>> -> memref<1x80x128xf32, #tpu.memory_space<vmem>>
      %dma_start3A_2567 = tpu.memref_squeeze %dma_start3A_2566 : memref<1x80x128xf32, #tpu.memory_space<vmem>> -> memref<80x128xf32, #tpu.memory_space<vmem>>
      %dma_start3A_2568 = arith.constant 0 : i32
      %dma_start3A_2569 = tpu.memref_slice %arg4[%multiple_of3A_2562, %dma_start3A_2568] : memref<100000x128xf32, #tpu.memory_space<hbm>> -> memref<80x128xf32, #tpu.memory_space<hbm>>
      %dma_start3A_2570 = arith.constant 0 : i32
      %dma_start3A_2571 = tpu.memref_slice %arg4[%multiple_of3A_2562, %dma_start3A_2570] : memref<100000x128xf32, #tpu.memory_space<hbm>> -> memref<80x128xf32, #tpu.memory_space<hbm>>
      %dma_start3A_2572 = arith.constant 0 : i32
      %dma_start3A_2573 = arith.constant 0 : i32
      %dma_start3A_2574 = tpu.memref_slice %arg7[%dma_start3A_2563, %dma_start3A_2572, %dma_start3A_2573] : memref<8x80x128xf32, #tpu.memory_space<vmem>> -> memref<1x80x128xf32, #tpu.memory_space<vmem>>
      %dma_start3A_2575 = tpu.memref_squeeze %dma_start3A_2574 : memref<1x80x128xf32, #tpu.memory_space<vmem>> -> memref<80x128xf32, #tpu.memory_space<vmem>>
      tpu.enqueue_dma source(%dma_start3A_2575 : memref<80x128xf32, #tpu.memory_space<vmem>>) target(%dma_start3A_2571 : memref<80x128xf32, #tpu.memory_space<hbm>>) target_semaphore(%arg19 : memref<!tpu.dma_semaphore, #tpu.memory_space<semaphore_mem>>)
      %add3A_2576 = arith.constant 7 : i32
      %add3A_2577 = arith.addi %add3A_1903, %add3A_2576 : i32
      %sub3A_2578 = arith.constant 4 : i32
      %sub3A_2579 = arith.subi %add3A_2577, %sub3A_2578 : i32
      %min3A_2580 = arith.constant 39 : i32
      %min3A_2581 = arith.minsi %sub3A_2579, %min3A_2580 : i32
      %mul3A_2582 = arith.constant 80 : i32
      %mul3A_2583 = arith.muli %min3A_2581, %mul3A_2582 : i32
      %add3A_2584 = arith.addi %multiple_of3A, %mul3A_2583 : i32
      %multiple_of3A_2585 = tpu.assume_multiple %add3A_2584, 8 : i32
      %dma_wait3A_2586 = arith.constant 7 : i32
      %dma_wait3A_2587 = arith.constant 0 : i32
      %dma_wait3A_2588 = arith.constant 0 : i32
      %dma_wait3A_2589 = tpu.memref_slice %arg7[%dma_wait3A_2586, %dma_wait3A_2587, %dma_wait3A_2588] : memref<8x80x128xf32, #tpu.memory_space<vmem>> -> memref<1x80x128xf32, #tpu.memory_space<vmem>>
      %dma_wait3A_2590 = tpu.memref_squeeze %dma_wait3A_2589 : memref<1x80x128xf32, #tpu.memory_space<vmem>> -> memref<80x128xf32, #tpu.memory_space<vmem>>
      %dma_wait3A_2591 = arith.constant 0 : i32
      %dma_wait3A_2592 = tpu.memref_slice %arg4[%multiple_of3A_2585, %dma_wait3A_2591] : memref<100000x128xf32, #tpu.memory_space<hbm>> -> memref<80x128xf32, #tpu.memory_space<hbm>>
      %dma_wait3A_2593 = arith.constant 0 : i32
      %dma_wait3A_2594 = tpu.memref_slice %arg4[%multiple_of3A_2585, %dma_wait3A_2593] : memref<100000x128xf32, #tpu.memory_space<hbm>> -> memref<80x128xf32, #tpu.memory_space<hbm>>
      %dma_wait3A_2595 = arith.constant 0 : i32
      %dma_wait3A_2596 = arith.constant 0 : i32
      %dma_wait3A_2597 = tpu.memref_slice %arg7[%dma_wait3A_2586, %dma_wait3A_2595, %dma_wait3A_2596] : memref<8x80x128xf32, #tpu.memory_space<vmem>> -> memref<1x80x128xf32, #tpu.memory_space<vmem>>
      %dma_wait3A_2598 = tpu.memref_squeeze %dma_wait3A_2597 : memref<1x80x128xf32, #tpu.memory_space<vmem>> -> memref<80x128xf32, #tpu.memory_space<vmem>>
      tpu.wait_dma2 semaphore(%arg24 : memref<!tpu.dma_semaphore, #tpu.memory_space<semaphore_mem>>) src(%dma_wait3A_2598 : memref<80x128xf32, #tpu.memory_space<vmem>>) dst(%dma_wait3A_2594 : memref<80x128xf32, #tpu.memory_space<hbm>>)
      %add3A_2599 = arith.constant 4 : i32
      %add3A_2600 = arith.addi %add3A_2577, %add3A_2599 : i32
      %min3A_2601 = arith.constant 39 : i32
      %min3A_2602 = arith.minsi %add3A_2600, %min3A_2601 : i32
      %mul3A_2603 = arith.constant 80 : i32
      %mul3A_2604 = arith.muli %min3A_2602, %mul3A_2603 : i32
      %multiple_of3A_2605 = tpu.assume_multiple %mul3A_2604, 8 : i32
      %add3A_2606 = arith.constant 40 : i32
      %add3A_2607 = arith.addi %multiple_of3A_2605, %add3A_2606 : i32
      %multiple_of3A_2608 = tpu.assume_multiple %add3A_2607, 8 : i32
      %dma_start3A_2609 = arith.constant 7 : i32
      %dma_start3A_2610 = arith.constant 0 : i32
      %dma_start3A_2611 = arith.constant 0 : i32
      %dma_start3A_2612 = tpu.memref_slice %arg7[%dma_start3A_2609, %dma_start3A_2610, %dma_start3A_2611] : memref<8x80x128xf32, #tpu.memory_space<vmem>> -> memref<1x40x128xf32, #tpu.memory_space<vmem>>
      %dma_start3A_2613 = tpu.memref_squeeze %dma_start3A_2612 : memref<1x40x128xf32, #tpu.memory_space<vmem>> -> memref<40x128xf32, #tpu.memory_space<vmem>>
      %dma_start3A_2614 = tpu.memref_slice %arg6[%multiple_of3A_2605] : memref<3200xi32, #tpu.memory_space<vmem>> -> memref<40xi32, #tpu.memory_space<vmem>>
      %dma_start3A_2615 = arith.constant 0 : i32
      %dma_start3A_2616 = arith.constant 0 : i32
      %dma_start3A_2617 = tpu.memref_slice %arg5[%dma_start3A_2615, %dma_start3A_2616] : memref<128x128xf32, #tpu.memory_space<vmem_shared>> -> memref<128x128xf32, #tpu.memory_space<vmem_shared>>
      tpu.enqueue_indirect_dma source(%dma_start3A_2617 : memref<128x128xf32, #tpu.memory_space<vmem_shared>>) target(%dma_start3A_2613 : memref<40x128xf32, #tpu.memory_space<vmem>>) offsets(%dma_start3A_2614 : memref<40xi32, #tpu.memory_space<vmem>>) semaphore(%arg16 : memref<!tpu.dma_semaphore, #tpu.memory_space<semaphore_mem>>)
      %dma_start3A_2618 = arith.constant 7 : i32
      %dma_start3A_2619 = arith.constant 40 : i32
      %dma_start3A_2620 = arith.constant 0 : i32
      %dma_start3A_2621 = tpu.memref_slice %arg7[%dma_start3A_2618, %dma_start3A_2619, %dma_start3A_2620] : memref<8x80x128xf32, #tpu.memory_space<vmem>> -> memref<1x40x128xf32, #tpu.memory_space<vmem>>
      %dma_start3A_2622 = tpu.memref_squeeze %dma_start3A_2621 : memref<1x40x128xf32, #tpu.memory_space<vmem>> -> memref<40x128xf32, #tpu.memory_space<vmem>>
      %dma_start3A_2623 = tpu.memref_slice %arg6[%multiple_of3A_2608] : memref<3200xi32, #tpu.memory_space<vmem>> -> memref<40xi32, #tpu.memory_space<vmem>>
      %dma_start3A_2624 = arith.constant 0 : i32
      %dma_start3A_2625 = arith.constant 0 : i32
      %dma_start3A_2626 = tpu.memref_slice %arg5[%dma_start3A_2624, %dma_start3A_2625] : memref<128x128xf32, #tpu.memory_space<vmem_shared>> -> memref<128x128xf32, #tpu.memory_space<vmem_shared>>
      tpu.enqueue_indirect_dma source(%dma_start3A_2626 : memref<128x128xf32, #tpu.memory_space<vmem_shared>>) target(%dma_start3A_2622 : memref<40x128xf32, #tpu.memory_space<vmem>>) offsets(%dma_start3A_2623 : memref<40xi32, #tpu.memory_space<vmem>>) semaphore(%arg16 : memref<!tpu.dma_semaphore, #tpu.memory_space<semaphore_mem>>)
      %min3A_2627 = arith.constant 39 : i32
      %min3A_2628 = arith.minsi %add3A_2577, %min3A_2627 : i32
      %mul3A_2629 = arith.constant 80 : i32
      %mul3A_2630 = arith.muli %min3A_2628, %mul3A_2629 : i32
      %multiple_of3A_2631 = tpu.assume_multiple %mul3A_2630, 8 : i32
      %add3A_2632 = arith.constant 40 : i32
      %add3A_2633 = arith.addi %multiple_of3A_2631, %add3A_2632 : i32
      %multiple_of3A_2634 = tpu.assume_multiple %add3A_2633, 8 : i32
      %dma_wait3A_2635 = arith.constant 3 : i32
      %dma_wait3A_2636 = arith.constant 0 : i32
      %dma_wait3A_2637 = arith.constant 0 : i32
      %dma_wait3A_2638 = tpu.memref_slice %arg7[%dma_wait3A_2635, %dma_wait3A_2636, %dma_wait3A_2637] : memref<8x80x128xf32, #tpu.memory_space<vmem>> -> memref<1x40x128xf32, #tpu.memory_space<vmem>>
      %dma_wait3A_2639 = tpu.memref_squeeze %dma_wait3A_2638 : memref<1x40x128xf32, #tpu.memory_space<vmem>> -> memref<40x128xf32, #tpu.memory_space<vmem>>
      %dma_wait3A_2640 = tpu.memref_slice %arg6[%multiple_of3A_2631] : memref<3200xi32, #tpu.memory_space<vmem>> -> memref<40xi32, #tpu.memory_space<vmem>>
      %dma_wait3A_2641 = arith.constant 0 : i32
      %dma_wait3A_2642 = arith.constant 0 : i32
      %dma_wait3A_2643 = tpu.memref_slice %arg5[%dma_wait3A_2641, %dma_wait3A_2642] : memref<128x128xf32, #tpu.memory_space<vmem_shared>> -> memref<128x128xf32, #tpu.memory_space<vmem_shared>>
      tpu.wait_indirect_dma semaphore(%arg12 : memref<!tpu.dma_semaphore, #tpu.memory_space<semaphore_mem>>) src(%dma_wait3A_2643 : memref<128x128xf32, #tpu.memory_space<vmem_shared>>) dst(%dma_wait3A_2639 : memref<40x128xf32, #tpu.memory_space<vmem>>)
      %dma_wait3A_2644 = arith.constant 3 : i32
      %dma_wait3A_2645 = arith.constant 40 : i32
      %dma_wait3A_2646 = arith.constant 0 : i32
      %dma_wait3A_2647 = tpu.memref_slice %arg7[%dma_wait3A_2644, %dma_wait3A_2645, %dma_wait3A_2646] : memref<8x80x128xf32, #tpu.memory_space<vmem>> -> memref<1x40x128xf32, #tpu.memory_space<vmem>>
      %dma_wait3A_2648 = tpu.memref_squeeze %dma_wait3A_2647 : memref<1x40x128xf32, #tpu.memory_space<vmem>> -> memref<40x128xf32, #tpu.memory_space<vmem>>
      %dma_wait3A_2649 = tpu.memref_slice %arg6[%multiple_of3A_2634] : memref<3200xi32, #tpu.memory_space<vmem>> -> memref<40xi32, #tpu.memory_space<vmem>>
      %dma_wait3A_2650 = arith.constant 0 : i32
      %dma_wait3A_2651 = arith.constant 0 : i32
      %dma_wait3A_2652 = tpu.memref_slice %arg5[%dma_wait3A_2650, %dma_wait3A_2651] : memref<128x128xf32, #tpu.memory_space<vmem_shared>> -> memref<128x128xf32, #tpu.memory_space<vmem_shared>>
      tpu.wait_indirect_dma semaphore(%arg12 : memref<!tpu.dma_semaphore, #tpu.memory_space<semaphore_mem>>) src(%dma_wait3A_2652 : memref<128x128xf32, #tpu.memory_space<vmem_shared>>) dst(%dma_wait3A_2648 : memref<40x128xf32, #tpu.memory_space<vmem>>)
      %min3A_2653 = arith.constant 39 : i32
      %min3A_2654 = arith.minsi %add3A_2577, %min3A_2653 : i32
      %mul3A_2655 = arith.constant 80 : i32
      %mul3A_2656 = arith.muli %min3A_2654, %mul3A_2655 : i32
      %add3A_2657 = arith.addi %multiple_of3A, %mul3A_2656 : i32
      %multiple_of3A_2658 = tpu.assume_multiple %add3A_2657, 8 : i32
      %dma_start3A_2659 = arith.constant 3 : i32
      %dma_start3A_2660 = arith.constant 0 : i32
      %dma_start3A_2661 = arith.constant 0 : i32
      %dma_start3A_2662 = tpu.memref_slice %arg7[%dma_start3A_2659, %dma_start3A_2660, %dma_start3A_2661] : memref<8x80x128xf32, #tpu.memory_space<vmem>> -> memref<1x80x128xf32, #tpu.memory_space<vmem>>
      %dma_start3A_2663 = tpu.memref_squeeze %dma_start3A_2662 : memref<1x80x128xf32, #tpu.memory_space<vmem>> -> memref<80x128xf32, #tpu.memory_space<vmem>>
      %dma_start3A_2664 = arith.constant 0 : i32
      %dma_start3A_2665 = tpu.memref_slice %arg4[%multiple_of3A_2658, %dma_start3A_2664] : memref<100000x128xf32, #tpu.memory_space<hbm>> -> memref<80x128xf32, #tpu.memory_space<hbm>>
      %dma_start3A_2666 = arith.constant 0 : i32
      %dma_start3A_2667 = tpu.memref_slice %arg4[%multiple_of3A_2658, %dma_start3A_2666] : memref<100000x128xf32, #tpu.memory_space<hbm>> -> memref<80x128xf32, #tpu.memory_space<hbm>>
      %dma_start3A_2668 = arith.constant 0 : i32
      %dma_start3A_2669 = arith.constant 0 : i32
      %dma_start3A_2670 = tpu.memref_slice %arg7[%dma_start3A_2659, %dma_start3A_2668, %dma_start3A_2669] : memref<8x80x128xf32, #tpu.memory_space<vmem>> -> memref<1x80x128xf32, #tpu.memory_space<vmem>>
      %dma_start3A_2671 = tpu.memref_squeeze %dma_start3A_2670 : memref<1x80x128xf32, #tpu.memory_space<vmem>> -> memref<80x128xf32, #tpu.memory_space<vmem>>
      tpu.enqueue_dma source(%dma_start3A_2671 : memref<80x128xf32, #tpu.memory_space<vmem>>) target(%dma_start3A_2667 : memref<80x128xf32, #tpu.memory_space<hbm>>) target_semaphore(%arg20 : memref<!tpu.dma_semaphore, #tpu.memory_space<semaphore_mem>>)
    }
    %scan3A_1319 = arith.constant 4 : i32
    %sub3A = arith.constant 36 : i32
    %sub3A_1320 = arith.constant 4 : i32
    %sub3A_1321 = arith.subi %sub3A, %sub3A_1320 : i32
    %min3A_1322 = arith.constant 39 : i32
    %min3A_1323 = arith.minsi %sub3A_1321, %min3A_1322 : i32
    %mul3A_1324 = arith.constant 80 : i32
    %mul3A_1325 = arith.muli %min3A_1323, %mul3A_1324 : i32
    %add3A_1326 = arith.addi %multiple_of3A, %mul3A_1325 : i32
    %multiple_of3A_1327 = tpu.assume_multiple %add3A_1326, 8 : i32
    %dma_wait3A_1328 = arith.constant 0 : i32
    %dma_wait3A_1329 = arith.constant 0 : i32
    %dma_wait3A_1330 = arith.constant 0 : i32
    %dma_wait3A_1331 = tpu.memref_slice %arg7[%dma_wait3A_1328, %dma_wait3A_1329, %dma_wait3A_1330] : memref<8x80x128xf32, #tpu.memory_space<vmem>> -> memref<1x80x128xf32, #tpu.memory_space<vmem>>
    %dma_wait3A_1332 = tpu.memref_squeeze %dma_wait3A_1331 : memref<1x80x128xf32, #tpu.memory_space<vmem>> -> memref<80x128xf32, #tpu.memory_space<vmem>>
    %dma_wait3A_1333 = arith.constant 0 : i32
    %dma_wait3A_1334 = tpu.memref_slice %arg4[%multiple_of3A_1327, %dma_wait3A_1333] : memref<100000x128xf32, #tpu.memory_space<hbm>> -> memref<80x128xf32, #tpu.memory_space<hbm>>
    %dma_wait3A_1335 = arith.constant 0 : i32
    %dma_wait3A_1336 = tpu.memref_slice %arg4[%multiple_of3A_1327, %dma_wait3A_1335] : memref<100000x128xf32, #tpu.memory_space<hbm>> -> memref<80x128xf32, #tpu.memory_space<hbm>>
    %dma_wait3A_1337 = arith.constant 0 : i32
    %dma_wait3A_1338 = arith.constant 0 : i32
    %dma_wait3A_1339 = tpu.memref_slice %arg7[%dma_wait3A_1328, %dma_wait3A_1337, %dma_wait3A_1338] : memref<8x80x128xf32, #tpu.memory_space<vmem>> -> memref<1x80x128xf32, #tpu.memory_space<vmem>>
    %dma_wait3A_1340 = tpu.memref_squeeze %dma_wait3A_1339 : memref<1x80x128xf32, #tpu.memory_space<vmem>> -> memref<80x128xf32, #tpu.memory_space<vmem>>
    tpu.wait_dma2 semaphore(%arg17 : memref<!tpu.dma_semaphore, #tpu.memory_space<semaphore_mem>>) src(%dma_wait3A_1340 : memref<80x128xf32, #tpu.memory_space<vmem>>) dst(%dma_wait3A_1336 : memref<80x128xf32, #tpu.memory_space<hbm>>)
    %add3A_1341 = arith.constant 36 : i32
    %add3A_1342 = arith.constant 4 : i32
    %add3A_1343 = arith.addi %add3A_1341, %add3A_1342 : i32
    %min3A_1344 = arith.constant 39 : i32
    %min3A_1345 = arith.minsi %add3A_1343, %min3A_1344 : i32
    %mul3A_1346 = arith.constant 80 : i32
    %mul3A_1347 = arith.muli %min3A_1345, %mul3A_1346 : i32
    %multiple_of3A_1348 = tpu.assume_multiple %mul3A_1347, 8 : i32
    %add3A_1349 = arith.constant 40 : i32
    %add3A_1350 = arith.addi %multiple_of3A_1348, %add3A_1349 : i32
    %multiple_of3A_1351 = tpu.assume_multiple %add3A_1350, 8 : i32
    %dma_start3A_1352 = arith.constant 0 : i32
    %dma_start3A_1353 = arith.constant 0 : i32
    %dma_start3A_1354 = arith.constant 0 : i32
    %dma_start3A_1355 = tpu.memref_slice %arg7[%dma_start3A_1352, %dma_start3A_1353, %dma_start3A_1354] : memref<8x80x128xf32, #tpu.memory_space<vmem>> -> memref<1x40x128xf32, #tpu.memory_space<vmem>>
    %dma_start3A_1356 = tpu.memref_squeeze %dma_start3A_1355 : memref<1x40x128xf32, #tpu.memory_space<vmem>> -> memref<40x128xf32, #tpu.memory_space<vmem>>
    %dma_start3A_1357 = tpu.memref_slice %arg6[%multiple_of3A_1348] : memref<3200xi32, #tpu.memory_space<vmem>> -> memref<40xi32, #tpu.memory_space<vmem>>
    %dma_start3A_1358 = arith.constant 0 : i32
    %dma_start3A_1359 = arith.constant 0 : i32
    %dma_start3A_1360 = tpu.memref_slice %arg5[%dma_start3A_1358, %dma_start3A_1359] : memref<128x128xf32, #tpu.memory_space<vmem_shared>> -> memref<128x128xf32, #tpu.memory_space<vmem_shared>>
    tpu.enqueue_indirect_dma source(%dma_start3A_1360 : memref<128x128xf32, #tpu.memory_space<vmem_shared>>) target(%dma_start3A_1356 : memref<40x128xf32, #tpu.memory_space<vmem>>) offsets(%dma_start3A_1357 : memref<40xi32, #tpu.memory_space<vmem>>) semaphore(%arg9 : memref<!tpu.dma_semaphore, #tpu.memory_space<semaphore_mem>>)
    %dma_start3A_1361 = arith.constant 0 : i32
    %dma_start3A_1362 = arith.constant 40 : i32
    %dma_start3A_1363 = arith.constant 0 : i32
    %dma_start3A_1364 = tpu.memref_slice %arg7[%dma_start3A_1361, %dma_start3A_1362, %dma_start3A_1363] : memref<8x80x128xf32, #tpu.memory_space<vmem>> -> memref<1x40x128xf32, #tpu.memory_space<vmem>>
    %dma_start3A_1365 = tpu.memref_squeeze %dma_start3A_1364 : memref<1x40x128xf32, #tpu.memory_space<vmem>> -> memref<40x128xf32, #tpu.memory_space<vmem>>
    %dma_start3A_1366 = tpu.memref_slice %arg6[%multiple_of3A_1351] : memref<3200xi32, #tpu.memory_space<vmem>> -> memref<40xi32, #tpu.memory_space<vmem>>
    %dma_start3A_1367 = arith.constant 0 : i32
    %dma_start3A_1368 = arith.constant 0 : i32
    %dma_start3A_1369 = tpu.memref_slice %arg5[%dma_start3A_1367, %dma_start3A_1368] : memref<128x128xf32, #tpu.memory_space<vmem_shared>> -> memref<128x128xf32, #tpu.memory_space<vmem_shared>>
    tpu.enqueue_indirect_dma source(%dma_start3A_1369 : memref<128x128xf32, #tpu.memory_space<vmem_shared>>) target(%dma_start3A_1365 : memref<40x128xf32, #tpu.memory_space<vmem>>) offsets(%dma_start3A_1366 : memref<40xi32, #tpu.memory_space<vmem>>) semaphore(%arg9 : memref<!tpu.dma_semaphore, #tpu.memory_space<semaphore_mem>>)
    %min3A_1370 = arith.constant 36 : i32
    %min3A_1371 = arith.constant 39 : i32
    %min3A_1372 = arith.minsi %min3A_1370, %min3A_1371 : i32
    %mul3A_1373 = arith.constant 80 : i32
    %mul3A_1374 = arith.muli %min3A_1372, %mul3A_1373 : i32
    %multiple_of3A_1375 = tpu.assume_multiple %mul3A_1374, 8 : i32
    %add3A_1376 = arith.constant 40 : i32
    %add3A_1377 = arith.addi %multiple_of3A_1375, %add3A_1376 : i32
    %multiple_of3A_1378 = tpu.assume_multiple %add3A_1377, 8 : i32
    %dma_wait3A_1379 = arith.constant 4 : i32
    %dma_wait3A_1380 = arith.constant 0 : i32
    %dma_wait3A_1381 = arith.constant 0 : i32
    %dma_wait3A_1382 = tpu.memref_slice %arg7[%dma_wait3A_1379, %dma_wait3A_1380, %dma_wait3A_1381] : memref<8x80x128xf32, #tpu.memory_space<vmem>> -> memref<1x40x128xf32, #tpu.memory_space<vmem>>
    %dma_wait3A_1383 = tpu.memref_squeeze %dma_wait3A_1382 : memref<1x40x128xf32, #tpu.memory_space<vmem>> -> memref<40x128xf32, #tpu.memory_space<vmem>>
    %dma_wait3A_1384 = tpu.memref_slice %arg6[%multiple_of3A_1375] : memref<3200xi32, #tpu.memory_space<vmem>> -> memref<40xi32, #tpu.memory_space<vmem>>
    %dma_wait3A_1385 = arith.constant 0 : i32
    %dma_wait3A_1386 = arith.constant 0 : i32
    %dma_wait3A_1387 = tpu.memref_slice %arg5[%dma_wait3A_1385, %dma_wait3A_1386] : memref<128x128xf32, #tpu.memory_space<vmem_shared>> -> memref<128x128xf32, #tpu.memory_space<vmem_shared>>
    tpu.wait_indirect_dma semaphore(%arg13 : memref<!tpu.dma_semaphore, #tpu.memory_space<semaphore_mem>>) src(%dma_wait3A_1387 : memref<128x128xf32, #tpu.memory_space<vmem_shared>>) dst(%dma_wait3A_1383 : memref<40x128xf32, #tpu.memory_space<vmem>>)
    %dma_wait3A_1388 = arith.constant 4 : i32
    %dma_wait3A_1389 = arith.constant 40 : i32
    %dma_wait3A_1390 = arith.constant 0 : i32
    %dma_wait3A_1391 = tpu.memref_slice %arg7[%dma_wait3A_1388, %dma_wait3A_1389, %dma_wait3A_1390] : memref<8x80x128xf32, #tpu.memory_space<vmem>> -> memref<1x40x128xf32, #tpu.memory_space<vmem>>
    %dma_wait3A_1392 = tpu.memref_squeeze %dma_wait3A_1391 : memref<1x40x128xf32, #tpu.memory_space<vmem>> -> memref<40x128xf32, #tpu.memory_space<vmem>>
    %dma_wait3A_1393 = tpu.memref_slice %arg6[%multiple_of3A_1378] : memref<3200xi32, #tpu.memory_space<vmem>> -> memref<40xi32, #tpu.memory_space<vmem>>
    %dma_wait3A_1394 = arith.constant 0 : i32
    %dma_wait3A_1395 = arith.constant 0 : i32
    %dma_wait3A_1396 = tpu.memref_slice %arg5[%dma_wait3A_1394, %dma_wait3A_1395] : memref<128x128xf32, #tpu.memory_space<vmem_shared>> -> memref<128x128xf32, #tpu.memory_space<vmem_shared>>
    tpu.wait_indirect_dma semaphore(%arg13 : memref<!tpu.dma_semaphore, #tpu.memory_space<semaphore_mem>>) src(%dma_wait3A_1396 : memref<128x128xf32, #tpu.memory_space<vmem_shared>>) dst(%dma_wait3A_1392 : memref<40x128xf32, #tpu.memory_space<vmem>>)
    %min3A_1397 = arith.constant 36 : i32
    %min3A_1398 = arith.constant 39 : i32
    %min3A_1399 = arith.minsi %min3A_1397, %min3A_1398 : i32
    %mul3A_1400 = arith.constant 80 : i32
    %mul3A_1401 = arith.muli %min3A_1399, %mul3A_1400 : i32
    %add3A_1402 = arith.addi %multiple_of3A, %mul3A_1401 : i32
    %multiple_of3A_1403 = tpu.assume_multiple %add3A_1402, 8 : i32
    %dma_start3A_1404 = arith.constant 4 : i32
    %dma_start3A_1405 = arith.constant 0 : i32
    %dma_start3A_1406 = arith.constant 0 : i32
    %dma_start3A_1407 = tpu.memref_slice %arg7[%dma_start3A_1404, %dma_start3A_1405, %dma_start3A_1406] : memref<8x80x128xf32, #tpu.memory_space<vmem>> -> memref<1x80x128xf32, #tpu.memory_space<vmem>>
    %dma_start3A_1408 = tpu.memref_squeeze %dma_start3A_1407 : memref<1x80x128xf32, #tpu.memory_space<vmem>> -> memref<80x128xf32, #tpu.memory_space<vmem>>
    %dma_start3A_1409 = arith.constant 0 : i32
    %dma_start3A_1410 = tpu.memref_slice %arg4[%multiple_of3A_1403, %dma_start3A_1409] : memref<100000x128xf32, #tpu.memory_space<hbm>> -> memref<80x128xf32, #tpu.memory_space<hbm>>
    %dma_start3A_1411 = arith.constant 0 : i32
    %dma_start3A_1412 = tpu.memref_slice %arg4[%multiple_of3A_1403, %dma_start3A_1411] : memref<100000x128xf32, #tpu.memory_space<hbm>> -> memref<80x128xf32, #tpu.memory_space<hbm>>
    %dma_start3A_1413 = arith.constant 0 : i32
    %dma_start3A_1414 = arith.constant 0 : i32
    %dma_start3A_1415 = tpu.memref_slice %arg7[%dma_start3A_1404, %dma_start3A_1413, %dma_start3A_1414] : memref<8x80x128xf32, #tpu.memory_space<vmem>> -> memref<1x80x128xf32, #tpu.memory_space<vmem>>
    %dma_start3A_1416 = tpu.memref_squeeze %dma_start3A_1415 : memref<1x80x128xf32, #tpu.memory_space<vmem>> -> memref<80x128xf32, #tpu.memory_space<vmem>>
    tpu.enqueue_dma source(%dma_start3A_1416 : memref<80x128xf32, #tpu.memory_space<vmem>>) target(%dma_start3A_1412 : memref<80x128xf32, #tpu.memory_space<hbm>>) target_semaphore(%arg21 : memref<!tpu.dma_semaphore, #tpu.memory_space<semaphore_mem>>)
    %sub3A_1417 = arith.constant 37 : i32
    %sub3A_1418 = arith.constant 4 : i32
    %sub3A_1419 = arith.subi %sub3A_1417, %sub3A_1418 : i32
    %min3A_1420 = arith.constant 39 : i32
    %min3A_1421 = arith.minsi %sub3A_1419, %min3A_1420 : i32
    %mul3A_1422 = arith.constant 80 : i32
    %mul3A_1423 = arith.muli %min3A_1421, %mul3A_1422 : i32
    %add3A_1424 = arith.addi %multiple_of3A, %mul3A_1423 : i32
    %multiple_of3A_1425 = tpu.assume_multiple %add3A_1424, 8 : i32
    %dma_wait3A_1426 = arith.constant 1 : i32
    %dma_wait3A_1427 = arith.constant 0 : i32
    %dma_wait3A_1428 = arith.constant 0 : i32
    %dma_wait3A_1429 = tpu.memref_slice %arg7[%dma_wait3A_1426, %dma_wait3A_1427, %dma_wait3A_1428] : memref<8x80x128xf32, #tpu.memory_space<vmem>> -> memref<1x80x128xf32, #tpu.memory_space<vmem>>
    %dma_wait3A_1430 = tpu.memref_squeeze %dma_wait3A_1429 : memref<1x80x128xf32, #tpu.memory_space<vmem>> -> memref<80x128xf32, #tpu.memory_space<vmem>>
    %dma_wait3A_1431 = arith.constant 0 : i32
    %dma_wait3A_1432 = tpu.memref_slice %arg4[%multiple_of3A_1425, %dma_wait3A_1431] : memref<100000x128xf32, #tpu.memory_space<hbm>> -> memref<80x128xf32, #tpu.memory_space<hbm>>
    %dma_wait3A_1433 = arith.constant 0 : i32
    %dma_wait3A_1434 = tpu.memref_slice %arg4[%multiple_of3A_1425, %dma_wait3A_1433] : memref<100000x128xf32, #tpu.memory_space<hbm>> -> memref<80x128xf32, #tpu.memory_space<hbm>>
    %dma_wait3A_1435 = arith.constant 0 : i32
    %dma_wait3A_1436 = arith.constant 0 : i32
    %dma_wait3A_1437 = tpu.memref_slice %arg7[%dma_wait3A_1426, %dma_wait3A_1435, %dma_wait3A_1436] : memref<8x80x128xf32, #tpu.memory_space<vmem>> -> memref<1x80x128xf32, #tpu.memory_space<vmem>>
    %dma_wait3A_1438 = tpu.memref_squeeze %dma_wait3A_1437 : memref<1x80x128xf32, #tpu.memory_space<vmem>> -> memref<80x128xf32, #tpu.memory_space<vmem>>
    tpu.wait_dma2 semaphore(%arg18 : memref<!tpu.dma_semaphore, #tpu.memory_space<semaphore_mem>>) src(%dma_wait3A_1438 : memref<80x128xf32, #tpu.memory_space<vmem>>) dst(%dma_wait3A_1434 : memref<80x128xf32, #tpu.memory_space<hbm>>)
    %add3A_1439 = arith.constant 37 : i32
    %add3A_1440 = arith.constant 4 : i32
    %add3A_1441 = arith.addi %add3A_1439, %add3A_1440 : i32
    %min3A_1442 = arith.constant 39 : i32
    %min3A_1443 = arith.minsi %add3A_1441, %min3A_1442 : i32
    %mul3A_1444 = arith.constant 80 : i32
    %mul3A_1445 = arith.muli %min3A_1443, %mul3A_1444 : i32
    %multiple_of3A_1446 = tpu.assume_multiple %mul3A_1445, 8 : i32
    %add3A_1447 = arith.constant 40 : i32
    %add3A_1448 = arith.addi %multiple_of3A_1446, %add3A_1447 : i32
    %multiple_of3A_1449 = tpu.assume_multiple %add3A_1448, 8 : i32
    %dma_start3A_1450 = arith.constant 1 : i32
    %dma_start3A_1451 = arith.constant 0 : i32
    %dma_start3A_1452 = arith.constant 0 : i32
    %dma_start3A_1453 = tpu.memref_slice %arg7[%dma_start3A_1450, %dma_start3A_1451, %dma_start3A_1452] : memref<8x80x128xf32, #tpu.memory_space<vmem>> -> memref<1x40x128xf32, #tpu.memory_space<vmem>>
    %dma_start3A_1454 = tpu.memref_squeeze %dma_start3A_1453 : memref<1x40x128xf32, #tpu.memory_space<vmem>> -> memref<40x128xf32, #tpu.memory_space<vmem>>
    %dma_start3A_1455 = tpu.memref_slice %arg6[%multiple_of3A_1446] : memref<3200xi32, #tpu.memory_space<vmem>> -> memref<40xi32, #tpu.memory_space<vmem>>
    %dma_start3A_1456 = arith.constant 0 : i32
    %dma_start3A_1457 = arith.constant 0 : i32
    %dma_start3A_1458 = tpu.memref_slice %arg5[%dma_start3A_1456, %dma_start3A_1457] : memref<128x128xf32, #tpu.memory_space<vmem_shared>> -> memref<128x128xf32, #tpu.memory_space<vmem_shared>>
    tpu.enqueue_indirect_dma source(%dma_start3A_1458 : memref<128x128xf32, #tpu.memory_space<vmem_shared>>) target(%dma_start3A_1454 : memref<40x128xf32, #tpu.memory_space<vmem>>) offsets(%dma_start3A_1455 : memref<40xi32, #tpu.memory_space<vmem>>) semaphore(%arg10 : memref<!tpu.dma_semaphore, #tpu.memory_space<semaphore_mem>>)
    %dma_start3A_1459 = arith.constant 1 : i32
    %dma_start3A_1460 = arith.constant 40 : i32
    %dma_start3A_1461 = arith.constant 0 : i32
    %dma_start3A_1462 = tpu.memref_slice %arg7[%dma_start3A_1459, %dma_start3A_1460, %dma_start3A_1461] : memref<8x80x128xf32, #tpu.memory_space<vmem>> -> memref<1x40x128xf32, #tpu.memory_space<vmem>>
    %dma_start3A_1463 = tpu.memref_squeeze %dma_start3A_1462 : memref<1x40x128xf32, #tpu.memory_space<vmem>> -> memref<40x128xf32, #tpu.memory_space<vmem>>
    %dma_start3A_1464 = tpu.memref_slice %arg6[%multiple_of3A_1449] : memref<3200xi32, #tpu.memory_space<vmem>> -> memref<40xi32, #tpu.memory_space<vmem>>
    %dma_start3A_1465 = arith.constant 0 : i32
    %dma_start3A_1466 = arith.constant 0 : i32
    %dma_start3A_1467 = tpu.memref_slice %arg5[%dma_start3A_1465, %dma_start3A_1466] : memref<128x128xf32, #tpu.memory_space<vmem_shared>> -> memref<128x128xf32, #tpu.memory_space<vmem_shared>>
    tpu.enqueue_indirect_dma source(%dma_start3A_1467 : memref<128x128xf32, #tpu.memory_space<vmem_shared>>) target(%dma_start3A_1463 : memref<40x128xf32, #tpu.memory_space<vmem>>) offsets(%dma_start3A_1464 : memref<40xi32, #tpu.memory_space<vmem>>) semaphore(%arg10 : memref<!tpu.dma_semaphore, #tpu.memory_space<semaphore_mem>>)
    %min3A_1468 = arith.constant 37 : i32
    %min3A_1469 = arith.constant 39 : i32
    %min3A_1470 = arith.minsi %min3A_1468, %min3A_1469 : i32
    %mul3A_1471 = arith.constant 80 : i32
    %mul3A_1472 = arith.muli %min3A_1470, %mul3A_1471 : i32
    %multiple_of3A_1473 = tpu.assume_multiple %mul3A_1472, 8 : i32
    %add3A_1474 = arith.constant 40 : i32
    %add3A_1475 = arith.addi %multiple_of3A_1473, %add3A_1474 : i32
    %multiple_of3A_1476 = tpu.assume_multiple %add3A_1475, 8 : i32
    %dma_wait3A_1477 = arith.constant 5 : i32
    %dma_wait3A_1478 = arith.constant 0 : i32
    %dma_wait3A_1479 = arith.constant 0 : i32
    %dma_wait3A_1480 = tpu.memref_slice %arg7[%dma_wait3A_1477, %dma_wait3A_1478, %dma_wait3A_1479] : memref<8x80x128xf32, #tpu.memory_space<vmem>> -> memref<1x40x128xf32, #tpu.memory_space<vmem>>
    %dma_wait3A_1481 = tpu.memref_squeeze %dma_wait3A_1480 : memref<1x40x128xf32, #tpu.memory_space<vmem>> -> memref<40x128xf32, #tpu.memory_space<vmem>>
    %dma_wait3A_1482 = tpu.memref_slice %arg6[%multiple_of3A_1473] : memref<3200xi32, #tpu.memory_space<vmem>> -> memref<40xi32, #tpu.memory_space<vmem>>
    %dma_wait3A_1483 = arith.constant 0 : i32
    %dma_wait3A_1484 = arith.constant 0 : i32
    %dma_wait3A_1485 = tpu.memref_slice %arg5[%dma_wait3A_1483, %dma_wait3A_1484] : memref<128x128xf32, #tpu.memory_space<vmem_shared>> -> memref<128x128xf32, #tpu.memory_space<vmem_shared>>
    tpu.wait_indirect_dma semaphore(%arg14 : memref<!tpu.dma_semaphore, #tpu.memory_space<semaphore_mem>>) src(%dma_wait3A_1485 : memref<128x128xf32, #tpu.memory_space<vmem_shared>>) dst(%dma_wait3A_1481 : memref<40x128xf32, #tpu.memory_space<vmem>>)
    %dma_wait3A_1486 = arith.constant 5 : i32
    %dma_wait3A_1487 = arith.constant 40 : i32
    %dma_wait3A_1488 = arith.constant 0 : i32
    %dma_wait3A_1489 = tpu.memref_slice %arg7[%dma_wait3A_1486, %dma_wait3A_1487, %dma_wait3A_1488] : memref<8x80x128xf32, #tpu.memory_space<vmem>> -> memref<1x40x128xf32, #tpu.memory_space<vmem>>
    %dma_wait3A_1490 = tpu.memref_squeeze %dma_wait3A_1489 : memref<1x40x128xf32, #tpu.memory_space<vmem>> -> memref<40x128xf32, #tpu.memory_space<vmem>>
    %dma_wait3A_1491 = tpu.memref_slice %arg6[%multiple_of3A_1476] : memref<3200xi32, #tpu.memory_space<vmem>> -> memref<40xi32, #tpu.memory_space<vmem>>
    %dma_wait3A_1492 = arith.constant 0 : i32
    %dma_wait3A_1493 = arith.constant 0 : i32
    %dma_wait3A_1494 = tpu.memref_slice %arg5[%dma_wait3A_1492, %dma_wait3A_1493] : memref<128x128xf32, #tpu.memory_space<vmem_shared>> -> memref<128x128xf32, #tpu.memory_space<vmem_shared>>
    tpu.wait_indirect_dma semaphore(%arg14 : memref<!tpu.dma_semaphore, #tpu.memory_space<semaphore_mem>>) src(%dma_wait3A_1494 : memref<128x128xf32, #tpu.memory_space<vmem_shared>>) dst(%dma_wait3A_1490 : memref<40x128xf32, #tpu.memory_space<vmem>>)
    %min3A_1495 = arith.constant 37 : i32
    %min3A_1496 = arith.constant 39 : i32
    %min3A_1497 = arith.minsi %min3A_1495, %min3A_1496 : i32
    %mul3A_1498 = arith.constant 80 : i32
    %mul3A_1499 = arith.muli %min3A_1497, %mul3A_1498 : i32
    %add3A_1500 = arith.addi %multiple_of3A, %mul3A_1499 : i32
    %multiple_of3A_1501 = tpu.assume_multiple %add3A_1500, 8 : i32
    %dma_start3A_1502 = arith.constant 5 : i32
    %dma_start3A_1503 = arith.constant 0 : i32
    %dma_start3A_1504 = arith.constant 0 : i32
    %dma_start3A_1505 = tpu.memref_slice %arg7[%dma_start3A_1502, %dma_start3A_1503, %dma_start3A_1504] : memref<8x80x128xf32, #tpu.memory_space<vmem>> -> memref<1x80x128xf32, #tpu.memory_space<vmem>>
    %dma_start3A_1506 = tpu.memref_squeeze %dma_start3A_1505 : memref<1x80x128xf32, #tpu.memory_space<vmem>> -> memref<80x128xf32, #tpu.memory_space<vmem>>
    %dma_start3A_1507 = arith.constant 0 : i32
    %dma_start3A_1508 = tpu.memref_slice %arg4[%multiple_of3A_1501, %dma_start3A_1507] : memref<100000x128xf32, #tpu.memory_space<hbm>> -> memref<80x128xf32, #tpu.memory_space<hbm>>
    %dma_start3A_1509 = arith.constant 0 : i32
    %dma_start3A_1510 = tpu.memref_slice %arg4[%multiple_of3A_1501, %dma_start3A_1509] : memref<100000x128xf32, #tpu.memory_space<hbm>> -> memref<80x128xf32, #tpu.memory_space<hbm>>
    %dma_start3A_1511 = arith.constant 0 : i32
    %dma_start3A_1512 = arith.constant 0 : i32
    %dma_start3A_1513 = tpu.memref_slice %arg7[%dma_start3A_1502, %dma_start3A_1511, %dma_start3A_1512] : memref<8x80x128xf32, #tpu.memory_space<vmem>> -> memref<1x80x128xf32, #tpu.memory_space<vmem>>
    %dma_start3A_1514 = tpu.memref_squeeze %dma_start3A_1513 : memref<1x80x128xf32, #tpu.memory_space<vmem>> -> memref<80x128xf32, #tpu.memory_space<vmem>>
    tpu.enqueue_dma source(%dma_start3A_1514 : memref<80x128xf32, #tpu.memory_space<vmem>>) target(%dma_start3A_1510 : memref<80x128xf32, #tpu.memory_space<hbm>>) target_semaphore(%arg22 : memref<!tpu.dma_semaphore, #tpu.memory_space<semaphore_mem>>)
    %sub3A_1515 = arith.constant 38 : i32
    %sub3A_1516 = arith.constant 4 : i32
    %sub3A_1517 = arith.subi %sub3A_1515, %sub3A_1516 : i32
    %min3A_1518 = arith.constant 39 : i32
    %min3A_1519 = arith.minsi %sub3A_1517, %min3A_1518 : i32
    %mul3A_1520 = arith.constant 80 : i32
    %mul3A_1521 = arith.muli %min3A_1519, %mul3A_1520 : i32
    %add3A_1522 = arith.addi %multiple_of3A, %mul3A_1521 : i32
    %multiple_of3A_1523 = tpu.assume_multiple %add3A_1522, 8 : i32
    %dma_wait3A_1524 = arith.constant 2 : i32
    %dma_wait3A_1525 = arith.constant 0 : i32
    %dma_wait3A_1526 = arith.constant 0 : i32
    %dma_wait3A_1527 = tpu.memref_slice %arg7[%dma_wait3A_1524, %dma_wait3A_1525, %dma_wait3A_1526] : memref<8x80x128xf32, #tpu.memory_space<vmem>> -> memref<1x80x128xf32, #tpu.memory_space<vmem>>
    %dma_wait3A_1528 = tpu.memref_squeeze %dma_wait3A_1527 : memref<1x80x128xf32, #tpu.memory_space<vmem>> -> memref<80x128xf32, #tpu.memory_space<vmem>>
    %dma_wait3A_1529 = arith.constant 0 : i32
    %dma_wait3A_1530 = tpu.memref_slice %arg4[%multiple_of3A_1523, %dma_wait3A_1529] : memref<100000x128xf32, #tpu.memory_space<hbm>> -> memref<80x128xf32, #tpu.memory_space<hbm>>
    %dma_wait3A_1531 = arith.constant 0 : i32
    %dma_wait3A_1532 = tpu.memref_slice %arg4[%multiple_of3A_1523, %dma_wait3A_1531] : memref<100000x128xf32, #tpu.memory_space<hbm>> -> memref<80x128xf32, #tpu.memory_space<hbm>>
    %dma_wait3A_1533 = arith.constant 0 : i32
    %dma_wait3A_1534 = arith.constant 0 : i32
    %dma_wait3A_1535 = tpu.memref_slice %arg7[%dma_wait3A_1524, %dma_wait3A_1533, %dma_wait3A_1534] : memref<8x80x128xf32, #tpu.memory_space<vmem>> -> memref<1x80x128xf32, #tpu.memory_space<vmem>>
    %dma_wait3A_1536 = tpu.memref_squeeze %dma_wait3A_1535 : memref<1x80x128xf32, #tpu.memory_space<vmem>> -> memref<80x128xf32, #tpu.memory_space<vmem>>
    tpu.wait_dma2 semaphore(%arg19 : memref<!tpu.dma_semaphore, #tpu.memory_space<semaphore_mem>>) src(%dma_wait3A_1536 : memref<80x128xf32, #tpu.memory_space<vmem>>) dst(%dma_wait3A_1532 : memref<80x128xf32, #tpu.memory_space<hbm>>)
    %add3A_1537 = arith.constant 38 : i32
    %add3A_1538 = arith.constant 4 : i32
    %add3A_1539 = arith.addi %add3A_1537, %add3A_1538 : i32
    %min3A_1540 = arith.constant 39 : i32
    %min3A_1541 = arith.minsi %add3A_1539, %min3A_1540 : i32
    %mul3A_1542 = arith.constant 80 : i32
    %mul3A_1543 = arith.muli %min3A_1541, %mul3A_1542 : i32
    %multiple_of3A_1544 = tpu.assume_multiple %mul3A_1543, 8 : i32
    %add3A_1545 = arith.constant 40 : i32
    %add3A_1546 = arith.addi %multiple_of3A_1544, %add3A_1545 : i32
    %multiple_of3A_1547 = tpu.assume_multiple %add3A_1546, 8 : i32
    %dma_start3A_1548 = arith.constant 2 : i32
    %dma_start3A_1549 = arith.constant 0 : i32
    %dma_start3A_1550 = arith.constant 0 : i32
    %dma_start3A_1551 = tpu.memref_slice %arg7[%dma_start3A_1548, %dma_start3A_1549, %dma_start3A_1550] : memref<8x80x128xf32, #tpu.memory_space<vmem>> -> memref<1x40x128xf32, #tpu.memory_space<vmem>>
    %dma_start3A_1552 = tpu.memref_squeeze %dma_start3A_1551 : memref<1x40x128xf32, #tpu.memory_space<vmem>> -> memref<40x128xf32, #tpu.memory_space<vmem>>
    %dma_start3A_1553 = tpu.memref_slice %arg6[%multiple_of3A_1544] : memref<3200xi32, #tpu.memory_space<vmem>> -> memref<40xi32, #tpu.memory_space<vmem>>
    %dma_start3A_1554 = arith.constant 0 : i32
    %dma_start3A_1555 = arith.constant 0 : i32
    %dma_start3A_1556 = tpu.memref_slice %arg5[%dma_start3A_1554, %dma_start3A_1555] : memref<128x128xf32, #tpu.memory_space<vmem_shared>> -> memref<128x128xf32, #tpu.memory_space<vmem_shared>>
    tpu.enqueue_indirect_dma source(%dma_start3A_1556 : memref<128x128xf32, #tpu.memory_space<vmem_shared>>) target(%dma_start3A_1552 : memref<40x128xf32, #tpu.memory_space<vmem>>) offsets(%dma_start3A_1553 : memref<40xi32, #tpu.memory_space<vmem>>) semaphore(%arg11 : memref<!tpu.dma_semaphore, #tpu.memory_space<semaphore_mem>>)
    %dma_start3A_1557 = arith.constant 2 : i32
    %dma_start3A_1558 = arith.constant 40 : i32
    %dma_start3A_1559 = arith.constant 0 : i32
    %dma_start3A_1560 = tpu.memref_slice %arg7[%dma_start3A_1557, %dma_start3A_1558, %dma_start3A_1559] : memref<8x80x128xf32, #tpu.memory_space<vmem>> -> memref<1x40x128xf32, #tpu.memory_space<vmem>>
    %dma_start3A_1561 = tpu.memref_squeeze %dma_start3A_1560 : memref<1x40x128xf32, #tpu.memory_space<vmem>> -> memref<40x128xf32, #tpu.memory_space<vmem>>
    %dma_start3A_1562 = tpu.memref_slice %arg6[%multiple_of3A_1547] : memref<3200xi32, #tpu.memory_space<vmem>> -> memref<40xi32, #tpu.memory_space<vmem>>
    %dma_start3A_1563 = arith.constant 0 : i32
    %dma_start3A_1564 = arith.constant 0 : i32
    %dma_start3A_1565 = tpu.memref_slice %arg5[%dma_start3A_1563, %dma_start3A_1564] : memref<128x128xf32, #tpu.memory_space<vmem_shared>> -> memref<128x128xf32, #tpu.memory_space<vmem_shared>>
    tpu.enqueue_indirect_dma source(%dma_start3A_1565 : memref<128x128xf32, #tpu.memory_space<vmem_shared>>) target(%dma_start3A_1561 : memref<40x128xf32, #tpu.memory_space<vmem>>) offsets(%dma_start3A_1562 : memref<40xi32, #tpu.memory_space<vmem>>) semaphore(%arg11 : memref<!tpu.dma_semaphore, #tpu.memory_space<semaphore_mem>>)
    %min3A_1566 = arith.constant 38 : i32
    %min3A_1567 = arith.constant 39 : i32
    %min3A_1568 = arith.minsi %min3A_1566, %min3A_1567 : i32
    %mul3A_1569 = arith.constant 80 : i32
    %mul3A_1570 = arith.muli %min3A_1568, %mul3A_1569 : i32
    %multiple_of3A_1571 = tpu.assume_multiple %mul3A_1570, 8 : i32
    %add3A_1572 = arith.constant 40 : i32
    %add3A_1573 = arith.addi %multiple_of3A_1571, %add3A_1572 : i32
    %multiple_of3A_1574 = tpu.assume_multiple %add3A_1573, 8 : i32
    %dma_wait3A_1575 = arith.constant 6 : i32
    %dma_wait3A_1576 = arith.constant 0 : i32
    %dma_wait3A_1577 = arith.constant 0 : i32
    %dma_wait3A_1578 = tpu.memref_slice %arg7[%dma_wait3A_1575, %dma_wait3A_1576, %dma_wait3A_1577] : memref<8x80x128xf32, #tpu.memory_space<vmem>> -> memref<1x40x128xf32, #tpu.memory_space<vmem>>
    %dma_wait3A_1579 = tpu.memref_squeeze %dma_wait3A_1578 : memref<1x40x128xf32, #tpu.memory_space<vmem>> -> memref<40x128xf32, #tpu.memory_space<vmem>>
    %dma_wait3A_1580 = tpu.memref_slice %arg6[%multiple_of3A_1571] : memref<3200xi32, #tpu.memory_space<vmem>> -> memref<40xi32, #tpu.memory_space<vmem>>
    %dma_wait3A_1581 = arith.constant 0 : i32
    %dma_wait3A_1582 = arith.constant 0 : i32
    %dma_wait3A_1583 = tpu.memref_slice %arg5[%dma_wait3A_1581, %dma_wait3A_1582] : memref<128x128xf32, #tpu.memory_space<vmem_shared>> -> memref<128x128xf32, #tpu.memory_space<vmem_shared>>
    tpu.wait_indirect_dma semaphore(%arg15 : memref<!tpu.dma_semaphore, #tpu.memory_space<semaphore_mem>>) src(%dma_wait3A_1583 : memref<128x128xf32, #tpu.memory_space<vmem_shared>>) dst(%dma_wait3A_1579 : memref<40x128xf32, #tpu.memory_space<vmem>>)
    %dma_wait3A_1584 = arith.constant 6 : i32
    %dma_wait3A_1585 = arith.constant 40 : i32
    %dma_wait3A_1586 = arith.constant 0 : i32
    %dma_wait3A_1587 = tpu.memref_slice %arg7[%dma_wait3A_1584, %dma_wait3A_1585, %dma_wait3A_1586] : memref<8x80x128xf32, #tpu.memory_space<vmem>> -> memref<1x40x128xf32, #tpu.memory_space<vmem>>
    %dma_wait3A_1588 = tpu.memref_squeeze %dma_wait3A_1587 : memref<1x40x128xf32, #tpu.memory_space<vmem>> -> memref<40x128xf32, #tpu.memory_space<vmem>>
    %dma_wait3A_1589 = tpu.memref_slice %arg6[%multiple_of3A_1574] : memref<3200xi32, #tpu.memory_space<vmem>> -> memref<40xi32, #tpu.memory_space<vmem>>
    %dma_wait3A_1590 = arith.constant 0 : i32
    %dma_wait3A_1591 = arith.constant 0 : i32
    %dma_wait3A_1592 = tpu.memref_slice %arg5[%dma_wait3A_1590, %dma_wait3A_1591] : memref<128x128xf32, #tpu.memory_space<vmem_shared>> -> memref<128x128xf32, #tpu.memory_space<vmem_shared>>
    tpu.wait_indirect_dma semaphore(%arg15 : memref<!tpu.dma_semaphore, #tpu.memory_space<semaphore_mem>>) src(%dma_wait3A_1592 : memref<128x128xf32, #tpu.memory_space<vmem_shared>>) dst(%dma_wait3A_1588 : memref<40x128xf32, #tpu.memory_space<vmem>>)
    %min3A_1593 = arith.constant 38 : i32
    %min3A_1594 = arith.constant 39 : i32
    %min3A_1595 = arith.minsi %min3A_1593, %min3A_1594 : i32
    %mul3A_1596 = arith.constant 80 : i32
    %mul3A_1597 = arith.muli %min3A_1595, %mul3A_1596 : i32
    %add3A_1598 = arith.addi %multiple_of3A, %mul3A_1597 : i32
    %multiple_of3A_1599 = tpu.assume_multiple %add3A_1598, 8 : i32
    %dma_start3A_1600 = arith.constant 6 : i32
    %dma_start3A_1601 = arith.constant 0 : i32
    %dma_start3A_1602 = arith.constant 0 : i32
    %dma_start3A_1603 = tpu.memref_slice %arg7[%dma_start3A_1600, %dma_start3A_1601, %dma_start3A_1602] : memref<8x80x128xf32, #tpu.memory_space<vmem>> -> memref<1x80x128xf32, #tpu.memory_space<vmem>>
    %dma_start3A_1604 = tpu.memref_squeeze %dma_start3A_1603 : memref<1x80x128xf32, #tpu.memory_space<vmem>> -> memref<80x128xf32, #tpu.memory_space<vmem>>
    %dma_start3A_1605 = arith.constant 0 : i32
    %dma_start3A_1606 = tpu.memref_slice %arg4[%multiple_of3A_1599, %dma_start3A_1605] : memref<100000x128xf32, #tpu.memory_space<hbm>> -> memref<80x128xf32, #tpu.memory_space<hbm>>
    %dma_start3A_1607 = arith.constant 0 : i32
    %dma_start3A_1608 = tpu.memref_slice %arg4[%multiple_of3A_1599, %dma_start3A_1607] : memref<100000x128xf32, #tpu.memory_space<hbm>> -> memref<80x128xf32, #tpu.memory_space<hbm>>
    %dma_start3A_1609 = arith.constant 0 : i32
    %dma_start3A_1610 = arith.constant 0 : i32
    %dma_start3A_1611 = tpu.memref_slice %arg7[%dma_start3A_1600, %dma_start3A_1609, %dma_start3A_1610] : memref<8x80x128xf32, #tpu.memory_space<vmem>> -> memref<1x80x128xf32, #tpu.memory_space<vmem>>
    %dma_start3A_1612 = tpu.memref_squeeze %dma_start3A_1611 : memref<1x80x128xf32, #tpu.memory_space<vmem>> -> memref<80x128xf32, #tpu.memory_space<vmem>>
    tpu.enqueue_dma source(%dma_start3A_1612 : memref<80x128xf32, #tpu.memory_space<vmem>>) target(%dma_start3A_1608 : memref<80x128xf32, #tpu.memory_space<hbm>>) target_semaphore(%arg23 : memref<!tpu.dma_semaphore, #tpu.memory_space<semaphore_mem>>)
    %sub3A_1613 = arith.constant 39 : i32
    %sub3A_1614 = arith.constant 4 : i32
    %sub3A_1615 = arith.subi %sub3A_1613, %sub3A_1614 : i32
    %min3A_1616 = arith.constant 39 : i32
    %min3A_1617 = arith.minsi %sub3A_1615, %min3A_1616 : i32
    %mul3A_1618 = arith.constant 80 : i32
    %mul3A_1619 = arith.muli %min3A_1617, %mul3A_1618 : i32
    %add3A_1620 = arith.addi %multiple_of3A, %mul3A_1619 : i32
    %multiple_of3A_1621 = tpu.assume_multiple %add3A_1620, 8 : i32
    %dma_wait3A_1622 = arith.constant 3 : i32
    %dma_wait3A_1623 = arith.constant 0 : i32
    %dma_wait3A_1624 = arith.constant 0 : i32
    %dma_wait3A_1625 = tpu.memref_slice %arg7[%dma_wait3A_1622, %dma_wait3A_1623, %dma_wait3A_1624] : memref<8x80x128xf32, #tpu.memory_space<vmem>> -> memref<1x80x128xf32, #tpu.memory_space<vmem>>
    %dma_wait3A_1626 = tpu.memref_squeeze %dma_wait3A_1625 : memref<1x80x128xf32, #tpu.memory_space<vmem>> -> memref<80x128xf32, #tpu.memory_space<vmem>>
    %dma_wait3A_1627 = arith.constant 0 : i32
    %dma_wait3A_1628 = tpu.memref_slice %arg4[%multiple_of3A_1621, %dma_wait3A_1627] : memref<100000x128xf32, #tpu.memory_space<hbm>> -> memref<80x128xf32, #tpu.memory_space<hbm>>
    %dma_wait3A_1629 = arith.constant 0 : i32
    %dma_wait3A_1630 = tpu.memref_slice %arg4[%multiple_of3A_1621, %dma_wait3A_1629] : memref<100000x128xf32, #tpu.memory_space<hbm>> -> memref<80x128xf32, #tpu.memory_space<hbm>>
    %dma_wait3A_1631 = arith.constant 0 : i32
    %dma_wait3A_1632 = arith.constant 0 : i32
    %dma_wait3A_1633 = tpu.memref_slice %arg7[%dma_wait3A_1622, %dma_wait3A_1631, %dma_wait3A_1632] : memref<8x80x128xf32, #tpu.memory_space<vmem>> -> memref<1x80x128xf32, #tpu.memory_space<vmem>>
    %dma_wait3A_1634 = tpu.memref_squeeze %dma_wait3A_1633 : memref<1x80x128xf32, #tpu.memory_space<vmem>> -> memref<80x128xf32, #tpu.memory_space<vmem>>
    tpu.wait_dma2 semaphore(%arg20 : memref<!tpu.dma_semaphore, #tpu.memory_space<semaphore_mem>>) src(%dma_wait3A_1634 : memref<80x128xf32, #tpu.memory_space<vmem>>) dst(%dma_wait3A_1630 : memref<80x128xf32, #tpu.memory_space<hbm>>)
    %add3A_1635 = arith.constant 39 : i32
    %add3A_1636 = arith.constant 4 : i32
    %add3A_1637 = arith.addi %add3A_1635, %add3A_1636 : i32
    %min3A_1638 = arith.constant 39 : i32
    %min3A_1639 = arith.minsi %add3A_1637, %min3A_1638 : i32
    %mul3A_1640 = arith.constant 80 : i32
    %mul3A_1641 = arith.muli %min3A_1639, %mul3A_1640 : i32
    %multiple_of3A_1642 = tpu.assume_multiple %mul3A_1641, 8 : i32
    %add3A_1643 = arith.constant 40 : i32
    %add3A_1644 = arith.addi %multiple_of3A_1642, %add3A_1643 : i32
    %multiple_of3A_1645 = tpu.assume_multiple %add3A_1644, 8 : i32
    %dma_start3A_1646 = arith.constant 3 : i32
    %dma_start3A_1647 = arith.constant 0 : i32
    %dma_start3A_1648 = arith.constant 0 : i32
    %dma_start3A_1649 = tpu.memref_slice %arg7[%dma_start3A_1646, %dma_start3A_1647, %dma_start3A_1648] : memref<8x80x128xf32, #tpu.memory_space<vmem>> -> memref<1x40x128xf32, #tpu.memory_space<vmem>>
    %dma_start3A_1650 = tpu.memref_squeeze %dma_start3A_1649 : memref<1x40x128xf32, #tpu.memory_space<vmem>> -> memref<40x128xf32, #tpu.memory_space<vmem>>
    %dma_start3A_1651 = tpu.memref_slice %arg6[%multiple_of3A_1642] : memref<3200xi32, #tpu.memory_space<vmem>> -> memref<40xi32, #tpu.memory_space<vmem>>
    %dma_start3A_1652 = arith.constant 0 : i32
    %dma_start3A_1653 = arith.constant 0 : i32
    %dma_start3A_1654 = tpu.memref_slice %arg5[%dma_start3A_1652, %dma_start3A_1653] : memref<128x128xf32, #tpu.memory_space<vmem_shared>> -> memref<128x128xf32, #tpu.memory_space<vmem_shared>>
    tpu.enqueue_indirect_dma source(%dma_start3A_1654 : memref<128x128xf32, #tpu.memory_space<vmem_shared>>) target(%dma_start3A_1650 : memref<40x128xf32, #tpu.memory_space<vmem>>) offsets(%dma_start3A_1651 : memref<40xi32, #tpu.memory_space<vmem>>) semaphore(%arg12 : memref<!tpu.dma_semaphore, #tpu.memory_space<semaphore_mem>>)
    %dma_start3A_1655 = arith.constant 3 : i32
    %dma_start3A_1656 = arith.constant 40 : i32
    %dma_start3A_1657 = arith.constant 0 : i32
    %dma_start3A_1658 = tpu.memref_slice %arg7[%dma_start3A_1655, %dma_start3A_1656, %dma_start3A_1657] : memref<8x80x128xf32, #tpu.memory_space<vmem>> -> memref<1x40x128xf32, #tpu.memory_space<vmem>>
    %dma_start3A_1659 = tpu.memref_squeeze %dma_start3A_1658 : memref<1x40x128xf32, #tpu.memory_space<vmem>> -> memref<40x128xf32, #tpu.memory_space<vmem>>
    %dma_start3A_1660 = tpu.memref_slice %arg6[%multiple_of3A_1645] : memref<3200xi32, #tpu.memory_space<vmem>> -> memref<40xi32, #tpu.memory_space<vmem>>
    %dma_start3A_1661 = arith.constant 0 : i32
    %dma_start3A_1662 = arith.constant 0 : i32
    %dma_start3A_1663 = tpu.memref_slice %arg5[%dma_start3A_1661, %dma_start3A_1662] : memref<128x128xf32, #tpu.memory_space<vmem_shared>> -> memref<128x128xf32, #tpu.memory_space<vmem_shared>>
    tpu.enqueue_indirect_dma source(%dma_start3A_1663 : memref<128x128xf32, #tpu.memory_space<vmem_shared>>) target(%dma_start3A_1659 : memref<40x128xf32, #tpu.memory_space<vmem>>) offsets(%dma_start3A_1660 : memref<40xi32, #tpu.memory_space<vmem>>) semaphore(%arg12 : memref<!tpu.dma_semaphore, #tpu.memory_space<semaphore_mem>>)
    %min3A_1664 = arith.constant 39 : i32
    %min3A_1665 = arith.constant 39 : i32
    %min3A_1666 = arith.minsi %min3A_1664, %min3A_1665 : i32
    %mul3A_1667 = arith.constant 80 : i32
    %mul3A_1668 = arith.muli %min3A_1666, %mul3A_1667 : i32
    %multiple_of3A_1669 = tpu.assume_multiple %mul3A_1668, 8 : i32
    %add3A_1670 = arith.constant 40 : i32
    %add3A_1671 = arith.addi %multiple_of3A_1669, %add3A_1670 : i32
    %multiple_of3A_1672 = tpu.assume_multiple %add3A_1671, 8 : i32
    %dma_wait3A_1673 = arith.constant 7 : i32
    %dma_wait3A_1674 = arith.constant 0 : i32
    %dma_wait3A_1675 = arith.constant 0 : i32
    %dma_wait3A_1676 = tpu.memref_slice %arg7[%dma_wait3A_1673, %dma_wait3A_1674, %dma_wait3A_1675] : memref<8x80x128xf32, #tpu.memory_space<vmem>> -> memref<1x40x128xf32, #tpu.memory_space<vmem>>
    %dma_wait3A_1677 = tpu.memref_squeeze %dma_wait3A_1676 : memref<1x40x128xf32, #tpu.memory_space<vmem>> -> memref<40x128xf32, #tpu.memory_space<vmem>>
    %dma_wait3A_1678 = tpu.memref_slice %arg6[%multiple_of3A_1669] : memref<3200xi32, #tpu.memory_space<vmem>> -> memref<40xi32, #tpu.memory_space<vmem>>
    %dma_wait3A_1679 = arith.constant 0 : i32
    %dma_wait3A_1680 = arith.constant 0 : i32
    %dma_wait3A_1681 = tpu.memref_slice %arg5[%dma_wait3A_1679, %dma_wait3A_1680] : memref<128x128xf32, #tpu.memory_space<vmem_shared>> -> memref<128x128xf32, #tpu.memory_space<vmem_shared>>
    tpu.wait_indirect_dma semaphore(%arg16 : memref<!tpu.dma_semaphore, #tpu.memory_space<semaphore_mem>>) src(%dma_wait3A_1681 : memref<128x128xf32, #tpu.memory_space<vmem_shared>>) dst(%dma_wait3A_1677 : memref<40x128xf32, #tpu.memory_space<vmem>>)
    %dma_wait3A_1682 = arith.constant 7 : i32
    %dma_wait3A_1683 = arith.constant 40 : i32
    %dma_wait3A_1684 = arith.constant 0 : i32
    %dma_wait3A_1685 = tpu.memref_slice %arg7[%dma_wait3A_1682, %dma_wait3A_1683, %dma_wait3A_1684] : memref<8x80x128xf32, #tpu.memory_space<vmem>> -> memref<1x40x128xf32, #tpu.memory_space<vmem>>
    %dma_wait3A_1686 = tpu.memref_squeeze %dma_wait3A_1685 : memref<1x40x128xf32, #tpu.memory_space<vmem>> -> memref<40x128xf32, #tpu.memory_space<vmem>>
    %dma_wait3A_1687 = tpu.memref_slice %arg6[%multiple_of3A_1672] : memref<3200xi32, #tpu.memory_space<vmem>> -> memref<40xi32, #tpu.memory_space<vmem>>
    %dma_wait3A_1688 = arith.constant 0 : i32
    %dma_wait3A_1689 = arith.constant 0 : i32
    %dma_wait3A_1690 = tpu.memref_slice %arg5[%dma_wait3A_1688, %dma_wait3A_1689] : memref<128x128xf32, #tpu.memory_space<vmem_shared>> -> memref<128x128xf32, #tpu.memory_space<vmem_shared>>
    tpu.wait_indirect_dma semaphore(%arg16 : memref<!tpu.dma_semaphore, #tpu.memory_space<semaphore_mem>>) src(%dma_wait3A_1690 : memref<128x128xf32, #tpu.memory_space<vmem_shared>>) dst(%dma_wait3A_1686 : memref<40x128xf32, #tpu.memory_space<vmem>>)
    %min3A_1691 = arith.constant 39 : i32
    %min3A_1692 = arith.constant 39 : i32
    %min3A_1693 = arith.minsi %min3A_1691, %min3A_1692 : i32
    %mul3A_1694 = arith.constant 80 : i32
    %mul3A_1695 = arith.muli %min3A_1693, %mul3A_1694 : i32
    %add3A_1696 = arith.addi %multiple_of3A, %mul3A_1695 : i32
    %multiple_of3A_1697 = tpu.assume_multiple %add3A_1696, 8 : i32
    %dma_start3A_1698 = arith.constant 7 : i32
    %dma_start3A_1699 = arith.constant 0 : i32
    %dma_start3A_1700 = arith.constant 0 : i32
    %dma_start3A_1701 = tpu.memref_slice %arg7[%dma_start3A_1698, %dma_start3A_1699, %dma_start3A_1700] : memref<8x80x128xf32, #tpu.memory_space<vmem>> -> memref<1x80x128xf32, #tpu.memory_space<vmem>>
    %dma_start3A_1702 = tpu.memref_squeeze %dma_start3A_1701 : memref<1x80x128xf32, #tpu.memory_space<vmem>> -> memref<80x128xf32, #tpu.memory_space<vmem>>
    %dma_start3A_1703 = arith.constant 0 : i32
    %dma_start3A_1704 = tpu.memref_slice %arg4[%multiple_of3A_1697, %dma_start3A_1703] : memref<100000x128xf32, #tpu.memory_space<hbm>> -> memref<80x128xf32, #tpu.memory_space<hbm>>
    %dma_start3A_1705 = arith.constant 0 : i32
    %dma_start3A_1706 = tpu.memref_slice %arg4[%multiple_of3A_1697, %dma_start3A_1705] : memref<100000x128xf32, #tpu.memory_space<hbm>> -> memref<80x128xf32, #tpu.memory_space<hbm>>
    %dma_start3A_1707 = arith.constant 0 : i32
    %dma_start3A_1708 = arith.constant 0 : i32
    %dma_start3A_1709 = tpu.memref_slice %arg7[%dma_start3A_1698, %dma_start3A_1707, %dma_start3A_1708] : memref<8x80x128xf32, #tpu.memory_space<vmem>> -> memref<1x80x128xf32, #tpu.memory_space<vmem>>
    %dma_start3A_1710 = tpu.memref_squeeze %dma_start3A_1709 : memref<1x80x128xf32, #tpu.memory_space<vmem>> -> memref<80x128xf32, #tpu.memory_space<vmem>>
    tpu.enqueue_dma source(%dma_start3A_1710 : memref<80x128xf32, #tpu.memory_space<vmem>>) target(%dma_start3A_1706 : memref<80x128xf32, #tpu.memory_space<hbm>>) target_semaphore(%arg24 : memref<!tpu.dma_semaphore, #tpu.memory_space<semaphore_mem>>)
    %min3A_1711 = arith.constant 39 : i32
    %min3A_1712 = arith.constant 39 : i32
    %min3A_1713 = arith.minsi %min3A_1711, %min3A_1712 : i32
    %mul3A_1714 = arith.constant 80 : i32
    %mul3A_1715 = arith.muli %min3A_1713, %mul3A_1714 : i32
    %multiple_of3A_1716 = tpu.assume_multiple %mul3A_1715, 8 : i32
    %add3A_1717 = arith.constant 40 : i32
    %add3A_1718 = arith.addi %multiple_of3A_1716, %add3A_1717 : i32
    %multiple_of3A_1719 = tpu.assume_multiple %add3A_1718, 8 : i32
    %dma_wait3A_1720 = arith.constant 0 : i32
    %dma_wait3A_1721 = arith.constant 0 : i32
    %dma_wait3A_1722 = arith.constant 0 : i32
    %dma_wait3A_1723 = tpu.memref_slice %arg7[%dma_wait3A_1720, %dma_wait3A_1721, %dma_wait3A_1722] : memref<8x80x128xf32, #tpu.memory_space<vmem>> -> memref<1x40x128xf32, #tpu.memory_space<vmem>>
    %dma_wait3A_1724 = tpu.memref_squeeze %dma_wait3A_1723 : memref<1x40x128xf32, #tpu.memory_space<vmem>> -> memref<40x128xf32, #tpu.memory_space<vmem>>
    %dma_wait3A_1725 = tpu.memref_slice %arg6[%multiple_of3A_1716] : memref<3200xi32, #tpu.memory_space<vmem>> -> memref<40xi32, #tpu.memory_space<vmem>>
    %dma_wait3A_1726 = arith.constant 0 : i32
    %dma_wait3A_1727 = arith.constant 0 : i32
    %dma_wait3A_1728 = tpu.memref_slice %arg5[%dma_wait3A_1726, %dma_wait3A_1727] : memref<128x128xf32, #tpu.memory_space<vmem_shared>> -> memref<128x128xf32, #tpu.memory_space<vmem_shared>>
    tpu.wait_indirect_dma semaphore(%arg9 : memref<!tpu.dma_semaphore, #tpu.memory_space<semaphore_mem>>) src(%dma_wait3A_1728 : memref<128x128xf32, #tpu.memory_space<vmem_shared>>) dst(%dma_wait3A_1724 : memref<40x128xf32, #tpu.memory_space<vmem>>)
    %dma_wait3A_1729 = arith.constant 0 : i32
    %dma_wait3A_1730 = arith.constant 40 : i32
    %dma_wait3A_1731 = arith.constant 0 : i32
    %dma_wait3A_1732 = tpu.memref_slice %arg7[%dma_wait3A_1729, %dma_wait3A_1730, %dma_wait3A_1731] : memref<8x80x128xf32, #tpu.memory_space<vmem>> -> memref<1x40x128xf32, #tpu.memory_space<vmem>>
    %dma_wait3A_1733 = tpu.memref_squeeze %dma_wait3A_1732 : memref<1x40x128xf32, #tpu.memory_space<vmem>> -> memref<40x128xf32, #tpu.memory_space<vmem>>
    %dma_wait3A_1734 = tpu.memref_slice %arg6[%multiple_of3A_1719] : memref<3200xi32, #tpu.memory_space<vmem>> -> memref<40xi32, #tpu.memory_space<vmem>>
    %dma_wait3A_1735 = arith.constant 0 : i32
    %dma_wait3A_1736 = arith.constant 0 : i32
    %dma_wait3A_1737 = tpu.memref_slice %arg5[%dma_wait3A_1735, %dma_wait3A_1736] : memref<128x128xf32, #tpu.memory_space<vmem_shared>> -> memref<128x128xf32, #tpu.memory_space<vmem_shared>>
    tpu.wait_indirect_dma semaphore(%arg9 : memref<!tpu.dma_semaphore, #tpu.memory_space<semaphore_mem>>) src(%dma_wait3A_1737 : memref<128x128xf32, #tpu.memory_space<vmem_shared>>) dst(%dma_wait3A_1733 : memref<40x128xf32, #tpu.memory_space<vmem>>)
    %min3A_1738 = arith.constant 39 : i32
    %min3A_1739 = arith.constant 39 : i32
    %min3A_1740 = arith.minsi %min3A_1738, %min3A_1739 : i32
    %mul3A_1741 = arith.constant 80 : i32
    %mul3A_1742 = arith.muli %min3A_1740, %mul3A_1741 : i32
    %multiple_of3A_1743 = tpu.assume_multiple %mul3A_1742, 8 : i32
    %add3A_1744 = arith.constant 40 : i32
    %add3A_1745 = arith.addi %multiple_of3A_1743, %add3A_1744 : i32
    %multiple_of3A_1746 = tpu.assume_multiple %add3A_1745, 8 : i32
    %dma_wait3A_1747 = arith.constant 1 : i32
    %dma_wait3A_1748 = arith.constant 0 : i32
    %dma_wait3A_1749 = arith.constant 0 : i32
    %dma_wait3A_1750 = tpu.memref_slice %arg7[%dma_wait3A_1747, %dma_wait3A_1748, %dma_wait3A_1749] : memref<8x80x128xf32, #tpu.memory_space<vmem>> -> memref<1x40x128xf32, #tpu.memory_space<vmem>>
    %dma_wait3A_1751 = tpu.memref_squeeze %dma_wait3A_1750 : memref<1x40x128xf32, #tpu.memory_space<vmem>> -> memref<40x128xf32, #tpu.memory_space<vmem>>
    %dma_wait3A_1752 = tpu.memref_slice %arg6[%multiple_of3A_1743] : memref<3200xi32, #tpu.memory_space<vmem>> -> memref<40xi32, #tpu.memory_space<vmem>>
    %dma_wait3A_1753 = arith.constant 0 : i32
    %dma_wait3A_1754 = arith.constant 0 : i32
    %dma_wait3A_1755 = tpu.memref_slice %arg5[%dma_wait3A_1753, %dma_wait3A_1754] : memref<128x128xf32, #tpu.memory_space<vmem_shared>> -> memref<128x128xf32, #tpu.memory_space<vmem_shared>>
    tpu.wait_indirect_dma semaphore(%arg10 : memref<!tpu.dma_semaphore, #tpu.memory_space<semaphore_mem>>) src(%dma_wait3A_1755 : memref<128x128xf32, #tpu.memory_space<vmem_shared>>) dst(%dma_wait3A_1751 : memref<40x128xf32, #tpu.memory_space<vmem>>)
    %dma_wait3A_1756 = arith.constant 1 : i32
    %dma_wait3A_1757 = arith.constant 40 : i32
    %dma_wait3A_1758 = arith.constant 0 : i32
    %dma_wait3A_1759 = tpu.memref_slice %arg7[%dma_wait3A_1756, %dma_wait3A_1757, %dma_wait3A_1758] : memref<8x80x128xf32, #tpu.memory_space<vmem>> -> memref<1x40x128xf32, #tpu.memory_space<vmem>>
    %dma_wait3A_1760 = tpu.memref_squeeze %dma_wait3A_1759 : memref<1x40x128xf32, #tpu.memory_space<vmem>> -> memref<40x128xf32, #tpu.memory_space<vmem>>
    %dma_wait3A_1761 = tpu.memref_slice %arg6[%multiple_of3A_1746] : memref<3200xi32, #tpu.memory_space<vmem>> -> memref<40xi32, #tpu.memory_space<vmem>>
    %dma_wait3A_1762 = arith.constant 0 : i32
    %dma_wait3A_1763 = arith.constant 0 : i32
    %dma_wait3A_1764 = tpu.memref_slice %arg5[%dma_wait3A_1762, %dma_wait3A_1763] : memref<128x128xf32, #tpu.memory_space<vmem_shared>> -> memref<128x128xf32, #tpu.memory_space<vmem_shared>>
    tpu.wait_indirect_dma semaphore(%arg10 : memref<!tpu.dma_semaphore, #tpu.memory_space<semaphore_mem>>) src(%dma_wait3A_1764 : memref<128x128xf32, #tpu.memory_space<vmem_shared>>) dst(%dma_wait3A_1760 : memref<40x128xf32, #tpu.memory_space<vmem>>)
    %min3A_1765 = arith.constant 39 : i32
    %min3A_1766 = arith.constant 39 : i32
    %min3A_1767 = arith.minsi %min3A_1765, %min3A_1766 : i32
    %mul3A_1768 = arith.constant 80 : i32
    %mul3A_1769 = arith.muli %min3A_1767, %mul3A_1768 : i32
    %multiple_of3A_1770 = tpu.assume_multiple %mul3A_1769, 8 : i32
    %add3A_1771 = arith.constant 40 : i32
    %add3A_1772 = arith.addi %multiple_of3A_1770, %add3A_1771 : i32
    %multiple_of3A_1773 = tpu.assume_multiple %add3A_1772, 8 : i32
    %dma_wait3A_1774 = arith.constant 2 : i32
    %dma_wait3A_1775 = arith.constant 0 : i32
    %dma_wait3A_1776 = arith.constant 0 : i32
    %dma_wait3A_1777 = tpu.memref_slice %arg7[%dma_wait3A_1774, %dma_wait3A_1775, %dma_wait3A_1776] : memref<8x80x128xf32, #tpu.memory_space<vmem>> -> memref<1x40x128xf32, #tpu.memory_space<vmem>>
    %dma_wait3A_1778 = tpu.memref_squeeze %dma_wait3A_1777 : memref<1x40x128xf32, #tpu.memory_space<vmem>> -> memref<40x128xf32, #tpu.memory_space<vmem>>
    %dma_wait3A_1779 = tpu.memref_slice %arg6[%multiple_of3A_1770] : memref<3200xi32, #tpu.memory_space<vmem>> -> memref<40xi32, #tpu.memory_space<vmem>>
    %dma_wait3A_1780 = arith.constant 0 : i32
    %dma_wait3A_1781 = arith.constant 0 : i32
    %dma_wait3A_1782 = tpu.memref_slice %arg5[%dma_wait3A_1780, %dma_wait3A_1781] : memref<128x128xf32, #tpu.memory_space<vmem_shared>> -> memref<128x128xf32, #tpu.memory_space<vmem_shared>>
    tpu.wait_indirect_dma semaphore(%arg11 : memref<!tpu.dma_semaphore, #tpu.memory_space<semaphore_mem>>) src(%dma_wait3A_1782 : memref<128x128xf32, #tpu.memory_space<vmem_shared>>) dst(%dma_wait3A_1778 : memref<40x128xf32, #tpu.memory_space<vmem>>)
    %dma_wait3A_1783 = arith.constant 2 : i32
    %dma_wait3A_1784 = arith.constant 40 : i32
    %dma_wait3A_1785 = arith.constant 0 : i32
    %dma_wait3A_1786 = tpu.memref_slice %arg7[%dma_wait3A_1783, %dma_wait3A_1784, %dma_wait3A_1785] : memref<8x80x128xf32, #tpu.memory_space<vmem>> -> memref<1x40x128xf32, #tpu.memory_space<vmem>>
    %dma_wait3A_1787 = tpu.memref_squeeze %dma_wait3A_1786 : memref<1x40x128xf32, #tpu.memory_space<vmem>> -> memref<40x128xf32, #tpu.memory_space<vmem>>
    %dma_wait3A_1788 = tpu.memref_slice %arg6[%multiple_of3A_1773] : memref<3200xi32, #tpu.memory_space<vmem>> -> memref<40xi32, #tpu.memory_space<vmem>>
    %dma_wait3A_1789 = arith.constant 0 : i32
    %dma_wait3A_1790 = arith.constant 0 : i32
    %dma_wait3A_1791 = tpu.memref_slice %arg5[%dma_wait3A_1789, %dma_wait3A_1790] : memref<128x128xf32, #tpu.memory_space<vmem_shared>> -> memref<128x128xf32, #tpu.memory_space<vmem_shared>>
    tpu.wait_indirect_dma semaphore(%arg11 : memref<!tpu.dma_semaphore, #tpu.memory_space<semaphore_mem>>) src(%dma_wait3A_1791 : memref<128x128xf32, #tpu.memory_space<vmem_shared>>) dst(%dma_wait3A_1787 : memref<40x128xf32, #tpu.memory_space<vmem>>)
    %min3A_1792 = arith.constant 39 : i32
    %min3A_1793 = arith.constant 39 : i32
    %min3A_1794 = arith.minsi %min3A_1792, %min3A_1793 : i32
    %mul3A_1795 = arith.constant 80 : i32
    %mul3A_1796 = arith.muli %min3A_1794, %mul3A_1795 : i32
    %multiple_of3A_1797 = tpu.assume_multiple %mul3A_1796, 8 : i32
    %add3A_1798 = arith.constant 40 : i32
    %add3A_1799 = arith.addi %multiple_of3A_1797, %add3A_1798 : i32
    %multiple_of3A_1800 = tpu.assume_multiple %add3A_1799, 8 : i32
    %dma_wait3A_1801 = arith.constant 3 : i32
    %dma_wait3A_1802 = arith.constant 0 : i32
    %dma_wait3A_1803 = arith.constant 0 : i32
    %dma_wait3A_1804 = tpu.memref_slice %arg7[%dma_wait3A_1801, %dma_wait3A_1802, %dma_wait3A_1803] : memref<8x80x128xf32, #tpu.memory_space<vmem>> -> memref<1x40x128xf32, #tpu.memory_space<vmem>>
    %dma_wait3A_1805 = tpu.memref_squeeze %dma_wait3A_1804 : memref<1x40x128xf32, #tpu.memory_space<vmem>> -> memref<40x128xf32, #tpu.memory_space<vmem>>
    %dma_wait3A_1806 = tpu.memref_slice %arg6[%multiple_of3A_1797] : memref<3200xi32, #tpu.memory_space<vmem>> -> memref<40xi32, #tpu.memory_space<vmem>>
    %dma_wait3A_1807 = arith.constant 0 : i32
    %dma_wait3A_1808 = arith.constant 0 : i32
    %dma_wait3A_1809 = tpu.memref_slice %arg5[%dma_wait3A_1807, %dma_wait3A_1808] : memref<128x128xf32, #tpu.memory_space<vmem_shared>> -> memref<128x128xf32, #tpu.memory_space<vmem_shared>>
    tpu.wait_indirect_dma semaphore(%arg12 : memref<!tpu.dma_semaphore, #tpu.memory_space<semaphore_mem>>) src(%dma_wait3A_1809 : memref<128x128xf32, #tpu.memory_space<vmem_shared>>) dst(%dma_wait3A_1805 : memref<40x128xf32, #tpu.memory_space<vmem>>)
    %dma_wait3A_1810 = arith.constant 3 : i32
    %dma_wait3A_1811 = arith.constant 40 : i32
    %dma_wait3A_1812 = arith.constant 0 : i32
    %dma_wait3A_1813 = tpu.memref_slice %arg7[%dma_wait3A_1810, %dma_wait3A_1811, %dma_wait3A_1812] : memref<8x80x128xf32, #tpu.memory_space<vmem>> -> memref<1x40x128xf32, #tpu.memory_space<vmem>>
    %dma_wait3A_1814 = tpu.memref_squeeze %dma_wait3A_1813 : memref<1x40x128xf32, #tpu.memory_space<vmem>> -> memref<40x128xf32, #tpu.memory_space<vmem>>
    %dma_wait3A_1815 = tpu.memref_slice %arg6[%multiple_of3A_1800] : memref<3200xi32, #tpu.memory_space<vmem>> -> memref<40xi32, #tpu.memory_space<vmem>>
    %dma_wait3A_1816 = arith.constant 0 : i32
    %dma_wait3A_1817 = arith.constant 0 : i32
    %dma_wait3A_1818 = tpu.memref_slice %arg5[%dma_wait3A_1816, %dma_wait3A_1817] : memref<128x128xf32, #tpu.memory_space<vmem_shared>> -> memref<128x128xf32, #tpu.memory_space<vmem_shared>>
    tpu.wait_indirect_dma semaphore(%arg12 : memref<!tpu.dma_semaphore, #tpu.memory_space<semaphore_mem>>) src(%dma_wait3A_1818 : memref<128x128xf32, #tpu.memory_space<vmem_shared>>) dst(%dma_wait3A_1814 : memref<40x128xf32, #tpu.memory_space<vmem>>)
    %min3A_1819 = arith.constant 36 : i32
    %min3A_1820 = arith.constant 39 : i32
    %min3A_1821 = arith.minsi %min3A_1819, %min3A_1820 : i32
    %mul3A_1822 = arith.constant 80 : i32
    %mul3A_1823 = arith.muli %min3A_1821, %mul3A_1822 : i32
    %add3A_1824 = arith.addi %multiple_of3A, %mul3A_1823 : i32
    %multiple_of3A_1825 = tpu.assume_multiple %add3A_1824, 8 : i32
    %dma_wait3A_1826 = arith.constant 4 : i32
    %dma_wait3A_1827 = arith.constant 0 : i32
    %dma_wait3A_1828 = arith.constant 0 : i32
    %dma_wait3A_1829 = tpu.memref_slice %arg7[%dma_wait3A_1826, %dma_wait3A_1827, %dma_wait3A_1828] : memref<8x80x128xf32, #tpu.memory_space<vmem>> -> memref<1x80x128xf32, #tpu.memory_space<vmem>>
    %dma_wait3A_1830 = tpu.memref_squeeze %dma_wait3A_1829 : memref<1x80x128xf32, #tpu.memory_space<vmem>> -> memref<80x128xf32, #tpu.memory_space<vmem>>
    %dma_wait3A_1831 = arith.constant 0 : i32
    %dma_wait3A_1832 = tpu.memref_slice %arg4[%multiple_of3A_1825, %dma_wait3A_1831] : memref<100000x128xf32, #tpu.memory_space<hbm>> -> memref<80x128xf32, #tpu.memory_space<hbm>>
    %dma_wait3A_1833 = arith.constant 0 : i32
    %dma_wait3A_1834 = tpu.memref_slice %arg4[%multiple_of3A_1825, %dma_wait3A_1833] : memref<100000x128xf32, #tpu.memory_space<hbm>> -> memref<80x128xf32, #tpu.memory_space<hbm>>
    %dma_wait3A_1835 = arith.constant 0 : i32
    %dma_wait3A_1836 = arith.constant 0 : i32
    %dma_wait3A_1837 = tpu.memref_slice %arg7[%dma_wait3A_1826, %dma_wait3A_1835, %dma_wait3A_1836] : memref<8x80x128xf32, #tpu.memory_space<vmem>> -> memref<1x80x128xf32, #tpu.memory_space<vmem>>
    %dma_wait3A_1838 = tpu.memref_squeeze %dma_wait3A_1837 : memref<1x80x128xf32, #tpu.memory_space<vmem>> -> memref<80x128xf32, #tpu.memory_space<vmem>>
    tpu.wait_dma2 semaphore(%arg21 : memref<!tpu.dma_semaphore, #tpu.memory_space<semaphore_mem>>) src(%dma_wait3A_1838 : memref<80x128xf32, #tpu.memory_space<vmem>>) dst(%dma_wait3A_1834 : memref<80x128xf32, #tpu.memory_space<hbm>>)
    %min3A_1839 = arith.constant 37 : i32
    %min3A_1840 = arith.constant 39 : i32
    %min3A_1841 = arith.minsi %min3A_1839, %min3A_1840 : i32
    %mul3A_1842 = arith.constant 80 : i32
    %mul3A_1843 = arith.muli %min3A_1841, %mul3A_1842 : i32
    %add3A_1844 = arith.addi %multiple_of3A, %mul3A_1843 : i32
    %multiple_of3A_1845 = tpu.assume_multiple %add3A_1844, 8 : i32
    %dma_wait3A_1846 = arith.constant 5 : i32
    %dma_wait3A_1847 = arith.constant 0 : i32
    %dma_wait3A_1848 = arith.constant 0 : i32
    %dma_wait3A_1849 = tpu.memref_slice %arg7[%dma_wait3A_1846, %dma_wait3A_1847, %dma_wait3A_1848] : memref<8x80x128xf32, #tpu.memory_space<vmem>> -> memref<1x80x128xf32, #tpu.memory_space<vmem>>
    %dma_wait3A_1850 = tpu.memref_squeeze %dma_wait3A_1849 : memref<1x80x128xf32, #tpu.memory_space<vmem>> -> memref<80x128xf32, #tpu.memory_space<vmem>>
    %dma_wait3A_1851 = arith.constant 0 : i32
    %dma_wait3A_1852 = tpu.memref_slice %arg4[%multiple_of3A_1845, %dma_wait3A_1851] : memref<100000x128xf32, #tpu.memory_space<hbm>> -> memref<80x128xf32, #tpu.memory_space<hbm>>
    %dma_wait3A_1853 = arith.constant 0 : i32
    %dma_wait3A_1854 = tpu.memref_slice %arg4[%multiple_of3A_1845, %dma_wait3A_1853] : memref<100000x128xf32, #tpu.memory_space<hbm>> -> memref<80x128xf32, #tpu.memory_space<hbm>>
    %dma_wait3A_1855 = arith.constant 0 : i32
    %dma_wait3A_1856 = arith.constant 0 : i32
    %dma_wait3A_1857 = tpu.memref_slice %arg7[%dma_wait3A_1846, %dma_wait3A_1855, %dma_wait3A_1856] : memref<8x80x128xf32, #tpu.memory_space<vmem>> -> memref<1x80x128xf32, #tpu.memory_space<vmem>>
    %dma_wait3A_1858 = tpu.memref_squeeze %dma_wait3A_1857 : memref<1x80x128xf32, #tpu.memory_space<vmem>> -> memref<80x128xf32, #tpu.memory_space<vmem>>
    tpu.wait_dma2 semaphore(%arg22 : memref<!tpu.dma_semaphore, #tpu.memory_space<semaphore_mem>>) src(%dma_wait3A_1858 : memref<80x128xf32, #tpu.memory_space<vmem>>) dst(%dma_wait3A_1854 : memref<80x128xf32, #tpu.memory_space<hbm>>)
    %min3A_1859 = arith.constant 38 : i32
    %min3A_1860 = arith.constant 39 : i32
    %min3A_1861 = arith.minsi %min3A_1859, %min3A_1860 : i32
    %mul3A_1862 = arith.constant 80 : i32
    %mul3A_1863 = arith.muli %min3A_1861, %mul3A_1862 : i32
    %add3A_1864 = arith.addi %multiple_of3A, %mul3A_1863 : i32
    %multiple_of3A_1865 = tpu.assume_multiple %add3A_1864, 8 : i32
    %dma_wait3A_1866 = arith.constant 6 : i32
    %dma_wait3A_1867 = arith.constant 0 : i32
    %dma_wait3A_1868 = arith.constant 0 : i32
    %dma_wait3A_1869 = tpu.memref_slice %arg7[%dma_wait3A_1866, %dma_wait3A_1867, %dma_wait3A_1868] : memref<8x80x128xf32, #tpu.memory_space<vmem>> -> memref<1x80x128xf32, #tpu.memory_space<vmem>>
    %dma_wait3A_1870 = tpu.memref_squeeze %dma_wait3A_1869 : memref<1x80x128xf32, #tpu.memory_space<vmem>> -> memref<80x128xf32, #tpu.memory_space<vmem>>
    %dma_wait3A_1871 = arith.constant 0 : i32
    %dma_wait3A_1872 = tpu.memref_slice %arg4[%multiple_of3A_1865, %dma_wait3A_1871] : memref<100000x128xf32, #tpu.memory_space<hbm>> -> memref<80x128xf32, #tpu.memory_space<hbm>>
    %dma_wait3A_1873 = arith.constant 0 : i32
    %dma_wait3A_1874 = tpu.memref_slice %arg4[%multiple_of3A_1865, %dma_wait3A_1873] : memref<100000x128xf32, #tpu.memory_space<hbm>> -> memref<80x128xf32, #tpu.memory_space<hbm>>
    %dma_wait3A_1875 = arith.constant 0 : i32
    %dma_wait3A_1876 = arith.constant 0 : i32
    %dma_wait3A_1877 = tpu.memref_slice %arg7[%dma_wait3A_1866, %dma_wait3A_1875, %dma_wait3A_1876] : memref<8x80x128xf32, #tpu.memory_space<vmem>> -> memref<1x80x128xf32, #tpu.memory_space<vmem>>
    %dma_wait3A_1878 = tpu.memref_squeeze %dma_wait3A_1877 : memref<1x80x128xf32, #tpu.memory_space<vmem>> -> memref<80x128xf32, #tpu.memory_space<vmem>>
    tpu.wait_dma2 semaphore(%arg23 : memref<!tpu.dma_semaphore, #tpu.memory_space<semaphore_mem>>) src(%dma_wait3A_1878 : memref<80x128xf32, #tpu.memory_space<vmem>>) dst(%dma_wait3A_1874 : memref<80x128xf32, #tpu.memory_space<hbm>>)
    %min3A_1879 = arith.constant 39 : i32
    %min3A_1880 = arith.constant 39 : i32
    %min3A_1881 = arith.minsi %min3A_1879, %min3A_1880 : i32
    %mul3A_1882 = arith.constant 80 : i32
    %mul3A_1883 = arith.muli %min3A_1881, %mul3A_1882 : i32
    %add3A_1884 = arith.addi %multiple_of3A, %mul3A_1883 : i32
    %multiple_of3A_1885 = tpu.assume_multiple %add3A_1884, 8 : i32
    %dma_wait3A_1886 = arith.constant 7 : i32
    %dma_wait3A_1887 = arith.constant 0 : i32
    %dma_wait3A_1888 = arith.constant 0 : i32
    %dma_wait3A_1889 = tpu.memref_slice %arg7[%dma_wait3A_1886, %dma_wait3A_1887, %dma_wait3A_1888] : memref<8x80x128xf32, #tpu.memory_space<vmem>> -> memref<1x80x128xf32, #tpu.memory_space<vmem>>
    %dma_wait3A_1890 = tpu.memref_squeeze %dma_wait3A_1889 : memref<1x80x128xf32, #tpu.memory_space<vmem>> -> memref<80x128xf32, #tpu.memory_space<vmem>>
    %dma_wait3A_1891 = arith.constant 0 : i32
    %dma_wait3A_1892 = tpu.memref_slice %arg4[%multiple_of3A_1885, %dma_wait3A_1891] : memref<100000x128xf32, #tpu.memory_space<hbm>> -> memref<80x128xf32, #tpu.memory_space<hbm>>
    %dma_wait3A_1893 = arith.constant 0 : i32
    %dma_wait3A_1894 = tpu.memref_slice %arg4[%multiple_of3A_1885, %dma_wait3A_1893] : memref<100000x128xf32, #tpu.memory_space<hbm>> -> memref<80x128xf32, #tpu.memory_space<hbm>>
    %dma_wait3A_1895 = arith.constant 0 : i32
    %dma_wait3A_1896 = arith.constant 0 : i32
    %dma_wait3A_1897 = tpu.memref_slice %arg7[%dma_wait3A_1886, %dma_wait3A_1895, %dma_wait3A_1896] : memref<8x80x128xf32, #tpu.memory_space<vmem>> -> memref<1x80x128xf32, #tpu.memory_space<vmem>>
    %dma_wait3A_1898 = tpu.memref_squeeze %dma_wait3A_1897 : memref<1x80x128xf32, #tpu.memory_space<vmem>> -> memref<80x128xf32, #tpu.memory_space<vmem>>
    tpu.wait_dma2 semaphore(%arg24 : memref<!tpu.dma_semaphore, #tpu.memory_space<semaphore_mem>>) src(%dma_wait3A_1898 : memref<80x128xf32, #tpu.memory_space<vmem>>) dst(%dma_wait3A_1894 : memref<80x128xf32, #tpu.memory_space<hbm>>)
    return
  }
}

</mosaic_0001>

<sc_bundles>
// kernel: kernel.3.cloned.1.call-start
scs
__scs_entry_jumppad:
0x0: {  	(pc) =	sbr.rel $0x88, $3  }
0x1: {  	(tag) =	ssettag $0x0;
	lr =	simm.s32 $0x1  }
0x2: {  	[smem:$0x3F9F] =	sst lr;
	_ =	strace $0xD0000000  }
0x3: {  	_ = 	snop  }
0x4: {  	_ = 	snop  }
0x5: {  	_ = 	snop  }
0x6: {  	_ = 	snop  }
0x7: {  	_ = 	snop  }
__scs_overlays_trampoline_lowered:
0x8: {  	[smem:$0x3FAE] =	sst s0  }
0x9: {  	[smem:$0x3FAF] =	sst s1  }
0xa: {  	[smem:$0x3FB0] =	sst s2  }
0xb: {  	[smem:$0x3FB1] =	sst s3  }
0xc: {  	[smem:$0x3FB2] =	sst s4  }
0xd: {  	[smem:$0x3FB3] =	sst s5  }
0xe: {  	[smem:$0x3FB4] =	sst s6  }
0xf: {  	[smem:$0x3FB5] =	sst s7  }
0x10: {  	[smem:$0x3FB6] =	sst s8  }
0x11: {  	[smem:$0x3FB7] =	sst s9;
	s0 =	simm.s32 @!p0 $0x0  }
0x12: {  	s1 =	sld [smem:$0x3F9D];
	s0 =	simm.s32 @p0 $0x1  }
0x13: {  	[smem:$0x3FB8] =	sst s0;
	s0 =	simm.s32 @!p1 $0x0  }
0x14: {  	s2 =	sld [smem:$0x3F9C];
	s0 =	simm.s32 @p1 $0x1  }
0x15: {  	[smem:$0x3FB9] =	sst s0;
	s0 =	simm.s32 @!p2 $0x0  }
0x16: {  	s3 =	sld [smem:$0x3FDB];
	s0 =	simm.s32 @p2 $0x1  }
0x17: {  	s4 =	simm.s32 $0x1BF5;
	[smem:$0x3FBB] =	sst s0  }
0x18: {  	s0 =	sld [smem:$0x3F9E];
	_ =	swait.ge [sflag:s4], $0x0  }
0x19: {  	s7 =	sld [smem:$0x3F9F]  }
0x1a: {  	s8 =	sadd.s32 $0xFFFFE003, lr  }
0x1b: {  	s9 =	sadd.s32 $0xFFFFFEF7, lr;
	s5 =	simm.s32 $0xFFFFFFFF;
	p2 =	slt.u32 s8, $0xFFFFF086  }
0x1c: {  	p1 =	slt.u32 s9, $0xF7A;
	s5 =	simm.s32 @!p2 $0x0  }
0x1d: {  	s5 =	simm.s32 @p1 $0x1;
	p0 =	seq.s32 s7, s2  }
0x1e: {  	s7 =	smul.u32 @!p0 $0xF7A, s2;
	p2 =	seq.s32 @!p0 s5, $0x0  }
0x1f: {  	s9 =	smul.u32 $0xF7A, s1;
	s8 =	simm.s32 @!p0 $0x1BF5;
	p2 =	por !p2, p0  }
0x20: {  	[sflag:s8] =	ssyncset.s32 @!p0 $0xFFFFF086;
	s6 =	sadd.s32 @!p0 s3, s7;
	s7 =	simm.s32 @!p0 $0x108  }
0x21: {  	s3 =	sadd.s32 s3, s9;
	s6 =	sadd.s32 @!p0 $0x88, s6;
	s7 =	simm.s32 @p2 $0x1082  }
0x22: {  	[simem:s7], [sflag:s8] =	dma.local @!p0 [hbm:s6], $0xF7A  }
0x23: {  	s9 =	sor.u32 $0xD0000000, s2;
	s6 =	simm.s32 $0x108;
	_ =	swait.ge @!p0 [sflag:s8], $0x0  }
0x24: {  	s3 =	sadd.s32 $0x88, s3;
	s6 =	simm.s32 @!p1 $0x1082;
	[sflag:s4] =	ssyncset.s32 $0xFFFFF086  }
0x25: {  	[simem:s6], [sflag:s4] =	dma.local [hbm:s3], $0xF7A  }
0x26: {  	[smem:$0x3F9F] =	sst s1;
	(tag) =	ssettag s2;
	_ =	strace s9  }
0x27: {  	s1 =	sld [smem:$0x3FAF]  }
0x28: {  	s2 =	sld [smem:$0x3FB0]  }
0x29: {  	s4 =	sld [smem:$0x3FB2]  }
0x2a: {  	p0 =	seq.s32 s5, $0x0;
	s5 =	sld [smem:$0x3FB3]  }
0x2b: {  	s6 =	sld [smem:$0x3FB4]  }
0x2c: {  	s7 =	sld [smem:$0x3FB5]  }
0x2d: {  	s3 =	simm.s32 $0x108;
	s8 =	sld [smem:$0x3FB6]  }
0x2e: {  	s3 =	simm.s32 @!p0 $0x1082;
	s9 =	sld [smem:$0x3FB7]  }
0x2f: {  	lr =	sadd.s32 s0, s3;
	s0 =	sld [smem:$0x3FAE]  }
0x30: {  	s3 =	sld [smem:$0x3FB1]  }
0x31: {  	[smem:$0x3FBA] =	sst s10  }
0x32: {  	s10 =	sld [smem:$0x3FB8];
	_ =	sdelay $0x3  }
0x33: {  	p0 =	seq.s32 s10, $0x1;
	s10 =	sld [smem:$0x3FBA];
	_ =	sdelay $0x3  }
0x34: {  	[smem:$0x3FBA] =	sst s10  }
0x35: {  	s10 =	sld [smem:$0x3FB9];
	_ =	sdelay $0x3  }
0x36: {  	p1 =	seq.s32 s10, $0x1;
	s10 =	sld [smem:$0x3FBA];
	_ =	sdelay $0x3  }
0x37: {  	[smem:$0x3FBA] =	sst s10  }
0x38: {  	s10 =	sld [smem:$0x3FBB]  }
0x39: {  	_ = 	snop;
	(pc) =	sbr.ind lr, $3  }
0x3a: {  	_ = 	snop  }
0x3b: {  	_ = 	snop  }
0x3c: {  	p2 =	seq.s32 s10, $0x1;
	s10 =	sld [smem:$0x3FBA]  }
0x3d: {  	_ =	shalt  }
0x3e: {  	_ =	shalt  }
0x3f: {  	_ =	shalt  }
0x40: {  	_ =	shalt  }
0x41: {  	_ =	shalt  }
0x42: {  	_ =	shalt  }
0x43: {  	_ =	shalt  }
0x44: {  	_ =	shalt  }
0x45: {  	_ =	shalt  }
0x46: {  	_ =	shalt  }
0x47: {  	_ =	shalt  }
0x48: {  	_ =	shalt  }
0x49: {  	_ =	shalt  }
0x4a: {  	_ =	shalt  }
0x4b: {  	_ =	shalt  }
0x4c: {  	_ =	shalt  }
0x4d: {  	_ =	shalt  }
0x4e: {  	_ =	shalt  }
0x4f: {  	_ =	shalt  }
0x50: {  	_ =	shalt  }
0x51: {  	_ =	shalt  }
0x52: {  	_ =	shalt  }
0x53: {  	_ =	shalt  }
0x54: {  	_ =	shalt  }
0x55: {  	_ =	shalt  }
0x56: {  	_ =	shalt  }
0x57: {  	_ =	shalt  }
0x58: {  	_ =	shalt  }
0x59: {  	_ =	shalt  }
0x5a: {  	_ =	shalt  }
0x5b: {  	_ =	shalt  }
0x5c: {  	_ =	shalt  }
0x5d: {  	_ =	shalt  }
0x5e: {  	_ =	shalt  }
0x5f: {  	_ =	shalt  }
0x60: {  	_ =	shalt  }
0x61: {  	_ =	shalt  }
0x62: {  	_ =	shalt  }
0x63: {  	_ =	shalt  }
0x64: {  	_ =	shalt  }
0x65: {  	_ =	shalt  }
0x66: {  	_ =	shalt  }
0x67: {  	_ =	shalt  }
0x68: {  	_ =	shalt  }
0x69: {  	_ =	shalt  }
0x6a: {  	_ =	shalt  }
0x6b: {  	_ =	shalt  }
0x6c: {  	_ =	shalt  }
0x6d: {  	_ =	shalt  }
0x6e: {  	_ =	shalt  }
0x6f: {  	_ =	shalt  }
0x70: {  	_ =	shalt  }
0x71: {  	_ =	shalt  }
0x72: {  	_ =	shalt  }
0x73: {  	_ =	shalt  }
0x74: {  	_ =	shalt  }
0x75: {  	_ =	shalt  }
0x76: {  	_ =	shalt  }
0x77: {  	_ =	shalt  }
0x78: {  	_ =	shalt  }
0x79: {  	_ =	shalt  }
0x7a: {  	_ =	shalt  }
0x7b: {  	_ =	shalt  }
0x7c: {  	_ =	shalt  }
0x7d: {  	_ =	shalt  }
0x7e: {  	_ =	shalt  }
0x7f: {  	_ =	shalt  }
0x80: {  	_ =	shalt  }
0x81: {  	_ =	shalt  }
0x82: {  	_ =	shalt  }
0x83: {  	_ =	shalt  }
0x84: {  	_ =	shalt  }
0x85: {  	_ =	shalt  }
0x86: {  	_ =	shalt  }
0x87: {  	_ =	shalt  }
.Lfunc_end0:
.L_simem_size_0:
called_computation_lowered:
.L_overlay_start_0:
0x88: {  	s2 =	sld [smem:$0x3FD9]  }
0x89: {  	s3 =	sld [smem:$0x3FFE];
	_ =	sdelay $0x1  }
0x8a: {  	s1 =	srdreg.scid  }
0x8b: {  	s0 =	sand.u32 $0x1, s1  }
0x8c: {  	s18 =	sshll.u32 s0, $0xA;
	s2 =	sadd.s32 s3, s2  }
0x8d: {  	s2 =	sadd.s32 s2, s18  }
0x8e: {  	[smem:$0x3FC6] =	sst s2  }
0x8f: {  	_ = 	snop  }
0x90: {  	s2 =	sld [smem:$0x3FC9]  }
0x91: {  	s19 =	sld [smem:$0x3FC8]  }
0x92: {  	s4 =	sld [smem:$0x3FD0];
	(tm) =	ssettm $0x1  }
0x93: {  	s5 =	sld [smem:$0x3FFB];
	_ =	sdelay $0x3  }
0x94: {  	_ =	strace s5  }
0x95: {  	s5 =	sld [smem:$0x3FFC];
	_ =	sdelay $0x3  }
0x96: {  	_ =	strace s5  }
0x97: {  	s5 =	sld [smem:$0x3FFD];
	_ =	sdelay $0x3  }
0x98: {  	_ =	strace s5  }
0x99: {  	_ =	strace $0x8FFFFFFF  }
0x9a: {  	s20 =	sld [smem:$0x3FDB];
	_ =	sdelay $0x1  }
0x9b: {  	s6 =	simm.s32 $_scs_section_size  }
0x9c: {  	s7 =	simm.s32 $_size__tile_overlayer_lowered;
	s8 =	simm.s32 $_tile_overlayer_lowered  }
0x9d: {  	s23 =	simm.s32 $0x1BFF;
	s22 =	sshll.u32 s8, $0x1;
	s5 =	sadd.s32 s6, s20  }
0x9e: {  	s9 =	simm.s32 $0x0;
	s21 =	sshll.u32 s7, $0x1;
	s7 =	sadd.s32 s22, s5  }
0x9f: {  	[timem:s9], [sflag:s23] =	dma.local [hbm:s7], s21  }
0xa0: {  	_ =	swait.ge [sflag:s23], s21  }
0xa1: {  	s6 =	ssub.s32 $0x0, s21;
	[sflag:s23] =	ssyncset.done $0x0  }
0xa2: {  	[sflag:s23] =	ssyncadd.s32 s6;
	_ =	sdelay $0x1  }
0xa3: {  	s24 =	simm.s32 $0x1B8B  }
0xa4: {  	_ =	swait.ge [sflag:s24], $0x1  }
0xa5: {  	[sflag:s24] =	ssyncset.done $0x0  }
0xa6: {  	s25 =	simm.s32 $0x1B8E;
	[sflag:s24] =	ssyncadd.s32 $0xFFFFFFFF  }
0xa7: {  	s26 =	simm.s32 $execute0_lowered;
	[smem:$0x3FD2] =	sst s25  }
0xa8: {  	s6 =	sshll.u32 s26, $0x1;
	_ =	strace $0x80000046;
	[dreg:$0x1] =	wrdreg $0xFFFFFFFF  }
0xa9: {  	s28 =	simm.s32 $_size_execute0_lowered;
	s5 =	sadd.s32 s5, s6;
	[dreg:$0x0] =	wrdreg $0x0  }
0xaa: {  	s6 =	sshll.u32 s28, $0x1;
	[dreg:$0x2] =	wrdreg s5  }
0xab: {  	[dreg:$0x3] =	wrdreg s6  }
0xac: {  	[dreg:$0x4] =	wrdreg $0xC0  }
0xad: {  	_ =	task [dreg:s9], $0x5FFFF  }
0xae: {  	[dreg:$0x1] =	wrdreg $0xFFFFFFFF  }
0xaf: {  	[dreg:$0x0] =	wrdreg $0x60  }
0xb0: {  	[dreg:$0x2] =	wrdreg s19  }
0xb1: {  	[dreg:$0x3] =	wrdreg s2  }
0xb2: {  	[dreg:$0x4] =	wrdreg s4  }
0xb3: {  	[dreg:$0x5] =	wrdreg $0x0  }
0xb4: {  	[dreg:$0x6] =	wrdreg $0x9  }
0xb5: {  	_ =	task.clear_ibuf [dreg:s9], $0x7FFFF;
	_ =	strace $0x90000046  }
0xb6: {  	s29 =	simm.s32 $0x9;
	_ =	strace $0x80000048  }
0xb7: {  	_ =	swait.ge [sflag:s29], $0x1  }
0xb8: {  	[sflag:s29] =	ssyncadd.s32 $0xFFFFFFFF  }
0xb9: {  	_ =	strace $0x90000048  }
0xba: {  	_ =	sfence  }
0xbb: {  	s30 =	sld [smem:$0x0];
	_ =	sdelay $0x2  }
0xbc: {  	s31 =	sshll.u32 s1, $0xD;
	s1 =	sshrl.u32 s1, $0x2  }
0xbd: {  	s3 =	sand.u32 $0x4000, s31;
	s1 =	sadd.s32 s1, s30  }
0xbe: {  	s0 =	sor.u32 s3, s0;
	s1 =	sshll.u32 s1, $0x11  }
0xbf: {  	s0 =	sor.u32 s1, s0  }
0xc0: {  	s0 =	sadd.s32 $0x8F2B, s0  }
0xc1: {  	[sflag:s0] =	ssyncadd.remote.s32 $0x1  }
0xc2: {  	_ =	sfence.sel $0xFFFF  }
0xc3: {  	[dreg:$0x0] =	wrdreg $0xFFFFFFFF;
	(pc) =	sbr.abs _section_cstart, $3  }
0xc4: {  	[dreg:$0x1] =	wrdreg $0xFFFFFFFF  }
0xc5: {  	_ =	task.clear_ibuf [dreg:s9], $0x2FFFF;
	_ =	strace $0x9FFFFFFF  }
0xc6: {  	(tm) =	ssettm $0x7FFFFFFF  }
0xc7: {  	_ =	shalt  }
tec
execute0_lowered:
.L_overlay_start_1:
0x0: {  	(tag) =	ssettag $0x1  }
0x1: {  	s0 =	rddreg [dreg:$0x0]  }
0x2: {  	s1 =	srdreg.scid;
	s4 =	rddreg [dreg:$0x1]  }
0x3: {  	s10 =	stileid.u32;
	s5 =	rddreg [dreg:$0x2];
	s28 =	simm.s32 $0x1  }
0x4: {  	s12 =	simm.s32 $0x11480;
	s11 =	simm.s32 $0x4;
	s13 =	simm.s32 $0x5  }
0x5: {  	s15 =	simm.s32 $0x6;
	s29 =	simm.s32 $0xE;
	s30 =	simm.s32 $0x10  }
0x6: {  	s1 =	sand.u32 $0x1, s1;
	s2 =	sshll.u32 s10, $0x1;
	s16 =	smul.u32 $0x1900, s10  }
0x7: {  	s17 =	sshll.u32 s10, $0x7;
	s18 =	sshll.u32 s10, $0xA;
	s3 =	sor.u32 s1, s2  }
0x8: {  	s2 =	rddreg [dreg:$0x3];
	s7 =	ssub.s32 $0x2, s1;
	s1 =	smul.u32 $0xC80, s1  }
0x9: {  	s6 =	smul.u32 $0xC80, s3;
	s3 =	simm.s32 $0x0;
	s8 =	sshrl.u32 s7, $0x1  }
0xa: {  	s0 =	sadd.s32 s0, s17;
	[smem:$0x7FF] =	sst s3;
	s7 =	ssub.s32 s7, s8  }
0xb: {  	s20 =	sadd.s32 s1, s16;
	s8 =	simm.s32 $0xC480;
	s6 =	smin.u32 s6, $0x17A20  }
0xc: {  	_ =	strace $0x80000047;
	[dreg:$0x6] =	wrdreg s0;
	s0 =	sadd.s32 s18, s2  }
0xd: {  	s31 =	smax.u32 s7, $0x1;
	s9 =	sshrl.u32 s6, $0x3;
	[dreg:$0x8] =	wrdreg s0  }
0xe: {  	s6 =	sshll.u32 s6, $0x4;
	[dreg:$0x10] =	wrdreg s31;
	s4 =	sadd.s32 s4, s9  }
0xf: {  	s16 =	simm.s32 $0x8;
	s6 =	sadd.s32 s5, s6;
	[dreg:$0x5] =	wrdreg s4  }
0x10: {  	s18 =	simm.s32 $0xEC80;
	s19 =	sadd.s32 $0x500, s6;
	[dreg:$0x7] =	wrdreg s6  }
0x11: {  	s7 =	simm.s32 $0x2;
	s21 =	sadd.s32 $0xA00, s6;
	[dreg:$0x9] =	wrdreg s19  }
0x12: {  	s0 =	smin.u32 s20, $0x17A20;
	s22 =	sadd.s32 $0xF00, s6;
	[dreg:$0xa] =	wrdreg s21  }
0x13: {  	s20 =	simm.s32 $0x7;
	s23 =	sadd.s32 $0xB400, s6;
	[dreg:$0xb] =	wrdreg s22  }
0x14: {  	s0 =	sshll.u32 s0, $0x4;
	s24 =	sadd.s32 $0xB900, s6;
	[dreg:$0xc] =	wrdreg s23  }
0x15: {  	s9 =	simm.s32 $0x3;
	s25 =	sadd.s32 $0xBE00, s6;
	[dreg:$0xd] =	wrdreg s24  }
0x16: {  	s26 =	sadd.s32 $0xC300, s6;
	s0 =	sadd.s32 s0, s5;
	[dreg:$0xe] =	wrdreg s25  }
0x17: {  	s6 =	simm.s32 $0x13C80;
	s4 =	simm.s32 $0x0;
	[dreg:$0xf] =	wrdreg s26  }
0x18: {  	s0 =	sadd.s32 $0x1E00, s0;
	s21 =	simm.s32 $0x28;
	s19 =	simm.s32 $0xC  }
0x19: {  	s24 =	simm.s32 $0xD;
	[dreg:$0x11] =	wrdreg s0;
	s0 =	simm.s32 $0xF  }
.LBB2_1:
0x1a: {  	[dreg:$0x12] =	wrdreg s4  }
0x1b: {  	s1 =	rddreg [dreg:$0x5];
	s5 =	simm.s32 $0x400  }
0x1c: {  	[tilespmem:s5], [sflag:$0x11] =	stream.linear.gather [hbm4b:s1+s3], $0xC80, $0x38;
	[tilespmem:$0x15480] =	vst v63  }
0x1d: {  	s25 =	rddreg [dreg:$0x6];
	s10 =	simm.s32 $0x15080;
	s17 =	simm.s32 $0x12  }
0x1e: {  	[tilespmem:s10], [sflag:$0x12] =	stream.linear.gather [hbm4b:s25+s3], $0x400, $0x38;
	[tilespmem:$0x15480] =	vst v63  }
0x1f: {  	_ =	swait.ge [sflag:s17], $0x400  }
0x20: {  	[sflag:s17] =	ssyncset.done $0x0  }
0x21: {  	[sflag:s17] =	ssyncadd.s32 $0xFFFFFC00  }
0x22: {  	v0 =	vld [tilespmem:$0x15080]  }
0x23: {  	v1 =	vld [tilespmem:$0x15090]  }
0x24: {  	v2 =	vld [tilespmem:$0x150A0]  }
0x25: {  	v3 =	vld [tilespmem:$0x150B0]  }
0x26: {  	v4 =	vld [tilespmem:$0x150C0]  }
0x27: {  	v5 =	vld [tilespmem:$0x150D0];
	v0 =	vmul.f32 $8.838834610e-02, v0  }
0x28: {  	v6 =	vld [tilespmem:$0x150E0];
	v1 =	vmul.f32 $8.838834610e-02, v1  }
0x29: {  	v56 =	vld [tilespmem:$0x150F0];
	v55 =	vmul.f32 $8.838834610e-02, v2;
	[tilespmem:$0x15080] =	vst v0  }
0x2a: {  	v58 =	vld [tilespmem:$0x15100];
	v57 =	vmul.f32 $8.838834610e-02, v3;
	[tilespmem:$0x15090] =	vst v1  }
0x2b: {  	v60 =	vld [tilespmem:$0x15110];
	v59 =	vmul.f32 $8.838834610e-02, v4;
	[tilespmem:$0x150A0] =	vst v55  }
0x2c: {  	v62 =	vld [tilespmem:$0x15120];
	v61 =	vmul.f32 $8.838834610e-02, v5;
	[tilespmem:$0x150B0] =	vst v57  }
0x2d: {  	v9 =	vld [tilespmem:$0x15130];
	v63 =	vmul.f32 $8.838834610e-02, v6;
	[tilespmem:$0x150C0] =	vst v59  }
0x2e: {  	v11 =	vld [tilespmem:$0x15140];
	v10 =	vmul.f32 $8.838834610e-02, v56;
	[tilespmem:$0x150D0] =	vst v61  }
0x2f: {  	v13 =	vld [tilespmem:$0x15150];
	v12 =	vmul.f32 $8.838834610e-02, v58;
	[tilespmem:$0x150E0] =	vst v63  }
0x30: {  	v15 =	vld [tilespmem:$0x15160];
	v14 =	vmul.f32 $8.838834610e-02, v60;
	[tilespmem:$0x150F0] =	vst v10  }
0x31: {  	v17 =	vld [tilespmem:$0x15170];
	v16 =	vmul.f32 $8.838834610e-02, v62;
	[tilespmem:$0x15100] =	vst v12  }
0x32: {  	v19 =	vld [tilespmem:$0x15180];
	v18 =	vmul.f32 $8.838834610e-02, v9;
	[tilespmem:$0x15110] =	vst v14  }
0x33: {  	v21 =	vld [tilespmem:$0x15190];
	v20 =	vmul.f32 $8.838834610e-02, v11;
	[tilespmem:$0x15120] =	vst v16  }
0x34: {  	v23 =	vld [tilespmem:$0x151A0];
	v22 =	vmul.f32 $8.838834610e-02, v13;
	[tilespmem:$0x15130] =	vst v18  }
0x35: {  	v25 =	vld [tilespmem:$0x151B0];
	v24 =	vmul.f32 $8.838834610e-02, v15;
	[tilespmem:$0x15140] =	vst v20  }
0x36: {  	v27 =	vld [tilespmem:$0x151C0];
	v26 =	vmul.f32 $8.838834610e-02, v17;
	[tilespmem:$0x15150] =	vst v22  }
0x37: {  	v29 =	vld [tilespmem:$0x151D0];
	v28 =	vmul.f32 $8.838834610e-02, v19;
	[tilespmem:$0x15160] =	vst v24  }
0x38: {  	v31 =	vld [tilespmem:$0x151E0];
	v30 =	vmul.f32 $8.838834610e-02, v21;
	[tilespmem:$0x15170] =	vst v26  }
0x39: {  	v33 =	vld [tilespmem:$0x151F0];
	v32 =	vmul.f32 $8.838834610e-02, v23;
	[tilespmem:$0x15180] =	vst v28  }
0x3a: {  	v35 =	vld [tilespmem:$0x15200];
	v34 =	vmul.f32 $8.838834610e-02, v25;
	[tilespmem:$0x15190] =	vst v30  }
0x3b: {  	v37 =	vld [tilespmem:$0x15210];
	v36 =	vmul.f32 $8.838834610e-02, v27;
	[tilespmem:$0x151A0] =	vst v32  }
0x3c: {  	v39 =	vld [tilespmem:$0x15220];
	v38 =	vmul.f32 $8.838834610e-02, v29;
	[tilespmem:$0x151B0] =	vst v34  }
0x3d: {  	v41 =	vld [tilespmem:$0x15230];
	v40 =	vmul.f32 $8.838834610e-02, v31;
	[tilespmem:$0x151C0] =	vst v36  }
0x3e: {  	v43 =	vld [tilespmem:$0x15240];
	v42 =	vmul.f32 $8.838834610e-02, v33;
	[tilespmem:$0x151D0] =	vst v38  }
0x3f: {  	v45 =	vld [tilespmem:$0x15250];
	v44 =	vmul.f32 $8.838834610e-02, v35;
	[tilespmem:$0x151E0] =	vst v40  }
0x40: {  	v47 =	vld [tilespmem:$0x15260];
	v46 =	vmul.f32 $8.838834610e-02, v37;
	[tilespmem:$0x151F0] =	vst v42  }
0x41: {  	v49 =	vld [tilespmem:$0x15270];
	v48 =	vmul.f32 $8.838834610e-02, v39;
	[tilespmem:$0x15200] =	vst v44  }
0x42: {  	v51 =	vld [tilespmem:$0x15280];
	v50 =	vmul.f32 $8.838834610e-02, v41;
	[tilespmem:$0x15210] =	vst v46  }
0x43: {  	v53 =	vld [tilespmem:$0x15290];
	v52 =	vmul.f32 $8.838834610e-02, v43;
	[tilespmem:$0x15220] =	vst v48  }
0x44: {  	v54 =	vmul.f32 $8.838834610e-02, v45;
	[tilespmem:$0x15230] =	vst v50;
	v55 =	vld [tilespmem:$0x152A0]  }
0x45: {  	v56 =	vmul.f32 $8.838834610e-02, v47;
	[tilespmem:$0x15240] =	vst v52;
	v57 =	vld [tilespmem:$0x152B0]  }
0x46: {  	v58 =	vmul.f32 $8.838834610e-02, v49;
	[tilespmem:$0x15250] =	vst v54;
	v59 =	vld [tilespmem:$0x152C0]  }
0x47: {  	v60 =	vmul.f32 $8.838834610e-02, v51;
	[tilespmem:$0x15260] =	vst v56;
	v61 =	vld [tilespmem:$0x152D0]  }
0x48: {  	v62 =	vmul.f32 $8.838834610e-02, v53;
	[tilespmem:$0x15270] =	vst v58;
	v63 =	vld [tilespmem:$0x152E0]  }
0x49: {  	[tilespmem:$0x15280] =	vst v60;
	v10 =	vld [tilespmem:$0x152F0];
	v9 =	vmul.f32 $8.838834610e-02, v55  }
0x4a: {  	[tilespmem:$0x15290] =	vst v62;
	v12 =	vld [tilespmem:$0x15300];
	v11 =	vmul.f32 $8.838834610e-02, v57  }
0x4b: {  	v14 =	vld [tilespmem:$0x15310];
	v13 =	vmul.f32 $8.838834610e-02, v59;
	[tilespmem:$0x152A0] =	vst v9  }
0x4c: {  	v16 =	vld [tilespmem:$0x15320];
	v15 =	vmul.f32 $8.838834610e-02, v61;
	[tilespmem:$0x152B0] =	vst v11  }
0x4d: {  	v18 =	vld [tilespmem:$0x15330];
	v17 =	vmul.f32 $8.838834610e-02, v63;
	[tilespmem:$0x152C0] =	vst v13  }
0x4e: {  	v20 =	vld [tilespmem:$0x15340];
	v19 =	vmul.f32 $8.838834610e-02, v10;
	[tilespmem:$0x152D0] =	vst v15  }
0x4f: {  	v22 =	vld [tilespmem:$0x15350];
	v21 =	vmul.f32 $8.838834610e-02, v12;
	[tilespmem:$0x152E0] =	vst v17  }
0x50: {  	v24 =	vld [tilespmem:$0x15360];
	v23 =	vmul.f32 $8.838834610e-02, v14;
	[tilespmem:$0x152F0] =	vst v19  }
0x51: {  	v26 =	vld [tilespmem:$0x15370];
	v25 =	vmul.f32 $8.838834610e-02, v16;
	[tilespmem:$0x15300] =	vst v21  }
0x52: {  	v28 =	vld [tilespmem:$0x15380];
	v27 =	vmul.f32 $8.838834610e-02, v18;
	[tilespmem:$0x15310] =	vst v23  }
0x53: {  	v30 =	vld [tilespmem:$0x15390];
	v29 =	vmul.f32 $8.838834610e-02, v20;
	[tilespmem:$0x15320] =	vst v25  }
0x54: {  	v32 =	vld [tilespmem:$0x153A0];
	v31 =	vmul.f32 $8.838834610e-02, v22;
	[tilespmem:$0x15330] =	vst v27  }
0x55: {  	v34 =	vld [tilespmem:$0x153B0];
	v33 =	vmul.f32 $8.838834610e-02, v24;
	[tilespmem:$0x15340] =	vst v29  }
0x56: {  	v36 =	vld [tilespmem:$0x153C0];
	v35 =	vmul.f32 $8.838834610e-02, v26;
	[tilespmem:$0x15350] =	vst v31  }
0x57: {  	v38 =	vld [tilespmem:$0x153D0];
	v37 =	vmul.f32 $8.838834610e-02, v28;
	[tilespmem:$0x15360] =	vst v33  }
0x58: {  	v40 =	vld [tilespmem:$0x153E0];
	v39 =	vmul.f32 $8.838834610e-02, v30;
	[tilespmem:$0x15370] =	vst v35  }
0x59: {  	v42 =	vld [tilespmem:$0x153F0];
	v41 =	vmul.f32 $8.838834610e-02, v32;
	[tilespmem:$0x15380] =	vst v37  }
0x5a: {  	v44 =	vld [tilespmem:$0x15400];
	v43 =	vmul.f32 $8.838834610e-02, v34;
	[tilespmem:$0x15390] =	vst v39  }
0x5b: {  	v46 =	vld [tilespmem:$0x15410];
	v45 =	vmul.f32 $8.838834610e-02, v36;
	[tilespmem:$0x153A0] =	vst v41  }
0x5c: {  	v48 =	vld [tilespmem:$0x15420];
	v47 =	vmul.f32 $8.838834610e-02, v38;
	[tilespmem:$0x153B0] =	vst v43  }
0x5d: {  	v50 =	vld [tilespmem:$0x15430];
	v49 =	vmul.f32 $8.838834610e-02, v40;
	[tilespmem:$0x153C0] =	vst v45  }
0x5e: {  	v52 =	vld [tilespmem:$0x15440];
	v51 =	vmul.f32 $8.838834610e-02, v42;
	[tilespmem:$0x153D0] =	vst v47  }
0x5f: {  	v54 =	vld [tilespmem:$0x15450];
	v53 =	vmul.f32 $8.838834610e-02, v44;
	[tilespmem:$0x153E0] =	vst v49  }
0x60: {  	v56 =	vld [tilespmem:$0x15460];
	v55 =	vmul.f32 $8.838834610e-02, v46;
	[tilespmem:$0x153F0] =	vst v51  }
0x61: {  	v58 =	vld [tilespmem:$0x15470];
	v57 =	vmul.f32 $8.838834610e-02, v48;
	[tilespmem:$0x15400] =	vst v53  }
0x62: {  	v59 =	vmul.f32 $8.838834610e-02, v50;
	[tilespmem:$0x15410] =	vst v55  }
0x63: {  	v60 =	vmul.f32 $8.838834610e-02, v52;
	[tilespmem:$0x15420] =	vst v57  }
0x64: {  	v61 =	vmul.f32 $8.838834610e-02, v54;
	[tilespmem:$0x15430] =	vst v59  }
0x65: {  	v62 =	vmul.f32 $8.838834610e-02, v56;
	[tilespmem:$0x15440] =	vst v60  }
0x66: {  	v63 =	vmul.f32 $8.838834610e-02, v58;
	[tilespmem:$0x15450] =	vst v61  }
0x67: {  	[tilespmem:$0x15460] =	vst v62  }
0x68: {  	s26 =	rddreg [dreg:$0x8];
	[tilespmem:$0x15470] =	vst v63  }
0x69: {  	[spmem:s26] =	stream.linear.scatter [tilespmem:s10], [sflag:$0x12], $0x400, $0x38;
	[tilespmem:$0x15480] =	vst v63  }
0x6a: {  	_ =	swait.ge [sflag:s17], $0x400  }
0x6b: {  	[sflag:s17] =	ssyncset.done $0x0  }
0x6c: {  	s31 =	simm.s32 $0x11;
	[sflag:s17] =	ssyncadd.s32 $0xFFFFFC00  }
0x6d: {  	_ =	swait.ge [sflag:s31], $0xC80  }
0x6e: {  	[sflag:s31] =	ssyncset.done $0x0  }
0x6f: {  	[sflag:s31] =	ssyncadd.s32 $0xFFFFF380  }
0x70: {  	s10 =	simm.s32 $0x1080;
	[bflag:$0x0] =	sbarrier.arrive $0xFFFF  }
0x71: {  	[tilespmem:s10], [sflag:$0x1] =	stream.indirect.gather [spmem:s2], $0x80, s5, s21, $0xb8;
	[tilespmem:$0x15480] =	vst v63  }
0x72: {  	s4 =	simm.s32 $0x428;
	s5 =	simm.s32 $0x2480  }
0x73: {  	[tilespmem:s5], [sflag:$0x1] =	stream.indirect.gather [spmem:s2], $0x80, s4, s21, $0xb8;
	[tilespmem:$0x15480] =	vst v63  }
0x74: {  	s14 =	simm.s32 $0x450;
	s17 =	simm.s32 $0x3880  }
0x75: {  	[tilespmem:s17], [sflag:$0x2] =	stream.indirect.gather [spmem:s2], $0x80, s14, s21, $0xb8;
	[tilespmem:$0x15480] =	vst v63  }
0x76: {  	s22 =	simm.s32 $0x478;
	s25 =	simm.s32 $0x4C80  }
0x77: {  	[tilespmem:s25], [sflag:$0x2] =	stream.indirect.gather [spmem:s2], $0x80, s22, s21, $0xb8;
	[tilespmem:$0x15480] =	vst v63  }
0x78: {  	s23 =	simm.s32 $0x4A0;
	s26 =	simm.s32 $0x6080  }
0x79: {  	[tilespmem:s26], [sflag:$0x3] =	stream.indirect.gather [spmem:s2], $0x80, s23, s21, $0xb8;
	[tilespmem:$0x15480] =	vst v63  }
0x7a: {  	s31 =	simm.s32 $0x4C8;
	s4 =	simm.s32 $0x7480  }
0x7b: {  	[tilespmem:s4], [sflag:$0x3] =	stream.indirect.gather [spmem:s2], $0x80, s31, s21, $0xb8;
	[tilespmem:$0x15480] =	vst v63  }
0x7c: {  	s14 =	simm.s32 $0x4F0;
	s31 =	simm.s32 $0x8880  }
0x7d: {  	[tilespmem:s31], [sflag:$0x4] =	stream.indirect.gather [spmem:s2], $0x80, s14, s21, $0xb8;
	[tilespmem:$0x15480] =	vst v63  }
0x7e: {  	s22 =	simm.s32 $0x518;
	s14 =	simm.s32 $0x9C80  }
0x7f: {  	[tilespmem:s14], [sflag:$0x4] =	stream.indirect.gather [spmem:s2], $0x80, s22, s21, $0xb8;
	[tilespmem:$0x15480] =	vst v63  }
0x80: {  	s23 =	simm.s32 $0x540;
	s22 =	simm.s32 $0xB080  }
0x81: {  	[tilespmem:s22], [sflag:$0x5] =	stream.indirect.gather [spmem:s2], $0x80, s23, s21, $0xb8;
	[tilespmem:$0x15480] =	vst v63  }
0x82: {  	s14 =	simm.s32 $0x568  }
0x83: {  	[tilespmem:s8], [sflag:$0x5] =	stream.indirect.gather [spmem:s2], $0x80, s14, s21, $0xb8;
	[tilespmem:$0x15480] =	vst v63  }
0x84: {  	_ =	swait.ge [sflag:s28], $0x1400  }
0x85: {  	[sflag:s28] =	ssyncset.done $0x0  }
0x86: {  	[sflag:s28] =	ssyncadd.s32 $0xFFFFEC00  }
0x87: {  	_ =	swait.ge [sflag:s28], $0x1400  }
0x88: {  	[sflag:s28] =	ssyncset.done $0x0  }
0x89: {  	s23 =	rddreg [dreg:$0x7];
	[sflag:s28] =	ssyncadd.s32 $0xFFFFEC00  }
0x8a: {  	[hbm4b:s23+s3] =	stream.linear.scatter [tilespmem:s10], [sflag:$0x9], $0x2800, $0x38;
	[tilespmem:$0x15480] =	vst v63  }
0x8b: {  	s14 =	simm.s32 $0x590;
	s23 =	simm.s32 $0xD880  }
0x8c: {  	[tilespmem:s23], [sflag:$0x6] =	stream.indirect.gather [spmem:s2], $0x80, s14, s21, $0xb8;
	[tilespmem:$0x15480] =	vst v63  }
0x8d: {  	s14 =	simm.s32 $0x5B8  }
0x8e: {  	[tilespmem:s18], [sflag:$0x6] =	stream.indirect.gather [spmem:s2], $0x80, s14, s21, $0xb8;
	[tilespmem:$0x15480] =	vst v63  }
0x8f: {  	_ =	swait.ge [sflag:s7], $0x1400  }
0x90: {  	[sflag:s7] =	ssyncset.done $0x0  }
0x91: {  	[sflag:s7] =	ssyncadd.s32 $0xFFFFEC00  }
0x92: {  	_ =	swait.ge [sflag:s7], $0x1400  }
0x93: {  	[sflag:s7] =	ssyncset.done $0x0  }
0x94: {  	s14 =	rddreg [dreg:$0x9];
	[sflag:s7] =	ssyncadd.s32 $0xFFFFEC00  }
0x95: {  	[hbm4b:s14+s3] =	stream.linear.scatter [tilespmem:s17], [sflag:$0xA], $0x2800, $0x38;
	[tilespmem:$0x15480] =	vst v63  }
0x96: {  	s1 =	simm.s32 $0x5E0;
	s14 =	simm.s32 $0x10080  }
0x97: {  	[tilespmem:s14], [sflag:$0x7] =	stream.indirect.gather [spmem:s2], $0x80, s1, s21, $0xb8;
	[tilespmem:$0x15480] =	vst v63  }
0x98: {  	s14 =	simm.s32 $0x608  }
0x99: {  	[tilespmem:s12], [sflag:$0x7] =	stream.indirect.gather [spmem:s2], $0x80, s14, s21, $0xb8;
	[tilespmem:$0x15480] =	vst v63  }
0x9a: {  	_ =	swait.ge [sflag:s9], $0x1400  }
0x9b: {  	[sflag:s9] =	ssyncset.done $0x0  }
0x9c: {  	[sflag:s9] =	ssyncadd.s32 $0xFFFFEC00  }
0x9d: {  	_ =	swait.ge [sflag:s9], $0x1400  }
0x9e: {  	[sflag:s9] =	ssyncset.done $0x0  }
0x9f: {  	s14 =	rddreg [dreg:$0xa];
	[sflag:s9] =	ssyncadd.s32 $0xFFFFEC00  }
0xa0: {  	[hbm4b:s14+s3] =	stream.linear.scatter [tilespmem:s26], [sflag:$0xB], $0x2800, $0x38;
	[tilespmem:$0x15480] =	vst v63  }
0xa1: {  	s1 =	simm.s32 $0x630;
	s14 =	simm.s32 $0x12880  }
0xa2: {  	[tilespmem:s14], [sflag:$0x8] =	stream.indirect.gather [spmem:s2], $0x80, s1, s21, $0xb8;
	[tilespmem:$0x15480] =	vst v63  }
0xa3: {  	s1 =	simm.s32 $0x658  }
0xa4: {  	[tilespmem:s6], [sflag:$0x8] =	stream.indirect.gather [spmem:s2], $0x80, s1, s21, $0xb8;
	[tilespmem:$0x15480] =	vst v63  }
0xa5: {  	_ =	swait.ge [sflag:s11], $0x1400  }
0xa6: {  	[sflag:s11] =	ssyncset.done $0x0  }
0xa7: {  	[sflag:s11] =	ssyncadd.s32 $0xFFFFEC00  }
0xa8: {  	_ =	swait.ge [sflag:s11], $0x1400  }
0xa9: {  	[sflag:s11] =	ssyncset.done $0x0  }
0xaa: {  	s1 =	rddreg [dreg:$0xb];
	[sflag:s11] =	ssyncadd.s32 $0xFFFFEC00  }
0xab: {  	[hbm4b:s1+s3] =	stream.linear.scatter [tilespmem:s31], [sflag:$0xC], $0x2800, $0x38;
	[tilespmem:$0x15480] =	vst v63  }
0xac: {  	s1 =	simm.s32 $0x9  }
0xad: {  	_ =	swait.ge [sflag:s1], $0x2800  }
0xae: {  	[sflag:s1] =	ssyncset.done $0x0  }
0xaf: {  	[sflag:s1] =	ssyncadd.s32 $0xFFFFD800;
	s1 =	simm.s32 $0x680  }
0xb0: {  	[tilespmem:s10], [sflag:$0x1] =	stream.indirect.gather [spmem:s2], $0x80, s1, s21, $0xb8;
	[tilespmem:$0x15480] =	vst v63  }
0xb1: {  	s1 =	simm.s32 $0x6A8  }
0xb2: {  	[tilespmem:s5], [sflag:$0x1] =	stream.indirect.gather [spmem:s2], $0x80, s1, s21, $0xb8;
	[tilespmem:$0x15480] =	vst v63  }
0xb3: {  	_ =	swait.ge [sflag:s13], $0x1400  }
0xb4: {  	[sflag:s13] =	ssyncset.done $0x0  }
0xb5: {  	[sflag:s13] =	ssyncadd.s32 $0xFFFFEC00  }
0xb6: {  	_ =	swait.ge [sflag:s13], $0x1400  }
0xb7: {  	[sflag:s13] =	ssyncset.done $0x0;
	s5 =	rddreg [dreg:$0x11]  }
0xb8: {  	[sflag:s13] =	ssyncadd.s32 $0xFFFFEC00;
	s1 =	sadd.s32 $0xFFFFF600, s5  }
0xb9: {  	[hbm4b:s1+s3] =	stream.linear.scatter [tilespmem:s22], [sflag:$0xD], $0x2800, $0x38;
	[tilespmem:$0x15480] =	vst v63  }
0xba: {  	s1 =	simm.s32 $0xA  }
0xbb: {  	_ =	swait.ge [sflag:s1], $0x2800  }
0xbc: {  	[sflag:s1] =	ssyncset.done $0x0  }
0xbd: {  	[sflag:s1] =	ssyncadd.s32 $0xFFFFD800;
	s1 =	simm.s32 $0x6D0  }
0xbe: {  	[tilespmem:s17], [sflag:$0x2] =	stream.indirect.gather [spmem:s2], $0x80, s1, s21, $0xb8;
	[tilespmem:$0x15480] =	vst v63  }
0xbf: {  	s1 =	simm.s32 $0x6F8  }
0xc0: {  	[tilespmem:s25], [sflag:$0x2] =	stream.indirect.gather [spmem:s2], $0x80, s1, s21, $0xb8;
	[tilespmem:$0x15480] =	vst v63  }
0xc1: {  	_ =	swait.ge [sflag:s15], $0x1400  }
0xc2: {  	[sflag:s15] =	ssyncset.done $0x0  }
0xc3: {  	[sflag:s15] =	ssyncadd.s32 $0xFFFFEC00  }
0xc4: {  	_ =	swait.ge [sflag:s15], $0x1400  }
0xc5: {  	[sflag:s15] =	ssyncset.done $0x0  }
0xc6: {  	s25 =	sadd.s32 $0xFFFFFB00, s5;
	[sflag:s15] =	ssyncadd.s32 $0xFFFFEC00  }
0xc7: {  	[hbm4b:s25+s3] =	stream.linear.scatter [tilespmem:s23], [sflag:$0xE], $0x2800, $0x38;
	[tilespmem:$0x15480] =	vst v63  }
0xc8: {  	s25 =	simm.s32 $0xB  }
0xc9: {  	_ =	swait.ge [sflag:s25], $0x2800  }
0xca: {  	[sflag:s25] =	ssyncset.done $0x0  }
0xcb: {  	[sflag:s25] =	ssyncadd.s32 $0xFFFFD800;
	s25 =	simm.s32 $0x720  }
0xcc: {  	[tilespmem:s26], [sflag:$0x3] =	stream.indirect.gather [spmem:s2], $0x80, s25, s21, $0xb8;
	[tilespmem:$0x15480] =	vst v63  }
0xcd: {  	s25 =	simm.s32 $0x748  }
0xce: {  	[tilespmem:s4], [sflag:$0x3] =	stream.indirect.gather [spmem:s2], $0x80, s25, s21, $0xb8;
	[tilespmem:$0x15480] =	vst v63  }
0xcf: {  	_ =	swait.ge [sflag:s20], $0x1400  }
0xd0: {  	[sflag:s20] =	ssyncset.done $0x0  }
0xd1: {  	[sflag:s20] =	ssyncadd.s32 $0xFFFFEC00  }
0xd2: {  	_ =	swait.ge [sflag:s20], $0x1400  }
0xd3: {  	[sflag:s20] =	ssyncset.done $0x0  }
0xd4: {  	s4 =	simm.s32 $0x10080;
	[sflag:s20] =	ssyncadd.s32 $0xFFFFEC00  }
0xd5: {  	[hbm4b:s5+s3] =	stream.linear.scatter [tilespmem:s4], [sflag:$0xF], $0x2800, $0x38;
	[tilespmem:$0x15480] =	vst v63  }
0xd6: {  	_ =	swait.ge [sflag:s19], $0x2800  }
0xd7: {  	[sflag:s19] =	ssyncset.done $0x0  }
0xd8: {  	s25 =	simm.s32 $0x770;
	[sflag:s19] =	ssyncadd.s32 $0xFFFFD800  }
0xd9: {  	[tilespmem:s31], [sflag:$0x4] =	stream.indirect.gather [spmem:s2], $0x80, s25, s21, $0xb8;
	[tilespmem:$0x15480] =	vst v63  }
0xda: {  	s25 =	simm.s32 $0x798;
	s31 =	simm.s32 $0x9C80  }
0xdb: {  	[tilespmem:s31], [sflag:$0x4] =	stream.indirect.gather [spmem:s2], $0x80, s25, s21, $0xb8;
	[tilespmem:$0x15480] =	vst v63  }
0xdc: {  	_ =	swait.ge [sflag:s16], $0x1400  }
0xdd: {  	[sflag:s16] =	ssyncset.done $0x0  }
0xde: {  	[sflag:s16] =	ssyncadd.s32 $0xFFFFEC00  }
0xdf: {  	_ =	swait.ge [sflag:s16], $0x1400  }
0xe0: {  	[sflag:s16] =	ssyncset.done $0x0  }
0xe1: {  	s25 =	sadd.s32 $0x500, s5;
	[sflag:s16] =	ssyncadd.s32 $0xFFFFEC00  }
0xe2: {  	[hbm4b:s25+s3] =	stream.linear.scatter [tilespmem:s14], [sflag:$0x10], $0x2800, $0x38;
	[tilespmem:$0x15480] =	vst v63  }
0xe3: {  	_ =	swait.ge [sflag:s24], $0x2800  }
0xe4: {  	[sflag:s24] =	ssyncset.done $0x0  }
0xe5: {  	s31 =	simm.s32 $0x7C0;
	[sflag:s24] =	ssyncadd.s32 $0xFFFFD800  }
0xe6: {  	[tilespmem:s22], [sflag:$0x5] =	stream.indirect.gather [spmem:s2], $0x80, s31, s21, $0xb8;
	[tilespmem:$0x15480] =	vst v63  }
0xe7: {  	s25 =	simm.s32 $0x7E8  }
0xe8: {  	[tilespmem:s8], [sflag:$0x5] =	stream.indirect.gather [spmem:s2], $0x80, s25, s21, $0xb8;
	[tilespmem:$0x15480] =	vst v63  }
0xe9: {  	_ =	swait.ge [sflag:s28], $0x1400  }
0xea: {  	[sflag:s28] =	ssyncset.done $0x0  }
0xeb: {  	[sflag:s28] =	ssyncadd.s32 $0xFFFFEC00  }
0xec: {  	_ =	swait.ge [sflag:s28], $0x1400  }
0xed: {  	[sflag:s28] =	ssyncset.done $0x0  }
0xee: {  	s31 =	sadd.s32 $0xA00, s5;
	[sflag:s28] =	ssyncadd.s32 $0xFFFFEC00  }
0xef: {  	[hbm4b:s31+s3] =	stream.linear.scatter [tilespmem:s10], [sflag:$0x9], $0x2800, $0x38;
	[tilespmem:$0x15480] =	vst v63  }
0xf0: {  	_ =	swait.ge [sflag:s29], $0x2800  }
0xf1: {  	[sflag:s29] =	ssyncset.done $0x0  }
0xf2: {  	s8 =	simm.s32 $0x810;
	[sflag:s29] =	ssyncadd.s32 $0xFFFFD800  }
0xf3: {  	[tilespmem:s23], [sflag:$0x6] =	stream.indirect.gather [spmem:s2], $0x80, s8, s21, $0xb8;
	[tilespmem:$0x15480] =	vst v63  }
0xf4: {  	s10 =	simm.s32 $0x838  }
0xf5: {  	[tilespmem:s18], [sflag:$0x6] =	stream.indirect.gather [spmem:s2], $0x80, s10, s21, $0xb8;
	[tilespmem:$0x15480] =	vst v63  }
0xf6: {  	_ =	swait.ge [sflag:s7], $0x1400  }
0xf7: {  	[sflag:s7] =	ssyncset.done $0x0  }
0xf8: {  	[sflag:s7] =	ssyncadd.s32 $0xFFFFEC00  }
0xf9: {  	_ =	swait.ge [sflag:s7], $0x1400  }
0xfa: {  	[sflag:s7] =	ssyncset.done $0x0  }
0xfb: {  	s18 =	sadd.s32 $0xF00, s5;
	[sflag:s7] =	ssyncadd.s32 $0xFFFFEC00  }
0xfc: {  	[hbm4b:s18+s3] =	stream.linear.scatter [tilespmem:s17], [sflag:$0xA], $0x2800, $0x38;
	[tilespmem:$0x15480] =	vst v63  }
0xfd: {  	_ =	swait.ge [sflag:s0], $0x2800  }
0xfe: {  	[sflag:s0] =	ssyncset.done $0x0  }
0xff: {  	s4 =	simm.s32 $0x10080;
	s22 =	simm.s32 $0x860;
	[sflag:s0] =	ssyncadd.s32 $0xFFFFD800  }
0x100: {  	[tilespmem:s4], [sflag:$0x7] =	stream.indirect.gather [spmem:s2], $0x80, s22, s21, $0xb8;
	[tilespmem:$0x15480] =	vst v63  }
0x101: {  	s23 =	simm.s32 $0x888  }
0x102: {  	[tilespmem:s12], [sflag:$0x7] =	stream.indirect.gather [spmem:s2], $0x80, s23, s21, $0xb8;
	[tilespmem:$0x15480] =	vst v63  }
0x103: {  	_ =	swait.ge [sflag:s9], $0x1400  }
0x104: {  	[sflag:s9] =	ssyncset.done $0x0  }
0x105: {  	[sflag:s9] =	ssyncadd.s32 $0xFFFFEC00  }
0x106: {  	_ =	swait.ge [sflag:s9], $0x1400  }
0x107: {  	[sflag:s9] =	ssyncset.done $0x0  }
0x108: {  	s25 =	sadd.s32 $0x1400, s5;
	[sflag:s9] =	ssyncadd.s32 $0xFFFFEC00  }
0x109: {  	[hbm4b:s25+s3] =	stream.linear.scatter [tilespmem:s26], [sflag:$0xB], $0x2800, $0x38;
	[tilespmem:$0x15480] =	vst v63  }
0x10a: {  	_ =	swait.ge [sflag:s30], $0x2800  }
0x10b: {  	[sflag:s30] =	ssyncset.done $0x0  }
0x10c: {  	s26 =	simm.s32 $0x8B0;
	[sflag:s30] =	ssyncadd.s32 $0xFFFFD800  }
0x10d: {  	[tilespmem:s14], [sflag:$0x8] =	stream.indirect.gather [spmem:s2], $0x80, s26, s21, $0xb8;
	[tilespmem:$0x15480] =	vst v63  }
0x10e: {  	s31 =	simm.s32 $0x8D8  }
0x10f: {  	[tilespmem:s6], [sflag:$0x8] =	stream.indirect.gather [spmem:s2], $0x80, s31, s21, $0xb8;
	[tilespmem:$0x15480] =	vst v63  }
0x110: {  	_ =	swait.ge [sflag:s11], $0x1400  }
0x111: {  	[sflag:s11] =	ssyncset.done $0x0  }
0x112: {  	[sflag:s11] =	ssyncadd.s32 $0xFFFFEC00  }
0x113: {  	_ =	swait.ge [sflag:s11], $0x1400  }
0x114: {  	s1 =	simm.s32 $0xA00;
	[sflag:s11] =	ssyncset.done $0x0  }
0x115: {  	s17 =	sadd.s32 $0x1900, s5;
	s5 =	sadd.s32 $0x2800, s5;
	[sflag:s11] =	ssyncadd.s32 $0xFFFFEC00  }
.LBB2_2:
0x116: {  	s31 =	simm.s32 $0x8880  }
0x117: {  	[hbm4b:s17+s3] =	stream.linear.scatter [tilespmem:s31], [sflag:$0xC], $0x2800, $0x38;
	[tilespmem:$0x15480] =	vst v63  }
0x118: {  	s4 =	simm.s32 $0x9;
	s17 =	smov.u32 s1  }
0x119: {  	p0 =	sne.s32 s1, $0x1E00;
	s1 =	sadd.s32 $0xA00, s1;
	_ =	swait.ge [sflag:s4], $0x2800  }
0x11a: {  	s17 =	sshra.s32 s17, $0x2;
	[sflag:s4] =	ssyncset.done $0x0  }
0x11b: {  	s26 =	simm.s32 $0x1080;
	s10 =	sadd.s32 $0x680, s17;
	[sflag:s4] =	ssyncadd.s32 $0xFFFFD800  }
0x11c: {  	[tilespmem:s26], [sflag:$0x1] =	stream.indirect.gather [spmem:s2], $0x80, s10, s21, $0xb8;
	[tilespmem:$0x15480] =	vst v63  }
0x11d: {  	s25 =	simm.s32 $0x2480;
	s10 =	sadd.s32 $0x6A8, s17  }
0x11e: {  	[tilespmem:s25], [sflag:$0x1] =	stream.indirect.gather [spmem:s2], $0x80, s10, s21, $0xb8;
	[tilespmem:$0x15480] =	vst v63  }
0x11f: {  	_ =	swait.ge [sflag:s13], $0x1400  }
0x120: {  	[sflag:s13] =	ssyncset.done $0x0  }
0x121: {  	[sflag:s13] =	ssyncadd.s32 $0xFFFFEC00  }
0x122: {  	_ =	swait.ge [sflag:s13], $0x1400  }
0x123: {  	s8 =	simm.s32 $0xB080;
	[sflag:s13] =	ssyncset.done $0x0  }
0x124: {  	s4 =	simm.s32 $0xA;
	s10 =	sadd.s32 $0xFFFFF600, s5;
	[sflag:s13] =	ssyncadd.s32 $0xFFFFEC00  }
0x125: {  	[hbm4b:s10+s3] =	stream.linear.scatter [tilespmem:s8], [sflag:$0xD], $0x2800, $0x38;
	[tilespmem:$0x15480] =	vst v63  }
0x126: {  	_ =	swait.ge [sflag:s4], $0x2800  }
0x127: {  	[sflag:s4] =	ssyncset.done $0x0  }
0x128: {  	s25 =	simm.s32 $0x3880;
	s10 =	sadd.s32 $0x6D0, s17;
	[sflag:s4] =	ssyncadd.s32 $0xFFFFD800  }
0x129: {  	[tilespmem:s25], [sflag:$0x2] =	stream.indirect.gather [spmem:s2], $0x80, s10, s21, $0xb8;
	[tilespmem:$0x15480] =	vst v63  }
0x12a: {  	s23 =	simm.s32 $0x4C80;
	s10 =	sadd.s32 $0x6F8, s17  }
0x12b: {  	[tilespmem:s23], [sflag:$0x2] =	stream.indirect.gather [spmem:s2], $0x80, s10, s21, $0xb8;
	[tilespmem:$0x15480] =	vst v63  }
0x12c: {  	_ =	swait.ge [sflag:s15], $0x1400  }
0x12d: {  	[sflag:s15] =	ssyncset.done $0x0  }
0x12e: {  	[sflag:s15] =	ssyncadd.s32 $0xFFFFEC00  }
0x12f: {  	_ =	swait.ge [sflag:s15], $0x1400  }
0x130: {  	s18 =	simm.s32 $0xD880;
	[sflag:s15] =	ssyncset.done $0x0  }
0x131: {  	s4 =	simm.s32 $0xB;
	s10 =	sadd.s32 $0xFFFFFB00, s5;
	[sflag:s15] =	ssyncadd.s32 $0xFFFFEC00  }
0x132: {  	[hbm4b:s10+s3] =	stream.linear.scatter [tilespmem:s18], [sflag:$0xE], $0x2800, $0x38;
	[tilespmem:$0x15480] =	vst v63  }
0x133: {  	_ =	swait.ge [sflag:s4], $0x2800  }
0x134: {  	[sflag:s4] =	ssyncset.done $0x0  }
0x135: {  	s23 =	simm.s32 $0x6080;
	s10 =	sadd.s32 $0x720, s17;
	[sflag:s4] =	ssyncadd.s32 $0xFFFFD800  }
0x136: {  	[tilespmem:s23], [sflag:$0x3] =	stream.indirect.gather [spmem:s2], $0x80, s10, s21, $0xb8;
	[tilespmem:$0x15480] =	vst v63  }
0x137: {  	s22 =	simm.s32 $0x7480;
	s10 =	sadd.s32 $0x748, s17  }
0x138: {  	[tilespmem:s22], [sflag:$0x3] =	stream.indirect.gather [spmem:s2], $0x80, s10, s21, $0xb8;
	[tilespmem:$0x15480] =	vst v63  }
0x139: {  	_ =	swait.ge [sflag:s20], $0x1400  }
0x13a: {  	[sflag:s20] =	ssyncset.done $0x0  }
0x13b: {  	[sflag:s20] =	ssyncadd.s32 $0xFFFFEC00  }
0x13c: {  	_ =	swait.ge [sflag:s20], $0x1400  }
0x13d: {  	[sflag:s20] =	ssyncset.done $0x0  }
0x13e: {  	s12 =	simm.s32 $0x10080;
	[sflag:s20] =	ssyncadd.s32 $0xFFFFEC00  }
0x13f: {  	[hbm4b:s5+s3] =	stream.linear.scatter [tilespmem:s12], [sflag:$0xF], $0x2800, $0x38;
	[tilespmem:$0x15480] =	vst v63  }
0x140: {  	_ =	swait.ge [sflag:s19], $0x2800  }
0x141: {  	[sflag:s19] =	ssyncset.done $0x0  }
0x142: {  	s10 =	sadd.s32 $0x770, s17;
	[sflag:s19] =	ssyncadd.s32 $0xFFFFD800  }
0x143: {  	[tilespmem:s31], [sflag:$0x4] =	stream.indirect.gather [spmem:s2], $0x80, s10, s21, $0xb8;
	[tilespmem:$0x15480] =	vst v63  }
0x144: {  	s4 =	simm.s32 $0x9C80;
	s10 =	sadd.s32 $0x798, s17  }
0x145: {  	[tilespmem:s4], [sflag:$0x4] =	stream.indirect.gather [spmem:s2], $0x80, s10, s21, $0xb8;
	[tilespmem:$0x15480] =	vst v63  }
0x146: {  	_ =	swait.ge [sflag:s16], $0x1400  }
0x147: {  	[sflag:s16] =	ssyncset.done $0x0  }
0x148: {  	[sflag:s16] =	ssyncadd.s32 $0xFFFFEC00  }
0x149: {  	_ =	swait.ge [sflag:s16], $0x1400  }
0x14a: {  	[sflag:s16] =	ssyncset.done $0x0  }
0x14b: {  	s6 =	simm.s32 $0x12880;
	s10 =	sadd.s32 $0x500, s5;
	[sflag:s16] =	ssyncadd.s32 $0xFFFFEC00  }
0x14c: {  	[hbm4b:s10+s3] =	stream.linear.scatter [tilespmem:s6], [sflag:$0x10], $0x2800, $0x38;
	[tilespmem:$0x15480] =	vst v63  }
0x14d: {  	_ =	swait.ge [sflag:s24], $0x2800  }
0x14e: {  	[sflag:s24] =	ssyncset.done $0x0  }
0x14f: {  	s10 =	sadd.s32 $0x7C0, s17;
	[sflag:s24] =	ssyncadd.s32 $0xFFFFD800  }
0x150: {  	[tilespmem:s8], [sflag:$0x5] =	stream.indirect.gather [spmem:s2], $0x80, s10, s21, $0xb8;
	[tilespmem:$0x15480] =	vst v63  }
0x151: {  	s22 =	simm.s32 $0xB080;
	s8 =	simm.s32 $0xC480  }
0x152: {  	s10 =	sadd.s32 $0x7E8, s17  }
0x153: {  	[tilespmem:s8], [sflag:$0x5] =	stream.indirect.gather [spmem:s2], $0x80, s10, s21, $0xb8;
	[tilespmem:$0x15480] =	vst v63  }
0x154: {  	_ =	swait.ge [sflag:s28], $0x1400  }
0x155: {  	[sflag:s28] =	ssyncset.done $0x0  }
0x156: {  	[sflag:s28] =	ssyncadd.s32 $0xFFFFEC00  }
0x157: {  	_ =	swait.ge [sflag:s28], $0x1400  }
0x158: {  	[sflag:s28] =	ssyncset.done $0x0  }
0x159: {  	s31 =	simm.s32 $0x1080;
	s10 =	sadd.s32 $0xA00, s5;
	[sflag:s28] =	ssyncadd.s32 $0xFFFFEC00  }
0x15a: {  	[hbm4b:s10+s3] =	stream.linear.scatter [tilespmem:s26], [sflag:$0x9], $0x2800, $0x38;
	[tilespmem:$0x15480] =	vst v63  }
0x15b: {  	_ =	swait.ge [sflag:s29], $0x2800  }
0x15c: {  	[sflag:s29] =	ssyncset.done $0x0  }
0x15d: {  	s10 =	sadd.s32 $0x810, s17;
	[sflag:s29] =	ssyncadd.s32 $0xFFFFD800  }
0x15e: {  	[tilespmem:s18], [sflag:$0x6] =	stream.indirect.gather [spmem:s2], $0x80, s10, s21, $0xb8;
	[tilespmem:$0x15480] =	vst v63  }
0x15f: {  	s4 =	simm.s32 $0xD880;
	s18 =	simm.s32 $0xEC80  }
0x160: {  	s10 =	sadd.s32 $0x838, s17  }
0x161: {  	[tilespmem:s18], [sflag:$0x6] =	stream.indirect.gather [spmem:s2], $0x80, s10, s21, $0xb8;
	[tilespmem:$0x15480] =	vst v63  }
0x162: {  	_ =	swait.ge [sflag:s7], $0x1400  }
0x163: {  	[sflag:s7] =	ssyncset.done $0x0  }
0x164: {  	[sflag:s7] =	ssyncadd.s32 $0xFFFFEC00  }
0x165: {  	_ =	swait.ge [sflag:s7], $0x1400  }
0x166: {  	[sflag:s7] =	ssyncset.done $0x0  }
0x167: {  	s26 =	simm.s32 $0x3880;
	s10 =	sadd.s32 $0xF00, s5;
	[sflag:s7] =	ssyncadd.s32 $0xFFFFEC00  }
0x168: {  	[hbm4b:s10+s3] =	stream.linear.scatter [tilespmem:s25], [sflag:$0xA], $0x2800, $0x38;
	[tilespmem:$0x15480] =	vst v63  }
0x169: {  	_ =	swait.ge [sflag:s0], $0x2800  }
0x16a: {  	[sflag:s0] =	ssyncset.done $0x0  }
0x16b: {  	s10 =	sadd.s32 $0x860, s17;
	[sflag:s0] =	ssyncadd.s32 $0xFFFFD800  }
0x16c: {  	[tilespmem:s12], [sflag:$0x7] =	stream.indirect.gather [spmem:s2], $0x80, s10, s21, $0xb8;
	[tilespmem:$0x15480] =	vst v63  }
0x16d: {  	s14 =	simm.s32 $0x10080;
	s12 =	simm.s32 $0x11480  }
0x16e: {  	s10 =	sadd.s32 $0x888, s17  }
0x16f: {  	[tilespmem:s12], [sflag:$0x7] =	stream.indirect.gather [spmem:s2], $0x80, s10, s21, $0xb8;
	[tilespmem:$0x15480] =	vst v63  }
0x170: {  	_ =	swait.ge [sflag:s9], $0x1400  }
0x171: {  	[sflag:s9] =	ssyncset.done $0x0  }
0x172: {  	[sflag:s9] =	ssyncadd.s32 $0xFFFFEC00  }
0x173: {  	_ =	swait.ge [sflag:s9], $0x1400  }
0x174: {  	[sflag:s9] =	ssyncset.done $0x0  }
0x175: {  	s25 =	simm.s32 $0x6080;
	s10 =	sadd.s32 $0x1400, s5;
	[sflag:s9] =	ssyncadd.s32 $0xFFFFEC00  }
0x176: {  	[hbm4b:s10+s3] =	stream.linear.scatter [tilespmem:s23], [sflag:$0xB], $0x2800, $0x38;
	[tilespmem:$0x15480] =	vst v63  }
0x177: {  	_ =	swait.ge [sflag:s30], $0x2800  }
0x178: {  	[sflag:s30] =	ssyncset.done $0x0  }
0x179: {  	s10 =	sadd.s32 $0x8B0, s17;
	[sflag:s30] =	ssyncadd.s32 $0xFFFFD800  }
0x17a: {  	[tilespmem:s6], [sflag:$0x8] =	stream.indirect.gather [spmem:s2], $0x80, s10, s21, $0xb8;
	[tilespmem:$0x15480] =	vst v63  }
0x17b: {  	s23 =	simm.s32 $0x12880;
	s6 =	simm.s32 $0x13C80  }
0x17c: {  	s10 =	sadd.s32 $0x8D8, s17  }
0x17d: {  	[tilespmem:s6], [sflag:$0x8] =	stream.indirect.gather [spmem:s2], $0x80, s10, s21, $0xb8;
	[tilespmem:$0x15480] =	vst v63  }
0x17e: {  	_ =	swait.ge [sflag:s11], $0x1400  }
.Ltmp0:
0x17f: {  	[sflag:s11] =	ssyncset.done $0x0;
	(pc) =	sbr.rel @p0 .LBB2_2-.Ltmp0, $4  }
0x180: {  	[sflag:s11] =	ssyncadd.s32 $0xFFFFEC00  }
0x181: {  	_ =	swait.ge [sflag:s11], $0x1400  }
0x182: {  	[sflag:s11] =	ssyncset.done $0x0  }
0x183: {  	s17 =	sadd.s32 $0x1900, s5;
	s5 =	sadd.s32 $0x2800, s5;
	[sflag:s11] =	ssyncadd.s32 $0xFFFFEC00  }
0x184: {  	s5 =	simm.s32 $0x8880;
	s1 =	simm.s32 $0x9  }
0x185: {  	[hbm4b:s17+s3] =	stream.linear.scatter [tilespmem:s5], [sflag:$0xC], $0x2800, $0x38;
	[tilespmem:$0x15480] =	vst v63  }
0x186: {  	_ =	swait.ge [sflag:s1], $0x2800  }
0x187: {  	[sflag:s1] =	ssyncset.done $0x0  }
0x188: {  	s10 =	simm.s32 $0x1030;
	[sflag:s1] =	ssyncadd.s32 $0xFFFFD800  }
0x189: {  	[tilespmem:s31], [sflag:$0x1] =	stream.indirect.gather [spmem:s2], $0x80, s10, s21, $0xb8;
	[tilespmem:$0x15480] =	vst v63  }
0x18a: {  	s17 =	simm.s32 $0x1058;
	s31 =	simm.s32 $0x2480  }
0x18b: {  	[tilespmem:s31], [sflag:$0x1] =	stream.indirect.gather [spmem:s2], $0x80, s17, s21, $0xb8;
	[tilespmem:$0x15480] =	vst v63  }
0x18c: {  	_ =	swait.ge [sflag:s13], $0x1400  }
0x18d: {  	[sflag:s13] =	ssyncset.done $0x0  }
0x18e: {  	[sflag:s13] =	ssyncadd.s32 $0xFFFFEC00  }
0x18f: {  	_ =	swait.ge [sflag:s13], $0x1400  }
0x190: {  	[sflag:s13] =	ssyncset.done $0x0  }
0x191: {  	s31 =	rddreg [dreg:$0xc];
	[sflag:s13] =	ssyncadd.s32 $0xFFFFEC00  }
0x192: {  	[hbm4b:s31+s3] =	stream.linear.scatter [tilespmem:s22], [sflag:$0xD], $0x2800, $0x38;
	[tilespmem:$0x15480] =	vst v63  }
0x193: {  	s22 =	simm.s32 $0xA  }
0x194: {  	_ =	swait.ge [sflag:s22], $0x2800  }
0x195: {  	[sflag:s22] =	ssyncset.done $0x0  }
0x196: {  	[sflag:s22] =	ssyncadd.s32 $0xFFFFD800  }
0x197: {  	[tilespmem:s26], [sflag:$0x2] =	stream.indirect.gather [spmem:s2], $0x80, s10, s21, $0xb8;
	[tilespmem:$0x15480] =	vst v63  }
0x198: {  	s31 =	simm.s32 $0x4C80  }
0x199: {  	[tilespmem:s31], [sflag:$0x2] =	stream.indirect.gather [spmem:s2], $0x80, s17, s21, $0xb8;
	[tilespmem:$0x15480] =	vst v63  }
0x19a: {  	_ =	swait.ge [sflag:s15], $0x1400  }
0x19b: {  	[sflag:s15] =	ssyncset.done $0x0  }
0x19c: {  	[sflag:s15] =	ssyncadd.s32 $0xFFFFEC00  }
0x19d: {  	_ =	swait.ge [sflag:s15], $0x1400  }
0x19e: {  	[sflag:s15] =	ssyncset.done $0x0  }
0x19f: {  	s26 =	simm.s32 $0xB;
	s22 =	rddreg [dreg:$0xd];
	[sflag:s15] =	ssyncadd.s32 $0xFFFFEC00  }
0x1a0: {  	[hbm4b:s22+s3] =	stream.linear.scatter [tilespmem:s4], [sflag:$0xE], $0x2800, $0x38;
	[tilespmem:$0x15480] =	vst v63  }
0x1a1: {  	_ =	swait.ge [sflag:s26], $0x2800  }
0x1a2: {  	[sflag:s26] =	ssyncset.done $0x0  }
0x1a3: {  	[sflag:s26] =	ssyncadd.s32 $0xFFFFD800  }
0x1a4: {  	[tilespmem:s25], [sflag:$0x3] =	stream.indirect.gather [spmem:s2], $0x80, s10, s21, $0xb8;
	[tilespmem:$0x15480] =	vst v63  }
0x1a5: {  	s31 =	simm.s32 $0x7480  }
0x1a6: {  	[tilespmem:s31], [sflag:$0x3] =	stream.indirect.gather [spmem:s2], $0x80, s17, s21, $0xb8;
	[tilespmem:$0x15480] =	vst v63  }
0x1a7: {  	_ =	swait.ge [sflag:s20], $0x1400  }
0x1a8: {  	[sflag:s20] =	ssyncset.done $0x0  }
0x1a9: {  	[sflag:s20] =	ssyncadd.s32 $0xFFFFEC00  }
0x1aa: {  	_ =	swait.ge [sflag:s20], $0x1400  }
0x1ab: {  	[sflag:s20] =	ssyncset.done $0x0  }
0x1ac: {  	s4 =	rddreg [dreg:$0xe];
	[sflag:s20] =	ssyncadd.s32 $0xFFFFEC00  }
0x1ad: {  	[hbm4b:s4+s3] =	stream.linear.scatter [tilespmem:s14], [sflag:$0xF], $0x2800, $0x38;
	[tilespmem:$0x15480] =	vst v63  }
0x1ae: {  	_ =	swait.ge [sflag:s19], $0x2800  }
0x1af: {  	[sflag:s19] =	ssyncset.done $0x0  }
0x1b0: {  	[sflag:s19] =	ssyncadd.s32 $0xFFFFD800  }
0x1b1: {  	[tilespmem:s5], [sflag:$0x4] =	stream.indirect.gather [spmem:s2], $0x80, s10, s21, $0xb8;
	[tilespmem:$0x15480] =	vst v63  }
0x1b2: {  	s22 =	simm.s32 $0x9C80  }
0x1b3: {  	[tilespmem:s22], [sflag:$0x4] =	stream.indirect.gather [spmem:s2], $0x80, s17, s21, $0xb8;
	[tilespmem:$0x15480] =	vst v63  }
0x1b4: {  	_ =	swait.ge [sflag:s16], $0x1400  }
0x1b5: {  	[sflag:s16] =	ssyncset.done $0x0  }
0x1b6: {  	[sflag:s16] =	ssyncadd.s32 $0xFFFFEC00  }
0x1b7: {  	_ =	swait.ge [sflag:s16], $0x1400  }
0x1b8: {  	[sflag:s16] =	ssyncset.done $0x0  }
0x1b9: {  	s25 =	rddreg [dreg:$0xf];
	[sflag:s16] =	ssyncadd.s32 $0xFFFFEC00  }
0x1ba: {  	[hbm4b:s25+s3] =	stream.linear.scatter [tilespmem:s23], [sflag:$0x10], $0x2800, $0x38;
	[tilespmem:$0x15480] =	vst v63  }
0x1bb: {  	_ =	swait.ge [sflag:s28], $0x1400  }
0x1bc: {  	[sflag:s28] =	ssyncset.done $0x0  }
0x1bd: {  	[sflag:s28] =	ssyncadd.s32 $0xFFFFEC00  }
0x1be: {  	_ =	swait.ge [sflag:s28], $0x1400  }
0x1bf: {  	[sflag:s28] =	ssyncset.done $0x0  }
0x1c0: {  	[sflag:s28] =	ssyncadd.s32 $0xFFFFEC00  }
0x1c1: {  	_ =	swait.ge [sflag:s7], $0x1400  }
0x1c2: {  	[sflag:s7] =	ssyncset.done $0x0  }
0x1c3: {  	[sflag:s7] =	ssyncadd.s32 $0xFFFFEC00  }
0x1c4: {  	_ =	swait.ge [sflag:s7], $0x1400  }
0x1c5: {  	[sflag:s7] =	ssyncset.done $0x0  }
0x1c6: {  	[sflag:s7] =	ssyncadd.s32 $0xFFFFEC00  }
0x1c7: {  	_ =	swait.ge [sflag:s9], $0x1400  }
0x1c8: {  	[sflag:s9] =	ssyncset.done $0x0  }
0x1c9: {  	[sflag:s9] =	ssyncadd.s32 $0xFFFFEC00  }
0x1ca: {  	_ =	swait.ge [sflag:s9], $0x1400  }
0x1cb: {  	[sflag:s9] =	ssyncset.done $0x0  }
0x1cc: {  	[sflag:s9] =	ssyncadd.s32 $0xFFFFEC00  }
0x1cd: {  	_ =	swait.ge [sflag:s11], $0x1400  }
0x1ce: {  	[sflag:s11] =	ssyncset.done $0x0  }
0x1cf: {  	[sflag:s11] =	ssyncadd.s32 $0xFFFFEC00  }
0x1d0: {  	_ =	swait.ge [sflag:s11], $0x1400  }
0x1d1: {  	[sflag:s11] =	ssyncset.done $0x0  }
0x1d2: {  	[sflag:s11] =	ssyncadd.s32 $0xFFFFEC00  }
0x1d3: {  	_ =	swait.ge [sflag:s24], $0x2800  }
0x1d4: {  	[sflag:s24] =	ssyncset.done $0x0  }
0x1d5: {  	[sflag:s24] =	ssyncadd.s32 $0xFFFFD800  }
0x1d6: {  	_ =	swait.ge [sflag:s29], $0x2800  }
0x1d7: {  	[sflag:s29] =	ssyncset.done $0x0  }
0x1d8: {  	[sflag:s29] =	ssyncadd.s32 $0xFFFFD800  }
0x1d9: {  	_ =	swait.ge [sflag:s0], $0x2800  }
0x1da: {  	[sflag:s0] =	ssyncset.done $0x0  }
0x1db: {  	[sflag:s0] =	ssyncadd.s32 $0xFFFFD800  }
0x1dc: {  	_ =	swait.ge [sflag:s30], $0x2800  }
0x1dd: {  	s26 =	rddreg [dreg:$0x12]  }
0x1de: {  	s31 =	rddreg [dreg:$0x10];
	s4 =	sadd.s32 $0x1, s26  }
0x1df: {  	p0 =	sne.s32 s4, s31  }
.Ltmp1:
0x1e0: {  	_ = 	snop;
	(pc) =	sbr.rel @p0 .LBB2_1-.Ltmp1, $3  }
0x1e1: {  	_ =	sdelay $0x1  }
0x1e2: {  	[sflag:s30] =	ssyncset.done $0x0  }
0x1e3: {  	[sflag:s30] =	ssyncadd.s32 $0xFFFFD800  }
0x1e4: {  	_ =	sfence.sel $0x180000  }
0x1e5: {  	[bflag:$0x0] =	sbarrier.arrive $0xFFFF  }
0x1e6: {  	_ =	strace $0x90000047  }
0x1e7: {  	s0 =	stileid.u32;
	[bflag:$0x2] =	sbarrier.arrive $0xFFFF  }
0x1e8: {  	p0 =	sne.s32 s0, $0x0;
	s0 =	rddreg [dreg:$0x4]  }
0x1e9: {  	s0 =	sadd.s32 @!p0 $0x100000, s0  }
0x1ea: {  	[sflag:s0] =	ssyncadd.tile.s32 @!p0 $0x1;
	_ =	shalt  }
.Lfunc_end2:
_tile_overlayer_lowered:
.L_overlay_start_2:
0x1eb: {  	(tag) =	ssettag $0x2  }
0x1ec: {  	s0 =	rddreg [dreg:$0x0];
	s2 =	stileid.u32  }
0x1ed: {  	s1 =	rddreg [dreg:$0x1];
	p0 =	sne.s32 s2, $0x0  }
0x1ee: {  	s3 =	rddreg [dreg:$0x2];
	[bflag:$0x3] =	sbarrier.arrive $0xFFFF;
	s2 =	simm.s32 @!p0 $0x1C12  }
0x1ef: {  	[timem:s3], [sflag:s2] =	dma.local @!p0 [hbm:s0], s1  }
0x1f0: {  	s0 =	simm.s32 @!p0 $0x12  }
0x1f1: {  	_ =	swait.ge @!p0 [sflag:s0], s1  }
0x1f2: {  	s1 =	ssub.s32 @!p0 $0x0, s1;
	[sflag:s0] =	ssyncset.done @!p0 $0x0  }
0x1f3: {  	[sflag:s0] =	ssyncadd.s32 @!p0 s1  }
0x1f4: {  	[bflag:$0x3] =	sbarrier.arrive $0xFFFF  }
0x1f5: {  	_ =	shalt  }

</sc_bundles>
